<compile_context>
chip_gen: v7x
topology: tpu7x:2x2x1
jax: 0.10.2.dev20260603
libtpu: 0.0.44.dev20260713+nightly
codegen_flags: <defaults>
</compile_context>

<pallas_src>
import functools

import jax
import jax.numpy as jnp
import numpy as np
from jax import lax
from jax.experimental import pallas as pl
from jax.experimental.pallas import tpu as pltpu
from jax.experimental.pallas import tpu_sc as plsc

N_NODES = 10000
N_EDGES = 320000
E_PAD = 327680
N_PAD = 10240
HID = 128
NW = 32

_INV_SQRT2 = 0.7071067811865476


def _gelu_exact(v):
    return 0.5 * v * (1.0 + lax.erf(v * _INV_SQRT2))


def _posembed_body(csel_ref, om_ref, ph_ref, o_ref):
    o_ref[...] = jnp.sin(csel_ref[...] * om_ref[...] + ph_ref[...])


def _posembed(csel, om, ph):
    return pl.pallas_call(
        _posembed_body,
        out_shape=jax.ShapeDtypeStruct((N_PAD, HID), jnp.float32),
        grid=(1,),
        in_specs=[
            pl.BlockSpec((N_PAD, HID), lambda i: (0, 0)),
            pl.BlockSpec((1, HID), lambda i: (0, 0)),
            pl.BlockSpec((1, HID), lambda i: (0, 0)),
        ],
        out_specs=pl.BlockSpec((N_PAD, HID), lambda i: (0, 0)),
    )(csel, om, ph)


def _gather_body(x_hbm, src_hbm, dst_hbm, gs_hbm, gd_hbm,
                 idx_v, buf_v, sem0, sem1, xs_s):
    c = lax.axis_index("c")
    s = lax.axis_index("s")
    wid = s * 2 + c
    per_w = E_PAD // NW
    base_w = wid * per_w
    sems = (sem0, sem1)

    pltpu.sync_copy(x_hbm.at[pl.ds(s * 640, 640), :],
                    xs_s.at[pl.ds(s * 640, 640), :])
    plsc.subcore_barrier()

    for side in range(2):
        idx_hbm = src_hbm if side == 0 else dst_hbm
        g_hbm = gs_hbm if side == 0 else gd_hbm
        pltpu.sync_copy(idx_hbm.at[pl.ds(base_w, per_w)], idx_v)

        def fire(u, j):
            return pltpu.async_copy(
                xs_s.at[idx_v.at[pl.ds(u * 128, 128)]],
                buf_v.at[j % 2], sems[j % 2])

        fire(0, 0)

        def rnd(i, _):
            for j in range(2):
                u = 2 * i + j

                @pl.when(u + 1 < 80)
                def _():
                    fire(u + 1, j + 1)
                pltpu.make_async_copy(
                    xs_s.at[idx_v.at[pl.ds(0, 128)]], buf_v.at[j % 2],
                    sems[j % 2]).wait()
                pltpu.sync_copy(buf_v.at[j % 2],
                                g_hbm.at[pl.ds(base_w + u * 128, 128), :])
            return ()

        lax.fori_loop(0, 40, rnd, ())


@functools.lru_cache(maxsize=None)
def _make_sc_gather():
    return functools.partial(
        pl.kernel,
        out_type=(jax.ShapeDtypeStruct((E_PAD, HID), jnp.float32),
                  jax.ShapeDtypeStruct((E_PAD, HID), jnp.float32)),
        mesh=plsc.VectorSubcoreMesh(core_axis_name="c", subcore_axis_name="s",
                                    num_cores=2, num_subcores=16),
        compiler_params=pltpu.CompilerParams(needs_layout_passes=False),
        scratch_types=[
            pltpu.VMEM((E_PAD // NW,), jnp.int32),
            pltpu.VMEM((2, 128, HID), jnp.float32),
            pltpu.SemaphoreType.DMA,
            pltpu.SemaphoreType.DMA,
            pltpu.VMEM_SHARED((N_PAD, HID), jnp.float32),
        ],
    )(_gather_body)


def _sc_gather(x, src_p, dst_p):
    return _make_sc_gather()(x, src_p, dst_p)


def _mlp_body(gs_ref, gd_ref, w1a_ref, w1b_ref, b1_ref, w2_ref, b2_ref,
              w3_ref, b3_ref, o_ref):
    gs_b = gs_ref[...].astype(jnp.bfloat16)
    gd_b = gd_ref[...].astype(jnp.bfloat16)
    h = (jnp.dot(gs_b, w1a_ref[...], preferred_element_type=jnp.float32)
         + jnp.dot(gd_b, w1b_ref[...], preferred_element_type=jnp.float32))
    h = _gelu_exact(h + b1_ref[...]).astype(jnp.bfloat16)
    h = jnp.dot(h, w2_ref[...], preferred_element_type=jnp.float32)
    h = _gelu_exact(h + b2_ref[...]).astype(jnp.bfloat16)
    h = jnp.dot(h, w3_ref[...], preferred_element_type=jnp.float32)
    o_ref[...] = h + b3_ref[...]


def _mlp(gs, gd, w1at, w1bt, b1, w2t, b2, w3t, b3):
    tile = 8192
    n_t = E_PAD // tile
    return pl.pallas_call(
        _mlp_body,
        out_shape=jax.ShapeDtypeStruct((E_PAD, HID), jnp.float32),
        grid=(n_t,),
        in_specs=[
            pl.BlockSpec((tile, HID), lambda i: (i, 0)),
            pl.BlockSpec((tile, HID), lambda i: (i, 0)),
            pl.BlockSpec((HID, 256), lambda i: (0, 0)),
            pl.BlockSpec((HID, 256), lambda i: (0, 0)),
            pl.BlockSpec((1, 256), lambda i: (0, 0)),
            pl.BlockSpec((256, HID), lambda i: (0, 0)),
            pl.BlockSpec((1, HID), lambda i: (0, 0)),
            pl.BlockSpec((HID, HID), lambda i: (0, 0)),
            pl.BlockSpec((1, HID), lambda i: (0, 0)),
        ],
        out_specs=pl.BlockSpec((tile, HID), lambda i: (i, 0)),
    )(gs, gd, w1at, w1bt, b1, w2t, b2, w3t, b3)


def _segids_body(dst_hbm, counts_hbm, seg_hbm,
                 idx_v, hist_v, acc_v, offbuf, ones_v, zeros_v, zstripe_v,
                 segbuf_v, pv_v,
                 hist_all_s, parts_a_s, parts_b_s, z_s):
    w = lax.axis_index("s")
    zero16 = jnp.zeros((16,), jnp.int32)
    one16 = jnp.ones((16,), jnp.int32)

    def zero_hist(i, _):
        hist_v[pl.ds(i * 16, 16)] = zero16
        return ()
    lax.fori_loop(0, 640, zero_hist, ())

    def binc_outer(i, _):
        pltpu.sync_copy(dst_hbm.at[pl.ds(w * 20000 + i * 800, 800)], idx_v)
        def binc_inner(j, _):
            v = idx_v[pl.ds(j * 16, 16)]
            plsc.addupdate_scatter(hist_v, [v], one16)
            return ()
        lax.fori_loop(0, 50, binc_inner, ())
        return ()
    lax.fori_loop(0, 25, binc_outer, ())
    pltpu.sync_copy(hist_v, hist_all_s.at[w])
    plsc.subcore_barrier()

    def zero_acc(i, _):
        acc_v[pl.ds(i * 16, 16)] = zero16
        return ()
    lax.fori_loop(0, 40, zero_acc, ())
    def red_t(t, _):
        pltpu.sync_copy(hist_all_s.at[t, pl.ds(w * 640, 640)], idx_v.at[pl.ds(0, 640)])
        def red_j(j, _):
            acc_v[pl.ds(j * 16, 16)] = acc_v[pl.ds(j * 16, 16)] + idx_v[pl.ds(j * 16, 16)]
            return ()
        lax.fori_loop(0, 40, red_j, ())
        return ()
    lax.fori_loop(0, 16, red_t, ())
    pltpu.sync_copy(acc_v, counts_hbm.at[pl.ds(w * 640, 640)])
    def tot_j(j, t):
        return t + acc_v[pl.ds(j * 16, 16)]
    totv = lax.fori_loop(0, 40, tot_j, zero16)
    tot = jnp.sum(totv)
    segbuf_v[pl.ds(0, 16)] = jnp.full((16,), tot, jnp.int32)
    pltpu.sync_copy(segbuf_v.at[pl.ds(0, 16)], parts_a_s.at[w])
    plsc.subcore_barrier()

    pltpu.sync_copy(parts_a_s, pv_v)
    lane = lax.iota(jnp.int32, 16)
    tots_a = plsc.load_gather(pv_v, [lane, jnp.zeros((16,), jnp.int32)])
    base = jnp.sum(jnp.where(lane < w, tots_a, 0))
    def cum_j(j, carry):
        v = acc_v[pl.ds(j * 16, 16)]
        s = plsc.cumsum(v)
        offbuf[j // 8, pl.ds((j % 8) * 16, 16)] = (s - v) + carry
        return carry + jnp.sum(v)
    carry = base
    for j in range(40):
        carry = cum_j(j, carry)

    def zero_z(i, _):
        zeros_v[pl.ds(i * 16, 16)] = zero16
        return ()
    lax.fori_loop(0, 32, zero_z, ())
    def zcopy(k, _):
        pltpu.sync_copy(zeros_v, z_s.at[pl.ds(w * 20480 + k * 512, 512)])
        return ()
    lax.fori_loop(0, 40, zcopy, ())
    def ones_i(i, _):
        ones_v[pl.ds(i * 16, 16)] = one16
        return ()
    lax.fori_loop(0, 8, ones_i, ())
    plsc.subcore_barrier()

    for k in range(5):
        pltpu.sync_copy(ones_v, z_s.at[offbuf.at[k]], add=True)
    plsc.subcore_barrier()

    pltpu.sync_copy(z_s.at[pl.ds(w * 20480, 20480)], zstripe_v)
    def zsum_i(j, tt):
        return tt + zstripe_v[pl.ds(j * 16, 16)]
    totz = lax.fori_loop(0, 1280, zsum_i, zero16)
    segbuf_v[pl.ds(0, 16)] = jnp.full((16,), jnp.sum(totz), jnp.int32)
    pltpu.sync_copy(segbuf_v.at[pl.ds(0, 16)], parts_b_s.at[w])
    plsc.subcore_barrier()

    pltpu.sync_copy(parts_b_s, pv_v)
    tots_b = plsc.load_gather(pv_v, [lane, jnp.zeros((16,), jnp.int32)])
    baseb = jnp.sum(jnp.where(lane < w, tots_b, 0)) - 1
    def seg_o(i, carry):
        c = carry
        for jj in range(8):
            v = zstripe_v[pl.ds(i * 128 + jj * 16, 16)]
            zstripe_v[pl.ds(i * 128 + jj * 16, 16)] = plsc.cumsum(v) + c
            c = c + jnp.sum(v)
        return c
    lax.fori_loop(0, 160, seg_o, baseb)
    pltpu.sync_copy(zstripe_v, seg_hbm.at[pl.ds(w * 20480, 20480)])


@functools.lru_cache(maxsize=None)
def _make_sc_segids():
    return functools.partial(
        pl.kernel,
        out_type=(jax.ShapeDtypeStruct((N_PAD,), jnp.int32),
                  jax.ShapeDtypeStruct((E_PAD,), jnp.int32)),
        mesh=plsc.VectorSubcoreMesh(core_axis_name="c", subcore_axis_name="s",
                                    num_cores=1, num_subcores=16),
        compiler_params=pltpu.CompilerParams(needs_layout_passes=False),
        scratch_types=[
            pltpu.VMEM((800,), jnp.int32),
            pltpu.VMEM((N_PAD,), jnp.int32),
            pltpu.VMEM((640,), jnp.int32),
            pltpu.VMEM((5, 128), jnp.int32),
            pltpu.VMEM((128,), jnp.int32),
            pltpu.VMEM((512,), jnp.int32),
            pltpu.VMEM((20480,), jnp.int32),
            pltpu.VMEM((512,), jnp.int32),
            pltpu.VMEM((16, 16), jnp.int32),
            pltpu.VMEM_SHARED((16, N_PAD), jnp.int32),
            pltpu.VMEM_SHARED((16, 16), jnp.int32),
            pltpu.VMEM_SHARED((16, 16), jnp.int32),
            pltpu.VMEM_SHARED((E_PAD,), jnp.int32),
        ],
    )(_segids_body)


def _sc_segids(dst):
    return _make_sc_segids()(dst)


def _scatter_body(h3_hbm, seg_hbm, parts_hbm, segall_v, rows_v,
                  lsem0, lsem1, acc_s):
    c = lax.axis_index("c")
    s = lax.axis_index("s")
    wid = s * 2 + c
    per_w = E_PAD // NW
    base_w = wid * per_w
    n_ch = per_w // 128
    zero16 = jnp.zeros((16,), jnp.float32)
    sems = (lsem0, lsem1)

    def zr(i, _):
        for k in range(8):
            rows_v[0, i, pl.ds(k * 16, 16)] = zero16
        return ()
    lax.fori_loop(0, 128, zr, ())
    for k in range(5):
        pltpu.sync_copy(rows_v.at[0], acc_s.at[pl.ds(s * 640 + k * 128, 128)])

    pltpu.sync_copy(seg_hbm.at[pl.ds(base_w, per_w)], segall_v)
    plsc.subcore_barrier()

    def fire(u, j):
        return pltpu.async_copy(h3_hbm.at[pl.ds(base_w + u * 128, 128), :],
                                rows_v.at[j % 2], sems[j % 2])

    fire(0, 0)

    def outer(i, _):
        for j in range(2):
            u = 2 * i + j

            @pl.when(u + 1 < n_ch)
            def _():
                fire(u + 1, j + 1)
            pltpu.make_async_copy(h3_hbm.at[pl.ds(base_w, 128), :],
                                  rows_v.at[j % 2], sems[j % 2]).wait()
            pltpu.sync_copy(rows_v.at[j % 2],
                            acc_s.at[segall_v.at[pl.ds(u * 128, 128)]],
                            add=True)
        return ()
    lax.fori_loop(0, n_ch // 2, outer, ())
    plsc.subcore_barrier()

    pltpu.sync_copy(acc_s.at[pl.ds(s * 640, 640)],
                    parts_hbm.at[c, pl.ds(s * 640, 640), :])


@functools.lru_cache(maxsize=None)
def _make_sc_scatter():
    return functools.partial(
        pl.kernel,
        out_type=jax.ShapeDtypeStruct((2, N_PAD, HID), jnp.float32),
        mesh=plsc.VectorSubcoreMesh(core_axis_name="c", subcore_axis_name="s",
                                    num_cores=2, num_subcores=16),
        compiler_params=pltpu.CompilerParams(needs_layout_passes=False),
        scratch_types=[
            pltpu.VMEM((E_PAD // NW,), jnp.int32),
            pltpu.VMEM((2, 128, HID), jnp.float32),
            pltpu.SemaphoreType.DMA,
            pltpu.SemaphoreType.DMA,
            pltpu.VMEM_SHARED((N_PAD, HID), jnp.float32),
        ],
    )(_scatter_body)


def _sc_scatter(h3, seg):
    return _make_sc_scatter()(h3, seg)


def _combine_body(p_ref, cnt_ref, b_ref, o_ref):
    bmax = jnp.max(b_ref[...]).astype(jnp.float32)
    o_ref[...] = (p_ref[0] + p_ref[1]) / cnt_ref[...] + bmax


def _combine(parts, cnt_b, batch_pad):
    tile = 2000
    return pl.pallas_call(
        _combine_body,
        out_shape=jax.ShapeDtypeStruct((N_NODES, HID), jnp.float32),
        grid=(N_NODES // tile,),
        in_specs=[
            pl.BlockSpec((2, tile, HID), lambda i: (0, i, 0)),
            pl.BlockSpec((tile, HID), lambda i: (i, 0)),
            pl.BlockSpec((80, HID), lambda i: (0, 0)),
        ],
        out_specs=pl.BlockSpec((tile, HID), lambda i: (i, 0)),
    )(parts, cnt_b, batch_pad)


def kernel(mesh_pos, mesh_edges, batch_idx, W1, b1, W2, b2, W3, b3):
    dst = mesh_edges[:, 0]
    src = mesh_edges[:, 1]
    pad = jnp.zeros((E_PAD - N_EDGES,), jnp.int32)
    src_p = jnp.concatenate([src, pad])
    dst_p = jnp.concatenate([dst, pad])

    eff = 42
    om_np = np.zeros((1, HID), np.float32)
    ph_np = np.zeros((1, HID), np.float32)
    freqs = 1.0 / (10000.0 ** (np.arange(0, eff, 2, dtype=np.float32) / eff))
    for d in range(3):
        om_np[0, d * 42:d * 42 + 21] = freqs
        om_np[0, d * 42 + 21:d * 42 + 42] = freqs
        ph_np[0, d * 42 + 21:d * 42 + 42] = np.pi / 2.0
    om = jnp.asarray(om_np)
    ph = jnp.asarray(ph_np)
    csel = jnp.concatenate(
        [jnp.broadcast_to(mesh_pos[:, d:d + 1], (N_NODES, 42)) for d in range(3)]
        + [jnp.zeros((N_NODES, 2), jnp.float32)], axis=1)
    csel = jnp.concatenate(
        [csel, jnp.zeros((N_PAD - N_NODES, HID), jnp.float32)], axis=0)

    x = _posembed(csel, om, ph)

    gs, gd = _sc_gather(x, src_p, dst_p)

    w1t = W1.T.astype(jnp.bfloat16)
    h3 = _mlp(gs, gd, w1t[:HID], w1t[HID:], b1.reshape(1, -1),
              W2.T.astype(jnp.bfloat16), b2.reshape(1, -1),
              W3.T.astype(jnp.bfloat16), b3.reshape(1, -1))

    counts, seg = _sc_segids(dst)
    parts = _sc_scatter(h3, seg)

    cnt_b = jnp.broadcast_to(
        counts[:N_NODES, None].astype(jnp.float32), (N_NODES, HID))
    batch_pad = jnp.concatenate(
        [batch_idx, jnp.broadcast_to(batch_idx[:1], (N_PAD - N_NODES,))]
    ).reshape(80, HID)
    mean = _combine(parts, cnt_b, batch_pad)
    return mean.reshape(1, N_NODES, HID)

# --- scband reference (transcript-rebuilt; emitter-appended) ---
"""Pipeline reference for scband-rans-pool-62165356642571 (READ-ONLY COPY).

The authoritative reference and input builder live on the scoring server;
editing this copy changes nothing except your own understanding.
"""

import jax, jax.numpy as jnp
import numpy as np

HIDDEN_DIM = 128
NDIM = 3
N_NODES = 10000
N_EDGES = 320000
MAX_WAVELENGTH = 10000.0


def _xavier(key, fan_out, fan_in):
    limit = float(np.sqrt(6.0 / (fan_in + fan_out)))
    return jax.random.uniform(key, (fan_out, fan_in), jnp.float32, -limit, limit)


def setup_inputs(seed: int = 0):
    key = jax.random.key(seed)
    ks = jax.random.split(key, 6)
    mesh_pos = jax.random.normal(ks[0], (N_NODES, NDIM), jnp.float32)
    mesh_edges = jax.random.randint(ks[1], (N_EDGES, 2), 0, N_NODES).astype(jnp.int32)
    batch_idx = jnp.zeros((N_NODES,), jnp.int32)
    W1 = _xavier(ks[2], 2 * HIDDEN_DIM, 2 * HIDDEN_DIM)
    b1 = jnp.zeros((2 * HIDDEN_DIM,), jnp.float32)
    W2 = _xavier(ks[3], HIDDEN_DIM, 2 * HIDDEN_DIM)
    b2 = jnp.zeros((HIDDEN_DIM,), jnp.float32)
    W3 = _xavier(ks[4], HIDDEN_DIM, HIDDEN_DIM)
    b3 = jnp.zeros((HIDDEN_DIM,), jnp.float32)
    return {"mesh_pos": mesh_pos, "mesh_edges": mesh_edges, "batch_idx": batch_idx,
            "W1": W1, "b1": b1, "W2": W2, "b2": b2, "W3": W3, "b3": b3}


def _pos_embed(coords):
    ndim_padding = HIDDEN_DIM % NDIM
    dim_per_ndim = (HIDDEN_DIM - ndim_padding) // NDIM
    sincos_padding = dim_per_ndim % 2
    padding = ndim_padding + sincos_padding * NDIM
    eff = (HIDDEN_DIM - padding) // NDIM
    omega = 1.0 / (MAX_WAVELENGTH ** (jnp.arange(0, eff, 2, dtype=jnp.float32) / eff))
    out = coords[:, :, None] * omega[None, None, :]
    emb = jnp.concatenate([jnp.sin(out), jnp.cos(out)], axis=-1)
    emb = emb.reshape(coords.shape[0], -1)
    if padding > 0:
        emb = jnp.concatenate([emb, jnp.zeros((emb.shape[0], padding), emb.dtype)], axis=-1)
    return emb


def reference(mesh_pos, mesh_edges, batch_idx, W1, b1, W2, b2, W3, b3):
    x = _pos_embed(mesh_pos)
    dst_idx = mesh_edges[:, 0]
    src_idx = mesh_edges[:, 1]
    h = jnp.concatenate([x[src_idx], x[dst_idx]], axis=1)
    h = jax.nn.gelu(h @ W1.T + b1, approximate=False)
    h = jax.nn.gelu(h @ W2.T + b2, approximate=False)
    h = h @ W3.T + b3
    num_seg = mesh_pos.shape[0]
    dst_unique, counts = jnp.unique(dst_idx, return_counts=True, size=num_seg)
    seg_ids = jnp.repeat(jnp.arange(num_seg), counts, total_repeat_length=dst_idx.shape[0])
    sums = jax.ops.segment_sum(h, seg_ids, num_segments=num_seg)
    mean = sums / counts[:, None].astype(h.dtype)
    batch_size = 1
    mean = mean + batch_idx.max().astype(mean.dtype)
    return mean.reshape(batch_size, num_seg // batch_size, HIDDEN_DIM)

if __name__ == "__main__":
    import jax
    _d = setup_inputs()
    print(jax.jit(kernel)(*tuple(_d.values())))

</pallas_src>

<mosaic_0001>
#map = affine_map<(d0, d1) -> (0, 0)>
#map1 = affine_map<(d0, d1) -> (0)>
#map2 = affine_map<(d0, d1) -> (0, 0, 0)>
module attributes {stable_mosaic.version = 14 : i64} {
  func.func @_scatter_body(%arg0: i32, %arg1: i32, %arg2: memref<327680x128xf32, #tpu.memory_space<hbm>>, %arg3: memref<327680xi32, #tpu.memory_space<hbm>>, %arg4: memref<2x10240x128xf32, #tpu.memory_space<hbm>>, %arg5: memref<10240xi32, #tpu.memory_space<vmem>>, %arg6: memref<2x128x128xf32, #tpu.memory_space<vmem>>, %arg7: memref<!tpu.dma_semaphore, #tpu.memory_space<semaphore_mem>>, %arg8: memref<!tpu.dma_semaphore, #tpu.memory_space<semaphore_mem>>, %arg9: memref<10240x128xf32, #tpu.memory_space<vmem_shared>>) attributes {dimension_semantics = [#tpu.dimension_semantics<core_parallel>, #tpu.dimension_semantics<subcore_parallel>], iteration_bounds = array<i64: 2, 16>, scalar_prefetch = 0 : i64, scratch_operands = 5 : i64, tpu.core_type = #tpu.core_type<sc_vector_subcore>, window_params = [{transform_indices = #map}, {transform_indices = #map1}, {transform_indices = #map2}]} {
    %mul3A = arith.constant 2 : i32
    %mul3A_0 = arith.muli %arg1, %mul3A : i32
    %add3A = arith.addi %mul3A_0, %arg0 : i32
    %mul3A_1 = arith.constant 10240 : i32
    %mul3A_2 = arith.muli %add3A, %mul3A_1 : i32
    %broadcast_in_dim3A = arith.constant 0.000000e+00 : f32
    %broadcast_in_dim3A_3 = vector.broadcast %broadcast_in_dim3A : f32 to vector<16xf32>
    %scan3A = arith.constant 0 : i32
    %scan3A_4 = arith.constant 128 : i32
    %scan3A_5 = arith.addi %scan3A, %scan3A_4 : i32
    %scan3A_6 = arith.constant 1 : i32
    scf.for %scan3A_56 = %scan3A to %scan3A_5 step %scan3A_6  : i32 {
      %swap3A = arith.constant 0 : i32
      %swap3A_57 = arith.index_cast %swap3A : i32 to index
      %swap3A_58 = arith.index_cast %scan3A_56 : i32 to index
      %swap3A_59 = arith.constant 0 : index
      %swap3A_60 = tpu.vector_load %arg6[%swap3A_57, %swap3A_58, %swap3A_59] {strides = array<i32>} : memref<2x128x128xf32, #tpu.memory_space<vmem>>, vector<16xf32>,
      tpu.vector_store %arg6[%swap3A_57, %swap3A_58, %swap3A_59], %broadcast_in_dim3A_3 {strides = array<i32>} : memref<2x128x128xf32, #tpu.memory_space<vmem>>, vector<16xf32>,
      %swap3A_61 = arith.constant 0 : i32
      %swap3A_62 = arith.index_cast %swap3A_61 : i32 to index
      %swap3A_63 = arith.index_cast %scan3A_56 : i32 to index
      %swap3A_64 = arith.constant 16 : index
      %swap3A_65 = tpu.vector_load %arg6[%swap3A_62, %swap3A_63, %swap3A_64] {strides = array<i32>} : memref<2x128x128xf32, #tpu.memory_space<vmem>>, vector<16xf32>,
      tpu.vector_store %arg6[%swap3A_62, %swap3A_63, %swap3A_64], %broadcast_in_dim3A_3 {strides = array<i32>} : memref<2x128x128xf32, #tpu.memory_space<vmem>>, vector<16xf32>,
      %swap3A_66 = arith.constant 0 : i32
      %swap3A_67 = arith.index_cast %swap3A_66 : i32 to index
      %swap3A_68 = arith.index_cast %scan3A_56 : i32 to index
      %swap3A_69 = arith.constant 32 : index
      %swap3A_70 = tpu.vector_load %arg6[%swap3A_67, %swap3A_68, %swap3A_69] {strides = array<i32>} : memref<2x128x128xf32, #tpu.memory_space<vmem>>, vector<16xf32>,
      tpu.vector_store %arg6[%swap3A_67, %swap3A_68, %swap3A_69], %broadcast_in_dim3A_3 {strides = array<i32>} : memref<2x128x128xf32, #tpu.memory_space<vmem>>, vector<16xf32>,
      %swap3A_71 = arith.constant 0 : i32
      %swap3A_72 = arith.index_cast %swap3A_71 : i32 to index
      %swap3A_73 = arith.index_cast %scan3A_56 : i32 to index
      %swap3A_74 = arith.constant 48 : index
      %swap3A_75 = tpu.vector_load %arg6[%swap3A_72, %swap3A_73, %swap3A_74] {strides = array<i32>} : memref<2x128x128xf32, #tpu.memory_space<vmem>>, vector<16xf32>,
      tpu.vector_store %arg6[%swap3A_72, %swap3A_73, %swap3A_74], %broadcast_in_dim3A_3 {strides = array<i32>} : memref<2x128x128xf32, #tpu.memory_space<vmem>>, vector<16xf32>,
      %swap3A_76 = arith.constant 0 : i32
      %swap3A_77 = arith.index_cast %swap3A_76 : i32 to index
      %swap3A_78 = arith.index_cast %scan3A_56 : i32 to index
      %swap3A_79 = arith.constant 64 : index
      %swap3A_80 = tpu.vector_load %arg6[%swap3A_77, %swap3A_78, %swap3A_79] {strides = array<i32>} : memref<2x128x128xf32, #tpu.memory_space<vmem>>, vector<16xf32>,
      tpu.vector_store %arg6[%swap3A_77, %swap3A_78, %swap3A_79], %broadcast_in_dim3A_3 {strides = array<i32>} : memref<2x128x128xf32, #tpu.memory_space<vmem>>, vector<16xf32>,
      %swap3A_81 = arith.constant 0 : i32
      %swap3A_82 = arith.index_cast %swap3A_81 : i32 to index
      %swap3A_83 = arith.index_cast %scan3A_56 : i32 to index
      %swap3A_84 = arith.constant 80 : index
      %swap3A_85 = tpu.vector_load %arg6[%swap3A_82, %swap3A_83, %swap3A_84] {strides = array<i32>} : memref<2x128x128xf32, #tpu.memory_space<vmem>>, vector<16xf32>,
      tpu.vector_store %arg6[%swap3A_82, %swap3A_83, %swap3A_84], %broadcast_in_dim3A_3 {strides = array<i32>} : memref<2x128x128xf32, #tpu.memory_space<vmem>>, vector<16xf32>,
      %swap3A_86 = arith.constant 0 : i32
      %swap3A_87 = arith.index_cast %swap3A_86 : i32 to index
      %swap3A_88 = arith.index_cast %scan3A_56 : i32 to index
      %swap3A_89 = arith.constant 96 : index
      %swap3A_90 = tpu.vector_load %arg6[%swap3A_87, %swap3A_88, %swap3A_89] {strides = array<i32>} : memref<2x128x128xf32, #tpu.memory_space<vmem>>, vector<16xf32>,
      tpu.vector_store %arg6[%swap3A_87, %swap3A_88, %swap3A_89], %broadcast_in_dim3A_3 {strides = array<i32>} : memref<2x128x128xf32, #tpu.memory_space<vmem>>, vector<16xf32>,
      %swap3A_91 = arith.constant 0 : i32
      %swap3A_92 = arith.index_cast %swap3A_91 : i32 to index
      %swap3A_93 = arith.index_cast %scan3A_56 : i32 to index
      %swap3A_94 = arith.constant 112 : index
      %swap3A_95 = tpu.vector_load %arg6[%swap3A_92, %swap3A_93, %swap3A_94] {strides = array<i32>} : memref<2x128x128xf32, #tpu.memory_space<vmem>>, vector<16xf32>,
      tpu.vector_store %arg6[%swap3A_92, %swap3A_93, %swap3A_94], %broadcast_in_dim3A_3 {strides = array<i32>} : memref<2x128x128xf32, #tpu.memory_space<vmem>>, vector<16xf32>,
    }
    %scan3A_7 = arith.constant 128 : i32
    %mul3A_8 = arith.constant 640 : i32
    %mul3A_9 = arith.muli %arg1, %mul3A_8 : i32
    %add3A_10 = arith.constant 0 : i32
    %add3A_11 = arith.addi %mul3A_9, %add3A_10 : i32
    %run_scoped3A = arith.constant 0 : i32
    "tpu.region"() ({
      %run_scoped3A_56 = tpu.sem_alloc : memref<!tpu.dma_semaphore, #tpu.memory_space<semaphore_mem>>
      %dma_start3A_57 = arith.constant 0 : i32
      %dma_start3A_58 = arith.constant 0 : i32
      %dma_start3A_59 = tpu.memref_slice %arg6[%run_scoped3A, %dma_start3A_57, %dma_start3A_58] : memref<2x128x128xf32, #tpu.memory_space<vmem>> -> memref<1x128x128xf32, #tpu.memory_space<vmem>>
      %dma_start3A_60 = tpu.memref_squeeze %dma_start3A_59 : memref<1x128x128xf32, #tpu.memory_space<vmem>> -> memref<128x128xf32, #tpu.memory_space<vmem>>
      %dma_start3A_61 = arith.constant 0 : i32
      %dma_start3A_62 = tpu.memref_slice %arg9[%add3A_11, %dma_start3A_61] : memref<10240x128xf32, #tpu.memory_space<vmem_shared>> -> memref<128x128xf32, #tpu.memory_space<vmem_shared>>
      %dma_start3A_63 = arith.constant 0 : i32
      %dma_start3A_64 = tpu.memref_slice %arg9[%add3A_11, %dma_start3A_63] : memref<10240x128xf32, #tpu.memory_space<vmem_shared>> -> memref<128x128xf32, #tpu.memory_space<vmem_shared>>
      %dma_start3A_65 = arith.constant 0 : i32
      %dma_start3A_66 = arith.constant 0 : i32
      %dma_start3A_67 = tpu.memref_slice %arg6[%run_scoped3A, %dma_start3A_65, %dma_start3A_66] : memref<2x128x128xf32, #tpu.memory_space<vmem>> -> memref<1x128x128xf32, #tpu.memory_space<vmem>>
      %dma_start3A_68 = tpu.memref_squeeze %dma_start3A_67 : memref<1x128x128xf32, #tpu.memory_space<vmem>> -> memref<128x128xf32, #tpu.memory_space<vmem>>
      tpu.enqueue_dma source(%dma_start3A_68 : memref<128x128xf32, #tpu.memory_space<vmem>>) target(%dma_start3A_64 : memref<128x128xf32, #tpu.memory_space<vmem_shared>>) target_semaphore(%run_scoped3A_56 : memref<!tpu.dma_semaphore, #tpu.memory_space<semaphore_mem>>)
      %dma_wait3A = arith.constant 0 : i32
      %dma_wait3A_69 = arith.constant 0 : i32
      %dma_wait3A_70 = tpu.memref_slice %arg6[%run_scoped3A, %dma_wait3A, %dma_wait3A_69] : memref<2x128x128xf32, #tpu.memory_space<vmem>> -> memref<1x128x128xf32, #tpu.memory_space<vmem>>
      %dma_wait3A_71 = tpu.memref_squeeze %dma_wait3A_70 : memref<1x128x128xf32, #tpu.memory_space<vmem>> -> memref<128x128xf32, #tpu.memory_space<vmem>>
      %dma_wait3A_72 = arith.constant 0 : i32
      %dma_wait3A_73 = tpu.memref_slice %arg9[%add3A_11, %dma_wait3A_72] : memref<10240x128xf32, #tpu.memory_space<vmem_shared>> -> memref<128x128xf32, #tpu.memory_space<vmem_shared>>
      %dma_wait3A_74 = arith.constant 0 : i32
      %dma_wait3A_75 = tpu.memref_slice %arg9[%add3A_11, %dma_wait3A_74] : memref<10240x128xf32, #tpu.memory_space<vmem_shared>> -> memref<128x128xf32, #tpu.memory_space<vmem_shared>>
      %dma_wait3A_76 = arith.constant 0 : i32
      %dma_wait3A_77 = arith.constant 0 : i32
      %dma_wait3A_78 = tpu.memref_slice %arg6[%run_scoped3A, %dma_wait3A_76, %dma_wait3A_77] : memref<2x128x128xf32, #tpu.memory_space<vmem>> -> memref<1x128x128xf32, #tpu.memory_space<vmem>>
      %dma_wait3A_79 = tpu.memref_squeeze %dma_wait3A_78 : memref<1x128x128xf32, #tpu.memory_space<vmem>> -> memref<128x128xf32, #tpu.memory_space<vmem>>
      tpu.wait_dma2 semaphore(%run_scoped3A_56 : memref<!tpu.dma_semaphore, #tpu.memory_space<semaphore_mem>>) src(%dma_wait3A_79 : memref<128x128xf32, #tpu.memory_space<vmem>>) dst(%dma_wait3A_75 : memref<128x128xf32, #tpu.memory_space<vmem_shared>>)
      tpu.yield
    }) : () -> ()
    %mul3A_12 = arith.constant 640 : i32
    %mul3A_13 = arith.muli %arg1, %mul3A_12 : i32
    %add3A_14 = arith.constant 128 : i32
    %add3A_15 = arith.addi %mul3A_13, %add3A_14 : i32
    %run_scoped3A_16 = arith.constant 0 : i32
    "tpu.region"() ({
      %run_scoped3A_56 = tpu.sem_alloc : memref<!tpu.dma_semaphore, #tpu.memory_space<semaphore_mem>>
      %dma_start3A_57 = arith.constant 0 : i32
      %dma_start3A_58 = arith.constant 0 : i32
      %dma_start3A_59 = tpu.memref_slice %arg6[%run_scoped3A_16, %dma_start3A_57, %dma_start3A_58] : memref<2x128x128xf32, #tpu.memory_space<vmem>> -> memref<1x128x128xf32, #tpu.memory_space<vmem>>
      %dma_start3A_60 = tpu.memref_squeeze %dma_start3A_59 : memref<1x128x128xf32, #tpu.memory_space<vmem>> -> memref<128x128xf32, #tpu.memory_space<vmem>>
      %dma_start3A_61 = arith.constant 0 : i32
      %dma_start3A_62 = tpu.memref_slice %arg9[%add3A_15, %dma_start3A_61] : memref<10240x128xf32, #tpu.memory_space<vmem_shared>> -> memref<128x128xf32, #tpu.memory_space<vmem_shared>>
      %dma_start3A_63 = arith.constant 0 : i32
      %dma_start3A_64 = tpu.memref_slice %arg9[%add3A_15, %dma_start3A_63] : memref<10240x128xf32, #tpu.memory_space<vmem_shared>> -> memref<128x128xf32, #tpu.memory_space<vmem_shared>>
      %dma_start3A_65 = arith.constant 0 : i32
      %dma_start3A_66 = arith.constant 0 : i32
      %dma_start3A_67 = tpu.memref_slice %arg6[%run_scoped3A_16, %dma_start3A_65, %dma_start3A_66] : memref<2x128x128xf32, #tpu.memory_space<vmem>> -> memref<1x128x128xf32, #tpu.memory_space<vmem>>
      %dma_start3A_68 = tpu.memref_squeeze %dma_start3A_67 : memref<1x128x128xf32, #tpu.memory_space<vmem>> -> memref<128x128xf32, #tpu.memory_space<vmem>>
      tpu.enqueue_dma source(%dma_start3A_68 : memref<128x128xf32, #tpu.memory_space<vmem>>) target(%dma_start3A_64 : memref<128x128xf32, #tpu.memory_space<vmem_shared>>) target_semaphore(%run_scoped3A_56 : memref<!tpu.dma_semaphore, #tpu.memory_space<semaphore_mem>>)
      %dma_wait3A = arith.constant 0 : i32
      %dma_wait3A_69 = arith.constant 0 : i32
      %dma_wait3A_70 = tpu.memref_slice %arg6[%run_scoped3A_16, %dma_wait3A, %dma_wait3A_69] : memref<2x128x128xf32, #tpu.memory_space<vmem>> -> memref<1x128x128xf32, #tpu.memory_space<vmem>>
      %dma_wait3A_71 = tpu.memref_squeeze %dma_wait3A_70 : memref<1x128x128xf32, #tpu.memory_space<vmem>> -> memref<128x128xf32, #tpu.memory_space<vmem>>
      %dma_wait3A_72 = arith.constant 0 : i32
      %dma_wait3A_73 = tpu.memref_slice %arg9[%add3A_15, %dma_wait3A_72] : memref<10240x128xf32, #tpu.memory_space<vmem_shared>> -> memref<128x128xf32, #tpu.memory_space<vmem_shared>>
      %dma_wait3A_74 = arith.constant 0 : i32
      %dma_wait3A_75 = tpu.memref_slice %arg9[%add3A_15, %dma_wait3A_74] : memref<10240x128xf32, #tpu.memory_space<vmem_shared>> -> memref<128x128xf32, #tpu.memory_space<vmem_shared>>
      %dma_wait3A_76 = arith.constant 0 : i32
      %dma_wait3A_77 = arith.constant 0 : i32
      %dma_wait3A_78 = tpu.memref_slice %arg6[%run_scoped3A_16, %dma_wait3A_76, %dma_wait3A_77] : memref<2x128x128xf32, #tpu.memory_space<vmem>> -> memref<1x128x128xf32, #tpu.memory_space<vmem>>
      %dma_wait3A_79 = tpu.memref_squeeze %dma_wait3A_78 : memref<1x128x128xf32, #tpu.memory_space<vmem>> -> memref<128x128xf32, #tpu.memory_space<vmem>>
      tpu.wait_dma2 semaphore(%run_scoped3A_56 : memref<!tpu.dma_semaphore, #tpu.memory_space<semaphore_mem>>) src(%dma_wait3A_79 : memref<128x128xf32, #tpu.memory_space<vmem>>) dst(%dma_wait3A_75 : memref<128x128xf32, #tpu.memory_space<vmem_shared>>)
      tpu.yield
    }) : () -> ()
    %mul3A_17 = arith.constant 640 : i32
    %mul3A_18 = arith.muli %arg1, %mul3A_17 : i32
    %add3A_19 = arith.constant 256 : i32
    %add3A_20 = arith.addi %mul3A_18, %add3A_19 : i32
    %run_scoped3A_21 = arith.constant 0 : i32
    "tpu.region"() ({
      %run_scoped3A_56 = tpu.sem_alloc : memref<!tpu.dma_semaphore, #tpu.memory_space<semaphore_mem>>
      %dma_start3A_57 = arith.constant 0 : i32
      %dma_start3A_58 = arith.constant 0 : i32
      %dma_start3A_59 = tpu.memref_slice %arg6[%run_scoped3A_21, %dma_start3A_57, %dma_start3A_58] : memref<2x128x128xf32, #tpu.memory_space<vmem>> -> memref<1x128x128xf32, #tpu.memory_space<vmem>>
      %dma_start3A_60 = tpu.memref_squeeze %dma_start3A_59 : memref<1x128x128xf32, #tpu.memory_space<vmem>> -> memref<128x128xf32, #tpu.memory_space<vmem>>
      %dma_start3A_61 = arith.constant 0 : i32
      %dma_start3A_62 = tpu.memref_slice %arg9[%add3A_20, %dma_start3A_61] : memref<10240x128xf32, #tpu.memory_space<vmem_shared>> -> memref<128x128xf32, #tpu.memory_space<vmem_shared>>
      %dma_start3A_63 = arith.constant 0 : i32
      %dma_start3A_64 = tpu.memref_slice %arg9[%add3A_20, %dma_start3A_63] : memref<10240x128xf32, #tpu.memory_space<vmem_shared>> -> memref<128x128xf32, #tpu.memory_space<vmem_shared>>
      %dma_start3A_65 = arith.constant 0 : i32
      %dma_start3A_66 = arith.constant 0 : i32
      %dma_start3A_67 = tpu.memref_slice %arg6[%run_scoped3A_21, %dma_start3A_65, %dma_start3A_66] : memref<2x128x128xf32, #tpu.memory_space<vmem>> -> memref<1x128x128xf32, #tpu.memory_space<vmem>>
      %dma_start3A_68 = tpu.memref_squeeze %dma_start3A_67 : memref<1x128x128xf32, #tpu.memory_space<vmem>> -> memref<128x128xf32, #tpu.memory_space<vmem>>
      tpu.enqueue_dma source(%dma_start3A_68 : memref<128x128xf32, #tpu.memory_space<vmem>>) target(%dma_start3A_64 : memref<128x128xf32, #tpu.memory_space<vmem_shared>>) target_semaphore(%run_scoped3A_56 : memref<!tpu.dma_semaphore, #tpu.memory_space<semaphore_mem>>)
      %dma_wait3A = arith.constant 0 : i32
      %dma_wait3A_69 = arith.constant 0 : i32
      %dma_wait3A_70 = tpu.memref_slice %arg6[%run_scoped3A_21, %dma_wait3A, %dma_wait3A_69] : memref<2x128x128xf32, #tpu.memory_space<vmem>> -> memref<1x128x128xf32, #tpu.memory_space<vmem>>
      %dma_wait3A_71 = tpu.memref_squeeze %dma_wait3A_70 : memref<1x128x128xf32, #tpu.memory_space<vmem>> -> memref<128x128xf32, #tpu.memory_space<vmem>>
      %dma_wait3A_72 = arith.constant 0 : i32
      %dma_wait3A_73 = tpu.memref_slice %arg9[%add3A_20, %dma_wait3A_72] : memref<10240x128xf32, #tpu.memory_space<vmem_shared>> -> memref<128x128xf32, #tpu.memory_space<vmem_shared>>
      %dma_wait3A_74 = arith.constant 0 : i32
      %dma_wait3A_75 = tpu.memref_slice %arg9[%add3A_20, %dma_wait3A_74] : memref<10240x128xf32, #tpu.memory_space<vmem_shared>> -> memref<128x128xf32, #tpu.memory_space<vmem_shared>>
      %dma_wait3A_76 = arith.constant 0 : i32
      %dma_wait3A_77 = arith.constant 0 : i32
      %dma_wait3A_78 = tpu.memref_slice %arg6[%run_scoped3A_21, %dma_wait3A_76, %dma_wait3A_77] : memref<2x128x128xf32, #tpu.memory_space<vmem>> -> memref<1x128x128xf32, #tpu.memory_space<vmem>>
      %dma_wait3A_79 = tpu.memref_squeeze %dma_wait3A_78 : memref<1x128x128xf32, #tpu.memory_space<vmem>> -> memref<128x128xf32, #tpu.memory_space<vmem>>
      tpu.wait_dma2 semaphore(%run_scoped3A_56 : memref<!tpu.dma_semaphore, #tpu.memory_space<semaphore_mem>>) src(%dma_wait3A_79 : memref<128x128xf32, #tpu.memory_space<vmem>>) dst(%dma_wait3A_75 : memref<128x128xf32, #tpu.memory_space<vmem_shared>>)
      tpu.yield
    }) : () -> ()
    %mul3A_22 = arith.constant 640 : i32
    %mul3A_23 = arith.muli %arg1, %mul3A_22 : i32
    %add3A_24 = arith.constant 384 : i32
    %add3A_25 = arith.addi %mul3A_23, %add3A_24 : i32
    %run_scoped3A_26 = arith.constant 0 : i32
    "tpu.region"() ({
      %run_scoped3A_56 = tpu.sem_alloc : memref<!tpu.dma_semaphore, #tpu.memory_space<semaphore_mem>>
      %dma_start3A_57 = arith.constant 0 : i32
      %dma_start3A_58 = arith.constant 0 : i32
      %dma_start3A_59 = tpu.memref_slice %arg6[%run_scoped3A_26, %dma_start3A_57, %dma_start3A_58] : memref<2x128x128xf32, #tpu.memory_space<vmem>> -> memref<1x128x128xf32, #tpu.memory_space<vmem>>
      %dma_start3A_60 = tpu.memref_squeeze %dma_start3A_59 : memref<1x128x128xf32, #tpu.memory_space<vmem>> -> memref<128x128xf32, #tpu.memory_space<vmem>>
      %dma_start3A_61 = arith.constant 0 : i32
      %dma_start3A_62 = tpu.memref_slice %arg9[%add3A_25, %dma_start3A_61] : memref<10240x128xf32, #tpu.memory_space<vmem_shared>> -> memref<128x128xf32, #tpu.memory_space<vmem_shared>>
      %dma_start3A_63 = arith.constant 0 : i32
      %dma_start3A_64 = tpu.memref_slice %arg9[%add3A_25, %dma_start3A_63] : memref<10240x128xf32, #tpu.memory_space<vmem_shared>> -> memref<128x128xf32, #tpu.memory_space<vmem_shared>>
      %dma_start3A_65 = arith.constant 0 : i32
      %dma_start3A_66 = arith.constant 0 : i32
      %dma_start3A_67 = tpu.memref_slice %arg6[%run_scoped3A_26, %dma_start3A_65, %dma_start3A_66] : memref<2x128x128xf32, #tpu.memory_space<vmem>> -> memref<1x128x128xf32, #tpu.memory_space<vmem>>
      %dma_start3A_68 = tpu.memref_squeeze %dma_start3A_67 : memref<1x128x128xf32, #tpu.memory_space<vmem>> -> memref<128x128xf32, #tpu.memory_space<vmem>>
      tpu.enqueue_dma source(%dma_start3A_68 : memref<128x128xf32, #tpu.memory_space<vmem>>) target(%dma_start3A_64 : memref<128x128xf32, #tpu.memory_space<vmem_shared>>) target_semaphore(%run_scoped3A_56 : memref<!tpu.dma_semaphore, #tpu.memory_space<semaphore_mem>>)
      %dma_wait3A = arith.constant 0 : i32
      %dma_wait3A_69 = arith.constant 0 : i32
      %dma_wait3A_70 = tpu.memref_slice %arg6[%run_scoped3A_26, %dma_wait3A, %dma_wait3A_69] : memref<2x128x128xf32, #tpu.memory_space<vmem>> -> memref<1x128x128xf32, #tpu.memory_space<vmem>>
      %dma_wait3A_71 = tpu.memref_squeeze %dma_wait3A_70 : memref<1x128x128xf32, #tpu.memory_space<vmem>> -> memref<128x128xf32, #tpu.memory_space<vmem>>
      %dma_wait3A_72 = arith.constant 0 : i32
      %dma_wait3A_73 = tpu.memref_slice %arg9[%add3A_25, %dma_wait3A_72] : memref<10240x128xf32, #tpu.memory_space<vmem_shared>> -> memref<128x128xf32, #tpu.memory_space<vmem_shared>>
      %dma_wait3A_74 = arith.constant 0 : i32
      %dma_wait3A_75 = tpu.memref_slice %arg9[%add3A_25, %dma_wait3A_74] : memref<10240x128xf32, #tpu.memory_space<vmem_shared>> -> memref<128x128xf32, #tpu.memory_space<vmem_shared>>
      %dma_wait3A_76 = arith.constant 0 : i32
      %dma_wait3A_77 = arith.constant 0 : i32
      %dma_wait3A_78 = tpu.memref_slice %arg6[%run_scoped3A_26, %dma_wait3A_76, %dma_wait3A_77] : memref<2x128x128xf32, #tpu.memory_space<vmem>> -> memref<1x128x128xf32, #tpu.memory_space<vmem>>
      %dma_wait3A_79 = tpu.memref_squeeze %dma_wait3A_78 : memref<1x128x128xf32, #tpu.memory_space<vmem>> -> memref<128x128xf32, #tpu.memory_space<vmem>>
      tpu.wait_dma2 semaphore(%run_scoped3A_56 : memref<!tpu.dma_semaphore, #tpu.memory_space<semaphore_mem>>) src(%dma_wait3A_79 : memref<128x128xf32, #tpu.memory_space<vmem>>) dst(%dma_wait3A_75 : memref<128x128xf32, #tpu.memory_space<vmem_shared>>)
      tpu.yield
    }) : () -> ()
    %mul3A_27 = arith.constant 640 : i32
    %mul3A_28 = arith.muli %arg1, %mul3A_27 : i32
    %add3A_29 = arith.constant 512 : i32
    %add3A_30 = arith.addi %mul3A_28, %add3A_29 : i32
    %run_scoped3A_31 = arith.constant 0 : i32
    "tpu.region"() ({
      %run_scoped3A_56 = tpu.sem_alloc : memref<!tpu.dma_semaphore, #tpu.memory_space<semaphore_mem>>
      %dma_start3A_57 = arith.constant 0 : i32
      %dma_start3A_58 = arith.constant 0 : i32
      %dma_start3A_59 = tpu.memref_slice %arg6[%run_scoped3A_31, %dma_start3A_57, %dma_start3A_58] : memref<2x128x128xf32, #tpu.memory_space<vmem>> -> memref<1x128x128xf32, #tpu.memory_space<vmem>>
      %dma_start3A_60 = tpu.memref_squeeze %dma_start3A_59 : memref<1x128x128xf32, #tpu.memory_space<vmem>> -> memref<128x128xf32, #tpu.memory_space<vmem>>
      %dma_start3A_61 = arith.constant 0 : i32
      %dma_start3A_62 = tpu.memref_slice %arg9[%add3A_30, %dma_start3A_61] : memref<10240x128xf32, #tpu.memory_space<vmem_shared>> -> memref<128x128xf32, #tpu.memory_space<vmem_shared>>
      %dma_start3A_63 = arith.constant 0 : i32
      %dma_start3A_64 = tpu.memref_slice %arg9[%add3A_30, %dma_start3A_63] : memref<10240x128xf32, #tpu.memory_space<vmem_shared>> -> memref<128x128xf32, #tpu.memory_space<vmem_shared>>
      %dma_start3A_65 = arith.constant 0 : i32
      %dma_start3A_66 = arith.constant 0 : i32
      %dma_start3A_67 = tpu.memref_slice %arg6[%run_scoped3A_31, %dma_start3A_65, %dma_start3A_66] : memref<2x128x128xf32, #tpu.memory_space<vmem>> -> memref<1x128x128xf32, #tpu.memory_space<vmem>>
      %dma_start3A_68 = tpu.memref_squeeze %dma_start3A_67 : memref<1x128x128xf32, #tpu.memory_space<vmem>> -> memref<128x128xf32, #tpu.memory_space<vmem>>
      tpu.enqueue_dma source(%dma_start3A_68 : memref<128x128xf32, #tpu.memory_space<vmem>>) target(%dma_start3A_64 : memref<128x128xf32, #tpu.memory_space<vmem_shared>>) target_semaphore(%run_scoped3A_56 : memref<!tpu.dma_semaphore, #tpu.memory_space<semaphore_mem>>)
      %dma_wait3A = arith.constant 0 : i32
      %dma_wait3A_69 = arith.constant 0 : i32
      %dma_wait3A_70 = tpu.memref_slice %arg6[%run_scoped3A_31, %dma_wait3A, %dma_wait3A_69] : memref<2x128x128xf32, #tpu.memory_space<vmem>> -> memref<1x128x128xf32, #tpu.memory_space<vmem>>
      %dma_wait3A_71 = tpu.memref_squeeze %dma_wait3A_70 : memref<1x128x128xf32, #tpu.memory_space<vmem>> -> memref<128x128xf32, #tpu.memory_space<vmem>>
      %dma_wait3A_72 = arith.constant 0 : i32
      %dma_wait3A_73 = tpu.memref_slice %arg9[%add3A_30, %dma_wait3A_72] : memref<10240x128xf32, #tpu.memory_space<vmem_shared>> -> memref<128x128xf32, #tpu.memory_space<vmem_shared>>
      %dma_wait3A_74 = arith.constant 0 : i32
      %dma_wait3A_75 = tpu.memref_slice %arg9[%add3A_30, %dma_wait3A_74] : memref<10240x128xf32, #tpu.memory_space<vmem_shared>> -> memref<128x128xf32, #tpu.memory_space<vmem_shared>>
      %dma_wait3A_76 = arith.constant 0 : i32
      %dma_wait3A_77 = arith.constant 0 : i32
      %dma_wait3A_78 = tpu.memref_slice %arg6[%run_scoped3A_31, %dma_wait3A_76, %dma_wait3A_77] : memref<2x128x128xf32, #tpu.memory_space<vmem>> -> memref<1x128x128xf32, #tpu.memory_space<vmem>>
      %dma_wait3A_79 = tpu.memref_squeeze %dma_wait3A_78 : memref<1x128x128xf32, #tpu.memory_space<vmem>> -> memref<128x128xf32, #tpu.memory_space<vmem>>
      tpu.wait_dma2 semaphore(%run_scoped3A_56 : memref<!tpu.dma_semaphore, #tpu.memory_space<semaphore_mem>>) src(%dma_wait3A_79 : memref<128x128xf32, #tpu.memory_space<vmem>>) dst(%dma_wait3A_75 : memref<128x128xf32, #tpu.memory_space<vmem_shared>>)
      tpu.yield
    }) : () -> ()
    "tpu.region"() ({
      %run_scoped3A_56 = tpu.sem_alloc : memref<!tpu.dma_semaphore, #tpu.memory_space<semaphore_mem>>
      %dma_start3A_57 = tpu.memref_slice %arg3[%mul3A_2] : memref<327680xi32, #tpu.memory_space<hbm>> -> memref<10240xi32, #tpu.memory_space<hbm>>
      %dma_start3A_58 = tpu.memref_slice %arg3[%mul3A_2] : memref<327680xi32, #tpu.memory_space<hbm>> -> memref<10240xi32, #tpu.memory_space<hbm>>
      tpu.enqueue_dma source(%dma_start3A_58 : memref<10240xi32, #tpu.memory_space<hbm>>) target(%arg5 : memref<10240xi32, #tpu.memory_space<vmem>>) target_semaphore(%run_scoped3A_56 : memref<!tpu.dma_semaphore, #tpu.memory_space<semaphore_mem>>)
      %dma_wait3A = tpu.memref_slice %arg3[%mul3A_2] : memref<327680xi32, #tpu.memory_space<hbm>> -> memref<10240xi32, #tpu.memory_space<hbm>>
      %dma_wait3A_59 = tpu.memref_slice %arg3[%mul3A_2] : memref<327680xi32, #tpu.memory_space<hbm>> -> memref<10240xi32, #tpu.memory_space<hbm>>
      tpu.wait_dma2 semaphore(%run_scoped3A_56 : memref<!tpu.dma_semaphore, #tpu.memory_space<semaphore_mem>>) src(%dma_wait3A_59 : memref<10240xi32, #tpu.memory_space<hbm>>) dst(%arg5 : memref<10240xi32, #tpu.memory_space<vmem>>)
      tpu.yield
    }) : () -> ()
    %barrier3A = arith.constant 0 : index
    tpu.barrier barrier_id(%barrier3A)
    %add3A_32 = arith.constant 0 : i32
    %add3A_33 = arith.addi %mul3A_2, %add3A_32 : i32
    %dma_start3A = arith.constant 0 : i32
    %dma_start3A_34 = arith.constant 0 : i32
    %dma_start3A_35 = arith.constant 0 : i32
    %dma_start3A_36 = tpu.memref_slice %arg6[%dma_start3A, %dma_start3A_34, %dma_start3A_35] : memref<2x128x128xf32, #tpu.memory_space<vmem>> -> memref<1x128x128xf32, #tpu.memory_space<vmem>>
    %dma_start3A_37 = tpu.memref_squeeze %dma_start3A_36 : memref<1x128x128xf32, #tpu.memory_space<vmem>> -> memref<128x128xf32, #tpu.memory_space<vmem>>
    %dma_start3A_38 = arith.constant 0 : i32
    %dma_start3A_39 = tpu.memref_slice %arg2[%add3A_33, %dma_start3A_38] : memref<327680x128xf32, #tpu.memory_space<hbm>> -> memref<128x128xf32, #tpu.memory_space<hbm>>
    %dma_start3A_40 = arith.constant 0 : i32
    %dma_start3A_41 = arith.constant 0 : i32
    %dma_start3A_42 = tpu.memref_slice %arg6[%dma_start3A, %dma_start3A_40, %dma_start3A_41] : memref<2x128x128xf32, #tpu.memory_space<vmem>> -> memref<1x128x128xf32, #tpu.memory_space<vmem>>
    %dma_start3A_43 = tpu.memref_squeeze %dma_start3A_42 : memref<1x128x128xf32, #tpu.memory_space<vmem>> -> memref<128x128xf32, #tpu.memory_space<vmem>>
    %dma_start3A_44 = arith.constant 0 : i32
    %dma_start3A_45 = tpu.memref_slice %arg2[%add3A_33, %dma_start3A_44] : memref<327680x128xf32, #tpu.memory_space<hbm>> -> memref<128x128xf32, #tpu.memory_space<hbm>>
    tpu.enqueue_dma source(%dma_start3A_45 : memref<128x128xf32, #tpu.memory_space<hbm>>) target(%dma_start3A_43 : memref<128x128xf32, #tpu.memory_space<vmem>>) target_semaphore(%arg7 : memref<!tpu.dma_semaphore, #tpu.memory_space<semaphore_mem>>)
    %scan3A_46 = arith.constant 0 : i32
    %scan3A_47 = arith.constant 40 : i32
    %scan3A_48 = arith.addi %scan3A_46, %scan3A_47 : i32
    %scan3A_49 = arith.constant 1 : i32
    scf.for %scan3A_56 = %scan3A_46 to %scan3A_48 step %scan3A_49  : i32 {
      %mul3A_57 = arith.constant 2 : i32
      %mul3A_58 = arith.muli %mul3A_57, %scan3A_56 : i32
      %add3A_59 = arith.constant 0 : i32
      %add3A_60 = arith.addi %mul3A_58, %add3A_59 : i32
      %add3A_61 = arith.constant 1 : i32
      %add3A_62 = arith.addi %add3A_60, %add3A_61 : i32
      %lt3A = arith.constant 80 : i32
      %lt3A_63 = arith.cmpi slt, %add3A_62, %lt3A : i32
      %convert_element_type3A = arith.extui %lt3A_63 : i1 to i32
      %cond3A = arith.constant 0 : i32
      %cond3A_64 = arith.cmpi ne, %convert_element_type3A, %cond3A : i32
      scf.if %cond3A_64 {
        %add3A_107 = arith.constant 1 : i32
        %add3A_108 = arith.addi %add3A_60, %add3A_107 : i32
        %mul3A_109 = arith.constant 128 : i32
        %mul3A_110 = arith.muli %add3A_108, %mul3A_109 : i32
        %add3A_111 = arith.addi %mul3A_2, %mul3A_110 : i32
        %dma_start3A_112 = arith.constant 1 : i32
        %dma_start3A_113 = arith.constant 0 : i32
        %dma_start3A_114 = arith.constant 0 : i32
        %dma_start3A_115 = tpu.memref_slice %arg6[%dma_start3A_112, %dma_start3A_113, %dma_start3A_114] : memref<2x128x128xf32, #tpu.memory_space<vmem>> -> memref<1x128x128xf32, #tpu.memory_space<vmem>>
        %dma_start3A_116 = tpu.memref_squeeze %dma_start3A_115 : memref<1x128x128xf32, #tpu.memory_space<vmem>> -> memref<128x128xf32, #tpu.memory_space<vmem>>
        %dma_start3A_117 = arith.constant 0 : i32
        %dma_start3A_118 = tpu.memref_slice %arg2[%add3A_111, %dma_start3A_117] : memref<327680x128xf32, #tpu.memory_space<hbm>> -> memref<128x128xf32, #tpu.memory_space<hbm>>
        %dma_start3A_119 = arith.constant 0 : i32
        %dma_start3A_120 = arith.constant 0 : i32
        %dma_start3A_121 = tpu.memref_slice %arg6[%dma_start3A_112, %dma_start3A_119, %dma_start3A_120] : memref<2x128x128xf32, #tpu.memory_space<vmem>> -> memref<1x128x128xf32, #tpu.memory_space<vmem>>
        %dma_start3A_122 = tpu.memref_squeeze %dma_start3A_121 : memref<1x128x128xf32, #tpu.memory_space<vmem>> -> memref<128x128xf32, #tpu.memory_space<vmem>>
        %dma_start3A_123 = arith.constant 0 : i32
        %dma_start3A_124 = tpu.memref_slice %arg2[%add3A_111, %dma_start3A_123] : memref<327680x128xf32, #tpu.memory_space<hbm>> -> memref<128x128xf32, #tpu.memory_space<hbm>>
        tpu.enqueue_dma source(%dma_start3A_124 : memref<128x128xf32, #tpu.memory_space<hbm>>) target(%dma_start3A_122 : memref<128x128xf32, #tpu.memory_space<vmem>>) target_semaphore(%arg8 : memref<!tpu.dma_semaphore, #tpu.memory_space<semaphore_mem>>)
      } else {
      }
      %dma_wait3A = arith.constant 0 : i32
      %dma_wait3A_65 = arith.constant 0 : i32
      %dma_wait3A_66 = arith.constant 0 : i32
      %dma_wait3A_67 = tpu.memref_slice %arg6[%dma_wait3A, %dma_wait3A_65, %dma_wait3A_66] : memref<2x128x128xf32, #tpu.memory_space<vmem>> -> memref<1x128x128xf32, #tpu.memory_space<vmem>>
      %dma_wait3A_68 = tpu.memref_squeeze %dma_wait3A_67 : memref<1x128x128xf32, #tpu.memory_space<vmem>> -> memref<128x128xf32, #tpu.memory_space<vmem>>
      %dma_wait3A_69 = arith.constant 0 : i32
      %dma_wait3A_70 = tpu.memref_slice %arg2[%mul3A_2, %dma_wait3A_69] : memref<327680x128xf32, #tpu.memory_space<hbm>> -> memref<128x128xf32, #tpu.memory_space<hbm>>
      %dma_wait3A_71 = arith.constant 0 : i32
      %dma_wait3A_72 = arith.constant 0 : i32
      %dma_wait3A_73 = tpu.memref_slice %arg6[%dma_wait3A, %dma_wait3A_71, %dma_wait3A_72] : memref<2x128x128xf32, #tpu.memory_space<vmem>> -> memref<1x128x128xf32, #tpu.memory_space<vmem>>
      %dma_wait3A_74 = tpu.memref_squeeze %dma_wait3A_73 : memref<1x128x128xf32, #tpu.memory_space<vmem>> -> memref<128x128xf32, #tpu.memory_space<vmem>>
      %dma_wait3A_75 = arith.constant 0 : i32
      %dma_wait3A_76 = tpu.memref_slice %arg2[%mul3A_2, %dma_wait3A_75] : memref<327680x128xf32, #tpu.memory_space<hbm>> -> memref<128x128xf32, #tpu.memory_space<hbm>>
      tpu.wait_dma2 semaphore(%arg7 : memref<!tpu.dma_semaphore, #tpu.memory_space<semaphore_mem>>) src(%dma_wait3A_76 : memref<128x128xf32, #tpu.memory_space<hbm>>) dst(%dma_wait3A_74 : memref<128x128xf32, #tpu.memory_space<vmem>>)
      %mul3A_77 = arith.constant 128 : i32
      %mul3A_78 = arith.muli %add3A_60, %mul3A_77 : i32
      %run_scoped3A_79 = arith.constant 0 : i32
      "tpu.region"() ({
        %run_scoped3A_107 = tpu.sem_alloc : memref<!tpu.dma_semaphore, #tpu.memory_space<semaphore_mem>>
        %dma_start3A_108 = arith.constant 0 : i32
        %dma_start3A_109 = arith.constant 0 : i32
        %dma_start3A_110 = tpu.memref_slice %arg6[%run_scoped3A_79, %dma_start3A_108, %dma_start3A_109] : memref<2x128x128xf32, #tpu.memory_space<vmem>> -> memref<1x128x128xf32, #tpu.memory_space<vmem>>
        %dma_start3A_111 = tpu.memref_squeeze %dma_start3A_110 : memref<1x128x128xf32, #tpu.memory_space<vmem>> -> memref<128x128xf32, #tpu.memory_space<vmem>>
        %dma_start3A_112 = tpu.memref_slice %arg5[%mul3A_78] : memref<10240xi32, #tpu.memory_space<vmem>> -> memref<128xi32, #tpu.memory_space<vmem>>
        %dma_start3A_113 = arith.constant 0 : i32
        %dma_start3A_114 = arith.constant 0 : i32
        %dma_start3A_115 = tpu.memref_slice %arg9[%dma_start3A_113, %dma_start3A_114] : memref<10240x128xf32, #tpu.memory_space<vmem_shared>> -> memref<10240x128xf32, #tpu.memory_space<vmem_shared>>
        tpu.enqueue_indirect_dma source(%dma_start3A_111 : memref<128x128xf32, #tpu.memory_space<vmem>>) target(%dma_start3A_115 : memref<10240x128xf32, #tpu.memory_space<vmem_shared>>) offsets(%dma_start3A_112 : memref<128xi32, #tpu.memory_space<vmem>>) semaphore(%run_scoped3A_107 : memref<!tpu.dma_semaphore, #tpu.memory_space<semaphore_mem>>) {add = true}
        %dma_wait3A_116 = arith.constant 0 : i32
        %dma_wait3A_117 = arith.constant 0 : i32
        %dma_wait3A_118 = tpu.memref_slice %arg6[%run_scoped3A_79, %dma_wait3A_116, %dma_wait3A_117] : memref<2x128x128xf32, #tpu.memory_space<vmem>> -> memref<1x128x128xf32, #tpu.memory_space<vmem>>
        %dma_wait3A_119 = tpu.memref_squeeze %dma_wait3A_118 : memref<1x128x128xf32, #tpu.memory_space<vmem>> -> memref<128x128xf32, #tpu.memory_space<vmem>>
        %dma_wait3A_120 = tpu.memref_slice %arg5[%mul3A_78] : memref<10240xi32, #tpu.memory_space<vmem>> -> memref<128xi32, #tpu.memory_space<vmem>>
        %dma_wait3A_121 = arith.constant 0 : i32
        %dma_wait3A_122 = arith.constant 0 : i32
        %dma_wait3A_123 = tpu.memref_slice %arg9[%dma_wait3A_121, %dma_wait3A_122] : memref<10240x128xf32, #tpu.memory_space<vmem_shared>> -> memref<10240x128xf32, #tpu.memory_space<vmem_shared>>
        tpu.wait_indirect_dma semaphore(%run_scoped3A_107 : memref<!tpu.dma_semaphore, #tpu.memory_space<semaphore_mem>>) src(%dma_wait3A_119 : memref<128x128xf32, #tpu.memory_space<vmem>>) dst(%dma_wait3A_123 : memref<10240x128xf32, #tpu.memory_space<vmem_shared>>)
        tpu.yield
      }) : () -> ()
      %mul3A_80 = arith.constant 2 : i32
      %mul3A_81 = arith.muli %mul3A_80, %scan3A_56 : i32
      %add3A_82 = arith.constant 1 : i32
      %add3A_83 = arith.addi %mul3A_81, %add3A_82 : i32
      %add3A_84 = arith.constant 1 : i32
      %add3A_85 = arith.addi %add3A_83, %add3A_84 : i32
      %lt3A_86 = arith.constant 80 : i32
      %lt3A_87 = arith.cmpi slt, %add3A_85, %lt3A_86 : i32
      %convert_element_type3A_88 = arith.extui %lt3A_87 : i1 to i32
      %cond3A_89 = arith.constant 0 : i32
      %cond3A_90 = arith.cmpi ne, %convert_element_type3A_88, %cond3A_89 : i32
      scf.if %cond3A_90 {
        %add3A_107 = arith.constant 1 : i32
        %add3A_108 = arith.addi %add3A_83, %add3A_107 : i32
        %mul3A_109 = arith.constant 128 : i32
        %mul3A_110 = arith.muli %add3A_108, %mul3A_109 : i32
        %add3A_111 = arith.addi %mul3A_2, %mul3A_110 : i32
        %dma_start3A_112 = arith.constant 0 : i32
        %dma_start3A_113 = arith.constant 0 : i32
        %dma_start3A_114 = arith.constant 0 : i32
        %dma_start3A_115 = tpu.memref_slice %arg6[%dma_start3A_112, %dma_start3A_113, %dma_start3A_114] : memref<2x128x128xf32, #tpu.memory_space<vmem>> -> memref<1x128x128xf32, #tpu.memory_space<vmem>>
        %dma_start3A_116 = tpu.memref_squeeze %dma_start3A_115 : memref<1x128x128xf32, #tpu.memory_space<vmem>> -> memref<128x128xf32, #tpu.memory_space<vmem>>
        %dma_start3A_117 = arith.constant 0 : i32
        %dma_start3A_118 = tpu.memref_slice %arg2[%add3A_111, %dma_start3A_117] : memref<327680x128xf32, #tpu.memory_space<hbm>> -> memref<128x128xf32, #tpu.memory_space<hbm>>
        %dma_start3A_119 = arith.constant 0 : i32
        %dma_start3A_120 = arith.constant 0 : i32
        %dma_start3A_121 = tpu.memref_slice %arg6[%dma_start3A_112, %dma_start3A_119, %dma_start3A_120] : memref<2x128x128xf32, #tpu.memory_space<vmem>> -> memref<1x128x128xf32, #tpu.memory_space<vmem>>
        %dma_start3A_122 = tpu.memref_squeeze %dma_start3A_121 : memref<1x128x128xf32, #tpu.memory_space<vmem>> -> memref<128x128xf32, #tpu.memory_space<vmem>>
        %dma_start3A_123 = arith.constant 0 : i32
        %dma_start3A_124 = tpu.memref_slice %arg2[%add3A_111, %dma_start3A_123] : memref<327680x128xf32, #tpu.memory_space<hbm>> -> memref<128x128xf32, #tpu.memory_space<hbm>>
        tpu.enqueue_dma source(%dma_start3A_124 : memref<128x128xf32, #tpu.memory_space<hbm>>) target(%dma_start3A_122 : memref<128x128xf32, #tpu.memory_space<vmem>>) target_semaphore(%arg7 : memref<!tpu.dma_semaphore, #tpu.memory_space<semaphore_mem>>)
      } else {
      }
      %dma_wait3A_91 = arith.constant 1 : i32
      %dma_wait3A_92 = arith.constant 0 : i32
      %dma_wait3A_93 = arith.constant 0 : i32
      %dma_wait3A_94 = tpu.memref_slice %arg6[%dma_wait3A_91, %dma_wait3A_92, %dma_wait3A_93] : memref<2x128x128xf32, #tpu.memory_space<vmem>> -> memref<1x128x128xf32, #tpu.memory_space<vmem>>
      %dma_wait3A_95 = tpu.memref_squeeze %dma_wait3A_94 : memref<1x128x128xf32, #tpu.memory_space<vmem>> -> memref<128x128xf32, #tpu.memory_space<vmem>>
      %dma_wait3A_96 = arith.constant 0 : i32
      %dma_wait3A_97 = tpu.memref_slice %arg2[%mul3A_2, %dma_wait3A_96] : memref<327680x128xf32, #tpu.memory_space<hbm>> -> memref<128x128xf32, #tpu.memory_space<hbm>>
      %dma_wait3A_98 = arith.constant 0 : i32
      %dma_wait3A_99 = arith.constant 0 : i32
      %dma_wait3A_100 = tpu.memref_slice %arg6[%dma_wait3A_91, %dma_wait3A_98, %dma_wait3A_99] : memref<2x128x128xf32, #tpu.memory_space<vmem>> -> memref<1x128x128xf32, #tpu.memory_space<vmem>>
      %dma_wait3A_101 = tpu.memref_squeeze %dma_wait3A_100 : memref<1x128x128xf32, #tpu.memory_space<vmem>> -> memref<128x128xf32, #tpu.memory_space<vmem>>
      %dma_wait3A_102 = arith.constant 0 : i32
      %dma_wait3A_103 = tpu.memref_slice %arg2[%mul3A_2, %dma_wait3A_102] : memref<327680x128xf32, #tpu.memory_space<hbm>> -> memref<128x128xf32, #tpu.memory_space<hbm>>
      tpu.wait_dma2 semaphore(%arg8 : memref<!tpu.dma_semaphore, #tpu.memory_space<semaphore_mem>>) src(%dma_wait3A_103 : memref<128x128xf32, #tpu.memory_space<hbm>>) dst(%dma_wait3A_101 : memref<128x128xf32, #tpu.memory_space<vmem>>)
      %mul3A_104 = arith.constant 128 : i32
      %mul3A_105 = arith.muli %add3A_83, %mul3A_104 : i32
      %run_scoped3A_106 = arith.constant 1 : i32
      "tpu.region"() ({
        %run_scoped3A_107 = tpu.sem_alloc : memref<!tpu.dma_semaphore, #tpu.memory_space<semaphore_mem>>
        %dma_start3A_108 = arith.constant 0 : i32
        %dma_start3A_109 = arith.constant 0 : i32
        %dma_start3A_110 = tpu.memref_slice %arg6[%run_scoped3A_106, %dma_start3A_108, %dma_start3A_109] : memref<2x128x128xf32, #tpu.memory_space<vmem>> -> memref<1x128x128xf32, #tpu.memory_space<vmem>>
        %dma_start3A_111 = tpu.memref_squeeze %dma_start3A_110 : memref<1x128x128xf32, #tpu.memory_space<vmem>> -> memref<128x128xf32, #tpu.memory_space<vmem>>
        %dma_start3A_112 = tpu.memref_slice %arg5[%mul3A_105] : memref<10240xi32, #tpu.memory_space<vmem>> -> memref<128xi32, #tpu.memory_space<vmem>>
        %dma_start3A_113 = arith.constant 0 : i32
        %dma_start3A_114 = arith.constant 0 : i32
        %dma_start3A_115 = tpu.memref_slice %arg9[%dma_start3A_113, %dma_start3A_114] : memref<10240x128xf32, #tpu.memory_space<vmem_shared>> -> memref<10240x128xf32, #tpu.memory_space<vmem_shared>>
        tpu.enqueue_indirect_dma source(%dma_start3A_111 : memref<128x128xf32, #tpu.memory_space<vmem>>) target(%dma_start3A_115 : memref<10240x128xf32, #tpu.memory_space<vmem_shared>>) offsets(%dma_start3A_112 : memref<128xi32, #tpu.memory_space<vmem>>) semaphore(%run_scoped3A_107 : memref<!tpu.dma_semaphore, #tpu.memory_space<semaphore_mem>>) {add = true}
        %dma_wait3A_116 = arith.constant 0 : i32
        %dma_wait3A_117 = arith.constant 0 : i32
        %dma_wait3A_118 = tpu.memref_slice %arg6[%run_scoped3A_106, %dma_wait3A_116, %dma_wait3A_117] : memref<2x128x128xf32, #tpu.memory_space<vmem>> -> memref<1x128x128xf32, #tpu.memory_space<vmem>>
        %dma_wait3A_119 = tpu.memref_squeeze %dma_wait3A_118 : memref<1x128x128xf32, #tpu.memory_space<vmem>> -> memref<128x128xf32, #tpu.memory_space<vmem>>
        %dma_wait3A_120 = tpu.memref_slice %arg5[%mul3A_105] : memref<10240xi32, #tpu.memory_space<vmem>> -> memref<128xi32, #tpu.memory_space<vmem>>
        %dma_wait3A_121 = arith.constant 0 : i32
        %dma_wait3A_122 = arith.constant 0 : i32
        %dma_wait3A_123 = tpu.memref_slice %arg9[%dma_wait3A_121, %dma_wait3A_122] : memref<10240x128xf32, #tpu.memory_space<vmem_shared>> -> memref<10240x128xf32, #tpu.memory_space<vmem_shared>>
        tpu.wait_indirect_dma semaphore(%run_scoped3A_107 : memref<!tpu.dma_semaphore, #tpu.memory_space<semaphore_mem>>) src(%dma_wait3A_119 : memref<128x128xf32, #tpu.memory_space<vmem>>) dst(%dma_wait3A_123 : memref<10240x128xf32, #tpu.memory_space<vmem_shared>>)
        tpu.yield
      }) : () -> ()
    }
    %scan3A_50 = arith.constant 40 : i32
    %barrier3A_51 = arith.constant 0 : index
    tpu.barrier barrier_id(%barrier3A_51)
    %mul3A_52 = arith.constant 640 : i32
    %mul3A_53 = arith.muli %arg1, %mul3A_52 : i32
    %mul3A_54 = arith.constant 640 : i32
    %mul3A_55 = arith.muli %arg1, %mul3A_54 : i32
    "tpu.region"() ({
      %run_scoped3A_56 = tpu.sem_alloc : memref<!tpu.dma_semaphore, #tpu.memory_space<semaphore_mem>>
      %dma_start3A_57 = arith.constant 0 : i32
      %dma_start3A_58 = tpu.memref_slice %arg4[%arg0, %mul3A_55, %dma_start3A_57] : memref<2x10240x128xf32, #tpu.memory_space<hbm>> -> memref<1x640x128xf32, #tpu.memory_space<hbm>>
      %dma_start3A_59 = tpu.memref_squeeze %dma_start3A_58 : memref<1x640x128xf32, #tpu.memory_space<hbm>> -> memref<640x128xf32, #tpu.memory_space<hbm>>
      %dma_start3A_60 = arith.constant 0 : i32
      %dma_start3A_61 = tpu.memref_slice %arg9[%mul3A_53, %dma_start3A_60] : memref<10240x128xf32, #tpu.memory_space<vmem_shared>> -> memref<640x128xf32, #tpu.memory_space<vmem_shared>>
      tpu.enqueue_dma source(%dma_start3A_61 : memref<640x128xf32, #tpu.memory_space<vmem_shared>>) target(%dma_start3A_59 : memref<640x128xf32, #tpu.memory_space<hbm>>) target_semaphore(%run_scoped3A_56 : memref<!tpu.dma_semaphore, #tpu.memory_space<semaphore_mem>>)
      %dma_wait3A = arith.constant 0 : i32
      %dma_wait3A_62 = tpu.memref_slice %arg4[%arg0, %mul3A_55, %dma_wait3A] : memref<2x10240x128xf32, #tpu.memory_space<hbm>> -> memref<1x640x128xf32, #tpu.memory_space<hbm>>
      %dma_wait3A_63 = tpu.memref_squeeze %dma_wait3A_62 : memref<1x640x128xf32, #tpu.memory_space<hbm>> -> memref<640x128xf32, #tpu.memory_space<hbm>>
      %dma_wait3A_64 = arith.constant 0 : i32
      %dma_wait3A_65 = tpu.memref_slice %arg9[%mul3A_53, %dma_wait3A_64] : memref<10240x128xf32, #tpu.memory_space<vmem_shared>> -> memref<640x128xf32, #tpu.memory_space<vmem_shared>>
      tpu.wait_dma2 semaphore(%run_scoped3A_56 : memref<!tpu.dma_semaphore, #tpu.memory_space<semaphore_mem>>) src(%dma_wait3A_65 : memref<640x128xf32, #tpu.memory_space<vmem_shared>>) dst(%dma_wait3A_63 : memref<640x128xf32, #tpu.memory_space<hbm>>)
      tpu.yield
    }) : () -> ()
    return
  }
}

#map = affine_map<(d0, d1) -> (0, 0)>
#map1 = affine_map<(d0, d1) -> (0)>
module attributes {stable_mosaic.version = 14 : i64} {
  func.func @_gather_body(%arg0: i32, %arg1: i32, %arg2: memref<10240x128xf32, #tpu.memory_space<hbm>>, %arg3: memref<327680xi32, #tpu.memory_space<hbm>>, %arg4: memref<327680xi32, #tpu.memory_space<hbm>>, %arg5: memref<327680x128xf32, #tpu.memory_space<hbm>>, %arg6: memref<327680x128xf32, #tpu.memory_space<hbm>>, %arg7: memref<10240xi32, #tpu.memory_space<vmem>>, %arg8: memref<2x128x128xf32, #tpu.memory_space<vmem>>, %arg9: memref<!tpu.dma_semaphore, #tpu.memory_space<semaphore_mem>>, %arg10: memref<!tpu.dma_semaphore, #tpu.memory_space<semaphore_mem>>, %arg11: memref<10240x128xf32, #tpu.memory_space<vmem_shared>>) attributes {dimension_semantics = [#tpu.dimension_semantics<core_parallel>, #tpu.dimension_semantics<subcore_parallel>], iteration_bounds = array<i64: 2, 16>, scalar_prefetch = 0 : i64, scratch_operands = 5 : i64, tpu.core_type = #tpu.core_type<sc_vector_subcore>, window_params = [{transform_indices = #map}, {transform_indices = #map1}, {transform_indices = #map1}, {transform_indices = #map}, {transform_indices = #map}]} {
    %mul3A = arith.constant 2 : i32
    %mul3A_0 = arith.muli %arg1, %mul3A : i32
    %add3A = arith.addi %mul3A_0, %arg0 : i32
    %mul3A_1 = arith.constant 10240 : i32
    %mul3A_2 = arith.muli %add3A, %mul3A_1 : i32
    %mul3A_3 = arith.constant 640 : i32
    %mul3A_4 = arith.muli %arg1, %mul3A_3 : i32
    %mul3A_5 = arith.constant 640 : i32
    %mul3A_6 = arith.muli %arg1, %mul3A_5 : i32
    "tpu.region"() ({
      %run_scoped3A = tpu.sem_alloc : memref<!tpu.dma_semaphore, #tpu.memory_space<semaphore_mem>>
      %dma_start3A_35 = arith.constant 0 : i32
      %dma_start3A_36 = tpu.memref_slice %arg11[%mul3A_6, %dma_start3A_35] : memref<10240x128xf32, #tpu.memory_space<vmem_shared>> -> memref<640x128xf32, #tpu.memory_space<vmem_shared>>
      %dma_start3A_37 = arith.constant 0 : i32
      %dma_start3A_38 = tpu.memref_slice %arg2[%mul3A_4, %dma_start3A_37] : memref<10240x128xf32, #tpu.memory_space<hbm>> -> memref<640x128xf32, #tpu.memory_space<hbm>>
      tpu.enqueue_dma source(%dma_start3A_38 : memref<640x128xf32, #tpu.memory_space<hbm>>) target(%dma_start3A_36 : memref<640x128xf32, #tpu.memory_space<vmem_shared>>) target_semaphore(%run_scoped3A : memref<!tpu.dma_semaphore, #tpu.memory_space<semaphore_mem>>)
      %dma_wait3A = arith.constant 0 : i32
      %dma_wait3A_39 = tpu.memref_slice %arg11[%mul3A_6, %dma_wait3A] : memref<10240x128xf32, #tpu.memory_space<vmem_shared>> -> memref<640x128xf32, #tpu.memory_space<vmem_shared>>
      %dma_wait3A_40 = arith.constant 0 : i32
      %dma_wait3A_41 = tpu.memref_slice %arg2[%mul3A_4, %dma_wait3A_40] : memref<10240x128xf32, #tpu.memory_space<hbm>> -> memref<640x128xf32, #tpu.memory_space<hbm>>
      tpu.wait_dma2 semaphore(%run_scoped3A : memref<!tpu.dma_semaphore, #tpu.memory_space<semaphore_mem>>) src(%dma_wait3A_41 : memref<640x128xf32, #tpu.memory_space<hbm>>) dst(%dma_wait3A_39 : memref<640x128xf32, #tpu.memory_space<vmem_shared>>)
      tpu.yield
    }) : () -> ()
    %barrier3A = arith.constant 0 : index
    tpu.barrier barrier_id(%barrier3A)
    "tpu.region"() ({
      %run_scoped3A = tpu.sem_alloc : memref<!tpu.dma_semaphore, #tpu.memory_space<semaphore_mem>>
      %dma_start3A_35 = tpu.memref_slice %arg3[%mul3A_2] : memref<327680xi32, #tpu.memory_space<hbm>> -> memref<10240xi32, #tpu.memory_space<hbm>>
      %dma_start3A_36 = tpu.memref_slice %arg3[%mul3A_2] : memref<327680xi32, #tpu.memory_space<hbm>> -> memref<10240xi32, #tpu.memory_space<hbm>>
      tpu.enqueue_dma source(%dma_start3A_36 : memref<10240xi32, #tpu.memory_space<hbm>>) target(%arg7 : memref<10240xi32, #tpu.memory_space<vmem>>) target_semaphore(%run_scoped3A : memref<!tpu.dma_semaphore, #tpu.memory_space<semaphore_mem>>)
      %dma_wait3A = tpu.memref_slice %arg3[%mul3A_2] : memref<327680xi32, #tpu.memory_space<hbm>> -> memref<10240xi32, #tpu.memory_space<hbm>>
      %dma_wait3A_37 = tpu.memref_slice %arg3[%mul3A_2] : memref<327680xi32, #tpu.memory_space<hbm>> -> memref<10240xi32, #tpu.memory_space<hbm>>
      tpu.wait_dma2 semaphore(%run_scoped3A : memref<!tpu.dma_semaphore, #tpu.memory_space<semaphore_mem>>) src(%dma_wait3A_37 : memref<10240xi32, #tpu.memory_space<hbm>>) dst(%arg7 : memref<10240xi32, #tpu.memory_space<vmem>>)
      tpu.yield
    }) : () -> ()
    %dma_start3A = arith.constant 0 : i32
    %dma_start3A_7 = arith.constant 0 : i32
    %dma_start3A_8 = arith.constant 0 : i32
    %dma_start3A_9 = tpu.memref_slice %arg8[%dma_start3A, %dma_start3A_7, %dma_start3A_8] : memref<2x128x128xf32, #tpu.memory_space<vmem>> -> memref<1x128x128xf32, #tpu.memory_space<vmem>>
    %dma_start3A_10 = tpu.memref_squeeze %dma_start3A_9 : memref<1x128x128xf32, #tpu.memory_space<vmem>> -> memref<128x128xf32, #tpu.memory_space<vmem>>
    %dma_start3A_11 = arith.constant 0 : i32
    %dma_start3A_12 = tpu.memref_slice %arg7[%dma_start3A_11] : memref<10240xi32, #tpu.memory_space<vmem>> -> memref<128xi32, #tpu.memory_space<vmem>>
    %dma_start3A_13 = arith.constant 0 : i32
    %dma_start3A_14 = arith.constant 0 : i32
    %dma_start3A_15 = tpu.memref_slice %arg11[%dma_start3A_13, %dma_start3A_14] : memref<10240x128xf32, #tpu.memory_space<vmem_shared>> -> memref<10240x128xf32, #tpu.memory_space<vmem_shared>>
    tpu.enqueue_indirect_dma source(%dma_start3A_15 : memref<10240x128xf32, #tpu.memory_space<vmem_shared>>) target(%dma_start3A_10 : memref<128x128xf32, #tpu.memory_space<vmem>>) offsets(%dma_start3A_12 : memref<128xi32, #tpu.memory_space<vmem>>) semaphore(%arg9 : memref<!tpu.dma_semaphore, #tpu.memory_space<semaphore_mem>>)
    %scan3A = arith.constant 0 : i32
    %scan3A_16 = arith.constant 40 : i32
    %scan3A_17 = arith.addi %scan3A, %scan3A_16 : i32
    %scan3A_18 = arith.constant 1 : i32
    scf.for %scan3A_35 = %scan3A to %scan3A_17 step %scan3A_18  : i32 {
      %mul3A_36 = arith.constant 2 : i32
      %mul3A_37 = arith.muli %mul3A_36, %scan3A_35 : i32
      %add3A_38 = arith.constant 0 : i32
      %add3A_39 = arith.addi %mul3A_37, %add3A_38 : i32
      %add3A_40 = arith.constant 1 : i32
      %add3A_41 = arith.addi %add3A_39, %add3A_40 : i32
      %lt3A = arith.constant 80 : i32
      %lt3A_42 = arith.cmpi slt, %add3A_41, %lt3A : i32
      %convert_element_type3A = arith.extui %lt3A_42 : i1 to i32
      %cond3A = arith.constant 0 : i32
      %cond3A_43 = arith.cmpi ne, %convert_element_type3A, %cond3A : i32
      scf.if %cond3A_43 {
        %add3A_81 = arith.constant 1 : i32
        %add3A_82 = arith.addi %add3A_39, %add3A_81 : i32
        %mul3A_83 = arith.constant 128 : i32
        %mul3A_84 = arith.muli %add3A_82, %mul3A_83 : i32
        %dma_start3A_85 = arith.constant 1 : i32
        %dma_start3A_86 = arith.constant 0 : i32
        %dma_start3A_87 = arith.constant 0 : i32
        %dma_start3A_88 = tpu.memref_slice %arg8[%dma_start3A_85, %dma_start3A_86, %dma_start3A_87] : memref<2x128x128xf32, #tpu.memory_space<vmem>> -> memref<1x128x128xf32, #tpu.memory_space<vmem>>
        %dma_start3A_89 = tpu.memref_squeeze %dma_start3A_88 : memref<1x128x128xf32, #tpu.memory_space<vmem>> -> memref<128x128xf32, #tpu.memory_space<vmem>>
        %dma_start3A_90 = tpu.memref_slice %arg7[%mul3A_84] : memref<10240xi32, #tpu.memory_space<vmem>> -> memref<128xi32, #tpu.memory_space<vmem>>
        %dma_start3A_91 = arith.constant 0 : i32
        %dma_start3A_92 = arith.constant 0 : i32
        %dma_start3A_93 = tpu.memref_slice %arg11[%dma_start3A_91, %dma_start3A_92] : memref<10240x128xf32, #tpu.memory_space<vmem_shared>> -> memref<10240x128xf32, #tpu.memory_space<vmem_shared>>
        tpu.enqueue_indirect_dma source(%dma_start3A_93 : memref<10240x128xf32, #tpu.memory_space<vmem_shared>>) target(%dma_start3A_89 : memref<128x128xf32, #tpu.memory_space<vmem>>) offsets(%dma_start3A_90 : memref<128xi32, #tpu.memory_space<vmem>>) semaphore(%arg10 : memref<!tpu.dma_semaphore, #tpu.memory_space<semaphore_mem>>)
      } else {
      }
      %dma_wait3A = arith.constant 0 : i32
      %dma_wait3A_44 = arith.constant 0 : i32
      %dma_wait3A_45 = arith.constant 0 : i32
      %dma_wait3A_46 = tpu.memref_slice %arg8[%dma_wait3A, %dma_wait3A_44, %dma_wait3A_45] : memref<2x128x128xf32, #tpu.memory_space<vmem>> -> memref<1x128x128xf32, #tpu.memory_space<vmem>>
      %dma_wait3A_47 = tpu.memref_squeeze %dma_wait3A_46 : memref<1x128x128xf32, #tpu.memory_space<vmem>> -> memref<128x128xf32, #tpu.memory_space<vmem>>
      %dma_wait3A_48 = arith.constant 0 : i32
      %dma_wait3A_49 = tpu.memref_slice %arg7[%dma_wait3A_48] : memref<10240xi32, #tpu.memory_space<vmem>> -> memref<128xi32, #tpu.memory_space<vmem>>
      %dma_wait3A_50 = arith.constant 0 : i32
      %dma_wait3A_51 = arith.constant 0 : i32
      %dma_wait3A_52 = tpu.memref_slice %arg11[%dma_wait3A_50, %dma_wait3A_51] : memref<10240x128xf32, #tpu.memory_space<vmem_shared>> -> memref<10240x128xf32, #tpu.memory_space<vmem_shared>>
      tpu.wait_indirect_dma semaphore(%arg9 : memref<!tpu.dma_semaphore, #tpu.memory_space<semaphore_mem>>) src(%dma_wait3A_52 : memref<10240x128xf32, #tpu.memory_space<vmem_shared>>) dst(%dma_wait3A_47 : memref<128x128xf32, #tpu.memory_space<vmem>>)
      %mul3A_53 = arith.constant 128 : i32
      %mul3A_54 = arith.muli %add3A_39, %mul3A_53 : i32
      %add3A_55 = arith.addi %mul3A_2, %mul3A_54 : i32
      %run_scoped3A = arith.constant 0 : i32
      "tpu.region"() ({
        %run_scoped3A_81 = tpu.sem_alloc : memref<!tpu.dma_semaphore, #tpu.memory_space<semaphore_mem>>
        %dma_start3A_82 = arith.constant 0 : i32
        %dma_start3A_83 = arith.constant 0 : i32
        %dma_start3A_84 = tpu.memref_slice %arg8[%run_scoped3A, %dma_start3A_82, %dma_start3A_83] : memref<2x128x128xf32, #tpu.memory_space<vmem>> -> memref<1x128x128xf32, #tpu.memory_space<vmem>>
        %dma_start3A_85 = tpu.memref_squeeze %dma_start3A_84 : memref<1x128x128xf32, #tpu.memory_space<vmem>> -> memref<128x128xf32, #tpu.memory_space<vmem>>
        %dma_start3A_86 = arith.constant 0 : i32
        %dma_start3A_87 = tpu.memref_slice %arg5[%add3A_55, %dma_start3A_86] : memref<327680x128xf32, #tpu.memory_space<hbm>> -> memref<128x128xf32, #tpu.memory_space<hbm>>
        %dma_start3A_88 = arith.constant 0 : i32
        %dma_start3A_89 = tpu.memref_slice %arg5[%add3A_55, %dma_start3A_88] : memref<327680x128xf32, #tpu.memory_space<hbm>> -> memref<128x128xf32, #tpu.memory_space<hbm>>
        %dma_start3A_90 = arith.constant 0 : i32
        %dma_start3A_91 = arith.constant 0 : i32
        %dma_start3A_92 = tpu.memref_slice %arg8[%run_scoped3A, %dma_start3A_90, %dma_start3A_91] : memref<2x128x128xf32, #tpu.memory_space<vmem>> -> memref<1x128x128xf32, #tpu.memory_space<vmem>>
        %dma_start3A_93 = tpu.memref_squeeze %dma_start3A_92 : memref<1x128x128xf32, #tpu.memory_space<vmem>> -> memref<128x128xf32, #tpu.memory_space<vmem>>
        tpu.enqueue_dma source(%dma_start3A_93 : memref<128x128xf32, #tpu.memory_space<vmem>>) target(%dma_start3A_89 : memref<128x128xf32, #tpu.memory_space<hbm>>) target_semaphore(%run_scoped3A_81 : memref<!tpu.dma_semaphore, #tpu.memory_space<semaphore_mem>>)
        %dma_wait3A_94 = arith.constant 0 : i32
        %dma_wait3A_95 = arith.constant 0 : i32
        %dma_wait3A_96 = tpu.memref_slice %arg8[%run_scoped3A, %dma_wait3A_94, %dma_wait3A_95] : memref<2x128x128xf32, #tpu.memory_space<vmem>> -> memref<1x128x128xf32, #tpu.memory_space<vmem>>
        %dma_wait3A_97 = tpu.memref_squeeze %dma_wait3A_96 : memref<1x128x128xf32, #tpu.memory_space<vmem>> -> memref<128x128xf32, #tpu.memory_space<vmem>>
        %dma_wait3A_98 = arith.constant 0 : i32
        %dma_wait3A_99 = tpu.memref_slice %arg5[%add3A_55, %dma_wait3A_98] : memref<327680x128xf32, #tpu.memory_space<hbm>> -> memref<128x128xf32, #tpu.memory_space<hbm>>
        %dma_wait3A_100 = arith.constant 0 : i32
        %dma_wait3A_101 = tpu.memref_slice %arg5[%add3A_55, %dma_wait3A_100] : memref<327680x128xf32, #tpu.memory_space<hbm>> -> memref<128x128xf32, #tpu.memory_space<hbm>>
        %dma_wait3A_102 = arith.constant 0 : i32
        %dma_wait3A_103 = arith.constant 0 : i32
        %dma_wait3A_104 = tpu.memref_slice %arg8[%run_scoped3A, %dma_wait3A_102, %dma_wait3A_103] : memref<2x128x128xf32, #tpu.memory_space<vmem>> -> memref<1x128x128xf32, #tpu.memory_space<vmem>>
        %dma_wait3A_105 = tpu.memref_squeeze %dma_wait3A_104 : memref<1x128x128xf32, #tpu.memory_space<vmem>> -> memref<128x128xf32, #tpu.memory_space<vmem>>
        tpu.wait_dma2 semaphore(%run_scoped3A_81 : memref<!tpu.dma_semaphore, #tpu.memory_space<semaphore_mem>>) src(%dma_wait3A_105 : memref<128x128xf32, #tpu.memory_space<vmem>>) dst(%dma_wait3A_101 : memref<128x128xf32, #tpu.memory_space<hbm>>)
        tpu.yield
      }) : () -> ()
      %mul3A_56 = arith.constant 2 : i32
      %mul3A_57 = arith.muli %mul3A_56, %scan3A_35 : i32
      %add3A_58 = arith.constant 1 : i32
      %add3A_59 = arith.addi %mul3A_57, %add3A_58 : i32
      %add3A_60 = arith.constant 1 : i32
      %add3A_61 = arith.addi %add3A_59, %add3A_60 : i32
      %lt3A_62 = arith.constant 80 : i32
      %lt3A_63 = arith.cmpi slt, %add3A_61, %lt3A_62 : i32
      %convert_element_type3A_64 = arith.extui %lt3A_63 : i1 to i32
      %cond3A_65 = arith.constant 0 : i32
      %cond3A_66 = arith.cmpi ne, %convert_element_type3A_64, %cond3A_65 : i32
      scf.if %cond3A_66 {
        %add3A_81 = arith.constant 1 : i32
        %add3A_82 = arith.addi %add3A_59, %add3A_81 : i32
        %mul3A_83 = arith.constant 128 : i32
        %mul3A_84 = arith.muli %add3A_82, %mul3A_83 : i32
        %dma_start3A_85 = arith.constant 0 : i32
        %dma_start3A_86 = arith.constant 0 : i32
        %dma_start3A_87 = arith.constant 0 : i32
        %dma_start3A_88 = tpu.memref_slice %arg8[%dma_start3A_85, %dma_start3A_86, %dma_start3A_87] : memref<2x128x128xf32, #tpu.memory_space<vmem>> -> memref<1x128x128xf32, #tpu.memory_space<vmem>>
        %dma_start3A_89 = tpu.memref_squeeze %dma_start3A_88 : memref<1x128x128xf32, #tpu.memory_space<vmem>> -> memref<128x128xf32, #tpu.memory_space<vmem>>
        %dma_start3A_90 = tpu.memref_slice %arg7[%mul3A_84] : memref<10240xi32, #tpu.memory_space<vmem>> -> memref<128xi32, #tpu.memory_space<vmem>>
        %dma_start3A_91 = arith.constant 0 : i32
        %dma_start3A_92 = arith.constant 0 : i32
        %dma_start3A_93 = tpu.memref_slice %arg11[%dma_start3A_91, %dma_start3A_92] : memref<10240x128xf32, #tpu.memory_space<vmem_shared>> -> memref<10240x128xf32, #tpu.memory_space<vmem_shared>>
        tpu.enqueue_indirect_dma source(%dma_start3A_93 : memref<10240x128xf32, #tpu.memory_space<vmem_shared>>) target(%dma_start3A_89 : memref<128x128xf32, #tpu.memory_space<vmem>>) offsets(%dma_start3A_90 : memref<128xi32, #tpu.memory_space<vmem>>) semaphore(%arg9 : memref<!tpu.dma_semaphore, #tpu.memory_space<semaphore_mem>>)
      } else {
      }
      %dma_wait3A_67 = arith.constant 1 : i32
      %dma_wait3A_68 = arith.constant 0 : i32
      %dma_wait3A_69 = arith.constant 0 : i32
      %dma_wait3A_70 = tpu.memref_slice %arg8[%dma_wait3A_67, %dma_wait3A_68, %dma_wait3A_69] : memref<2x128x128xf32, #tpu.memory_space<vmem>> -> memref<1x128x128xf32, #tpu.memory_space<vmem>>
      %dma_wait3A_71 = tpu.memref_squeeze %dma_wait3A_70 : memref<1x128x128xf32, #tpu.memory_space<vmem>> -> memref<128x128xf32, #tpu.memory_space<vmem>>
      %dma_wait3A_72 = arith.constant 0 : i32
      %dma_wait3A_73 = tpu.memref_slice %arg7[%dma_wait3A_72] : memref<10240xi32, #tpu.memory_space<vmem>> -> memref<128xi32, #tpu.memory_space<vmem>>
      %dma_wait3A_74 = arith.constant 0 : i32
      %dma_wait3A_75 = arith.constant 0 : i32
      %dma_wait3A_76 = tpu.memref_slice %arg11[%dma_wait3A_74, %dma_wait3A_75] : memref<10240x128xf32, #tpu.memory_space<vmem_shared>> -> memref<10240x128xf32, #tpu.memory_space<vmem_shared>>
      tpu.wait_indirect_dma semaphore(%arg10 : memref<!tpu.dma_semaphore, #tpu.memory_space<semaphore_mem>>) src(%dma_wait3A_76 : memref<10240x128xf32, #tpu.memory_space<vmem_shared>>) dst(%dma_wait3A_71 : memref<128x128xf32, #tpu.memory_space<vmem>>)
      %mul3A_77 = arith.constant 128 : i32
      %mul3A_78 = arith.muli %add3A_59, %mul3A_77 : i32
      %add3A_79 = arith.addi %mul3A_2, %mul3A_78 : i32
      %run_scoped3A_80 = arith.constant 1 : i32
      "tpu.region"() ({
        %run_scoped3A_81 = tpu.sem_alloc : memref<!tpu.dma_semaphore, #tpu.memory_space<semaphore_mem>>
        %dma_start3A_82 = arith.constant 0 : i32
        %dma_start3A_83 = arith.constant 0 : i32
        %dma_start3A_84 = tpu.memref_slice %arg8[%run_scoped3A_80, %dma_start3A_82, %dma_start3A_83] : memref<2x128x128xf32, #tpu.memory_space<vmem>> -> memref<1x128x128xf32, #tpu.memory_space<vmem>>
        %dma_start3A_85 = tpu.memref_squeeze %dma_start3A_84 : memref<1x128x128xf32, #tpu.memory_space<vmem>> -> memref<128x128xf32, #tpu.memory_space<vmem>>
        %dma_start3A_86 = arith.constant 0 : i32
        %dma_start3A_87 = tpu.memref_slice %arg5[%add3A_79, %dma_start3A_86] : memref<327680x128xf32, #tpu.memory_space<hbm>> -> memref<128x128xf32, #tpu.memory_space<hbm>>
        %dma_start3A_88 = arith.constant 0 : i32
        %dma_start3A_89 = tpu.memref_slice %arg5[%add3A_79, %dma_start3A_88] : memref<327680x128xf32, #tpu.memory_space<hbm>> -> memref<128x128xf32, #tpu.memory_space<hbm>>
        %dma_start3A_90 = arith.constant 0 : i32
        %dma_start3A_91 = arith.constant 0 : i32
        %dma_start3A_92 = tpu.memref_slice %arg8[%run_scoped3A_80, %dma_start3A_90, %dma_start3A_91] : memref<2x128x128xf32, #tpu.memory_space<vmem>> -> memref<1x128x128xf32, #tpu.memory_space<vmem>>
        %dma_start3A_93 = tpu.memref_squeeze %dma_start3A_92 : memref<1x128x128xf32, #tpu.memory_space<vmem>> -> memref<128x128xf32, #tpu.memory_space<vmem>>
        tpu.enqueue_dma source(%dma_start3A_93 : memref<128x128xf32, #tpu.memory_space<vmem>>) target(%dma_start3A_89 : memref<128x128xf32, #tpu.memory_space<hbm>>) target_semaphore(%run_scoped3A_81 : memref<!tpu.dma_semaphore, #tpu.memory_space<semaphore_mem>>)
        %dma_wait3A_94 = arith.constant 0 : i32
        %dma_wait3A_95 = arith.constant 0 : i32
        %dma_wait3A_96 = tpu.memref_slice %arg8[%run_scoped3A_80, %dma_wait3A_94, %dma_wait3A_95] : memref<2x128x128xf32, #tpu.memory_space<vmem>> -> memref<1x128x128xf32, #tpu.memory_space<vmem>>
        %dma_wait3A_97 = tpu.memref_squeeze %dma_wait3A_96 : memref<1x128x128xf32, #tpu.memory_space<vmem>> -> memref<128x128xf32, #tpu.memory_space<vmem>>
        %dma_wait3A_98 = arith.constant 0 : i32
        %dma_wait3A_99 = tpu.memref_slice %arg5[%add3A_79, %dma_wait3A_98] : memref<327680x128xf32, #tpu.memory_space<hbm>> -> memref<128x128xf32, #tpu.memory_space<hbm>>
        %dma_wait3A_100 = arith.constant 0 : i32
        %dma_wait3A_101 = tpu.memref_slice %arg5[%add3A_79, %dma_wait3A_100] : memref<327680x128xf32, #tpu.memory_space<hbm>> -> memref<128x128xf32, #tpu.memory_space<hbm>>
        %dma_wait3A_102 = arith.constant 0 : i32
        %dma_wait3A_103 = arith.constant 0 : i32
        %dma_wait3A_104 = tpu.memref_slice %arg8[%run_scoped3A_80, %dma_wait3A_102, %dma_wait3A_103] : memref<2x128x128xf32, #tpu.memory_space<vmem>> -> memref<1x128x128xf32, #tpu.memory_space<vmem>>
        %dma_wait3A_105 = tpu.memref_squeeze %dma_wait3A_104 : memref<1x128x128xf32, #tpu.memory_space<vmem>> -> memref<128x128xf32, #tpu.memory_space<vmem>>
        tpu.wait_dma2 semaphore(%run_scoped3A_81 : memref<!tpu.dma_semaphore, #tpu.memory_space<semaphore_mem>>) src(%dma_wait3A_105 : memref<128x128xf32, #tpu.memory_space<vmem>>) dst(%dma_wait3A_101 : memref<128x128xf32, #tpu.memory_space<hbm>>)
        tpu.yield
      }) : () -> ()
    }
    %scan3A_19 = arith.constant 40 : i32
    "tpu.region"() ({
      %run_scoped3A = tpu.sem_alloc : memref<!tpu.dma_semaphore, #tpu.memory_space<semaphore_mem>>
      %dma_start3A_35 = tpu.memref_slice %arg4[%mul3A_2] : memref<327680xi32, #tpu.memory_space<hbm>> -> memref<10240xi32, #tpu.memory_space<hbm>>
      %dma_start3A_36 = tpu.memref_slice %arg4[%mul3A_2] : memref<327680xi32, #tpu.memory_space<hbm>> -> memref<10240xi32, #tpu.memory_space<hbm>>
      tpu.enqueue_dma source(%dma_start3A_36 : memref<10240xi32, #tpu.memory_space<hbm>>) target(%arg7 : memref<10240xi32, #tpu.memory_space<vmem>>) target_semaphore(%run_scoped3A : memref<!tpu.dma_semaphore, #tpu.memory_space<semaphore_mem>>)
      %dma_wait3A = tpu.memref_slice %arg4[%mul3A_2] : memref<327680xi32, #tpu.memory_space<hbm>> -> memref<10240xi32, #tpu.memory_space<hbm>>
      %dma_wait3A_37 = tpu.memref_slice %arg4[%mul3A_2] : memref<327680xi32, #tpu.memory_space<hbm>> -> memref<10240xi32, #tpu.memory_space<hbm>>
      tpu.wait_dma2 semaphore(%run_scoped3A : memref<!tpu.dma_semaphore, #tpu.memory_space<semaphore_mem>>) src(%dma_wait3A_37 : memref<10240xi32, #tpu.memory_space<hbm>>) dst(%arg7 : memref<10240xi32, #tpu.memory_space<vmem>>)
      tpu.yield
    }) : () -> ()
    %dma_start3A_20 = arith.constant 0 : i32
    %dma_start3A_21 = arith.constant 0 : i32
    %dma_start3A_22 = arith.constant 0 : i32
    %dma_start3A_23 = tpu.memref_slice %arg8[%dma_start3A_20, %dma_start3A_21, %dma_start3A_22] : memref<2x128x128xf32, #tpu.memory_space<vmem>> -> memref<1x128x128xf32, #tpu.memory_space<vmem>>
    %dma_start3A_24 = tpu.memref_squeeze %dma_start3A_23 : memref<1x128x128xf32, #tpu.memory_space<vmem>> -> memref<128x128xf32, #tpu.memory_space<vmem>>
    %dma_start3A_25 = arith.constant 0 : i32
    %dma_start3A_26 = tpu.memref_slice %arg7[%dma_start3A_25] : memref<10240xi32, #tpu.memory_space<vmem>> -> memref<128xi32, #tpu.memory_space<vmem>>
    %dma_start3A_27 = arith.constant 0 : i32
    %dma_start3A_28 = arith.constant 0 : i32
    %dma_start3A_29 = tpu.memref_slice %arg11[%dma_start3A_27, %dma_start3A_28] : memref<10240x128xf32, #tpu.memory_space<vmem_shared>> -> memref<10240x128xf32, #tpu.memory_space<vmem_shared>>
    tpu.enqueue_indirect_dma source(%dma_start3A_29 : memref<10240x128xf32, #tpu.memory_space<vmem_shared>>) target(%dma_start3A_24 : memref<128x128xf32, #tpu.memory_space<vmem>>) offsets(%dma_start3A_26 : memref<128xi32, #tpu.memory_space<vmem>>) semaphore(%arg9 : memref<!tpu.dma_semaphore, #tpu.memory_space<semaphore_mem>>)
    %scan3A_30 = arith.constant 0 : i32
    %scan3A_31 = arith.constant 40 : i32
    %scan3A_32 = arith.addi %scan3A_30, %scan3A_31 : i32
    %scan3A_33 = arith.constant 1 : i32
    scf.for %scan3A_35 = %scan3A_30 to %scan3A_32 step %scan3A_33  : i32 {
      %mul3A_36 = arith.constant 2 : i32
      %mul3A_37 = arith.muli %mul3A_36, %scan3A_35 : i32
      %add3A_38 = arith.constant 0 : i32
      %add3A_39 = arith.addi %mul3A_37, %add3A_38 : i32
      %add3A_40 = arith.constant 1 : i32
      %add3A_41 = arith.addi %add3A_39, %add3A_40 : i32
      %lt3A = arith.constant 80 : i32
      %lt3A_42 = arith.cmpi slt, %add3A_41, %lt3A : i32
      %convert_element_type3A = arith.extui %lt3A_42 : i1 to i32
      %cond3A = arith.constant 0 : i32
      %cond3A_43 = arith.cmpi ne, %convert_element_type3A, %cond3A : i32
      scf.if %cond3A_43 {
        %add3A_81 = arith.constant 1 : i32
        %add3A_82 = arith.addi %add3A_39, %add3A_81 : i32
        %mul3A_83 = arith.constant 128 : i32
        %mul3A_84 = arith.muli %add3A_82, %mul3A_83 : i32
        %dma_start3A_85 = arith.constant 1 : i32
        %dma_start3A_86 = arith.constant 0 : i32
        %dma_start3A_87 = arith.constant 0 : i32
        %dma_start3A_88 = tpu.memref_slice %arg8[%dma_start3A_85, %dma_start3A_86, %dma_start3A_87] : memref<2x128x128xf32, #tpu.memory_space<vmem>> -> memref<1x128x128xf32, #tpu.memory_space<vmem>>
        %dma_start3A_89 = tpu.memref_squeeze %dma_start3A_88 : memref<1x128x128xf32, #tpu.memory_space<vmem>> -> memref<128x128xf32, #tpu.memory_space<vmem>>
        %dma_start3A_90 = tpu.memref_slice %arg7[%mul3A_84] : memref<10240xi32, #tpu.memory_space<vmem>> -> memref<128xi32, #tpu.memory_space<vmem>>
        %dma_start3A_91 = arith.constant 0 : i32
        %dma_start3A_92 = arith.constant 0 : i32
        %dma_start3A_93 = tpu.memref_slice %arg11[%dma_start3A_91, %dma_start3A_92] : memref<10240x128xf32, #tpu.memory_space<vmem_shared>> -> memref<10240x128xf32, #tpu.memory_space<vmem_shared>>
        tpu.enqueue_indirect_dma source(%dma_start3A_93 : memref<10240x128xf32, #tpu.memory_space<vmem_shared>>) target(%dma_start3A_89 : memref<128x128xf32, #tpu.memory_space<vmem>>) offsets(%dma_start3A_90 : memref<128xi32, #tpu.memory_space<vmem>>) semaphore(%arg10 : memref<!tpu.dma_semaphore, #tpu.memory_space<semaphore_mem>>)
      } else {
      }
      %dma_wait3A = arith.constant 0 : i32
      %dma_wait3A_44 = arith.constant 0 : i32
      %dma_wait3A_45 = arith.constant 0 : i32
      %dma_wait3A_46 = tpu.memref_slice %arg8[%dma_wait3A, %dma_wait3A_44, %dma_wait3A_45] : memref<2x128x128xf32, #tpu.memory_space<vmem>> -> memref<1x128x128xf32, #tpu.memory_space<vmem>>
      %dma_wait3A_47 = tpu.memref_squeeze %dma_wait3A_46 : memref<1x128x128xf32, #tpu.memory_space<vmem>> -> memref<128x128xf32, #tpu.memory_space<vmem>>
      %dma_wait3A_48 = arith.constant 0 : i32
      %dma_wait3A_49 = tpu.memref_slice %arg7[%dma_wait3A_48] : memref<10240xi32, #tpu.memory_space<vmem>> -> memref<128xi32, #tpu.memory_space<vmem>>
      %dma_wait3A_50 = arith.constant 0 : i32
      %dma_wait3A_51 = arith.constant 0 : i32
      %dma_wait3A_52 = tpu.memref_slice %arg11[%dma_wait3A_50, %dma_wait3A_51] : memref<10240x128xf32, #tpu.memory_space<vmem_shared>> -> memref<10240x128xf32, #tpu.memory_space<vmem_shared>>
      tpu.wait_indirect_dma semaphore(%arg9 : memref<!tpu.dma_semaphore, #tpu.memory_space<semaphore_mem>>) src(%dma_wait3A_52 : memref<10240x128xf32, #tpu.memory_space<vmem_shared>>) dst(%dma_wait3A_47 : memref<128x128xf32, #tpu.memory_space<vmem>>)
      %mul3A_53 = arith.constant 128 : i32
      %mul3A_54 = arith.muli %add3A_39, %mul3A_53 : i32
      %add3A_55 = arith.addi %mul3A_2, %mul3A_54 : i32
      %run_scoped3A = arith.constant 0 : i32
      "tpu.region"() ({
        %run_scoped3A_81 = tpu.sem_alloc : memref<!tpu.dma_semaphore, #tpu.memory_space<semaphore_mem>>
        %dma_start3A_82 = arith.constant 0 : i32
        %dma_start3A_83 = arith.constant 0 : i32
        %dma_start3A_84 = tpu.memref_slice %arg8[%run_scoped3A, %dma_start3A_82, %dma_start3A_83] : memref<2x128x128xf32, #tpu.memory_space<vmem>> -> memref<1x128x128xf32, #tpu.memory_space<vmem>>
        %dma_start3A_85 = tpu.memref_squeeze %dma_start3A_84 : memref<1x128x128xf32, #tpu.memory_space<vmem>> -> memref<128x128xf32, #tpu.memory_space<vmem>>
        %dma_start3A_86 = arith.constant 0 : i32
        %dma_start3A_87 = tpu.memref_slice %arg6[%add3A_55, %dma_start3A_86] : memref<327680x128xf32, #tpu.memory_space<hbm>> -> memref<128x128xf32, #tpu.memory_space<hbm>>
        %dma_start3A_88 = arith.constant 0 : i32
        %dma_start3A_89 = tpu.memref_slice %arg6[%add3A_55, %dma_start3A_88] : memref<327680x128xf32, #tpu.memory_space<hbm>> -> memref<128x128xf32, #tpu.memory_space<hbm>>
        %dma_start3A_90 = arith.constant 0 : i32
        %dma_start3A_91 = arith.constant 0 : i32
        %dma_start3A_92 = tpu.memref_slice %arg8[%run_scoped3A, %dma_start3A_90, %dma_start3A_91] : memref<2x128x128xf32, #tpu.memory_space<vmem>> -> memref<1x128x128xf32, #tpu.memory_space<vmem>>
        %dma_start3A_93 = tpu.memref_squeeze %dma_start3A_92 : memref<1x128x128xf32, #tpu.memory_space<vmem>> -> memref<128x128xf32, #tpu.memory_space<vmem>>
        tpu.enqueue_dma source(%dma_start3A_93 : memref<128x128xf32, #tpu.memory_space<vmem>>) target(%dma_start3A_89 : memref<128x128xf32, #tpu.memory_space<hbm>>) target_semaphore(%run_scoped3A_81 : memref<!tpu.dma_semaphore, #tpu.memory_space<semaphore_mem>>)
        %dma_wait3A_94 = arith.constant 0 : i32
        %dma_wait3A_95 = arith.constant 0 : i32
        %dma_wait3A_96 = tpu.memref_slice %arg8[%run_scoped3A, %dma_wait3A_94, %dma_wait3A_95] : memref<2x128x128xf32, #tpu.memory_space<vmem>> -> memref<1x128x128xf32, #tpu.memory_space<vmem>>
        %dma_wait3A_97 = tpu.memref_squeeze %dma_wait3A_96 : memref<1x128x128xf32, #tpu.memory_space<vmem>> -> memref<128x128xf32, #tpu.memory_space<vmem>>
        %dma_wait3A_98 = arith.constant 0 : i32
        %dma_wait3A_99 = tpu.memref_slice %arg6[%add3A_55, %dma_wait3A_98] : memref<327680x128xf32, #tpu.memory_space<hbm>> -> memref<128x128xf32, #tpu.memory_space<hbm>>
        %dma_wait3A_100 = arith.constant 0 : i32
        %dma_wait3A_101 = tpu.memref_slice %arg6[%add3A_55, %dma_wait3A_100] : memref<327680x128xf32, #tpu.memory_space<hbm>> -> memref<128x128xf32, #tpu.memory_space<hbm>>
        %dma_wait3A_102 = arith.constant 0 : i32
        %dma_wait3A_103 = arith.constant 0 : i32
        %dma_wait3A_104 = tpu.memref_slice %arg8[%run_scoped3A, %dma_wait3A_102, %dma_wait3A_103] : memref<2x128x128xf32, #tpu.memory_space<vmem>> -> memref<1x128x128xf32, #tpu.memory_space<vmem>>
        %dma_wait3A_105 = tpu.memref_squeeze %dma_wait3A_104 : memref<1x128x128xf32, #tpu.memory_space<vmem>> -> memref<128x128xf32, #tpu.memory_space<vmem>>
        tpu.wait_dma2 semaphore(%run_scoped3A_81 : memref<!tpu.dma_semaphore, #tpu.memory_space<semaphore_mem>>) src(%dma_wait3A_105 : memref<128x128xf32, #tpu.memory_space<vmem>>) dst(%dma_wait3A_101 : memref<128x128xf32, #tpu.memory_space<hbm>>)
        tpu.yield
      }) : () -> ()
      %mul3A_56 = arith.constant 2 : i32
      %mul3A_57 = arith.muli %mul3A_56, %scan3A_35 : i32
      %add3A_58 = arith.constant 1 : i32
      %add3A_59 = arith.addi %mul3A_57, %add3A_58 : i32
      %add3A_60 = arith.constant 1 : i32
      %add3A_61 = arith.addi %add3A_59, %add3A_60 : i32
      %lt3A_62 = arith.constant 80 : i32
      %lt3A_63 = arith.cmpi slt, %add3A_61, %lt3A_62 : i32
      %convert_element_type3A_64 = arith.extui %lt3A_63 : i1 to i32
      %cond3A_65 = arith.constant 0 : i32
      %cond3A_66 = arith.cmpi ne, %convert_element_type3A_64, %cond3A_65 : i32
      scf.if %cond3A_66 {
        %add3A_81 = arith.constant 1 : i32
        %add3A_82 = arith.addi %add3A_59, %add3A_81 : i32
        %mul3A_83 = arith.constant 128 : i32
        %mul3A_84 = arith.muli %add3A_82, %mul3A_83 : i32
        %dma_start3A_85 = arith.constant 0 : i32
        %dma_start3A_86 = arith.constant 0 : i32
        %dma_start3A_87 = arith.constant 0 : i32
        %dma_start3A_88 = tpu.memref_slice %arg8[%dma_start3A_85, %dma_start3A_86, %dma_start3A_87] : memref<2x128x128xf32, #tpu.memory_space<vmem>> -> memref<1x128x128xf32, #tpu.memory_space<vmem>>
        %dma_start3A_89 = tpu.memref_squeeze %dma_start3A_88 : memref<1x128x128xf32, #tpu.memory_space<vmem>> -> memref<128x128xf32, #tpu.memory_space<vmem>>
        %dma_start3A_90 = tpu.memref_slice %arg7[%mul3A_84] : memref<10240xi32, #tpu.memory_space<vmem>> -> memref<128xi32, #tpu.memory_space<vmem>>
        %dma_start3A_91 = arith.constant 0 : i32
        %dma_start3A_92 = arith.constant 0 : i32
        %dma_start3A_93 = tpu.memref_slice %arg11[%dma_start3A_91, %dma_start3A_92] : memref<10240x128xf32, #tpu.memory_space<vmem_shared>> -> memref<10240x128xf32, #tpu.memory_space<vmem_shared>>
        tpu.enqueue_indirect_dma source(%dma_start3A_93 : memref<10240x128xf32, #tpu.memory_space<vmem_shared>>) target(%dma_start3A_89 : memref<128x128xf32, #tpu.memory_space<vmem>>) offsets(%dma_start3A_90 : memref<128xi32, #tpu.memory_space<vmem>>) semaphore(%arg9 : memref<!tpu.dma_semaphore, #tpu.memory_space<semaphore_mem>>)
      } else {
      }
      %dma_wait3A_67 = arith.constant 1 : i32
      %dma_wait3A_68 = arith.constant 0 : i32
      %dma_wait3A_69 = arith.constant 0 : i32
      %dma_wait3A_70 = tpu.memref_slice %arg8[%dma_wait3A_67, %dma_wait3A_68, %dma_wait3A_69] : memref<2x128x128xf32, #tpu.memory_space<vmem>> -> memref<1x128x128xf32, #tpu.memory_space<vmem>>
      %dma_wait3A_71 = tpu.memref_squeeze %dma_wait3A_70 : memref<1x128x128xf32, #tpu.memory_space<vmem>> -> memref<128x128xf32, #tpu.memory_space<vmem>>
      %dma_wait3A_72 = arith.constant 0 : i32
      %dma_wait3A_73 = tpu.memref_slice %arg7[%dma_wait3A_72] : memref<10240xi32, #tpu.memory_space<vmem>> -> memref<128xi32, #tpu.memory_space<vmem>>
      %dma_wait3A_74 = arith.constant 0 : i32
      %dma_wait3A_75 = arith.constant 0 : i32
      %dma_wait3A_76 = tpu.memref_slice %arg11[%dma_wait3A_74, %dma_wait3A_75] : memref<10240x128xf32, #tpu.memory_space<vmem_shared>> -> memref<10240x128xf32, #tpu.memory_space<vmem_shared>>
      tpu.wait_indirect_dma semaphore(%arg10 : memref<!tpu.dma_semaphore, #tpu.memory_space<semaphore_mem>>) src(%dma_wait3A_76 : memref<10240x128xf32, #tpu.memory_space<vmem_shared>>) dst(%dma_wait3A_71 : memref<128x128xf32, #tpu.memory_space<vmem>>)
      %mul3A_77 = arith.constant 128 : i32
      %mul3A_78 = arith.muli %add3A_59, %mul3A_77 : i32
      %add3A_79 = arith.addi %mul3A_2, %mul3A_78 : i32
      %run_scoped3A_80 = arith.constant 1 : i32
      "tpu.region"() ({
        %run_scoped3A_81 = tpu.sem_alloc : memref<!tpu.dma_semaphore, #tpu.memory_space<semaphore_mem>>
        %dma_start3A_82 = arith.constant 0 : i32
        %dma_start3A_83 = arith.constant 0 : i32
        %dma_start3A_84 = tpu.memref_slice %arg8[%run_scoped3A_80, %dma_start3A_82, %dma_start3A_83] : memref<2x128x128xf32, #tpu.memory_space<vmem>> -> memref<1x128x128xf32, #tpu.memory_space<vmem>>
        %dma_start3A_85 = tpu.memref_squeeze %dma_start3A_84 : memref<1x128x128xf32, #tpu.memory_space<vmem>> -> memref<128x128xf32, #tpu.memory_space<vmem>>
        %dma_start3A_86 = arith.constant 0 : i32
        %dma_start3A_87 = tpu.memref_slice %arg6[%add3A_79, %dma_start3A_86] : memref<327680x128xf32, #tpu.memory_space<hbm>> -> memref<128x128xf32, #tpu.memory_space<hbm>>
        %dma_start3A_88 = arith.constant 0 : i32
        %dma_start3A_89 = tpu.memref_slice %arg6[%add3A_79, %dma_start3A_88] : memref<327680x128xf32, #tpu.memory_space<hbm>> -> memref<128x128xf32, #tpu.memory_space<hbm>>
        %dma_start3A_90 = arith.constant 0 : i32
        %dma_start3A_91 = arith.constant 0 : i32
        %dma_start3A_92 = tpu.memref_slice %arg8[%run_scoped3A_80, %dma_start3A_90, %dma_start3A_91] : memref<2x128x128xf32, #tpu.memory_space<vmem>> -> memref<1x128x128xf32, #tpu.memory_space<vmem>>
        %dma_start3A_93 = tpu.memref_squeeze %dma_start3A_92 : memref<1x128x128xf32, #tpu.memory_space<vmem>> -> memref<128x128xf32, #tpu.memory_space<vmem>>
        tpu.enqueue_dma source(%dma_start3A_93 : memref<128x128xf32, #tpu.memory_space<vmem>>) target(%dma_start3A_89 : memref<128x128xf32, #tpu.memory_space<hbm>>) target_semaphore(%run_scoped3A_81 : memref<!tpu.dma_semaphore, #tpu.memory_space<semaphore_mem>>)
        %dma_wait3A_94 = arith.constant 0 : i32
        %dma_wait3A_95 = arith.constant 0 : i32
        %dma_wait3A_96 = tpu.memref_slice %arg8[%run_scoped3A_80, %dma_wait3A_94, %dma_wait3A_95] : memref<2x128x128xf32, #tpu.memory_space<vmem>> -> memref<1x128x128xf32, #tpu.memory_space<vmem>>
        %dma_wait3A_97 = tpu.memref_squeeze %dma_wait3A_96 : memref<1x128x128xf32, #tpu.memory_space<vmem>> -> memref<128x128xf32, #tpu.memory_space<vmem>>
        %dma_wait3A_98 = arith.constant 0 : i32
        %dma_wait3A_99 = tpu.memref_slice %arg6[%add3A_79, %dma_wait3A_98] : memref<327680x128xf32, #tpu.memory_space<hbm>> -> memref<128x128xf32, #tpu.memory_space<hbm>>
        %dma_wait3A_100 = arith.constant 0 : i32
        %dma_wait3A_101 = tpu.memref_slice %arg6[%add3A_79, %dma_wait3A_100] : memref<327680x128xf32, #tpu.memory_space<hbm>> -> memref<128x128xf32, #tpu.memory_space<hbm>>
        %dma_wait3A_102 = arith.constant 0 : i32
        %dma_wait3A_103 = arith.constant 0 : i32
        %dma_wait3A_104 = tpu.memref_slice %arg8[%run_scoped3A_80, %dma_wait3A_102, %dma_wait3A_103] : memref<2x128x128xf32, #tpu.memory_space<vmem>> -> memref<1x128x128xf32, #tpu.memory_space<vmem>>
        %dma_wait3A_105 = tpu.memref_squeeze %dma_wait3A_104 : memref<1x128x128xf32, #tpu.memory_space<vmem>> -> memref<128x128xf32, #tpu.memory_space<vmem>>
        tpu.wait_dma2 semaphore(%run_scoped3A_81 : memref<!tpu.dma_semaphore, #tpu.memory_space<semaphore_mem>>) src(%dma_wait3A_105 : memref<128x128xf32, #tpu.memory_space<vmem>>) dst(%dma_wait3A_101 : memref<128x128xf32, #tpu.memory_space<hbm>>)
        tpu.yield
      }) : () -> ()
    }
    %scan3A_34 = arith.constant 40 : i32
    return
  }
}

#map = affine_map<(d0, d1) -> (0)>
module attributes {stable_mosaic.version = 14 : i64} {
  func.func @_segids_body(%arg0: i32, %arg1: i32, %arg2: memref<320000xi32, #tpu.memory_space<hbm>>, %arg3: memref<10240xi32, #tpu.memory_space<hbm>>, %arg4: memref<327680xi32, #tpu.memory_space<hbm>>, %arg5: memref<800xi32, #tpu.memory_space<vmem>>, %arg6: memref<10240xi32, #tpu.memory_space<vmem>>, %arg7: memref<640xi32, #tpu.memory_space<vmem>>, %arg8: memref<5x128xi32, #tpu.memory_space<vmem>>, %arg9: memref<128xi32, #tpu.memory_space<vmem>>, %arg10: memref<512xi32, #tpu.memory_space<vmem>>, %arg11: memref<20480xi32, #tpu.memory_space<vmem>>, %arg12: memref<512xi32, #tpu.memory_space<vmem>>, %arg13: memref<16x16xi32, #tpu.memory_space<vmem>>, %arg14: memref<16x10240xi32, #tpu.memory_space<vmem_shared>>, %arg15: memref<16x16xi32, #tpu.memory_space<vmem_shared>>, %arg16: memref<16x16xi32, #tpu.memory_space<vmem_shared>>, %arg17: memref<327680xi32, #tpu.memory_space<vmem_shared>>) attributes {dimension_semantics = [#tpu.dimension_semantics<core_parallel>, #tpu.dimension_semantics<subcore_parallel>], iteration_bounds = array<i64: 1, 16>, scalar_prefetch = 0 : i64, scratch_operands = 13 : i64, tpu.core_type = #tpu.core_type<sc_vector_subcore>, window_params = [{transform_indices = #map}, {transform_indices = #map}, {transform_indices = #map}]} {
    %broadcast_in_dim3A = arith.constant 0 : i32
    %broadcast_in_dim3A_0 = vector.broadcast %broadcast_in_dim3A : i32 to vector<16xi32>
    %broadcast_in_dim3A_1 = arith.constant 1 : i32
    %broadcast_in_dim3A_2 = vector.broadcast %broadcast_in_dim3A_1 : i32 to vector<16xi32>
    %scan3A = arith.constant 0 : i32
    %scan3A_3 = arith.constant 640 : i32
    %scan3A_4 = arith.addi %scan3A, %scan3A_3 : i32
    %scan3A_5 = arith.constant 1 : i32
    scf.for %scan3A_778 = %scan3A to %scan3A_4 step %scan3A_5  : i32 {
      %mul3A_779 = arith.constant 16 : i32
      %mul3A_780 = arith.muli %scan3A_778, %mul3A_779 : i32
      %swap3A_781 = arith.index_cast %mul3A_780 : i32 to index
      %swap3A_782 = tpu.vector_load %arg6[%swap3A_781] {strides = array<i32>} : memref<10240xi32, #tpu.memory_space<vmem>>, vector<16xi32>,
      tpu.vector_store %arg6[%swap3A_781], %broadcast_in_dim3A_0 {strides = array<i32>} : memref<10240xi32, #tpu.memory_space<vmem>>, vector<16xi32>,
    }
    %scan3A_6 = arith.constant 640 : i32
    %scan3A_7 = arith.constant 0 : i32
    %scan3A_8 = arith.constant 25 : i32
    %scan3A_9 = arith.addi %scan3A_7, %scan3A_8 : i32
    %scan3A_10 = arith.constant 1 : i32
    scf.for %scan3A_778 = %scan3A_7 to %scan3A_9 step %scan3A_10  : i32 {
      %mul3A_779 = arith.constant 20000 : i32
      %mul3A_780 = arith.muli %arg1, %mul3A_779 : i32
      %mul3A_781 = arith.constant 800 : i32
      %mul3A_782 = arith.muli %scan3A_778, %mul3A_781 : i32
      %add3A_783 = arith.addi %mul3A_780, %mul3A_782 : i32
      "tpu.region"() ({
        %run_scoped3A_789 = tpu.sem_alloc : memref<!tpu.dma_semaphore, #tpu.memory_space<semaphore_mem>>
        %dma_start3A = tpu.memref_slice %arg2[%add3A_783] : memref<320000xi32, #tpu.memory_space<hbm>> -> memref<800xi32, #tpu.memory_space<hbm>>
        %dma_start3A_790 = tpu.memref_slice %arg2[%add3A_783] : memref<320000xi32, #tpu.memory_space<hbm>> -> memref<800xi32, #tpu.memory_space<hbm>>
        tpu.enqueue_dma source(%dma_start3A_790 : memref<800xi32, #tpu.memory_space<hbm>>) target(%arg5 : memref<800xi32, #tpu.memory_space<vmem>>) target_semaphore(%run_scoped3A_789 : memref<!tpu.dma_semaphore, #tpu.memory_space<semaphore_mem>>)
        %dma_wait3A = tpu.memref_slice %arg2[%add3A_783] : memref<320000xi32, #tpu.memory_space<hbm>> -> memref<800xi32, #tpu.memory_space<hbm>>
        %dma_wait3A_791 = tpu.memref_slice %arg2[%add3A_783] : memref<320000xi32, #tpu.memory_space<hbm>> -> memref<800xi32, #tpu.memory_space<hbm>>
        tpu.wait_dma2 semaphore(%run_scoped3A_789 : memref<!tpu.dma_semaphore, #tpu.memory_space<semaphore_mem>>) src(%dma_wait3A_791 : memref<800xi32, #tpu.memory_space<hbm>>) dst(%arg5 : memref<800xi32, #tpu.memory_space<vmem>>)
        tpu.yield
      }) : () -> ()
      %scan3A_784 = arith.constant 0 : i32
      %scan3A_785 = arith.constant 50 : i32
      %scan3A_786 = arith.addi %scan3A_784, %scan3A_785 : i32
      %scan3A_787 = arith.constant 1 : i32
      scf.for %scan3A_789 = %scan3A_784 to %scan3A_786 step %scan3A_787  : i32 {
        %mul3A_790 = arith.constant 16 : i32
        %mul3A_791 = arith.muli %scan3A_789, %mul3A_790 : i32
        %get3A_792 = arith.index_cast %mul3A_791 : i32 to index
        %get3A_793 = tpu.vector_load %arg5[%get3A_792] {strides = array<i32>} : memref<800xi32, #tpu.memory_space<vmem>>, vector<16xi32>,
        tpu.vector_store_idx %arg6[%get3A_793], %broadcast_in_dim3A_2 {add = true} : memref<10240xi32, #tpu.memory_space<vmem>>[vector<16xi32>], vector<16xi32>,
      }
      %scan3A_788 = arith.constant 50 : i32
    }
    %scan3A_11 = arith.constant 25 : i32
    "tpu.region"() ({
      %run_scoped3A_778 = tpu.sem_alloc : memref<!tpu.dma_semaphore, #tpu.memory_space<semaphore_mem>>
      %dma_start3A = arith.constant 0 : i32
      %dma_start3A_779 = tpu.memref_slice %arg14[%arg1, %dma_start3A] : memref<16x10240xi32, #tpu.memory_space<vmem_shared>> -> memref<1x10240xi32, #tpu.memory_space<vmem_shared>>
      %dma_start3A_780 = tpu.memref_squeeze %dma_start3A_779 : memref<1x10240xi32, #tpu.memory_space<vmem_shared>> -> memref<10240xi32, #tpu.memory_space<vmem_shared>>
      %dma_start3A_781 = arith.constant 0 : i32
      %dma_start3A_782 = tpu.memref_slice %arg14[%arg1, %dma_start3A_781] : memref<16x10240xi32, #tpu.memory_space<vmem_shared>> -> memref<1x10240xi32, #tpu.memory_space<vmem_shared>>
      %dma_start3A_783 = tpu.memref_squeeze %dma_start3A_782 : memref<1x10240xi32, #tpu.memory_space<vmem_shared>> -> memref<10240xi32, #tpu.memory_space<vmem_shared>>
      tpu.enqueue_dma source(%arg6 : memref<10240xi32, #tpu.memory_space<vmem>>) target(%dma_start3A_783 : memref<10240xi32, #tpu.memory_space<vmem_shared>>) target_semaphore(%run_scoped3A_778 : memref<!tpu.dma_semaphore, #tpu.memory_space<semaphore_mem>>)
      %dma_wait3A = arith.constant 0 : i32
      %dma_wait3A_784 = tpu.memref_slice %arg14[%arg1, %dma_wait3A] : memref<16x10240xi32, #tpu.memory_space<vmem_shared>> -> memref<1x10240xi32, #tpu.memory_space<vmem_shared>>
      %dma_wait3A_785 = tpu.memref_squeeze %dma_wait3A_784 : memref<1x10240xi32, #tpu.memory_space<vmem_shared>> -> memref<10240xi32, #tpu.memory_space<vmem_shared>>
      %dma_wait3A_786 = arith.constant 0 : i32
      %dma_wait3A_787 = tpu.memref_slice %arg14[%arg1, %dma_wait3A_786] : memref<16x10240xi32, #tpu.memory_space<vmem_shared>> -> memref<1x10240xi32, #tpu.memory_space<vmem_shared>>
      %dma_wait3A_788 = tpu.memref_squeeze %dma_wait3A_787 : memref<1x10240xi32, #tpu.memory_space<vmem_shared>> -> memref<10240xi32, #tpu.memory_space<vmem_shared>>
      tpu.wait_dma2 semaphore(%run_scoped3A_778 : memref<!tpu.dma_semaphore, #tpu.memory_space<semaphore_mem>>) src(%arg6 : memref<10240xi32, #tpu.memory_space<vmem>>) dst(%dma_wait3A_788 : memref<10240xi32, #tpu.memory_space<vmem_shared>>)
      tpu.yield
    }) : () -> ()
    %barrier3A = arith.constant 0 : index
    tpu.barrier barrier_id(%barrier3A)
    %scan3A_12 = arith.constant 0 : i32
    %scan3A_13 = arith.constant 40 : i32
    %scan3A_14 = arith.addi %scan3A_12, %scan3A_13 : i32
    %scan3A_15 = arith.constant 1 : i32
    scf.for %scan3A_778 = %scan3A_12 to %scan3A_14 step %scan3A_15  : i32 {
      %mul3A_779 = arith.constant 16 : i32
      %mul3A_780 = arith.muli %scan3A_778, %mul3A_779 : i32
      %swap3A_781 = arith.index_cast %mul3A_780 : i32 to index
      %swap3A_782 = tpu.vector_load %arg7[%swap3A_781] {strides = array<i32>} : memref<640xi32, #tpu.memory_space<vmem>>, vector<16xi32>,
      tpu.vector_store %arg7[%swap3A_781], %broadcast_in_dim3A_0 {strides = array<i32>} : memref<640xi32, #tpu.memory_space<vmem>>, vector<16xi32>,
    }
    %scan3A_16 = arith.constant 40 : i32
    %scan3A_17 = arith.constant 0 : i32
    %scan3A_18 = arith.constant 16 : i32
    %scan3A_19 = arith.addi %scan3A_17, %scan3A_18 : i32
    %scan3A_20 = arith.constant 1 : i32
    scf.for %scan3A_778 = %scan3A_17 to %scan3A_19 step %scan3A_20  : i32 {
      %mul3A_779 = arith.constant 640 : i32
      %mul3A_780 = arith.muli %arg1, %mul3A_779 : i32
      "tpu.region"() ({
        %run_scoped3A_786 = tpu.sem_alloc : memref<!tpu.dma_semaphore, #tpu.memory_space<semaphore_mem>>
        %dma_start3A = arith.constant 0 : i32
        %dma_start3A_787 = tpu.memref_slice %arg5[%dma_start3A] : memref<800xi32, #tpu.memory_space<vmem>> -> memref<640xi32, #tpu.memory_space<vmem>>
        %dma_start3A_788 = tpu.memref_slice %arg14[%scan3A_778, %mul3A_780] : memref<16x10240xi32, #tpu.memory_space<vmem_shared>> -> memref<1x640xi32, #tpu.memory_space<vmem_shared>>
        %dma_start3A_789 = tpu.memref_squeeze %dma_start3A_788 : memref<1x640xi32, #tpu.memory_space<vmem_shared>> -> memref<640xi32, #tpu.memory_space<vmem_shared>>
        %dma_start3A_790 = arith.constant 0 : i32
        %dma_start3A_791 = tpu.memref_slice %arg5[%dma_start3A_790] : memref<800xi32, #tpu.memory_space<vmem>> -> memref<640xi32, #tpu.memory_space<vmem>>
        %dma_start3A_792 = tpu.memref_slice %arg14[%scan3A_778, %mul3A_780] : memref<16x10240xi32, #tpu.memory_space<vmem_shared>> -> memref<1x640xi32, #tpu.memory_space<vmem_shared>>
        %dma_start3A_793 = tpu.memref_squeeze %dma_start3A_792 : memref<1x640xi32, #tpu.memory_space<vmem_shared>> -> memref<640xi32, #tpu.memory_space<vmem_shared>>
        tpu.enqueue_dma source(%dma_start3A_793 : memref<640xi32, #tpu.memory_space<vmem_shared>>) target(%dma_start3A_791 : memref<640xi32, #tpu.memory_space<vmem>>) target_semaphore(%run_scoped3A_786 : memref<!tpu.dma_semaphore, #tpu.memory_space<semaphore_mem>>)
        %dma_wait3A = arith.constant 0 : i32
        %dma_wait3A_794 = tpu.memref_slice %arg5[%dma_wait3A] : memref<800xi32, #tpu.memory_space<vmem>> -> memref<640xi32, #tpu.memory_space<vmem>>
        %dma_wait3A_795 = tpu.memref_slice %arg14[%scan3A_778, %mul3A_780] : memref<16x10240xi32, #tpu.memory_space<vmem_shared>> -> memref<1x640xi32, #tpu.memory_space<vmem_shared>>
        %dma_wait3A_796 = tpu.memref_squeeze %dma_wait3A_795 : memref<1x640xi32, #tpu.memory_space<vmem_shared>> -> memref<640xi32, #tpu.memory_space<vmem_shared>>
        %dma_wait3A_797 = arith.constant 0 : i32
        %dma_wait3A_798 = tpu.memref_slice %arg5[%dma_wait3A_797] : memref<800xi32, #tpu.memory_space<vmem>> -> memref<640xi32, #tpu.memory_space<vmem>>
        %dma_wait3A_799 = tpu.memref_slice %arg14[%scan3A_778, %mul3A_780] : memref<16x10240xi32, #tpu.memory_space<vmem_shared>> -> memref<1x640xi32, #tpu.memory_space<vmem_shared>>
        %dma_wait3A_800 = tpu.memref_squeeze %dma_wait3A_799 : memref<1x640xi32, #tpu.memory_space<vmem_shared>> -> memref<640xi32, #tpu.memory_space<vmem_shared>>
        tpu.wait_dma2 semaphore(%run_scoped3A_786 : memref<!tpu.dma_semaphore, #tpu.memory_space<semaphore_mem>>) src(%dma_wait3A_800 : memref<640xi32, #tpu.memory_space<vmem_shared>>) dst(%dma_wait3A_798 : memref<640xi32, #tpu.memory_space<vmem>>)
        tpu.yield
      }) : () -> ()
      %scan3A_781 = arith.constant 0 : i32
      %scan3A_782 = arith.constant 40 : i32
      %scan3A_783 = arith.addi %scan3A_781, %scan3A_782 : i32
      %scan3A_784 = arith.constant 1 : i32
      scf.for %scan3A_786 = %scan3A_781 to %scan3A_783 step %scan3A_784  : i32 {
        %mul3A_787 = arith.constant 16 : i32
        %mul3A_788 = arith.muli %scan3A_786, %mul3A_787 : i32
        %get3A_789 = arith.index_cast %mul3A_788 : i32 to index
        %get3A_790 = tpu.vector_load %arg7[%get3A_789] {strides = array<i32>} : memref<640xi32, #tpu.memory_space<vmem>>, vector<16xi32>,
        %mul3A_791 = arith.constant 16 : i32
        %mul3A_792 = arith.muli %scan3A_786, %mul3A_791 : i32
        %get3A_793 = arith.index_cast %mul3A_792 : i32 to index
        %get3A_794 = tpu.vector_load %arg5[%get3A_793] {strides = array<i32>} : memref<800xi32, #tpu.memory_space<vmem>>, vector<16xi32>,
        %add3A_795 = arith.addi %get3A_790, %get3A_794 : vector<16xi32>
        %mul3A_796 = arith.constant 16 : i32
        %mul3A_797 = arith.muli %scan3A_786, %mul3A_796 : i32
        %swap3A_798 = arith.index_cast %mul3A_797 : i32 to index
        %swap3A_799 = tpu.vector_load %arg7[%swap3A_798] {strides = array<i32>} : memref<640xi32, #tpu.memory_space<vmem>>, vector<16xi32>,
        tpu.vector_store %arg7[%swap3A_798], %add3A_795 {strides = array<i32>} : memref<640xi32, #tpu.memory_space<vmem>>, vector<16xi32>,
      }
      %scan3A_785 = arith.constant 40 : i32
    }
    %scan3A_21 = arith.constant 16 : i32
    %mul3A = arith.constant 640 : i32
    %mul3A_22 = arith.muli %arg1, %mul3A : i32
    "tpu.region"() ({
      %run_scoped3A_778 = tpu.sem_alloc : memref<!tpu.dma_semaphore, #tpu.memory_space<semaphore_mem>>
      %dma_start3A = tpu.memref_slice %arg3[%mul3A_22] : memref<10240xi32, #tpu.memory_space<hbm>> -> memref<640xi32, #tpu.memory_space<hbm>>
      %dma_start3A_779 = tpu.memref_slice %arg3[%mul3A_22] : memref<10240xi32, #tpu.memory_space<hbm>> -> memref<640xi32, #tpu.memory_space<hbm>>
      tpu.enqueue_dma source(%arg7 : memref<640xi32, #tpu.memory_space<vmem>>) target(%dma_start3A_779 : memref<640xi32, #tpu.memory_space<hbm>>) target_semaphore(%run_scoped3A_778 : memref<!tpu.dma_semaphore, #tpu.memory_space<semaphore_mem>>)
      %dma_wait3A = tpu.memref_slice %arg3[%mul3A_22] : memref<10240xi32, #tpu.memory_space<hbm>> -> memref<640xi32, #tpu.memory_space<hbm>>
      %dma_wait3A_780 = tpu.memref_slice %arg3[%mul3A_22] : memref<10240xi32, #tpu.memory_space<hbm>> -> memref<640xi32, #tpu.memory_space<hbm>>
      tpu.wait_dma2 semaphore(%run_scoped3A_778 : memref<!tpu.dma_semaphore, #tpu.memory_space<semaphore_mem>>) src(%arg7 : memref<640xi32, #tpu.memory_space<vmem>>) dst(%dma_wait3A_780 : memref<640xi32, #tpu.memory_space<hbm>>)
      tpu.yield
    }) : () -> ()
    %scan3A_23 = arith.constant 0 : i32
    %scan3A_24 = arith.constant 40 : i32
    %scan3A_25 = arith.addi %scan3A_23, %scan3A_24 : i32
    %scan3A_26 = arith.constant 1 : i32
    %scan3A_27 = scf.for %scan3A_778 = %scan3A_23 to %scan3A_25 step %scan3A_26 iter_args(%scan3A_779 = %broadcast_in_dim3A_0) -> (vector<16xi32>)  : i32 {
      %mul3A_780 = arith.constant 16 : i32
      %mul3A_781 = arith.muli %scan3A_778, %mul3A_780 : i32
      %get3A_782 = arith.index_cast %mul3A_781 : i32 to index
      %get3A_783 = tpu.vector_load %arg7[%get3A_782] {strides = array<i32>} : memref<640xi32, #tpu.memory_space<vmem>>, vector<16xi32>,
      %add3A_784 = arith.addi %scan3A_779, %get3A_783 : vector<16xi32>
      scf.yield %add3A_784 : vector<16xi32>
    }
    %scan3A_28 = arith.constant 40 : i32
    %reduce_sum3A = arith.constant true
    %reduce_sum3A_29 = vector.broadcast %reduce_sum3A : i1 to vector<16xi1>
    %reduce_sum3A_30 = tpu.scan <sum>, %scan3A_27 masked %reduce_sum3A_29 : vector<16xi32>, vector<16xi1> -> vector<16xi32>
    %reduce_sum3A_31 = vector.extract %reduce_sum3A_30[15] : i32 from vector<16xi32>
    %broadcast_in_dim3A_32 = vector.broadcast %reduce_sum3A_31 : i32 to vector<16xi32>
    %swap3A = arith.constant 0 : index
    %swap3A_33 = tpu.vector_load %arg12[%swap3A] {strides = array<i32>} : memref<512xi32, #tpu.memory_space<vmem>>, vector<16xi32>,
    tpu.vector_store %arg12[%swap3A], %broadcast_in_dim3A_32 {strides = array<i32>} : memref<512xi32, #tpu.memory_space<vmem>>, vector<16xi32>,
    "tpu.region"() ({
      %run_scoped3A_778 = tpu.sem_alloc : memref<!tpu.dma_semaphore, #tpu.memory_space<semaphore_mem>>
      %dma_start3A = arith.constant 0 : i32
      %dma_start3A_779 = tpu.memref_slice %arg12[%dma_start3A] : memref<512xi32, #tpu.memory_space<vmem>> -> memref<16xi32, #tpu.memory_space<vmem>>
      %dma_start3A_780 = arith.constant 0 : i32
      %dma_start3A_781 = tpu.memref_slice %arg15[%arg1, %dma_start3A_780] : memref<16x16xi32, #tpu.memory_space<vmem_shared>> -> memref<1x16xi32, #tpu.memory_space<vmem_shared>>
      %dma_start3A_782 = tpu.memref_squeeze %dma_start3A_781 : memref<1x16xi32, #tpu.memory_space<vmem_shared>> -> memref<16xi32, #tpu.memory_space<vmem_shared>>
      %dma_start3A_783 = arith.constant 0 : i32
      %dma_start3A_784 = tpu.memref_slice %arg15[%arg1, %dma_start3A_783] : memref<16x16xi32, #tpu.memory_space<vmem_shared>> -> memref<1x16xi32, #tpu.memory_space<vmem_shared>>
      %dma_start3A_785 = tpu.memref_squeeze %dma_start3A_784 : memref<1x16xi32, #tpu.memory_space<vmem_shared>> -> memref<16xi32, #tpu.memory_space<vmem_shared>>
      %dma_start3A_786 = arith.constant 0 : i32
      %dma_start3A_787 = tpu.memref_slice %arg12[%dma_start3A_786] : memref<512xi32, #tpu.memory_space<vmem>> -> memref<16xi32, #tpu.memory_space<vmem>>
      tpu.enqueue_dma source(%dma_start3A_787 : memref<16xi32, #tpu.memory_space<vmem>>) target(%dma_start3A_785 : memref<16xi32, #tpu.memory_space<vmem_shared>>) target_semaphore(%run_scoped3A_778 : memref<!tpu.dma_semaphore, #tpu.memory_space<semaphore_mem>>)
      %dma_wait3A = arith.constant 0 : i32
      %dma_wait3A_788 = tpu.memref_slice %arg12[%dma_wait3A] : memref<512xi32, #tpu.memory_space<vmem>> -> memref<16xi32, #tpu.memory_space<vmem>>
      %dma_wait3A_789 = arith.constant 0 : i32
      %dma_wait3A_790 = tpu.memref_slice %arg15[%arg1, %dma_wait3A_789] : memref<16x16xi32, #tpu.memory_space<vmem_shared>> -> memref<1x16xi32, #tpu.memory_space<vmem_shared>>
      %dma_wait3A_791 = tpu.memref_squeeze %dma_wait3A_790 : memref<1x16xi32, #tpu.memory_space<vmem_shared>> -> memref<16xi32, #tpu.memory_space<vmem_shared>>
      %dma_wait3A_792 = arith.constant 0 : i32
      %dma_wait3A_793 = tpu.memref_slice %arg15[%arg1, %dma_wait3A_792] : memref<16x16xi32, #tpu.memory_space<vmem_shared>> -> memref<1x16xi32, #tpu.memory_space<vmem_shared>>
      %dma_wait3A_794 = tpu.memref_squeeze %dma_wait3A_793 : memref<1x16xi32, #tpu.memory_space<vmem_shared>> -> memref<16xi32, #tpu.memory_space<vmem_shared>>
      %dma_wait3A_795 = arith.constant 0 : i32
      %dma_wait3A_796 = tpu.memref_slice %arg12[%dma_wait3A_795] : memref<512xi32, #tpu.memory_space<vmem>> -> memref<16xi32, #tpu.memory_space<vmem>>
      tpu.wait_dma2 semaphore(%run_scoped3A_778 : memref<!tpu.dma_semaphore, #tpu.memory_space<semaphore_mem>>) src(%dma_wait3A_796 : memref<16xi32, #tpu.memory_space<vmem>>) dst(%dma_wait3A_794 : memref<16xi32, #tpu.memory_space<vmem_shared>>)
      tpu.yield
    }) : () -> ()
    %barrier3A_34 = arith.constant 0 : index
    tpu.barrier barrier_id(%barrier3A_34)
    "tpu.region"() ({
      %run_scoped3A_778 = tpu.sem_alloc : memref<!tpu.dma_semaphore, #tpu.memory_space<semaphore_mem>>
      tpu.enqueue_dma source(%arg15 : memref<16x16xi32, #tpu.memory_space<vmem_shared>>) target(%arg13 : memref<16x16xi32, #tpu.memory_space<vmem>>) target_semaphore(%run_scoped3A_778 : memref<!tpu.dma_semaphore, #tpu.memory_space<semaphore_mem>>)
      tpu.wait_dma2 semaphore(%run_scoped3A_778 : memref<!tpu.dma_semaphore, #tpu.memory_space<semaphore_mem>>) src(%arg15 : memref<16x16xi32, #tpu.memory_space<vmem_shared>>) dst(%arg13 : memref<16x16xi32, #tpu.memory_space<vmem>>)
      tpu.yield
    }) : () -> ()
    %iota3A = tpu.iota {dimensions = array<i32: 0>} : vector<16xi32>
    %broadcast_in_dim3A_35 = arith.constant 0 : i32
    %broadcast_in_dim3A_36 = vector.broadcast %broadcast_in_dim3A_35 : i32 to vector<16xi32>
    %gather3A = tpu.vector_load_idx %arg13[%iota3A, %broadcast_in_dim3A_36] : memref<16x16xi32, #tpu.memory_space<vmem>>[vector<16xi32>, vector<16xi32>], vector<16xi32>,
    %lt3A = vector.broadcast %arg1 : i32 to vector<16xi32>
    %lt3A_37 = arith.cmpi slt, %iota3A, %lt3A : vector<16xi32>
    %jit3A = arith.constant 0 : i32
    %broadcast_in_dim3A_38 = vector.broadcast %jit3A : i32 to vector<16xi32>
    %select_n3A = arith.select %lt3A_37, %gather3A, %broadcast_in_dim3A_38 : vector<16xi1>, vector<16xi32>
    %reduce_sum3A_39 = arith.constant true
    %reduce_sum3A_40 = vector.broadcast %reduce_sum3A_39 : i1 to vector<16xi1>
    %reduce_sum3A_41 = tpu.scan <sum>, %select_n3A masked %reduce_sum3A_40 : vector<16xi32>, vector<16xi1> -> vector<16xi32>
    %reduce_sum3A_42 = vector.extract %reduce_sum3A_41[15] : i32 from vector<16xi32>
    %get3A = arith.constant 0 : index
    %get3A_43 = tpu.vector_load %arg7[%get3A] {strides = array<i32>} : memref<640xi32, #tpu.memory_space<vmem>>, vector<16xi32>,
    %broadcast_in_dim3A_44 = arith.constant true
    %broadcast_in_dim3A_45 = vector.broadcast %broadcast_in_dim3A_44 : i1 to vector<16xi1>
    %masked_cumsum3A = tpu.scan <sum>, %get3A_43 masked %broadcast_in_dim3A_45 : vector<16xi32>, vector<16xi1> -> vector<16xi32>
    %sub3A = arith.subi %masked_cumsum3A, %get3A_43 : vector<16xi32>
    %add3A = vector.broadcast %reduce_sum3A_42 : i32 to vector<16xi32>
    %add3A_46 = arith.addi %sub3A, %add3A : vector<16xi32>
    %swap3A_47 = arith.constant 0 : i32
    %swap3A_48 = arith.index_cast %swap3A_47 : i32 to index
    %swap3A_49 = arith.constant 0 : index
    %swap3A_50 = tpu.vector_load %arg8[%swap3A_48, %swap3A_49] {strides = array<i32>} : memref<5x128xi32, #tpu.memory_space<vmem>>, vector<16xi32>,
    tpu.vector_store %arg8[%swap3A_48, %swap3A_49], %add3A_46 {strides = array<i32>} : memref<5x128xi32, #tpu.memory_space<vmem>>, vector<16xi32>,
    %reduce_sum3A_51 = arith.constant true
    %reduce_sum3A_52 = vector.broadcast %reduce_sum3A_51 : i1 to vector<16xi1>
    %reduce_sum3A_53 = tpu.scan <sum>, %get3A_43 masked %reduce_sum3A_52 : vector<16xi32>, vector<16xi1> -> vector<16xi32>
    %reduce_sum3A_54 = vector.extract %reduce_sum3A_53[15] : i32 from vector<16xi32>
    %add3A_55 = arith.addi %reduce_sum3A_42, %reduce_sum3A_54 : i32
    %get3A_56 = arith.constant 16 : index
    %get3A_57 = tpu.vector_load %arg7[%get3A_56] {strides = array<i32>} : memref<640xi32, #tpu.memory_space<vmem>>, vector<16xi32>,
    %broadcast_in_dim3A_58 = arith.constant true
    %broadcast_in_dim3A_59 = vector.broadcast %broadcast_in_dim3A_58 : i1 to vector<16xi1>
    %masked_cumsum3A_60 = tpu.scan <sum>, %get3A_57 masked %broadcast_in_dim3A_59 : vector<16xi32>, vector<16xi1> -> vector<16xi32>
    %sub3A_61 = arith.subi %masked_cumsum3A_60, %get3A_57 : vector<16xi32>
    %add3A_62 = vector.broadcast %add3A_55 : i32 to vector<16xi32>
    %add3A_63 = arith.addi %sub3A_61, %add3A_62 : vector<16xi32>
    %swap3A_64 = arith.constant 0 : i32
    %swap3A_65 = arith.index_cast %swap3A_64 : i32 to index
    %swap3A_66 = arith.constant 16 : index
    %swap3A_67 = tpu.vector_load %arg8[%swap3A_65, %swap3A_66] {strides = array<i32>} : memref<5x128xi32, #tpu.memory_space<vmem>>, vector<16xi32>,
    tpu.vector_store %arg8[%swap3A_65, %swap3A_66], %add3A_63 {strides = array<i32>} : memref<5x128xi32, #tpu.memory_space<vmem>>, vector<16xi32>,
    %reduce_sum3A_68 = arith.constant true
    %reduce_sum3A_69 = vector.broadcast %reduce_sum3A_68 : i1 to vector<16xi1>
    %reduce_sum3A_70 = tpu.scan <sum>, %get3A_57 masked %reduce_sum3A_69 : vector<16xi32>, vector<16xi1> -> vector<16xi32>
    %reduce_sum3A_71 = vector.extract %reduce_sum3A_70[15] : i32 from vector<16xi32>
    %add3A_72 = arith.addi %add3A_55, %reduce_sum3A_71 : i32
    %get3A_73 = arith.constant 32 : index
    %get3A_74 = tpu.vector_load %arg7[%get3A_73] {strides = array<i32>} : memref<640xi32, #tpu.memory_space<vmem>>, vector<16xi32>,
    %broadcast_in_dim3A_75 = arith.constant true
    %broadcast_in_dim3A_76 = vector.broadcast %broadcast_in_dim3A_75 : i1 to vector<16xi1>
    %masked_cumsum3A_77 = tpu.scan <sum>, %get3A_74 masked %broadcast_in_dim3A_76 : vector<16xi32>, vector<16xi1> -> vector<16xi32>
    %sub3A_78 = arith.subi %masked_cumsum3A_77, %get3A_74 : vector<16xi32>
    %add3A_79 = vector.broadcast %add3A_72 : i32 to vector<16xi32>
    %add3A_80 = arith.addi %sub3A_78, %add3A_79 : vector<16xi32>
    %swap3A_81 = arith.constant 0 : i32
    %swap3A_82 = arith.index_cast %swap3A_81 : i32 to index
    %swap3A_83 = arith.constant 32 : index
    %swap3A_84 = tpu.vector_load %arg8[%swap3A_82, %swap3A_83] {strides = array<i32>} : memref<5x128xi32, #tpu.memory_space<vmem>>, vector<16xi32>,
    tpu.vector_store %arg8[%swap3A_82, %swap3A_83], %add3A_80 {strides = array<i32>} : memref<5x128xi32, #tpu.memory_space<vmem>>, vector<16xi32>,
    %reduce_sum3A_85 = arith.constant true
    %reduce_sum3A_86 = vector.broadcast %reduce_sum3A_85 : i1 to vector<16xi1>
    %reduce_sum3A_87 = tpu.scan <sum>, %get3A_74 masked %reduce_sum3A_86 : vector<16xi32>, vector<16xi1> -> vector<16xi32>
    %reduce_sum3A_88 = vector.extract %reduce_sum3A_87[15] : i32 from vector<16xi32>
    %add3A_89 = arith.addi %add3A_72, %reduce_sum3A_88 : i32
    %get3A_90 = arith.constant 48 : index
    %get3A_91 = tpu.vector_load %arg7[%get3A_90] {strides = array<i32>} : memref<640xi32, #tpu.memory_space<vmem>>, vector<16xi32>,
    %broadcast_in_dim3A_92 = arith.constant true
    %broadcast_in_dim3A_93 = vector.broadcast %broadcast_in_dim3A_92 : i1 to vector<16xi1>
    %masked_cumsum3A_94 = tpu.scan <sum>, %get3A_91 masked %broadcast_in_dim3A_93 : vector<16xi32>, vector<16xi1> -> vector<16xi32>
    %sub3A_95 = arith.subi %masked_cumsum3A_94, %get3A_91 : vector<16xi32>
    %add3A_96 = vector.broadcast %add3A_89 : i32 to vector<16xi32>
    %add3A_97 = arith.addi %sub3A_95, %add3A_96 : vector<16xi32>
    %swap3A_98 = arith.constant 0 : i32
    %swap3A_99 = arith.index_cast %swap3A_98 : i32 to index
    %swap3A_100 = arith.constant 48 : index
    %swap3A_101 = tpu.vector_load %arg8[%swap3A_99, %swap3A_100] {strides = array<i32>} : memref<5x128xi32, #tpu.memory_space<vmem>>, vector<16xi32>,
    tpu.vector_store %arg8[%swap3A_99, %swap3A_100], %add3A_97 {strides = array<i32>} : memref<5x128xi32, #tpu.memory_space<vmem>>, vector<16xi32>,
    %reduce_sum3A_102 = arith.constant true
    %reduce_sum3A_103 = vector.broadcast %reduce_sum3A_102 : i1 to vector<16xi1>
    %reduce_sum3A_104 = tpu.scan <sum>, %get3A_91 masked %reduce_sum3A_103 : vector<16xi32>, vector<16xi1> -> vector<16xi32>
    %reduce_sum3A_105 = vector.extract %reduce_sum3A_104[15] : i32 from vector<16xi32>
    %add3A_106 = arith.addi %add3A_89, %reduce_sum3A_105 : i32
    %get3A_107 = arith.constant 64 : index
    %get3A_108 = tpu.vector_load %arg7[%get3A_107] {strides = array<i32>} : memref<640xi32, #tpu.memory_space<vmem>>, vector<16xi32>,
    %broadcast_in_dim3A_109 = arith.constant true
    %broadcast_in_dim3A_110 = vector.broadcast %broadcast_in_dim3A_109 : i1 to vector<16xi1>
    %masked_cumsum3A_111 = tpu.scan <sum>, %get3A_108 masked %broadcast_in_dim3A_110 : vector<16xi32>, vector<16xi1> -> vector<16xi32>
    %sub3A_112 = arith.subi %masked_cumsum3A_111, %get3A_108 : vector<16xi32>
    %add3A_113 = vector.broadcast %add3A_106 : i32 to vector<16xi32>
    %add3A_114 = arith.addi %sub3A_112, %add3A_113 : vector<16xi32>
    %swap3A_115 = arith.constant 0 : i32
    %swap3A_116 = arith.index_cast %swap3A_115 : i32 to index
    %swap3A_117 = arith.constant 64 : index
    %swap3A_118 = tpu.vector_load %arg8[%swap3A_116, %swap3A_117] {strides = array<i32>} : memref<5x128xi32, #tpu.memory_space<vmem>>, vector<16xi32>,
    tpu.vector_store %arg8[%swap3A_116, %swap3A_117], %add3A_114 {strides = array<i32>} : memref<5x128xi32, #tpu.memory_space<vmem>>, vector<16xi32>,
    %reduce_sum3A_119 = arith.constant true
    %reduce_sum3A_120 = vector.broadcast %reduce_sum3A_119 : i1 to vector<16xi1>
    %reduce_sum3A_121 = tpu.scan <sum>, %get3A_108 masked %reduce_sum3A_120 : vector<16xi32>, vector<16xi1> -> vector<16xi32>
    %reduce_sum3A_122 = vector.extract %reduce_sum3A_121[15] : i32 from vector<16xi32>
    %add3A_123 = arith.addi %add3A_106, %reduce_sum3A_122 : i32
    %get3A_124 = arith.constant 80 : index
    %get3A_125 = tpu.vector_load %arg7[%get3A_124] {strides = array<i32>} : memref<640xi32, #tpu.memory_space<vmem>>, vector<16xi32>,
    %broadcast_in_dim3A_126 = arith.constant true
    %broadcast_in_dim3A_127 = vector.broadcast %broadcast_in_dim3A_126 : i1 to vector<16xi1>
    %masked_cumsum3A_128 = tpu.scan <sum>, %get3A_125 masked %broadcast_in_dim3A_127 : vector<16xi32>, vector<16xi1> -> vector<16xi32>
    %sub3A_129 = arith.subi %masked_cumsum3A_128, %get3A_125 : vector<16xi32>
    %add3A_130 = vector.broadcast %add3A_123 : i32 to vector<16xi32>
    %add3A_131 = arith.addi %sub3A_129, %add3A_130 : vector<16xi32>
    %swap3A_132 = arith.constant 0 : i32
    %swap3A_133 = arith.index_cast %swap3A_132 : i32 to index
    %swap3A_134 = arith.constant 80 : index
    %swap3A_135 = tpu.vector_load %arg8[%swap3A_133, %swap3A_134] {strides = array<i32>} : memref<5x128xi32, #tpu.memory_space<vmem>>, vector<16xi32>,
    tpu.vector_store %arg8[%swap3A_133, %swap3A_134], %add3A_131 {strides = array<i32>} : memref<5x128xi32, #tpu.memory_space<vmem>>, vector<16xi32>,
    %reduce_sum3A_136 = arith.constant true
    %reduce_sum3A_137 = vector.broadcast %reduce_sum3A_136 : i1 to vector<16xi1>
    %reduce_sum3A_138 = tpu.scan <sum>, %get3A_125 masked %reduce_sum3A_137 : vector<16xi32>, vector<16xi1> -> vector<16xi32>
    %reduce_sum3A_139 = vector.extract %reduce_sum3A_138[15] : i32 from vector<16xi32>
    %add3A_140 = arith.addi %add3A_123, %reduce_sum3A_139 : i32
    %get3A_141 = arith.constant 96 : index
    %get3A_142 = tpu.vector_load %arg7[%get3A_141] {strides = array<i32>} : memref<640xi32, #tpu.memory_space<vmem>>, vector<16xi32>,
    %broadcast_in_dim3A_143 = arith.constant true
    %broadcast_in_dim3A_144 = vector.broadcast %broadcast_in_dim3A_143 : i1 to vector<16xi1>
    %masked_cumsum3A_145 = tpu.scan <sum>, %get3A_142 masked %broadcast_in_dim3A_144 : vector<16xi32>, vector<16xi1> -> vector<16xi32>
    %sub3A_146 = arith.subi %masked_cumsum3A_145, %get3A_142 : vector<16xi32>
    %add3A_147 = vector.broadcast %add3A_140 : i32 to vector<16xi32>
    %add3A_148 = arith.addi %sub3A_146, %add3A_147 : vector<16xi32>
    %swap3A_149 = arith.constant 0 : i32
    %swap3A_150 = arith.index_cast %swap3A_149 : i32 to index
    %swap3A_151 = arith.constant 96 : index
    %swap3A_152 = tpu.vector_load %arg8[%swap3A_150, %swap3A_151] {strides = array<i32>} : memref<5x128xi32, #tpu.memory_space<vmem>>, vector<16xi32>,
    tpu.vector_store %arg8[%swap3A_150, %swap3A_151], %add3A_148 {strides = array<i32>} : memref<5x128xi32, #tpu.memory_space<vmem>>, vector<16xi32>,
    %reduce_sum3A_153 = arith.constant true
    %reduce_sum3A_154 = vector.broadcast %reduce_sum3A_153 : i1 to vector<16xi1>
    %reduce_sum3A_155 = tpu.scan <sum>, %get3A_142 masked %reduce_sum3A_154 : vector<16xi32>, vector<16xi1> -> vector<16xi32>
    %reduce_sum3A_156 = vector.extract %reduce_sum3A_155[15] : i32 from vector<16xi32>
    %add3A_157 = arith.addi %add3A_140, %reduce_sum3A_156 : i32
    %get3A_158 = arith.constant 112 : index
    %get3A_159 = tpu.vector_load %arg7[%get3A_158] {strides = array<i32>} : memref<640xi32, #tpu.memory_space<vmem>>, vector<16xi32>,
    %broadcast_in_dim3A_160 = arith.constant true
    %broadcast_in_dim3A_161 = vector.broadcast %broadcast_in_dim3A_160 : i1 to vector<16xi1>
    %masked_cumsum3A_162 = tpu.scan <sum>, %get3A_159 masked %broadcast_in_dim3A_161 : vector<16xi32>, vector<16xi1> -> vector<16xi32>
    %sub3A_163 = arith.subi %masked_cumsum3A_162, %get3A_159 : vector<16xi32>
    %add3A_164 = vector.broadcast %add3A_157 : i32 to vector<16xi32>
    %add3A_165 = arith.addi %sub3A_163, %add3A_164 : vector<16xi32>
    %swap3A_166 = arith.constant 0 : i32
    %swap3A_167 = arith.index_cast %swap3A_166 : i32 to index
    %swap3A_168 = arith.constant 112 : index
    %swap3A_169 = tpu.vector_load %arg8[%swap3A_167, %swap3A_168] {strides = array<i32>} : memref<5x128xi32, #tpu.memory_space<vmem>>, vector<16xi32>,
    tpu.vector_store %arg8[%swap3A_167, %swap3A_168], %add3A_165 {strides = array<i32>} : memref<5x128xi32, #tpu.memory_space<vmem>>, vector<16xi32>,
    %reduce_sum3A_170 = arith.constant true
    %reduce_sum3A_171 = vector.broadcast %reduce_sum3A_170 : i1 to vector<16xi1>
    %reduce_sum3A_172 = tpu.scan <sum>, %get3A_159 masked %reduce_sum3A_171 : vector<16xi32>, vector<16xi1> -> vector<16xi32>
    %reduce_sum3A_173 = vector.extract %reduce_sum3A_172[15] : i32 from vector<16xi32>
    %add3A_174 = arith.addi %add3A_157, %reduce_sum3A_173 : i32
    %get3A_175 = arith.constant 128 : index
    %get3A_176 = tpu.vector_load %arg7[%get3A_175] {strides = array<i32>} : memref<640xi32, #tpu.memory_space<vmem>>, vector<16xi32>,
    %broadcast_in_dim3A_177 = arith.constant true
    %broadcast_in_dim3A_178 = vector.broadcast %broadcast_in_dim3A_177 : i1 to vector<16xi1>
    %masked_cumsum3A_179 = tpu.scan <sum>, %get3A_176 masked %broadcast_in_dim3A_178 : vector<16xi32>, vector<16xi1> -> vector<16xi32>
    %sub3A_180 = arith.subi %masked_cumsum3A_179, %get3A_176 : vector<16xi32>
    %add3A_181 = vector.broadcast %add3A_174 : i32 to vector<16xi32>
    %add3A_182 = arith.addi %sub3A_180, %add3A_181 : vector<16xi32>
    %swap3A_183 = arith.constant 1 : i32
    %swap3A_184 = arith.index_cast %swap3A_183 : i32 to index
    %swap3A_185 = arith.constant 0 : index
    %swap3A_186 = tpu.vector_load %arg8[%swap3A_184, %swap3A_185] {strides = array<i32>} : memref<5x128xi32, #tpu.memory_space<vmem>>, vector<16xi32>,
    tpu.vector_store %arg8[%swap3A_184, %swap3A_185], %add3A_182 {strides = array<i32>} : memref<5x128xi32, #tpu.memory_space<vmem>>, vector<16xi32>,
    %reduce_sum3A_187 = arith.constant true
    %reduce_sum3A_188 = vector.broadcast %reduce_sum3A_187 : i1 to vector<16xi1>
    %reduce_sum3A_189 = tpu.scan <sum>, %get3A_176 masked %reduce_sum3A_188 : vector<16xi32>, vector<16xi1> -> vector<16xi32>
    %reduce_sum3A_190 = vector.extract %reduce_sum3A_189[15] : i32 from vector<16xi32>
    %add3A_191 = arith.addi %add3A_174, %reduce_sum3A_190 : i32
    %get3A_192 = arith.constant 144 : index
    %get3A_193 = tpu.vector_load %arg7[%get3A_192] {strides = array<i32>} : memref<640xi32, #tpu.memory_space<vmem>>, vector<16xi32>,
    %broadcast_in_dim3A_194 = arith.constant true
    %broadcast_in_dim3A_195 = vector.broadcast %broadcast_in_dim3A_194 : i1 to vector<16xi1>
    %masked_cumsum3A_196 = tpu.scan <sum>, %get3A_193 masked %broadcast_in_dim3A_195 : vector<16xi32>, vector<16xi1> -> vector<16xi32>
    %sub3A_197 = arith.subi %masked_cumsum3A_196, %get3A_193 : vector<16xi32>
    %add3A_198 = vector.broadcast %add3A_191 : i32 to vector<16xi32>
    %add3A_199 = arith.addi %sub3A_197, %add3A_198 : vector<16xi32>
    %swap3A_200 = arith.constant 1 : i32
    %swap3A_201 = arith.index_cast %swap3A_200 : i32 to index
    %swap3A_202 = arith.constant 16 : index
    %swap3A_203 = tpu.vector_load %arg8[%swap3A_201, %swap3A_202] {strides = array<i32>} : memref<5x128xi32, #tpu.memory_space<vmem>>, vector<16xi32>,
    tpu.vector_store %arg8[%swap3A_201, %swap3A_202], %add3A_199 {strides = array<i32>} : memref<5x128xi32, #tpu.memory_space<vmem>>, vector<16xi32>,
    %reduce_sum3A_204 = arith.constant true
    %reduce_sum3A_205 = vector.broadcast %reduce_sum3A_204 : i1 to vector<16xi1>
    %reduce_sum3A_206 = tpu.scan <sum>, %get3A_193 masked %reduce_sum3A_205 : vector<16xi32>, vector<16xi1> -> vector<16xi32>
    %reduce_sum3A_207 = vector.extract %reduce_sum3A_206[15] : i32 from vector<16xi32>
    %add3A_208 = arith.addi %add3A_191, %reduce_sum3A_207 : i32
    %get3A_209 = arith.constant 160 : index
    %get3A_210 = tpu.vector_load %arg7[%get3A_209] {strides = array<i32>} : memref<640xi32, #tpu.memory_space<vmem>>, vector<16xi32>,
    %broadcast_in_dim3A_211 = arith.constant true
    %broadcast_in_dim3A_212 = vector.broadcast %broadcast_in_dim3A_211 : i1 to vector<16xi1>
    %masked_cumsum3A_213 = tpu.scan <sum>, %get3A_210 masked %broadcast_in_dim3A_212 : vector<16xi32>, vector<16xi1> -> vector<16xi32>
    %sub3A_214 = arith.subi %masked_cumsum3A_213, %get3A_210 : vector<16xi32>
    %add3A_215 = vector.broadcast %add3A_208 : i32 to vector<16xi32>
    %add3A_216 = arith.addi %sub3A_214, %add3A_215 : vector<16xi32>
    %swap3A_217 = arith.constant 1 : i32
    %swap3A_218 = arith.index_cast %swap3A_217 : i32 to index
    %swap3A_219 = arith.constant 32 : index
    %swap3A_220 = tpu.vector_load %arg8[%swap3A_218, %swap3A_219] {strides = array<i32>} : memref<5x128xi32, #tpu.memory_space<vmem>>, vector<16xi32>,
    tpu.vector_store %arg8[%swap3A_218, %swap3A_219], %add3A_216 {strides = array<i32>} : memref<5x128xi32, #tpu.memory_space<vmem>>, vector<16xi32>,
    %reduce_sum3A_221 = arith.constant true
    %reduce_sum3A_222 = vector.broadcast %reduce_sum3A_221 : i1 to vector<16xi1>
    %reduce_sum3A_223 = tpu.scan <sum>, %get3A_210 masked %reduce_sum3A_222 : vector<16xi32>, vector<16xi1> -> vector<16xi32>
    %reduce_sum3A_224 = vector.extract %reduce_sum3A_223[15] : i32 from vector<16xi32>
    %add3A_225 = arith.addi %add3A_208, %reduce_sum3A_224 : i32
    %get3A_226 = arith.constant 176 : index
    %get3A_227 = tpu.vector_load %arg7[%get3A_226] {strides = array<i32>} : memref<640xi32, #tpu.memory_space<vmem>>, vector<16xi32>,
    %broadcast_in_dim3A_228 = arith.constant true
    %broadcast_in_dim3A_229 = vector.broadcast %broadcast_in_dim3A_228 : i1 to vector<16xi1>
    %masked_cumsum3A_230 = tpu.scan <sum>, %get3A_227 masked %broadcast_in_dim3A_229 : vector<16xi32>, vector<16xi1> -> vector<16xi32>
    %sub3A_231 = arith.subi %masked_cumsum3A_230, %get3A_227 : vector<16xi32>
    %add3A_232 = vector.broadcast %add3A_225 : i32 to vector<16xi32>
    %add3A_233 = arith.addi %sub3A_231, %add3A_232 : vector<16xi32>
    %swap3A_234 = arith.constant 1 : i32
    %swap3A_235 = arith.index_cast %swap3A_234 : i32 to index
    %swap3A_236 = arith.constant 48 : index
    %swap3A_237 = tpu.vector_load %arg8[%swap3A_235, %swap3A_236] {strides = array<i32>} : memref<5x128xi32, #tpu.memory_space<vmem>>, vector<16xi32>,
    tpu.vector_store %arg8[%swap3A_235, %swap3A_236], %add3A_233 {strides = array<i32>} : memref<5x128xi32, #tpu.memory_space<vmem>>, vector<16xi32>,
    %reduce_sum3A_238 = arith.constant true
    %reduce_sum3A_239 = vector.broadcast %reduce_sum3A_238 : i1 to vector<16xi1>
    %reduce_sum3A_240 = tpu.scan <sum>, %get3A_227 masked %reduce_sum3A_239 : vector<16xi32>, vector<16xi1> -> vector<16xi32>
    %reduce_sum3A_241 = vector.extract %reduce_sum3A_240[15] : i32 from vector<16xi32>
    %add3A_242 = arith.addi %add3A_225, %reduce_sum3A_241 : i32
    %get3A_243 = arith.constant 192 : index
    %get3A_244 = tpu.vector_load %arg7[%get3A_243] {strides = array<i32>} : memref<640xi32, #tpu.memory_space<vmem>>, vector<16xi32>,
    %broadcast_in_dim3A_245 = arith.constant true
    %broadcast_in_dim3A_246 = vector.broadcast %broadcast_in_dim3A_245 : i1 to vector<16xi1>
    %masked_cumsum3A_247 = tpu.scan <sum>, %get3A_244 masked %broadcast_in_dim3A_246 : vector<16xi32>, vector<16xi1> -> vector<16xi32>
    %sub3A_248 = arith.subi %masked_cumsum3A_247, %get3A_244 : vector<16xi32>
    %add3A_249 = vector.broadcast %add3A_242 : i32 to vector<16xi32>
    %add3A_250 = arith.addi %sub3A_248, %add3A_249 : vector<16xi32>
    %swap3A_251 = arith.constant 1 : i32
    %swap3A_252 = arith.index_cast %swap3A_251 : i32 to index
    %swap3A_253 = arith.constant 64 : index
    %swap3A_254 = tpu.vector_load %arg8[%swap3A_252, %swap3A_253] {strides = array<i32>} : memref<5x128xi32, #tpu.memory_space<vmem>>, vector<16xi32>,
    tpu.vector_store %arg8[%swap3A_252, %swap3A_253], %add3A_250 {strides = array<i32>} : memref<5x128xi32, #tpu.memory_space<vmem>>, vector<16xi32>,
    %reduce_sum3A_255 = arith.constant true
    %reduce_sum3A_256 = vector.broadcast %reduce_sum3A_255 : i1 to vector<16xi1>
    %reduce_sum3A_257 = tpu.scan <sum>, %get3A_244 masked %reduce_sum3A_256 : vector<16xi32>, vector<16xi1> -> vector<16xi32>
    %reduce_sum3A_258 = vector.extract %reduce_sum3A_257[15] : i32 from vector<16xi32>
    %add3A_259 = arith.addi %add3A_242, %reduce_sum3A_258 : i32
    %get3A_260 = arith.constant 208 : index
    %get3A_261 = tpu.vector_load %arg7[%get3A_260] {strides = array<i32>} : memref<640xi32, #tpu.memory_space<vmem>>, vector<16xi32>,
    %broadcast_in_dim3A_262 = arith.constant true
    %broadcast_in_dim3A_263 = vector.broadcast %broadcast_in_dim3A_262 : i1 to vector<16xi1>
    %masked_cumsum3A_264 = tpu.scan <sum>, %get3A_261 masked %broadcast_in_dim3A_263 : vector<16xi32>, vector<16xi1> -> vector<16xi32>
    %sub3A_265 = arith.subi %masked_cumsum3A_264, %get3A_261 : vector<16xi32>
    %add3A_266 = vector.broadcast %add3A_259 : i32 to vector<16xi32>
    %add3A_267 = arith.addi %sub3A_265, %add3A_266 : vector<16xi32>
    %swap3A_268 = arith.constant 1 : i32
    %swap3A_269 = arith.index_cast %swap3A_268 : i32 to index
    %swap3A_270 = arith.constant 80 : index
    %swap3A_271 = tpu.vector_load %arg8[%swap3A_269, %swap3A_270] {strides = array<i32>} : memref<5x128xi32, #tpu.memory_space<vmem>>, vector<16xi32>,
    tpu.vector_store %arg8[%swap3A_269, %swap3A_270], %add3A_267 {strides = array<i32>} : memref<5x128xi32, #tpu.memory_space<vmem>>, vector<16xi32>,
    %reduce_sum3A_272 = arith.constant true
    %reduce_sum3A_273 = vector.broadcast %reduce_sum3A_272 : i1 to vector<16xi1>
    %reduce_sum3A_274 = tpu.scan <sum>, %get3A_261 masked %reduce_sum3A_273 : vector<16xi32>, vector<16xi1> -> vector<16xi32>
    %reduce_sum3A_275 = vector.extract %reduce_sum3A_274[15] : i32 from vector<16xi32>
    %add3A_276 = arith.addi %add3A_259, %reduce_sum3A_275 : i32
    %get3A_277 = arith.constant 224 : index
    %get3A_278 = tpu.vector_load %arg7[%get3A_277] {strides = array<i32>} : memref<640xi32, #tpu.memory_space<vmem>>, vector<16xi32>,
    %broadcast_in_dim3A_279 = arith.constant true
    %broadcast_in_dim3A_280 = vector.broadcast %broadcast_in_dim3A_279 : i1 to vector<16xi1>
    %masked_cumsum3A_281 = tpu.scan <sum>, %get3A_278 masked %broadcast_in_dim3A_280 : vector<16xi32>, vector<16xi1> -> vector<16xi32>
    %sub3A_282 = arith.subi %masked_cumsum3A_281, %get3A_278 : vector<16xi32>
    %add3A_283 = vector.broadcast %add3A_276 : i32 to vector<16xi32>
    %add3A_284 = arith.addi %sub3A_282, %add3A_283 : vector<16xi32>
    %swap3A_285 = arith.constant 1 : i32
    %swap3A_286 = arith.index_cast %swap3A_285 : i32 to index
    %swap3A_287 = arith.constant 96 : index
    %swap3A_288 = tpu.vector_load %arg8[%swap3A_286, %swap3A_287] {strides = array<i32>} : memref<5x128xi32, #tpu.memory_space<vmem>>, vector<16xi32>,
    tpu.vector_store %arg8[%swap3A_286, %swap3A_287], %add3A_284 {strides = array<i32>} : memref<5x128xi32, #tpu.memory_space<vmem>>, vector<16xi32>,
    %reduce_sum3A_289 = arith.constant true
    %reduce_sum3A_290 = vector.broadcast %reduce_sum3A_289 : i1 to vector<16xi1>
    %reduce_sum3A_291 = tpu.scan <sum>, %get3A_278 masked %reduce_sum3A_290 : vector<16xi32>, vector<16xi1> -> vector<16xi32>
    %reduce_sum3A_292 = vector.extract %reduce_sum3A_291[15] : i32 from vector<16xi32>
    %add3A_293 = arith.addi %add3A_276, %reduce_sum3A_292 : i32
    %get3A_294 = arith.constant 240 : index
    %get3A_295 = tpu.vector_load %arg7[%get3A_294] {strides = array<i32>} : memref<640xi32, #tpu.memory_space<vmem>>, vector<16xi32>,
    %broadcast_in_dim3A_296 = arith.constant true
    %broadcast_in_dim3A_297 = vector.broadcast %broadcast_in_dim3A_296 : i1 to vector<16xi1>
    %masked_cumsum3A_298 = tpu.scan <sum>, %get3A_295 masked %broadcast_in_dim3A_297 : vector<16xi32>, vector<16xi1> -> vector<16xi32>
    %sub3A_299 = arith.subi %masked_cumsum3A_298, %get3A_295 : vector<16xi32>
    %add3A_300 = vector.broadcast %add3A_293 : i32 to vector<16xi32>
    %add3A_301 = arith.addi %sub3A_299, %add3A_300 : vector<16xi32>
    %swap3A_302 = arith.constant 1 : i32
    %swap3A_303 = arith.index_cast %swap3A_302 : i32 to index
    %swap3A_304 = arith.constant 112 : index
    %swap3A_305 = tpu.vector_load %arg8[%swap3A_303, %swap3A_304] {strides = array<i32>} : memref<5x128xi32, #tpu.memory_space<vmem>>, vector<16xi32>,
    tpu.vector_store %arg8[%swap3A_303, %swap3A_304], %add3A_301 {strides = array<i32>} : memref<5x128xi32, #tpu.memory_space<vmem>>, vector<16xi32>,
    %reduce_sum3A_306 = arith.constant true
    %reduce_sum3A_307 = vector.broadcast %reduce_sum3A_306 : i1 to vector<16xi1>
    %reduce_sum3A_308 = tpu.scan <sum>, %get3A_295 masked %reduce_sum3A_307 : vector<16xi32>, vector<16xi1> -> vector<16xi32>
    %reduce_sum3A_309 = vector.extract %reduce_sum3A_308[15] : i32 from vector<16xi32>
    %add3A_310 = arith.addi %add3A_293, %reduce_sum3A_309 : i32
    %get3A_311 = arith.constant 256 : index
    %get3A_312 = tpu.vector_load %arg7[%get3A_311] {strides = array<i32>} : memref<640xi32, #tpu.memory_space<vmem>>, vector<16xi32>,
    %broadcast_in_dim3A_313 = arith.constant true
    %broadcast_in_dim3A_314 = vector.broadcast %broadcast_in_dim3A_313 : i1 to vector<16xi1>
    %masked_cumsum3A_315 = tpu.scan <sum>, %get3A_312 masked %broadcast_in_dim3A_314 : vector<16xi32>, vector<16xi1> -> vector<16xi32>
    %sub3A_316 = arith.subi %masked_cumsum3A_315, %get3A_312 : vector<16xi32>
    %add3A_317 = vector.broadcast %add3A_310 : i32 to vector<16xi32>
    %add3A_318 = arith.addi %sub3A_316, %add3A_317 : vector<16xi32>
    %swap3A_319 = arith.constant 2 : i32
    %swap3A_320 = arith.index_cast %swap3A_319 : i32 to index
    %swap3A_321 = arith.constant 0 : index
    %swap3A_322 = tpu.vector_load %arg8[%swap3A_320, %swap3A_321] {strides = array<i32>} : memref<5x128xi32, #tpu.memory_space<vmem>>, vector<16xi32>,
    tpu.vector_store %arg8[%swap3A_320, %swap3A_321], %add3A_318 {strides = array<i32>} : memref<5x128xi32, #tpu.memory_space<vmem>>, vector<16xi32>,
    %reduce_sum3A_323 = arith.constant true
    %reduce_sum3A_324 = vector.broadcast %reduce_sum3A_323 : i1 to vector<16xi1>
    %reduce_sum3A_325 = tpu.scan <sum>, %get3A_312 masked %reduce_sum3A_324 : vector<16xi32>, vector<16xi1> -> vector<16xi32>
    %reduce_sum3A_326 = vector.extract %reduce_sum3A_325[15] : i32 from vector<16xi32>
    %add3A_327 = arith.addi %add3A_310, %reduce_sum3A_326 : i32
    %get3A_328 = arith.constant 272 : index
    %get3A_329 = tpu.vector_load %arg7[%get3A_328] {strides = array<i32>} : memref<640xi32, #tpu.memory_space<vmem>>, vector<16xi32>,
    %broadcast_in_dim3A_330 = arith.constant true
    %broadcast_in_dim3A_331 = vector.broadcast %broadcast_in_dim3A_330 : i1 to vector<16xi1>
    %masked_cumsum3A_332 = tpu.scan <sum>, %get3A_329 masked %broadcast_in_dim3A_331 : vector<16xi32>, vector<16xi1> -> vector<16xi32>
    %sub3A_333 = arith.subi %masked_cumsum3A_332, %get3A_329 : vector<16xi32>
    %add3A_334 = vector.broadcast %add3A_327 : i32 to vector<16xi32>
    %add3A_335 = arith.addi %sub3A_333, %add3A_334 : vector<16xi32>
    %swap3A_336 = arith.constant 2 : i32
    %swap3A_337 = arith.index_cast %swap3A_336 : i32 to index
    %swap3A_338 = arith.constant 16 : index
    %swap3A_339 = tpu.vector_load %arg8[%swap3A_337, %swap3A_338] {strides = array<i32>} : memref<5x128xi32, #tpu.memory_space<vmem>>, vector<16xi32>,
    tpu.vector_store %arg8[%swap3A_337, %swap3A_338], %add3A_335 {strides = array<i32>} : memref<5x128xi32, #tpu.memory_space<vmem>>, vector<16xi32>,
    %reduce_sum3A_340 = arith.constant true
    %reduce_sum3A_341 = vector.broadcast %reduce_sum3A_340 : i1 to vector<16xi1>
    %reduce_sum3A_342 = tpu.scan <sum>, %get3A_329 masked %reduce_sum3A_341 : vector<16xi32>, vector<16xi1> -> vector<16xi32>
    %reduce_sum3A_343 = vector.extract %reduce_sum3A_342[15] : i32 from vector<16xi32>
    %add3A_344 = arith.addi %add3A_327, %reduce_sum3A_343 : i32
    %get3A_345 = arith.constant 288 : index
    %get3A_346 = tpu.vector_load %arg7[%get3A_345] {strides = array<i32>} : memref<640xi32, #tpu.memory_space<vmem>>, vector<16xi32>,
    %broadcast_in_dim3A_347 = arith.constant true
    %broadcast_in_dim3A_348 = vector.broadcast %broadcast_in_dim3A_347 : i1 to vector<16xi1>
    %masked_cumsum3A_349 = tpu.scan <sum>, %get3A_346 masked %broadcast_in_dim3A_348 : vector<16xi32>, vector<16xi1> -> vector<16xi32>
    %sub3A_350 = arith.subi %masked_cumsum3A_349, %get3A_346 : vector<16xi32>
    %add3A_351 = vector.broadcast %add3A_344 : i32 to vector<16xi32>
    %add3A_352 = arith.addi %sub3A_350, %add3A_351 : vector<16xi32>
    %swap3A_353 = arith.constant 2 : i32
    %swap3A_354 = arith.index_cast %swap3A_353 : i32 to index
    %swap3A_355 = arith.constant 32 : index
    %swap3A_356 = tpu.vector_load %arg8[%swap3A_354, %swap3A_355] {strides = array<i32>} : memref<5x128xi32, #tpu.memory_space<vmem>>, vector<16xi32>,
    tpu.vector_store %arg8[%swap3A_354, %swap3A_355], %add3A_352 {strides = array<i32>} : memref<5x128xi32, #tpu.memory_space<vmem>>, vector<16xi32>,
    %reduce_sum3A_357 = arith.constant true
    %reduce_sum3A_358 = vector.broadcast %reduce_sum3A_357 : i1 to vector<16xi1>
    %reduce_sum3A_359 = tpu.scan <sum>, %get3A_346 masked %reduce_sum3A_358 : vector<16xi32>, vector<16xi1> -> vector<16xi32>
    %reduce_sum3A_360 = vector.extract %reduce_sum3A_359[15] : i32 from vector<16xi32>
    %add3A_361 = arith.addi %add3A_344, %reduce_sum3A_360 : i32
    %get3A_362 = arith.constant 304 : index
    %get3A_363 = tpu.vector_load %arg7[%get3A_362] {strides = array<i32>} : memref<640xi32, #tpu.memory_space<vmem>>, vector<16xi32>,
    %broadcast_in_dim3A_364 = arith.constant true
    %broadcast_in_dim3A_365 = vector.broadcast %broadcast_in_dim3A_364 : i1 to vector<16xi1>
    %masked_cumsum3A_366 = tpu.scan <sum>, %get3A_363 masked %broadcast_in_dim3A_365 : vector<16xi32>, vector<16xi1> -> vector<16xi32>
    %sub3A_367 = arith.subi %masked_cumsum3A_366, %get3A_363 : vector<16xi32>
    %add3A_368 = vector.broadcast %add3A_361 : i32 to vector<16xi32>
    %add3A_369 = arith.addi %sub3A_367, %add3A_368 : vector<16xi32>
    %swap3A_370 = arith.constant 2 : i32
    %swap3A_371 = arith.index_cast %swap3A_370 : i32 to index
    %swap3A_372 = arith.constant 48 : index
    %swap3A_373 = tpu.vector_load %arg8[%swap3A_371, %swap3A_372] {strides = array<i32>} : memref<5x128xi32, #tpu.memory_space<vmem>>, vector<16xi32>,
    tpu.vector_store %arg8[%swap3A_371, %swap3A_372], %add3A_369 {strides = array<i32>} : memref<5x128xi32, #tpu.memory_space<vmem>>, vector<16xi32>,
    %reduce_sum3A_374 = arith.constant true
    %reduce_sum3A_375 = vector.broadcast %reduce_sum3A_374 : i1 to vector<16xi1>
    %reduce_sum3A_376 = tpu.scan <sum>, %get3A_363 masked %reduce_sum3A_375 : vector<16xi32>, vector<16xi1> -> vector<16xi32>
    %reduce_sum3A_377 = vector.extract %reduce_sum3A_376[15] : i32 from vector<16xi32>
    %add3A_378 = arith.addi %add3A_361, %reduce_sum3A_377 : i32
    %get3A_379 = arith.constant 320 : index
    %get3A_380 = tpu.vector_load %arg7[%get3A_379] {strides = array<i32>} : memref<640xi32, #tpu.memory_space<vmem>>, vector<16xi32>,
    %broadcast_in_dim3A_381 = arith.constant true
    %broadcast_in_dim3A_382 = vector.broadcast %broadcast_in_dim3A_381 : i1 to vector<16xi1>
    %masked_cumsum3A_383 = tpu.scan <sum>, %get3A_380 masked %broadcast_in_dim3A_382 : vector<16xi32>, vector<16xi1> -> vector<16xi32>
    %sub3A_384 = arith.subi %masked_cumsum3A_383, %get3A_380 : vector<16xi32>
    %add3A_385 = vector.broadcast %add3A_378 : i32 to vector<16xi32>
    %add3A_386 = arith.addi %sub3A_384, %add3A_385 : vector<16xi32>
    %swap3A_387 = arith.constant 2 : i32
    %swap3A_388 = arith.index_cast %swap3A_387 : i32 to index
    %swap3A_389 = arith.constant 64 : index
    %swap3A_390 = tpu.vector_load %arg8[%swap3A_388, %swap3A_389] {strides = array<i32>} : memref<5x128xi32, #tpu.memory_space<vmem>>, vector<16xi32>,
    tpu.vector_store %arg8[%swap3A_388, %swap3A_389], %add3A_386 {strides = array<i32>} : memref<5x128xi32, #tpu.memory_space<vmem>>, vector<16xi32>,
    %reduce_sum3A_391 = arith.constant true
    %reduce_sum3A_392 = vector.broadcast %reduce_sum3A_391 : i1 to vector<16xi1>
    %reduce_sum3A_393 = tpu.scan <sum>, %get3A_380 masked %reduce_sum3A_392 : vector<16xi32>, vector<16xi1> -> vector<16xi32>
    %reduce_sum3A_394 = vector.extract %reduce_sum3A_393[15] : i32 from vector<16xi32>
    %add3A_395 = arith.addi %add3A_378, %reduce_sum3A_394 : i32
    %get3A_396 = arith.constant 336 : index
    %get3A_397 = tpu.vector_load %arg7[%get3A_396] {strides = array<i32>} : memref<640xi32, #tpu.memory_space<vmem>>, vector<16xi32>,
    %broadcast_in_dim3A_398 = arith.constant true
    %broadcast_in_dim3A_399 = vector.broadcast %broadcast_in_dim3A_398 : i1 to vector<16xi1>
    %masked_cumsum3A_400 = tpu.scan <sum>, %get3A_397 masked %broadcast_in_dim3A_399 : vector<16xi32>, vector<16xi1> -> vector<16xi32>
    %sub3A_401 = arith.subi %masked_cumsum3A_400, %get3A_397 : vector<16xi32>
    %add3A_402 = vector.broadcast %add3A_395 : i32 to vector<16xi32>
    %add3A_403 = arith.addi %sub3A_401, %add3A_402 : vector<16xi32>
    %swap3A_404 = arith.constant 2 : i32
    %swap3A_405 = arith.index_cast %swap3A_404 : i32 to index
    %swap3A_406 = arith.constant 80 : index
    %swap3A_407 = tpu.vector_load %arg8[%swap3A_405, %swap3A_406] {strides = array<i32>} : memref<5x128xi32, #tpu.memory_space<vmem>>, vector<16xi32>,
    tpu.vector_store %arg8[%swap3A_405, %swap3A_406], %add3A_403 {strides = array<i32>} : memref<5x128xi32, #tpu.memory_space<vmem>>, vector<16xi32>,
    %reduce_sum3A_408 = arith.constant true
    %reduce_sum3A_409 = vector.broadcast %reduce_sum3A_408 : i1 to vector<16xi1>
    %reduce_sum3A_410 = tpu.scan <sum>, %get3A_397 masked %reduce_sum3A_409 : vector<16xi32>, vector<16xi1> -> vector<16xi32>
    %reduce_sum3A_411 = vector.extract %reduce_sum3A_410[15] : i32 from vector<16xi32>
    %add3A_412 = arith.addi %add3A_395, %reduce_sum3A_411 : i32
    %get3A_413 = arith.constant 352 : index
    %get3A_414 = tpu.vector_load %arg7[%get3A_413] {strides = array<i32>} : memref<640xi32, #tpu.memory_space<vmem>>, vector<16xi32>,
    %broadcast_in_dim3A_415 = arith.constant true
    %broadcast_in_dim3A_416 = vector.broadcast %broadcast_in_dim3A_415 : i1 to vector<16xi1>
    %masked_cumsum3A_417 = tpu.scan <sum>, %get3A_414 masked %broadcast_in_dim3A_416 : vector<16xi32>, vector<16xi1> -> vector<16xi32>
    %sub3A_418 = arith.subi %masked_cumsum3A_417, %get3A_414 : vector<16xi32>
    %add3A_419 = vector.broadcast %add3A_412 : i32 to vector<16xi32>
    %add3A_420 = arith.addi %sub3A_418, %add3A_419 : vector<16xi32>
    %swap3A_421 = arith.constant 2 : i32
    %swap3A_422 = arith.index_cast %swap3A_421 : i32 to index
    %swap3A_423 = arith.constant 96 : index
    %swap3A_424 = tpu.vector_load %arg8[%swap3A_422, %swap3A_423] {strides = array<i32>} : memref<5x128xi32, #tpu.memory_space<vmem>>, vector<16xi32>,
    tpu.vector_store %arg8[%swap3A_422, %swap3A_423], %add3A_420 {strides = array<i32>} : memref<5x128xi32, #tpu.memory_space<vmem>>, vector<16xi32>,
    %reduce_sum3A_425 = arith.constant true
    %reduce_sum3A_426 = vector.broadcast %reduce_sum3A_425 : i1 to vector<16xi1>
    %reduce_sum3A_427 = tpu.scan <sum>, %get3A_414 masked %reduce_sum3A_426 : vector<16xi32>, vector<16xi1> -> vector<16xi32>
    %reduce_sum3A_428 = vector.extract %reduce_sum3A_427[15] : i32 from vector<16xi32>
    %add3A_429 = arith.addi %add3A_412, %reduce_sum3A_428 : i32
    %get3A_430 = arith.constant 368 : index
    %get3A_431 = tpu.vector_load %arg7[%get3A_430] {strides = array<i32>} : memref<640xi32, #tpu.memory_space<vmem>>, vector<16xi32>,
    %broadcast_in_dim3A_432 = arith.constant true
    %broadcast_in_dim3A_433 = vector.broadcast %broadcast_in_dim3A_432 : i1 to vector<16xi1>
    %masked_cumsum3A_434 = tpu.scan <sum>, %get3A_431 masked %broadcast_in_dim3A_433 : vector<16xi32>, vector<16xi1> -> vector<16xi32>
    %sub3A_435 = arith.subi %masked_cumsum3A_434, %get3A_431 : vector<16xi32>
    %add3A_436 = vector.broadcast %add3A_429 : i32 to vector<16xi32>
    %add3A_437 = arith.addi %sub3A_435, %add3A_436 : vector<16xi32>
    %swap3A_438 = arith.constant 2 : i32
    %swap3A_439 = arith.index_cast %swap3A_438 : i32 to index
    %swap3A_440 = arith.constant 112 : index
    %swap3A_441 = tpu.vector_load %arg8[%swap3A_439, %swap3A_440] {strides = array<i32>} : memref<5x128xi32, #tpu.memory_space<vmem>>, vector<16xi32>,
    tpu.vector_store %arg8[%swap3A_439, %swap3A_440], %add3A_437 {strides = array<i32>} : memref<5x128xi32, #tpu.memory_space<vmem>>, vector<16xi32>,
    %reduce_sum3A_442 = arith.constant true
    %reduce_sum3A_443 = vector.broadcast %reduce_sum3A_442 : i1 to vector<16xi1>
    %reduce_sum3A_444 = tpu.scan <sum>, %get3A_431 masked %reduce_sum3A_443 : vector<16xi32>, vector<16xi1> -> vector<16xi32>
    %reduce_sum3A_445 = vector.extract %reduce_sum3A_444[15] : i32 from vector<16xi32>
    %add3A_446 = arith.addi %add3A_429, %reduce_sum3A_445 : i32
    %get3A_447 = arith.constant 384 : index
    %get3A_448 = tpu.vector_load %arg7[%get3A_447] {strides = array<i32>} : memref<640xi32, #tpu.memory_space<vmem>>, vector<16xi32>,
    %broadcast_in_dim3A_449 = arith.constant true
    %broadcast_in_dim3A_450 = vector.broadcast %broadcast_in_dim3A_449 : i1 to vector<16xi1>
    %masked_cumsum3A_451 = tpu.scan <sum>, %get3A_448 masked %broadcast_in_dim3A_450 : vector<16xi32>, vector<16xi1> -> vector<16xi32>
    %sub3A_452 = arith.subi %masked_cumsum3A_451, %get3A_448 : vector<16xi32>
    %add3A_453 = vector.broadcast %add3A_446 : i32 to vector<16xi32>
    %add3A_454 = arith.addi %sub3A_452, %add3A_453 : vector<16xi32>
    %swap3A_455 = arith.constant 3 : i32
    %swap3A_456 = arith.index_cast %swap3A_455 : i32 to index
    %swap3A_457 = arith.constant 0 : index
    %swap3A_458 = tpu.vector_load %arg8[%swap3A_456, %swap3A_457] {strides = array<i32>} : memref<5x128xi32, #tpu.memory_space<vmem>>, vector<16xi32>,
    tpu.vector_store %arg8[%swap3A_456, %swap3A_457], %add3A_454 {strides = array<i32>} : memref<5x128xi32, #tpu.memory_space<vmem>>, vector<16xi32>,
    %reduce_sum3A_459 = arith.constant true
    %reduce_sum3A_460 = vector.broadcast %reduce_sum3A_459 : i1 to vector<16xi1>
    %reduce_sum3A_461 = tpu.scan <sum>, %get3A_448 masked %reduce_sum3A_460 : vector<16xi32>, vector<16xi1> -> vector<16xi32>
    %reduce_sum3A_462 = vector.extract %reduce_sum3A_461[15] : i32 from vector<16xi32>
    %add3A_463 = arith.addi %add3A_446, %reduce_sum3A_462 : i32
    %get3A_464 = arith.constant 400 : index
    %get3A_465 = tpu.vector_load %arg7[%get3A_464] {strides = array<i32>} : memref<640xi32, #tpu.memory_space<vmem>>, vector<16xi32>,
    %broadcast_in_dim3A_466 = arith.constant true
    %broadcast_in_dim3A_467 = vector.broadcast %broadcast_in_dim3A_466 : i1 to vector<16xi1>
    %masked_cumsum3A_468 = tpu.scan <sum>, %get3A_465 masked %broadcast_in_dim3A_467 : vector<16xi32>, vector<16xi1> -> vector<16xi32>
    %sub3A_469 = arith.subi %masked_cumsum3A_468, %get3A_465 : vector<16xi32>
    %add3A_470 = vector.broadcast %add3A_463 : i32 to vector<16xi32>
    %add3A_471 = arith.addi %sub3A_469, %add3A_470 : vector<16xi32>
    %swap3A_472 = arith.constant 3 : i32
    %swap3A_473 = arith.index_cast %swap3A_472 : i32 to index
    %swap3A_474 = arith.constant 16 : index
    %swap3A_475 = tpu.vector_load %arg8[%swap3A_473, %swap3A_474] {strides = array<i32>} : memref<5x128xi32, #tpu.memory_space<vmem>>, vector<16xi32>,
    tpu.vector_store %arg8[%swap3A_473, %swap3A_474], %add3A_471 {strides = array<i32>} : memref<5x128xi32, #tpu.memory_space<vmem>>, vector<16xi32>,
    %reduce_sum3A_476 = arith.constant true
    %reduce_sum3A_477 = vector.broadcast %reduce_sum3A_476 : i1 to vector<16xi1>
    %reduce_sum3A_478 = tpu.scan <sum>, %get3A_465 masked %reduce_sum3A_477 : vector<16xi32>, vector<16xi1> -> vector<16xi32>
    %reduce_sum3A_479 = vector.extract %reduce_sum3A_478[15] : i32 from vector<16xi32>
    %add3A_480 = arith.addi %add3A_463, %reduce_sum3A_479 : i32
    %get3A_481 = arith.constant 416 : index
    %get3A_482 = tpu.vector_load %arg7[%get3A_481] {strides = array<i32>} : memref<640xi32, #tpu.memory_space<vmem>>, vector<16xi32>,
    %broadcast_in_dim3A_483 = arith.constant true
    %broadcast_in_dim3A_484 = vector.broadcast %broadcast_in_dim3A_483 : i1 to vector<16xi1>
    %masked_cumsum3A_485 = tpu.scan <sum>, %get3A_482 masked %broadcast_in_dim3A_484 : vector<16xi32>, vector<16xi1> -> vector<16xi32>
    %sub3A_486 = arith.subi %masked_cumsum3A_485, %get3A_482 : vector<16xi32>
    %add3A_487 = vector.broadcast %add3A_480 : i32 to vector<16xi32>
    %add3A_488 = arith.addi %sub3A_486, %add3A_487 : vector<16xi32>
    %swap3A_489 = arith.constant 3 : i32
    %swap3A_490 = arith.index_cast %swap3A_489 : i32 to index
    %swap3A_491 = arith.constant 32 : index
    %swap3A_492 = tpu.vector_load %arg8[%swap3A_490, %swap3A_491] {strides = array<i32>} : memref<5x128xi32, #tpu.memory_space<vmem>>, vector<16xi32>,
    tpu.vector_store %arg8[%swap3A_490, %swap3A_491], %add3A_488 {strides = array<i32>} : memref<5x128xi32, #tpu.memory_space<vmem>>, vector<16xi32>,
    %reduce_sum3A_493 = arith.constant true
    %reduce_sum3A_494 = vector.broadcast %reduce_sum3A_493 : i1 to vector<16xi1>
    %reduce_sum3A_495 = tpu.scan <sum>, %get3A_482 masked %reduce_sum3A_494 : vector<16xi32>, vector<16xi1> -> vector<16xi32>
    %reduce_sum3A_496 = vector.extract %reduce_sum3A_495[15] : i32 from vector<16xi32>
    %add3A_497 = arith.addi %add3A_480, %reduce_sum3A_496 : i32
    %get3A_498 = arith.constant 432 : index
    %get3A_499 = tpu.vector_load %arg7[%get3A_498] {strides = array<i32>} : memref<640xi32, #tpu.memory_space<vmem>>, vector<16xi32>,
    %broadcast_in_dim3A_500 = arith.constant true
    %broadcast_in_dim3A_501 = vector.broadcast %broadcast_in_dim3A_500 : i1 to vector<16xi1>
    %masked_cumsum3A_502 = tpu.scan <sum>, %get3A_499 masked %broadcast_in_dim3A_501 : vector<16xi32>, vector<16xi1> -> vector<16xi32>
    %sub3A_503 = arith.subi %masked_cumsum3A_502, %get3A_499 : vector<16xi32>
    %add3A_504 = vector.broadcast %add3A_497 : i32 to vector<16xi32>
    %add3A_505 = arith.addi %sub3A_503, %add3A_504 : vector<16xi32>
    %swap3A_506 = arith.constant 3 : i32
    %swap3A_507 = arith.index_cast %swap3A_506 : i32 to index
    %swap3A_508 = arith.constant 48 : index
    %swap3A_509 = tpu.vector_load %arg8[%swap3A_507, %swap3A_508] {strides = array<i32>} : memref<5x128xi32, #tpu.memory_space<vmem>>, vector<16xi32>,
    tpu.vector_store %arg8[%swap3A_507, %swap3A_508], %add3A_505 {strides = array<i32>} : memref<5x128xi32, #tpu.memory_space<vmem>>, vector<16xi32>,
    %reduce_sum3A_510 = arith.constant true
    %reduce_sum3A_511 = vector.broadcast %reduce_sum3A_510 : i1 to vector<16xi1>
    %reduce_sum3A_512 = tpu.scan <sum>, %get3A_499 masked %reduce_sum3A_511 : vector<16xi32>, vector<16xi1> -> vector<16xi32>
    %reduce_sum3A_513 = vector.extract %reduce_sum3A_512[15] : i32 from vector<16xi32>
    %add3A_514 = arith.addi %add3A_497, %reduce_sum3A_513 : i32
    %get3A_515 = arith.constant 448 : index
    %get3A_516 = tpu.vector_load %arg7[%get3A_515] {strides = array<i32>} : memref<640xi32, #tpu.memory_space<vmem>>, vector<16xi32>,
    %broadcast_in_dim3A_517 = arith.constant true
    %broadcast_in_dim3A_518 = vector.broadcast %broadcast_in_dim3A_517 : i1 to vector<16xi1>
    %masked_cumsum3A_519 = tpu.scan <sum>, %get3A_516 masked %broadcast_in_dim3A_518 : vector<16xi32>, vector<16xi1> -> vector<16xi32>
    %sub3A_520 = arith.subi %masked_cumsum3A_519, %get3A_516 : vector<16xi32>
    %add3A_521 = vector.broadcast %add3A_514 : i32 to vector<16xi32>
    %add3A_522 = arith.addi %sub3A_520, %add3A_521 : vector<16xi32>
    %swap3A_523 = arith.constant 3 : i32
    %swap3A_524 = arith.index_cast %swap3A_523 : i32 to index
    %swap3A_525 = arith.constant 64 : index
    %swap3A_526 = tpu.vector_load %arg8[%swap3A_524, %swap3A_525] {strides = array<i32>} : memref<5x128xi32, #tpu.memory_space<vmem>>, vector<16xi32>,
    tpu.vector_store %arg8[%swap3A_524, %swap3A_525], %add3A_522 {strides = array<i32>} : memref<5x128xi32, #tpu.memory_space<vmem>>, vector<16xi32>,
    %reduce_sum3A_527 = arith.constant true
    %reduce_sum3A_528 = vector.broadcast %reduce_sum3A_527 : i1 to vector<16xi1>
    %reduce_sum3A_529 = tpu.scan <sum>, %get3A_516 masked %reduce_sum3A_528 : vector<16xi32>, vector<16xi1> -> vector<16xi32>
    %reduce_sum3A_530 = vector.extract %reduce_sum3A_529[15] : i32 from vector<16xi32>
    %add3A_531 = arith.addi %add3A_514, %reduce_sum3A_530 : i32
    %get3A_532 = arith.constant 464 : index
    %get3A_533 = tpu.vector_load %arg7[%get3A_532] {strides = array<i32>} : memref<640xi32, #tpu.memory_space<vmem>>, vector<16xi32>,
    %broadcast_in_dim3A_534 = arith.constant true
    %broadcast_in_dim3A_535 = vector.broadcast %broadcast_in_dim3A_534 : i1 to vector<16xi1>
    %masked_cumsum3A_536 = tpu.scan <sum>, %get3A_533 masked %broadcast_in_dim3A_535 : vector<16xi32>, vector<16xi1> -> vector<16xi32>
    %sub3A_537 = arith.subi %masked_cumsum3A_536, %get3A_533 : vector<16xi32>
    %add3A_538 = vector.broadcast %add3A_531 : i32 to vector<16xi32>
    %add3A_539 = arith.addi %sub3A_537, %add3A_538 : vector<16xi32>
    %swap3A_540 = arith.constant 3 : i32
    %swap3A_541 = arith.index_cast %swap3A_540 : i32 to index
    %swap3A_542 = arith.constant 80 : index
    %swap3A_543 = tpu.vector_load %arg8[%swap3A_541, %swap3A_542] {strides = array<i32>} : memref<5x128xi32, #tpu.memory_space<vmem>>, vector<16xi32>,
    tpu.vector_store %arg8[%swap3A_541, %swap3A_542], %add3A_539 {strides = array<i32>} : memref<5x128xi32, #tpu.memory_space<vmem>>, vector<16xi32>,
    %reduce_sum3A_544 = arith.constant true
    %reduce_sum3A_545 = vector.broadcast %reduce_sum3A_544 : i1 to vector<16xi1>
    %reduce_sum3A_546 = tpu.scan <sum>, %get3A_533 masked %reduce_sum3A_545 : vector<16xi32>, vector<16xi1> -> vector<16xi32>
    %reduce_sum3A_547 = vector.extract %reduce_sum3A_546[15] : i32 from vector<16xi32>
    %add3A_548 = arith.addi %add3A_531, %reduce_sum3A_547 : i32
    %get3A_549 = arith.constant 480 : index
    %get3A_550 = tpu.vector_load %arg7[%get3A_549] {strides = array<i32>} : memref<640xi32, #tpu.memory_space<vmem>>, vector<16xi32>,
    %broadcast_in_dim3A_551 = arith.constant true
    %broadcast_in_dim3A_552 = vector.broadcast %broadcast_in_dim3A_551 : i1 to vector<16xi1>
    %masked_cumsum3A_553 = tpu.scan <sum>, %get3A_550 masked %broadcast_in_dim3A_552 : vector<16xi32>, vector<16xi1> -> vector<16xi32>
    %sub3A_554 = arith.subi %masked_cumsum3A_553, %get3A_550 : vector<16xi32>
    %add3A_555 = vector.broadcast %add3A_548 : i32 to vector<16xi32>
    %add3A_556 = arith.addi %sub3A_554, %add3A_555 : vector<16xi32>
    %swap3A_557 = arith.constant 3 : i32
    %swap3A_558 = arith.index_cast %swap3A_557 : i32 to index
    %swap3A_559 = arith.constant 96 : index
    %swap3A_560 = tpu.vector_load %arg8[%swap3A_558, %swap3A_559] {strides = array<i32>} : memref<5x128xi32, #tpu.memory_space<vmem>>, vector<16xi32>,
    tpu.vector_store %arg8[%swap3A_558, %swap3A_559], %add3A_556 {strides = array<i32>} : memref<5x128xi32, #tpu.memory_space<vmem>>, vector<16xi32>,
    %reduce_sum3A_561 = arith.constant true
    %reduce_sum3A_562 = vector.broadcast %reduce_sum3A_561 : i1 to vector<16xi1>
    %reduce_sum3A_563 = tpu.scan <sum>, %get3A_550 masked %reduce_sum3A_562 : vector<16xi32>, vector<16xi1> -> vector<16xi32>
    %reduce_sum3A_564 = vector.extract %reduce_sum3A_563[15] : i32 from vector<16xi32>
    %add3A_565 = arith.addi %add3A_548, %reduce_sum3A_564 : i32
    %get3A_566 = arith.constant 496 : index
    %get3A_567 = tpu.vector_load %arg7[%get3A_566] {strides = array<i32>} : memref<640xi32, #tpu.memory_space<vmem>>, vector<16xi32>,
    %broadcast_in_dim3A_568 = arith.constant true
    %broadcast_in_dim3A_569 = vector.broadcast %broadcast_in_dim3A_568 : i1 to vector<16xi1>
    %masked_cumsum3A_570 = tpu.scan <sum>, %get3A_567 masked %broadcast_in_dim3A_569 : vector<16xi32>, vector<16xi1> -> vector<16xi32>
    %sub3A_571 = arith.subi %masked_cumsum3A_570, %get3A_567 : vector<16xi32>
    %add3A_572 = vector.broadcast %add3A_565 : i32 to vector<16xi32>
    %add3A_573 = arith.addi %sub3A_571, %add3A_572 : vector<16xi32>
    %swap3A_574 = arith.constant 3 : i32
    %swap3A_575 = arith.index_cast %swap3A_574 : i32 to index
    %swap3A_576 = arith.constant 112 : index
    %swap3A_577 = tpu.vector_load %arg8[%swap3A_575, %swap3A_576] {strides = array<i32>} : memref<5x128xi32, #tpu.memory_space<vmem>>, vector<16xi32>,
    tpu.vector_store %arg8[%swap3A_575, %swap3A_576], %add3A_573 {strides = array<i32>} : memref<5x128xi32, #tpu.memory_space<vmem>>, vector<16xi32>,
    %reduce_sum3A_578 = arith.constant true
    %reduce_sum3A_579 = vector.broadcast %reduce_sum3A_578 : i1 to vector<16xi1>
    %reduce_sum3A_580 = tpu.scan <sum>, %get3A_567 masked %reduce_sum3A_579 : vector<16xi32>, vector<16xi1> -> vector<16xi32>
    %reduce_sum3A_581 = vector.extract %reduce_sum3A_580[15] : i32 from vector<16xi32>
    %add3A_582 = arith.addi %add3A_565, %reduce_sum3A_581 : i32
    %get3A_583 = arith.constant 512 : index
    %get3A_584 = tpu.vector_load %arg7[%get3A_583] {strides = array<i32>} : memref<640xi32, #tpu.memory_space<vmem>>, vector<16xi32>,
    %broadcast_in_dim3A_585 = arith.constant true
    %broadcast_in_dim3A_586 = vector.broadcast %broadcast_in_dim3A_585 : i1 to vector<16xi1>
    %masked_cumsum3A_587 = tpu.scan <sum>, %get3A_584 masked %broadcast_in_dim3A_586 : vector<16xi32>, vector<16xi1> -> vector<16xi32>
    %sub3A_588 = arith.subi %masked_cumsum3A_587, %get3A_584 : vector<16xi32>
    %add3A_589 = vector.broadcast %add3A_582 : i32 to vector<16xi32>
    %add3A_590 = arith.addi %sub3A_588, %add3A_589 : vector<16xi32>
    %swap3A_591 = arith.constant 4 : i32
    %swap3A_592 = arith.index_cast %swap3A_591 : i32 to index
    %swap3A_593 = arith.constant 0 : index
    %swap3A_594 = tpu.vector_load %arg8[%swap3A_592, %swap3A_593] {strides = array<i32>} : memref<5x128xi32, #tpu.memory_space<vmem>>, vector<16xi32>,
    tpu.vector_store %arg8[%swap3A_592, %swap3A_593], %add3A_590 {strides = array<i32>} : memref<5x128xi32, #tpu.memory_space<vmem>>, vector<16xi32>,
    %reduce_sum3A_595 = arith.constant true
    %reduce_sum3A_596 = vector.broadcast %reduce_sum3A_595 : i1 to vector<16xi1>
    %reduce_sum3A_597 = tpu.scan <sum>, %get3A_584 masked %reduce_sum3A_596 : vector<16xi32>, vector<16xi1> -> vector<16xi32>
    %reduce_sum3A_598 = vector.extract %reduce_sum3A_597[15] : i32 from vector<16xi32>
    %add3A_599 = arith.addi %add3A_582, %reduce_sum3A_598 : i32
    %get3A_600 = arith.constant 528 : index
    %get3A_601 = tpu.vector_load %arg7[%get3A_600] {strides = array<i32>} : memref<640xi32, #tpu.memory_space<vmem>>, vector<16xi32>,
    %broadcast_in_dim3A_602 = arith.constant true
    %broadcast_in_dim3A_603 = vector.broadcast %broadcast_in_dim3A_602 : i1 to vector<16xi1>
    %masked_cumsum3A_604 = tpu.scan <sum>, %get3A_601 masked %broadcast_in_dim3A_603 : vector<16xi32>, vector<16xi1> -> vector<16xi32>
    %sub3A_605 = arith.subi %masked_cumsum3A_604, %get3A_601 : vector<16xi32>
    %add3A_606 = vector.broadcast %add3A_599 : i32 to vector<16xi32>
    %add3A_607 = arith.addi %sub3A_605, %add3A_606 : vector<16xi32>
    %swap3A_608 = arith.constant 4 : i32
    %swap3A_609 = arith.index_cast %swap3A_608 : i32 to index
    %swap3A_610 = arith.constant 16 : index
    %swap3A_611 = tpu.vector_load %arg8[%swap3A_609, %swap3A_610] {strides = array<i32>} : memref<5x128xi32, #tpu.memory_space<vmem>>, vector<16xi32>,
    tpu.vector_store %arg8[%swap3A_609, %swap3A_610], %add3A_607 {strides = array<i32>} : memref<5x128xi32, #tpu.memory_space<vmem>>, vector<16xi32>,
    %reduce_sum3A_612 = arith.constant true
    %reduce_sum3A_613 = vector.broadcast %reduce_sum3A_612 : i1 to vector<16xi1>
    %reduce_sum3A_614 = tpu.scan <sum>, %get3A_601 masked %reduce_sum3A_613 : vector<16xi32>, vector<16xi1> -> vector<16xi32>
    %reduce_sum3A_615 = vector.extract %reduce_sum3A_614[15] : i32 from vector<16xi32>
    %add3A_616 = arith.addi %add3A_599, %reduce_sum3A_615 : i32
    %get3A_617 = arith.constant 544 : index
    %get3A_618 = tpu.vector_load %arg7[%get3A_617] {strides = array<i32>} : memref<640xi32, #tpu.memory_space<vmem>>, vector<16xi32>,
    %broadcast_in_dim3A_619 = arith.constant true
    %broadcast_in_dim3A_620 = vector.broadcast %broadcast_in_dim3A_619 : i1 to vector<16xi1>
    %masked_cumsum3A_621 = tpu.scan <sum>, %get3A_618 masked %broadcast_in_dim3A_620 : vector<16xi32>, vector<16xi1> -> vector<16xi32>
    %sub3A_622 = arith.subi %masked_cumsum3A_621, %get3A_618 : vector<16xi32>
    %add3A_623 = vector.broadcast %add3A_616 : i32 to vector<16xi32>
    %add3A_624 = arith.addi %sub3A_622, %add3A_623 : vector<16xi32>
    %swap3A_625 = arith.constant 4 : i32
    %swap3A_626 = arith.index_cast %swap3A_625 : i32 to index
    %swap3A_627 = arith.constant 32 : index
    %swap3A_628 = tpu.vector_load %arg8[%swap3A_626, %swap3A_627] {strides = array<i32>} : memref<5x128xi32, #tpu.memory_space<vmem>>, vector<16xi32>,
    tpu.vector_store %arg8[%swap3A_626, %swap3A_627], %add3A_624 {strides = array<i32>} : memref<5x128xi32, #tpu.memory_space<vmem>>, vector<16xi32>,
    %reduce_sum3A_629 = arith.constant true
    %reduce_sum3A_630 = vector.broadcast %reduce_sum3A_629 : i1 to vector<16xi1>
    %reduce_sum3A_631 = tpu.scan <sum>, %get3A_618 masked %reduce_sum3A_630 : vector<16xi32>, vector<16xi1> -> vector<16xi32>
    %reduce_sum3A_632 = vector.extract %reduce_sum3A_631[15] : i32 from vector<16xi32>
    %add3A_633 = arith.addi %add3A_616, %reduce_sum3A_632 : i32
    %get3A_634 = arith.constant 560 : index
    %get3A_635 = tpu.vector_load %arg7[%get3A_634] {strides = array<i32>} : memref<640xi32, #tpu.memory_space<vmem>>, vector<16xi32>,
    %broadcast_in_dim3A_636 = arith.constant true
    %broadcast_in_dim3A_637 = vector.broadcast %broadcast_in_dim3A_636 : i1 to vector<16xi1>
    %masked_cumsum3A_638 = tpu.scan <sum>, %get3A_635 masked %broadcast_in_dim3A_637 : vector<16xi32>, vector<16xi1> -> vector<16xi32>
    %sub3A_639 = arith.subi %masked_cumsum3A_638, %get3A_635 : vector<16xi32>
    %add3A_640 = vector.broadcast %add3A_633 : i32 to vector<16xi32>
    %add3A_641 = arith.addi %sub3A_639, %add3A_640 : vector<16xi32>
    %swap3A_642 = arith.constant 4 : i32
    %swap3A_643 = arith.index_cast %swap3A_642 : i32 to index
    %swap3A_644 = arith.constant 48 : index
    %swap3A_645 = tpu.vector_load %arg8[%swap3A_643, %swap3A_644] {strides = array<i32>} : memref<5x128xi32, #tpu.memory_space<vmem>>, vector<16xi32>,
    tpu.vector_store %arg8[%swap3A_643, %swap3A_644], %add3A_641 {strides = array<i32>} : memref<5x128xi32, #tpu.memory_space<vmem>>, vector<16xi32>,
    %reduce_sum3A_646 = arith.constant true
    %reduce_sum3A_647 = vector.broadcast %reduce_sum3A_646 : i1 to vector<16xi1>
    %reduce_sum3A_648 = tpu.scan <sum>, %get3A_635 masked %reduce_sum3A_647 : vector<16xi32>, vector<16xi1> -> vector<16xi32>
    %reduce_sum3A_649 = vector.extract %reduce_sum3A_648[15] : i32 from vector<16xi32>
    %add3A_650 = arith.addi %add3A_633, %reduce_sum3A_649 : i32
    %get3A_651 = arith.constant 576 : index
    %get3A_652 = tpu.vector_load %arg7[%get3A_651] {strides = array<i32>} : memref<640xi32, #tpu.memory_space<vmem>>, vector<16xi32>,
    %broadcast_in_dim3A_653 = arith.constant true
    %broadcast_in_dim3A_654 = vector.broadcast %broadcast_in_dim3A_653 : i1 to vector<16xi1>
    %masked_cumsum3A_655 = tpu.scan <sum>, %get3A_652 masked %broadcast_in_dim3A_654 : vector<16xi32>, vector<16xi1> -> vector<16xi32>
    %sub3A_656 = arith.subi %masked_cumsum3A_655, %get3A_652 : vector<16xi32>
    %add3A_657 = vector.broadcast %add3A_650 : i32 to vector<16xi32>
    %add3A_658 = arith.addi %sub3A_656, %add3A_657 : vector<16xi32>
    %swap3A_659 = arith.constant 4 : i32
    %swap3A_660 = arith.index_cast %swap3A_659 : i32 to index
    %swap3A_661 = arith.constant 64 : index
    %swap3A_662 = tpu.vector_load %arg8[%swap3A_660, %swap3A_661] {strides = array<i32>} : memref<5x128xi32, #tpu.memory_space<vmem>>, vector<16xi32>,
    tpu.vector_store %arg8[%swap3A_660, %swap3A_661], %add3A_658 {strides = array<i32>} : memref<5x128xi32, #tpu.memory_space<vmem>>, vector<16xi32>,
    %reduce_sum3A_663 = arith.constant true
    %reduce_sum3A_664 = vector.broadcast %reduce_sum3A_663 : i1 to vector<16xi1>
    %reduce_sum3A_665 = tpu.scan <sum>, %get3A_652 masked %reduce_sum3A_664 : vector<16xi32>, vector<16xi1> -> vector<16xi32>
    %reduce_sum3A_666 = vector.extract %reduce_sum3A_665[15] : i32 from vector<16xi32>
    %add3A_667 = arith.addi %add3A_650, %reduce_sum3A_666 : i32
    %get3A_668 = arith.constant 592 : index
    %get3A_669 = tpu.vector_load %arg7[%get3A_668] {strides = array<i32>} : memref<640xi32, #tpu.memory_space<vmem>>, vector<16xi32>,
    %broadcast_in_dim3A_670 = arith.constant true
    %broadcast_in_dim3A_671 = vector.broadcast %broadcast_in_dim3A_670 : i1 to vector<16xi1>
    %masked_cumsum3A_672 = tpu.scan <sum>, %get3A_669 masked %broadcast_in_dim3A_671 : vector<16xi32>, vector<16xi1> -> vector<16xi32>
    %sub3A_673 = arith.subi %masked_cumsum3A_672, %get3A_669 : vector<16xi32>
    %add3A_674 = vector.broadcast %add3A_667 : i32 to vector<16xi32>
    %add3A_675 = arith.addi %sub3A_673, %add3A_674 : vector<16xi32>
    %swap3A_676 = arith.constant 4 : i32
    %swap3A_677 = arith.index_cast %swap3A_676 : i32 to index
    %swap3A_678 = arith.constant 80 : index
    %swap3A_679 = tpu.vector_load %arg8[%swap3A_677, %swap3A_678] {strides = array<i32>} : memref<5x128xi32, #tpu.memory_space<vmem>>, vector<16xi32>,
    tpu.vector_store %arg8[%swap3A_677, %swap3A_678], %add3A_675 {strides = array<i32>} : memref<5x128xi32, #tpu.memory_space<vmem>>, vector<16xi32>,
    %reduce_sum3A_680 = arith.constant true
    %reduce_sum3A_681 = vector.broadcast %reduce_sum3A_680 : i1 to vector<16xi1>
    %reduce_sum3A_682 = tpu.scan <sum>, %get3A_669 masked %reduce_sum3A_681 : vector<16xi32>, vector<16xi1> -> vector<16xi32>
    %reduce_sum3A_683 = vector.extract %reduce_sum3A_682[15] : i32 from vector<16xi32>
    %add3A_684 = arith.addi %add3A_667, %reduce_sum3A_683 : i32
    %get3A_685 = arith.constant 608 : index
    %get3A_686 = tpu.vector_load %arg7[%get3A_685] {strides = array<i32>} : memref<640xi32, #tpu.memory_space<vmem>>, vector<16xi32>,
    %broadcast_in_dim3A_687 = arith.constant true
    %broadcast_in_dim3A_688 = vector.broadcast %broadcast_in_dim3A_687 : i1 to vector<16xi1>
    %masked_cumsum3A_689 = tpu.scan <sum>, %get3A_686 masked %broadcast_in_dim3A_688 : vector<16xi32>, vector<16xi1> -> vector<16xi32>
    %sub3A_690 = arith.subi %masked_cumsum3A_689, %get3A_686 : vector<16xi32>
    %add3A_691 = vector.broadcast %add3A_684 : i32 to vector<16xi32>
    %add3A_692 = arith.addi %sub3A_690, %add3A_691 : vector<16xi32>
    %swap3A_693 = arith.constant 4 : i32
    %swap3A_694 = arith.index_cast %swap3A_693 : i32 to index
    %swap3A_695 = arith.constant 96 : index
    %swap3A_696 = tpu.vector_load %arg8[%swap3A_694, %swap3A_695] {strides = array<i32>} : memref<5x128xi32, #tpu.memory_space<vmem>>, vector<16xi32>,
    tpu.vector_store %arg8[%swap3A_694, %swap3A_695], %add3A_692 {strides = array<i32>} : memref<5x128xi32, #tpu.memory_space<vmem>>, vector<16xi32>,
    %reduce_sum3A_697 = arith.constant true
    %reduce_sum3A_698 = vector.broadcast %reduce_sum3A_697 : i1 to vector<16xi1>
    %reduce_sum3A_699 = tpu.scan <sum>, %get3A_686 masked %reduce_sum3A_698 : vector<16xi32>, vector<16xi1> -> vector<16xi32>
    %reduce_sum3A_700 = vector.extract %reduce_sum3A_699[15] : i32 from vector<16xi32>
    %add3A_701 = arith.addi %add3A_684, %reduce_sum3A_700 : i32
    %get3A_702 = arith.constant 624 : index
    %get3A_703 = tpu.vector_load %arg7[%get3A_702] {strides = array<i32>} : memref<640xi32, #tpu.memory_space<vmem>>, vector<16xi32>,
    %broadcast_in_dim3A_704 = arith.constant true
    %broadcast_in_dim3A_705 = vector.broadcast %broadcast_in_dim3A_704 : i1 to vector<16xi1>
    %masked_cumsum3A_706 = tpu.scan <sum>, %get3A_703 masked %broadcast_in_dim3A_705 : vector<16xi32>, vector<16xi1> -> vector<16xi32>
    %sub3A_707 = arith.subi %masked_cumsum3A_706, %get3A_703 : vector<16xi32>
    %add3A_708 = vector.broadcast %add3A_701 : i32 to vector<16xi32>
    %add3A_709 = arith.addi %sub3A_707, %add3A_708 : vector<16xi32>
    %swap3A_710 = arith.constant 4 : i32
    %swap3A_711 = arith.index_cast %swap3A_710 : i32 to index
    %swap3A_712 = arith.constant 112 : index
    %swap3A_713 = tpu.vector_load %arg8[%swap3A_711, %swap3A_712] {strides = array<i32>} : memref<5x128xi32, #tpu.memory_space<vmem>>, vector<16xi32>,
    tpu.vector_store %arg8[%swap3A_711, %swap3A_712], %add3A_709 {strides = array<i32>} : memref<5x128xi32, #tpu.memory_space<vmem>>, vector<16xi32>,
    %reduce_sum3A_714 = arith.constant true
    %reduce_sum3A_715 = vector.broadcast %reduce_sum3A_714 : i1 to vector<16xi1>
    %reduce_sum3A_716 = tpu.scan <sum>, %get3A_703 masked %reduce_sum3A_715 : vector<16xi32>, vector<16xi1> -> vector<16xi32>
    %reduce_sum3A_717 = vector.extract %reduce_sum3A_716[15] : i32 from vector<16xi32>
    %add3A_718 = arith.addi %add3A_701, %reduce_sum3A_717 : i32
    %scan3A_719 = arith.constant 0 : i32
    %scan3A_720 = arith.constant 32 : i32
    %scan3A_721 = arith.addi %scan3A_719, %scan3A_720 : i32
    %scan3A_722 = arith.constant 1 : i32
    scf.for %scan3A_778 = %scan3A_719 to %scan3A_721 step %scan3A_722  : i32 {
      %mul3A_779 = arith.constant 16 : i32
      %mul3A_780 = arith.muli %scan3A_778, %mul3A_779 : i32
      %swap3A_781 = arith.index_cast %mul3A_780 : i32 to index
      %swap3A_782 = tpu.vector_load %arg10[%swap3A_781] {strides = array<i32>} : memref<512xi32, #tpu.memory_space<vmem>>, vector<16xi32>,
      tpu.vector_store %arg10[%swap3A_781], %broadcast_in_dim3A_0 {strides = array<i32>} : memref<512xi32, #tpu.memory_space<vmem>>, vector<16xi32>,
    }
    %scan3A_723 = arith.constant 32 : i32
    %scan3A_724 = arith.constant 0 : i32
    %scan3A_725 = arith.constant 40 : i32
    %scan3A_726 = arith.addi %scan3A_724, %scan3A_725 : i32
    %scan3A_727 = arith.constant 1 : i32
    scf.for %scan3A_778 = %scan3A_724 to %scan3A_726 step %scan3A_727  : i32 {
      %mul3A_779 = arith.constant 20480 : i32
      %mul3A_780 = arith.muli %arg1, %mul3A_779 : i32
      %mul3A_781 = arith.constant 512 : i32
      %mul3A_782 = arith.muli %scan3A_778, %mul3A_781 : i32
      %add3A_783 = arith.addi %mul3A_780, %mul3A_782 : i32
      "tpu.region"() ({
        %run_scoped3A_784 = tpu.sem_alloc : memref<!tpu.dma_semaphore, #tpu.memory_space<semaphore_mem>>
        %dma_start3A = tpu.memref_slice %arg17[%add3A_783] : memref<327680xi32, #tpu.memory_space<vmem_shared>> -> memref<512xi32, #tpu.memory_space<vmem_shared>>
        %dma_start3A_785 = tpu.memref_slice %arg17[%add3A_783] : memref<327680xi32, #tpu.memory_space<vmem_shared>> -> memref<512xi32, #tpu.memory_space<vmem_shared>>
        tpu.enqueue_dma source(%arg10 : memref<512xi32, #tpu.memory_space<vmem>>) target(%dma_start3A_785 : memref<512xi32, #tpu.memory_space<vmem_shared>>) target_semaphore(%run_scoped3A_784 : memref<!tpu.dma_semaphore, #tpu.memory_space<semaphore_mem>>)
        %dma_wait3A = tpu.memref_slice %arg17[%add3A_783] : memref<327680xi32, #tpu.memory_space<vmem_shared>> -> memref<512xi32, #tpu.memory_space<vmem_shared>>
        %dma_wait3A_786 = tpu.memref_slice %arg17[%add3A_783] : memref<327680xi32, #tpu.memory_space<vmem_shared>> -> memref<512xi32, #tpu.memory_space<vmem_shared>>
        tpu.wait_dma2 semaphore(%run_scoped3A_784 : memref<!tpu.dma_semaphore, #tpu.memory_space<semaphore_mem>>) src(%arg10 : memref<512xi32, #tpu.memory_space<vmem>>) dst(%dma_wait3A_786 : memref<512xi32, #tpu.memory_space<vmem_shared>>)
        tpu.yield
      }) : () -> ()
    }
    %scan3A_728 = arith.constant 40 : i32
    %scan3A_729 = arith.constant 0 : i32
    %scan3A_730 = arith.constant 8 : i32
    %scan3A_731 = arith.addi %scan3A_729, %scan3A_730 : i32
    %scan3A_732 = arith.constant 1 : i32
    scf.for %scan3A_778 = %scan3A_729 to %scan3A_731 step %scan3A_732  : i32 {
      %mul3A_779 = arith.constant 16 : i32
      %mul3A_780 = arith.muli %scan3A_778, %mul3A_779 : i32
      %swap3A_781 = arith.index_cast %mul3A_780 : i32 to index
      %swap3A_782 = tpu.vector_load %arg9[%swap3A_781] {strides = array<i32>} : memref<128xi32, #tpu.memory_space<vmem>>, vector<16xi32>,
      tpu.vector_store %arg9[%swap3A_781], %broadcast_in_dim3A_2 {strides = array<i32>} : memref<128xi32, #tpu.memory_space<vmem>>, vector<16xi32>,
    }
    %scan3A_733 = arith.constant 8 : i32
    %barrier3A_734 = arith.constant 0 : index
    tpu.barrier barrier_id(%barrier3A_734)
    %run_scoped3A = arith.constant 0 : i32
    "tpu.region"() ({
      %run_scoped3A_778 = tpu.sem_alloc : memref<!tpu.dma_semaphore, #tpu.memory_space<semaphore_mem>>
      %dma_start3A = arith.constant 0 : i32
      %dma_start3A_779 = tpu.memref_slice %arg8[%run_scoped3A, %dma_start3A] : memref<5x128xi32, #tpu.memory_space<vmem>> -> memref<1x128xi32, #tpu.memory_space<vmem>>
      %dma_start3A_780 = tpu.memref_squeeze %dma_start3A_779 : memref<1x128xi32, #tpu.memory_space<vmem>> -> memref<128xi32, #tpu.memory_space<vmem>>
      %dma_start3A_781 = arith.constant 0 : i32
      %dma_start3A_782 = tpu.memref_slice %arg17[%dma_start3A_781] : memref<327680xi32, #tpu.memory_space<vmem_shared>> -> memref<327680xi32, #tpu.memory_space<vmem_shared>>
      tpu.enqueue_indirect_dma source(%arg9 : memref<128xi32, #tpu.memory_space<vmem>>) target(%dma_start3A_782 : memref<327680xi32, #tpu.memory_space<vmem_shared>>) offsets(%dma_start3A_780 : memref<128xi32, #tpu.memory_space<vmem>>) semaphore(%run_scoped3A_778 : memref<!tpu.dma_semaphore, #tpu.memory_space<semaphore_mem>>) {add = true}
      %dma_wait3A = arith.constant 0 : i32
      %dma_wait3A_783 = tpu.memref_slice %arg8[%run_scoped3A, %dma_wait3A] : memref<5x128xi32, #tpu.memory_space<vmem>> -> memref<1x128xi32, #tpu.memory_space<vmem>>
      %dma_wait3A_784 = tpu.memref_squeeze %dma_wait3A_783 : memref<1x128xi32, #tpu.memory_space<vmem>> -> memref<128xi32, #tpu.memory_space<vmem>>
      %dma_wait3A_785 = arith.constant 0 : i32
      %dma_wait3A_786 = tpu.memref_slice %arg17[%dma_wait3A_785] : memref<327680xi32, #tpu.memory_space<vmem_shared>> -> memref<327680xi32, #tpu.memory_space<vmem_shared>>
      tpu.wait_indirect_dma semaphore(%run_scoped3A_778 : memref<!tpu.dma_semaphore, #tpu.memory_space<semaphore_mem>>) src(%arg9 : memref<128xi32, #tpu.memory_space<vmem>>) dst(%dma_wait3A_786 : memref<327680xi32, #tpu.memory_space<vmem_shared>>)
      tpu.yield
    }) : () -> ()
    %run_scoped3A_735 = arith.constant 1 : i32
    "tpu.region"() ({
      %run_scoped3A_778 = tpu.sem_alloc : memref<!tpu.dma_semaphore, #tpu.memory_space<semaphore_mem>>
      %dma_start3A = arith.constant 0 : i32
      %dma_start3A_779 = tpu.memref_slice %arg8[%run_scoped3A_735, %dma_start3A] : memref<5x128xi32, #tpu.memory_space<vmem>> -> memref<1x128xi32, #tpu.memory_space<vmem>>
      %dma_start3A_780 = tpu.memref_squeeze %dma_start3A_779 : memref<1x128xi32, #tpu.memory_space<vmem>> -> memref<128xi32, #tpu.memory_space<vmem>>
      %dma_start3A_781 = arith.constant 0 : i32
      %dma_start3A_782 = tpu.memref_slice %arg17[%dma_start3A_781] : memref<327680xi32, #tpu.memory_space<vmem_shared>> -> memref<327680xi32, #tpu.memory_space<vmem_shared>>
      tpu.enqueue_indirect_dma source(%arg9 : memref<128xi32, #tpu.memory_space<vmem>>) target(%dma_start3A_782 : memref<327680xi32, #tpu.memory_space<vmem_shared>>) offsets(%dma_start3A_780 : memref<128xi32, #tpu.memory_space<vmem>>) semaphore(%run_scoped3A_778 : memref<!tpu.dma_semaphore, #tpu.memory_space<semaphore_mem>>) {add = true}
      %dma_wait3A = arith.constant 0 : i32
      %dma_wait3A_783 = tpu.memref_slice %arg8[%run_scoped3A_735, %dma_wait3A] : memref<5x128xi32, #tpu.memory_space<vmem>> -> memref<1x128xi32, #tpu.memory_space<vmem>>
      %dma_wait3A_784 = tpu.memref_squeeze %dma_wait3A_783 : memref<1x128xi32, #tpu.memory_space<vmem>> -> memref<128xi32, #tpu.memory_space<vmem>>
      %dma_wait3A_785 = arith.constant 0 : i32
      %dma_wait3A_786 = tpu.memref_slice %arg17[%dma_wait3A_785] : memref<327680xi32, #tpu.memory_space<vmem_shared>> -> memref<327680xi32, #tpu.memory_space<vmem_shared>>
      tpu.wait_indirect_dma semaphore(%run_scoped3A_778 : memref<!tpu.dma_semaphore, #tpu.memory_space<semaphore_mem>>) src(%arg9 : memref<128xi32, #tpu.memory_space<vmem>>) dst(%dma_wait3A_786 : memref<327680xi32, #tpu.memory_space<vmem_shared>>)
      tpu.yield
    }) : () -> ()
    %run_scoped3A_736 = arith.constant 2 : i32
    "tpu.region"() ({
      %run_scoped3A_778 = tpu.sem_alloc : memref<!tpu.dma_semaphore, #tpu.memory_space<semaphore_mem>>
      %dma_start3A = arith.constant 0 : i32
      %dma_start3A_779 = tpu.memref_slice %arg8[%run_scoped3A_736, %dma_start3A] : memref<5x128xi32, #tpu.memory_space<vmem>> -> memref<1x128xi32, #tpu.memory_space<vmem>>
      %dma_start3A_780 = tpu.memref_squeeze %dma_start3A_779 : memref<1x128xi32, #tpu.memory_space<vmem>> -> memref<128xi32, #tpu.memory_space<vmem>>
      %dma_start3A_781 = arith.constant 0 : i32
      %dma_start3A_782 = tpu.memref_slice %arg17[%dma_start3A_781] : memref<327680xi32, #tpu.memory_space<vmem_shared>> -> memref<327680xi32, #tpu.memory_space<vmem_shared>>
      tpu.enqueue_indirect_dma source(%arg9 : memref<128xi32, #tpu.memory_space<vmem>>) target(%dma_start3A_782 : memref<327680xi32, #tpu.memory_space<vmem_shared>>) offsets(%dma_start3A_780 : memref<128xi32, #tpu.memory_space<vmem>>) semaphore(%run_scoped3A_778 : memref<!tpu.dma_semaphore, #tpu.memory_space<semaphore_mem>>) {add = true}
      %dma_wait3A = arith.constant 0 : i32
      %dma_wait3A_783 = tpu.memref_slice %arg8[%run_scoped3A_736, %dma_wait3A] : memref<5x128xi32, #tpu.memory_space<vmem>> -> memref<1x128xi32, #tpu.memory_space<vmem>>
      %dma_wait3A_784 = tpu.memref_squeeze %dma_wait3A_783 : memref<1x128xi32, #tpu.memory_space<vmem>> -> memref<128xi32, #tpu.memory_space<vmem>>
      %dma_wait3A_785 = arith.constant 0 : i32
      %dma_wait3A_786 = tpu.memref_slice %arg17[%dma_wait3A_785] : memref<327680xi32, #tpu.memory_space<vmem_shared>> -> memref<327680xi32, #tpu.memory_space<vmem_shared>>
      tpu.wait_indirect_dma semaphore(%run_scoped3A_778 : memref<!tpu.dma_semaphore, #tpu.memory_space<semaphore_mem>>) src(%arg9 : memref<128xi32, #tpu.memory_space<vmem>>) dst(%dma_wait3A_786 : memref<327680xi32, #tpu.memory_space<vmem_shared>>)
      tpu.yield
    }) : () -> ()
    %run_scoped3A_737 = arith.constant 3 : i32
    "tpu.region"() ({
      %run_scoped3A_778 = tpu.sem_alloc : memref<!tpu.dma_semaphore, #tpu.memory_space<semaphore_mem>>
      %dma_start3A = arith.constant 0 : i32
      %dma_start3A_779 = tpu.memref_slice %arg8[%run_scoped3A_737, %dma_start3A] : memref<5x128xi32, #tpu.memory_space<vmem>> -> memref<1x128xi32, #tpu.memory_space<vmem>>
      %dma_start3A_780 = tpu.memref_squeeze %dma_start3A_779 : memref<1x128xi32, #tpu.memory_space<vmem>> -> memref<128xi32, #tpu.memory_space<vmem>>
      %dma_start3A_781 = arith.constant 0 : i32
      %dma_start3A_782 = tpu.memref_slice %arg17[%dma_start3A_781] : memref<327680xi32, #tpu.memory_space<vmem_shared>> -> memref<327680xi32, #tpu.memory_space<vmem_shared>>
      tpu.enqueue_indirect_dma source(%arg9 : memref<128xi32, #tpu.memory_space<vmem>>) target(%dma_start3A_782 : memref<327680xi32, #tpu.memory_space<vmem_shared>>) offsets(%dma_start3A_780 : memref<128xi32, #tpu.memory_space<vmem>>) semaphore(%run_scoped3A_778 : memref<!tpu.dma_semaphore, #tpu.memory_space<semaphore_mem>>) {add = true}
      %dma_wait3A = arith.constant 0 : i32
      %dma_wait3A_783 = tpu.memref_slice %arg8[%run_scoped3A_737, %dma_wait3A] : memref<5x128xi32, #tpu.memory_space<vmem>> -> memref<1x128xi32, #tpu.memory_space<vmem>>
      %dma_wait3A_784 = tpu.memref_squeeze %dma_wait3A_783 : memref<1x128xi32, #tpu.memory_space<vmem>> -> memref<128xi32, #tpu.memory_space<vmem>>
      %dma_wait3A_785 = arith.constant 0 : i32
      %dma_wait3A_786 = tpu.memref_slice %arg17[%dma_wait3A_785] : memref<327680xi32, #tpu.memory_space<vmem_shared>> -> memref<327680xi32, #tpu.memory_space<vmem_shared>>
      tpu.wait_indirect_dma semaphore(%run_scoped3A_778 : memref<!tpu.dma_semaphore, #tpu.memory_space<semaphore_mem>>) src(%arg9 : memref<128xi32, #tpu.memory_space<vmem>>) dst(%dma_wait3A_786 : memref<327680xi32, #tpu.memory_space<vmem_shared>>)
      tpu.yield
    }) : () -> ()
    %run_scoped3A_738 = arith.constant 4 : i32
    "tpu.region"() ({
      %run_scoped3A_778 = tpu.sem_alloc : memref<!tpu.dma_semaphore, #tpu.memory_space<semaphore_mem>>
      %dma_start3A = arith.constant 0 : i32
      %dma_start3A_779 = tpu.memref_slice %arg8[%run_scoped3A_738, %dma_start3A] : memref<5x128xi32, #tpu.memory_space<vmem>> -> memref<1x128xi32, #tpu.memory_space<vmem>>
      %dma_start3A_780 = tpu.memref_squeeze %dma_start3A_779 : memref<1x128xi32, #tpu.memory_space<vmem>> -> memref<128xi32, #tpu.memory_space<vmem>>
      %dma_start3A_781 = arith.constant 0 : i32
      %dma_start3A_782 = tpu.memref_slice %arg17[%dma_start3A_781] : memref<327680xi32, #tpu.memory_space<vmem_shared>> -> memref<327680xi32, #tpu.memory_space<vmem_shared>>
      tpu.enqueue_indirect_dma source(%arg9 : memref<128xi32, #tpu.memory_space<vmem>>) target(%dma_start3A_782 : memref<327680xi32, #tpu.memory_space<vmem_shared>>) offsets(%dma_start3A_780 : memref<128xi32, #tpu.memory_space<vmem>>) semaphore(%run_scoped3A_778 : memref<!tpu.dma_semaphore, #tpu.memory_space<semaphore_mem>>) {add = true}
      %dma_wait3A = arith.constant 0 : i32
      %dma_wait3A_783 = tpu.memref_slice %arg8[%run_scoped3A_738, %dma_wait3A] : memref<5x128xi32, #tpu.memory_space<vmem>> -> memref<1x128xi32, #tpu.memory_space<vmem>>
      %dma_wait3A_784 = tpu.memref_squeeze %dma_wait3A_783 : memref<1x128xi32, #tpu.memory_space<vmem>> -> memref<128xi32, #tpu.memory_space<vmem>>
      %dma_wait3A_785 = arith.constant 0 : i32
      %dma_wait3A_786 = tpu.memref_slice %arg17[%dma_wait3A_785] : memref<327680xi32, #tpu.memory_space<vmem_shared>> -> memref<327680xi32, #tpu.memory_space<vmem_shared>>
      tpu.wait_indirect_dma semaphore(%run_scoped3A_778 : memref<!tpu.dma_semaphore, #tpu.memory_space<semaphore_mem>>) src(%arg9 : memref<128xi32, #tpu.memory_space<vmem>>) dst(%dma_wait3A_786 : memref<327680xi32, #tpu.memory_space<vmem_shared>>)
      tpu.yield
    }) : () -> ()
    %barrier3A_739 = arith.constant 0 : index
    tpu.barrier barrier_id(%barrier3A_739)
    %mul3A_740 = arith.constant 20480 : i32
    %mul3A_741 = arith.muli %arg1, %mul3A_740 : i32
    "tpu.region"() ({
      %run_scoped3A_778 = tpu.sem_alloc : memref<!tpu.dma_semaphore, #tpu.memory_space<semaphore_mem>>
      %dma_start3A = tpu.memref_slice %arg17[%mul3A_741] : memref<327680xi32, #tpu.memory_space<vmem_shared>> -> memref<20480xi32, #tpu.memory_space<vmem_shared>>
      %dma_start3A_779 = tpu.memref_slice %arg17[%mul3A_741] : memref<327680xi32, #tpu.memory_space<vmem_shared>> -> memref<20480xi32, #tpu.memory_space<vmem_shared>>
      tpu.enqueue_dma source(%dma_start3A_779 : memref<20480xi32, #tpu.memory_space<vmem_shared>>) target(%arg11 : memref<20480xi32, #tpu.memory_space<vmem>>) target_semaphore(%run_scoped3A_778 : memref<!tpu.dma_semaphore, #tpu.memory_space<semaphore_mem>>)
      %dma_wait3A = tpu.memref_slice %arg17[%mul3A_741] : memref<327680xi32, #tpu.memory_space<vmem_shared>> -> memref<20480xi32, #tpu.memory_space<vmem_shared>>
      %dma_wait3A_780 = tpu.memref_slice %arg17[%mul3A_741] : memref<327680xi32, #tpu.memory_space<vmem_shared>> -> memref<20480xi32, #tpu.memory_space<vmem_shared>>
      tpu.wait_dma2 semaphore(%run_scoped3A_778 : memref<!tpu.dma_semaphore, #tpu.memory_space<semaphore_mem>>) src(%dma_wait3A_780 : memref<20480xi32, #tpu.memory_space<vmem_shared>>) dst(%arg11 : memref<20480xi32, #tpu.memory_space<vmem>>)
      tpu.yield
    }) : () -> ()
    %scan3A_742 = arith.constant 0 : i32
    %scan3A_743 = arith.constant 1280 : i32
    %scan3A_744 = arith.addi %scan3A_742, %scan3A_743 : i32
    %scan3A_745 = arith.constant 1 : i32
    %scan3A_746 = scf.for %scan3A_778 = %scan3A_742 to %scan3A_744 step %scan3A_745 iter_args(%scan3A_779 = %broadcast_in_dim3A_0) -> (vector<16xi32>)  : i32 {
      %mul3A_780 = arith.constant 16 : i32
      %mul3A_781 = arith.muli %scan3A_778, %mul3A_780 : i32
      %get3A_782 = arith.index_cast %mul3A_781 : i32 to index
      %get3A_783 = tpu.vector_load %arg11[%get3A_782] {strides = array<i32>} : memref<20480xi32, #tpu.memory_space<vmem>>, vector<16xi32>,
      %add3A_784 = arith.addi %scan3A_779, %get3A_783 : vector<16xi32>
      scf.yield %add3A_784 : vector<16xi32>
    }
    %scan3A_747 = arith.constant 1280 : i32
    %reduce_sum3A_748 = arith.constant true
    %reduce_sum3A_749 = vector.broadcast %reduce_sum3A_748 : i1 to vector<16xi1>
    %reduce_sum3A_750 = tpu.scan <sum>, %scan3A_746 masked %reduce_sum3A_749 : vector<16xi32>, vector<16xi1> -> vector<16xi32>
    %reduce_sum3A_751 = vector.extract %reduce_sum3A_750[15] : i32 from vector<16xi32>
    %broadcast_in_dim3A_752 = vector.broadcast %reduce_sum3A_751 : i32 to vector<16xi32>
    %swap3A_753 = arith.constant 0 : index
    %swap3A_754 = tpu.vector_load %arg12[%swap3A_753] {strides = array<i32>} : memref<512xi32, #tpu.memory_space<vmem>>, vector<16xi32>,
    tpu.vector_store %arg12[%swap3A_753], %broadcast_in_dim3A_752 {strides = array<i32>} : memref<512xi32, #tpu.memory_space<vmem>>, vector<16xi32>,
    "tpu.region"() ({
      %run_scoped3A_778 = tpu.sem_alloc : memref<!tpu.dma_semaphore, #tpu.memory_space<semaphore_mem>>
      %dma_start3A = arith.constant 0 : i32
      %dma_start3A_779 = tpu.memref_slice %arg12[%dma_start3A] : memref<512xi32, #tpu.memory_space<vmem>> -> memref<16xi32, #tpu.memory_space<vmem>>
      %dma_start3A_780 = arith.constant 0 : i32
      %dma_start3A_781 = tpu.memref_slice %arg16[%arg1, %dma_start3A_780] : memref<16x16xi32, #tpu.memory_space<vmem_shared>> -> memref<1x16xi32, #tpu.memory_space<vmem_shared>>
      %dma_start3A_782 = tpu.memref_squeeze %dma_start3A_781 : memref<1x16xi32, #tpu.memory_space<vmem_shared>> -> memref<16xi32, #tpu.memory_space<vmem_shared>>
      %dma_start3A_783 = arith.constant 0 : i32
      %dma_start3A_784 = tpu.memref_slice %arg16[%arg1, %dma_start3A_783] : memref<16x16xi32, #tpu.memory_space<vmem_shared>> -> memref<1x16xi32, #tpu.memory_space<vmem_shared>>
      %dma_start3A_785 = tpu.memref_squeeze %dma_start3A_784 : memref<1x16xi32, #tpu.memory_space<vmem_shared>> -> memref<16xi32, #tpu.memory_space<vmem_shared>>
      %dma_start3A_786 = arith.constant 0 : i32
      %dma_start3A_787 = tpu.memref_slice %arg12[%dma_start3A_786] : memref<512xi32, #tpu.memory_space<vmem>> -> memref<16xi32, #tpu.memory_space<vmem>>
      tpu.enqueue_dma source(%dma_start3A_787 : memref<16xi32, #tpu.memory_space<vmem>>) target(%dma_start3A_785 : memref<16xi32, #tpu.memory_space<vmem_shared>>) target_semaphore(%run_scoped3A_778 : memref<!tpu.dma_semaphore, #tpu.memory_space<semaphore_mem>>)
      %dma_wait3A = arith.constant 0 : i32
      %dma_wait3A_788 = tpu.memref_slice %arg12[%dma_wait3A] : memref<512xi32, #tpu.memory_space<vmem>> -> memref<16xi32, #tpu.memory_space<vmem>>
      %dma_wait3A_789 = arith.constant 0 : i32
      %dma_wait3A_790 = tpu.memref_slice %arg16[%arg1, %dma_wait3A_789] : memref<16x16xi32, #tpu.memory_space<vmem_shared>> -> memref<1x16xi32, #tpu.memory_space<vmem_shared>>
      %dma_wait3A_791 = tpu.memref_squeeze %dma_wait3A_790 : memref<1x16xi32, #tpu.memory_space<vmem_shared>> -> memref<16xi32, #tpu.memory_space<vmem_shared>>
      %dma_wait3A_792 = arith.constant 0 : i32
      %dma_wait3A_793 = tpu.memref_slice %arg16[%arg1, %dma_wait3A_792] : memref<16x16xi32, #tpu.memory_space<vmem_shared>> -> memref<1x16xi32, #tpu.memory_space<vmem_shared>>
      %dma_wait3A_794 = tpu.memref_squeeze %dma_wait3A_793 : memref<1x16xi32, #tpu.memory_space<vmem_shared>> -> memref<16xi32, #tpu.memory_space<vmem_shared>>
      %dma_wait3A_795 = arith.constant 0 : i32
      %dma_wait3A_796 = tpu.memref_slice %arg12[%dma_wait3A_795] : memref<512xi32, #tpu.memory_space<vmem>> -> memref<16xi32, #tpu.memory_space<vmem>>
      tpu.wait_dma2 semaphore(%run_scoped3A_778 : memref<!tpu.dma_semaphore, #tpu.memory_space<semaphore_mem>>) src(%dma_wait3A_796 : memref<16xi32, #tpu.memory_space<vmem>>) dst(%dma_wait3A_794 : memref<16xi32, #tpu.memory_space<vmem_shared>>)
      tpu.yield
    }) : () -> ()
    %barrier3A_755 = arith.constant 0 : index
    tpu.barrier barrier_id(%barrier3A_755)
    "tpu.region"() ({
      %run_scoped3A_778 = tpu.sem_alloc : memref<!tpu.dma_semaphore, #tpu.memory_space<semaphore_mem>>
      tpu.enqueue_dma source(%arg16 : memref<16x16xi32, #tpu.memory_space<vmem_shared>>) target(%arg13 : memref<16x16xi32, #tpu.memory_space<vmem>>) target_semaphore(%run_scoped3A_778 : memref<!tpu.dma_semaphore, #tpu.memory_space<semaphore_mem>>)
      tpu.wait_dma2 semaphore(%run_scoped3A_778 : memref<!tpu.dma_semaphore, #tpu.memory_space<semaphore_mem>>) src(%arg16 : memref<16x16xi32, #tpu.memory_space<vmem_shared>>) dst(%arg13 : memref<16x16xi32, #tpu.memory_space<vmem>>)
      tpu.yield
    }) : () -> ()
    %broadcast_in_dim3A_756 = arith.constant 0 : i32
    %broadcast_in_dim3A_757 = vector.broadcast %broadcast_in_dim3A_756 : i32 to vector<16xi32>
    %gather3A_758 = tpu.vector_load_idx %arg13[%iota3A, %broadcast_in_dim3A_757] : memref<16x16xi32, #tpu.memory_space<vmem>>[vector<16xi32>, vector<16xi32>], vector<16xi32>,
    %lt3A_759 = vector.broadcast %arg1 : i32 to vector<16xi32>
    %lt3A_760 = arith.cmpi slt, %iota3A, %lt3A_759 : vector<16xi32>
    %jit3A_761 = arith.constant 0 : i32
    %broadcast_in_dim3A_762 = vector.broadcast %jit3A_761 : i32 to vector<16xi32>
    %select_n3A_763 = arith.select %lt3A_760, %gather3A_758, %broadcast_in_dim3A_762 : vector<16xi1>, vector<16xi32>
    %reduce_sum3A_764 = arith.constant true
    %reduce_sum3A_765 = vector.broadcast %reduce_sum3A_764 : i1 to vector<16xi1>
    %reduce_sum3A_766 = tpu.scan <sum>, %select_n3A_763 masked %reduce_sum3A_765 : vector<16xi32>, vector<16xi1> -> vector<16xi32>
    %reduce_sum3A_767 = vector.extract %reduce_sum3A_766[15] : i32 from vector<16xi32>
    %sub3A_768 = arith.constant 1 : i32
    %sub3A_769 = arith.subi %reduce_sum3A_767, %sub3A_768 : i32
    %scan3A_770 = arith.constant 0 : i32
    %scan3A_771 = arith.constant 160 : i32
    %scan3A_772 = arith.addi %scan3A_770, %scan3A_771 : i32
    %scan3A_773 = arith.constant 1 : i32
    %scan3A_774 = scf.for %scan3A_778 = %scan3A_770 to %scan3A_772 step %scan3A_773 iter_args(%scan3A_779 = %sub3A_769) -> (i32)  : i32 {
      %mul3A_780 = arith.constant 128 : i32
      %mul3A_781 = arith.muli %scan3A_778, %mul3A_780 : i32
      %add3A_782 = arith.constant 0 : i32
      %add3A_783 = arith.addi %mul3A_781, %add3A_782 : i32
      %get3A_784 = arith.index_cast %add3A_783 : i32 to index
      %get3A_785 = tpu.vector_load %arg11[%get3A_784] {strides = array<i32>} : memref<20480xi32, #tpu.memory_space<vmem>>, vector<16xi32>,
      %broadcast_in_dim3A_786 = arith.constant true
      %broadcast_in_dim3A_787 = vector.broadcast %broadcast_in_dim3A_786 : i1 to vector<16xi1>
      %masked_cumsum3A_788 = tpu.scan <sum>, %get3A_785 masked %broadcast_in_dim3A_787 : vector<16xi32>, vector<16xi1> -> vector<16xi32>
      %add3A_789 = vector.broadcast %scan3A_779 : i32 to vector<16xi32>
      %add3A_790 = arith.addi %masked_cumsum3A_788, %add3A_789 : vector<16xi32>
      %mul3A_791 = arith.constant 128 : i32
      %mul3A_792 = arith.muli %scan3A_778, %mul3A_791 : i32
      %add3A_793 = arith.constant 0 : i32
      %add3A_794 = arith.addi %mul3A_792, %add3A_793 : i32
      %swap3A_795 = arith.index_cast %add3A_794 : i32 to index
      %swap3A_796 = tpu.vector_load %arg11[%swap3A_795] {strides = array<i32>} : memref<20480xi32, #tpu.memory_space<vmem>>, vector<16xi32>,
      tpu.vector_store %arg11[%swap3A_795], %add3A_790 {strides = array<i32>} : memref<20480xi32, #tpu.memory_space<vmem>>, vector<16xi32>,
      %reduce_sum3A_797 = arith.constant true
      %reduce_sum3A_798 = vector.broadcast %reduce_sum3A_797 : i1 to vector<16xi1>
      %reduce_sum3A_799 = tpu.scan <sum>, %get3A_785 masked %reduce_sum3A_798 : vector<16xi32>, vector<16xi1> -> vector<16xi32>
      %reduce_sum3A_800 = vector.extract %reduce_sum3A_799[15] : i32 from vector<16xi32>
      %add3A_801 = arith.addi %scan3A_779, %reduce_sum3A_800 : i32
      %mul3A_802 = arith.constant 128 : i32
      %mul3A_803 = arith.muli %scan3A_778, %mul3A_802 : i32
      %add3A_804 = arith.constant 16 : i32
      %add3A_805 = arith.addi %mul3A_803, %add3A_804 : i32
      %get3A_806 = arith.index_cast %add3A_805 : i32 to index
      %get3A_807 = tpu.vector_load %arg11[%get3A_806] {strides = array<i32>} : memref<20480xi32, #tpu.memory_space<vmem>>, vector<16xi32>,
      %broadcast_in_dim3A_808 = arith.constant true
      %broadcast_in_dim3A_809 = vector.broadcast %broadcast_in_dim3A_808 : i1 to vector<16xi1>
      %masked_cumsum3A_810 = tpu.scan <sum>, %get3A_807 masked %broadcast_in_dim3A_809 : vector<16xi32>, vector<16xi1> -> vector<16xi32>
      %add3A_811 = vector.broadcast %add3A_801 : i32 to vector<16xi32>
      %add3A_812 = arith.addi %masked_cumsum3A_810, %add3A_811 : vector<16xi32>
      %mul3A_813 = arith.constant 128 : i32
      %mul3A_814 = arith.muli %scan3A_778, %mul3A_813 : i32
      %add3A_815 = arith.constant 16 : i32
      %add3A_816 = arith.addi %mul3A_814, %add3A_815 : i32
      %swap3A_817 = arith.index_cast %add3A_816 : i32 to index
      %swap3A_818 = tpu.vector_load %arg11[%swap3A_817] {strides = array<i32>} : memref<20480xi32, #tpu.memory_space<vmem>>, vector<16xi32>,
      tpu.vector_store %arg11[%swap3A_817], %add3A_812 {strides = array<i32>} : memref<20480xi32, #tpu.memory_space<vmem>>, vector<16xi32>,
      %reduce_sum3A_819 = arith.constant true
      %reduce_sum3A_820 = vector.broadcast %reduce_sum3A_819 : i1 to vector<16xi1>
      %reduce_sum3A_821 = tpu.scan <sum>, %get3A_807 masked %reduce_sum3A_820 : vector<16xi32>, vector<16xi1> -> vector<16xi32>
      %reduce_sum3A_822 = vector.extract %reduce_sum3A_821[15] : i32 from vector<16xi32>
      %add3A_823 = arith.addi %add3A_801, %reduce_sum3A_822 : i32
      %mul3A_824 = arith.constant 128 : i32
      %mul3A_825 = arith.muli %scan3A_778, %mul3A_824 : i32
      %add3A_826 = arith.constant 32 : i32
      %add3A_827 = arith.addi %mul3A_825, %add3A_826 : i32
      %get3A_828 = arith.index_cast %add3A_827 : i32 to index
      %get3A_829 = tpu.vector_load %arg11[%get3A_828] {strides = array<i32>} : memref<20480xi32, #tpu.memory_space<vmem>>, vector<16xi32>,
      %broadcast_in_dim3A_830 = arith.constant true
      %broadcast_in_dim3A_831 = vector.broadcast %broadcast_in_dim3A_830 : i1 to vector<16xi1>
      %masked_cumsum3A_832 = tpu.scan <sum>, %get3A_829 masked %broadcast_in_dim3A_831 : vector<16xi32>, vector<16xi1> -> vector<16xi32>
      %add3A_833 = vector.broadcast %add3A_823 : i32 to vector<16xi32>
      %add3A_834 = arith.addi %masked_cumsum3A_832, %add3A_833 : vector<16xi32>
      %mul3A_835 = arith.constant 128 : i32
      %mul3A_836 = arith.muli %scan3A_778, %mul3A_835 : i32
      %add3A_837 = arith.constant 32 : i32
      %add3A_838 = arith.addi %mul3A_836, %add3A_837 : i32
      %swap3A_839 = arith.index_cast %add3A_838 : i32 to index
      %swap3A_840 = tpu.vector_load %arg11[%swap3A_839] {strides = array<i32>} : memref<20480xi32, #tpu.memory_space<vmem>>, vector<16xi32>,
      tpu.vector_store %arg11[%swap3A_839], %add3A_834 {strides = array<i32>} : memref<20480xi32, #tpu.memory_space<vmem>>, vector<16xi32>,
      %reduce_sum3A_841 = arith.constant true
      %reduce_sum3A_842 = vector.broadcast %reduce_sum3A_841 : i1 to vector<16xi1>
      %reduce_sum3A_843 = tpu.scan <sum>, %get3A_829 masked %reduce_sum3A_842 : vector<16xi32>, vector<16xi1> -> vector<16xi32>
      %reduce_sum3A_844 = vector.extract %reduce_sum3A_843[15] : i32 from vector<16xi32>
      %add3A_845 = arith.addi %add3A_823, %reduce_sum3A_844 : i32
      %mul3A_846 = arith.constant 128 : i32
      %mul3A_847 = arith.muli %scan3A_778, %mul3A_846 : i32
      %add3A_848 = arith.constant 48 : i32
      %add3A_849 = arith.addi %mul3A_847, %add3A_848 : i32
      %get3A_850 = arith.index_cast %add3A_849 : i32 to index
      %get3A_851 = tpu.vector_load %arg11[%get3A_850] {strides = array<i32>} : memref<20480xi32, #tpu.memory_space<vmem>>, vector<16xi32>,
      %broadcast_in_dim3A_852 = arith.constant true
      %broadcast_in_dim3A_853 = vector.broadcast %broadcast_in_dim3A_852 : i1 to vector<16xi1>
      %masked_cumsum3A_854 = tpu.scan <sum>, %get3A_851 masked %broadcast_in_dim3A_853 : vector<16xi32>, vector<16xi1> -> vector<16xi32>
      %add3A_855 = vector.broadcast %add3A_845 : i32 to vector<16xi32>
      %add3A_856 = arith.addi %masked_cumsum3A_854, %add3A_855 : vector<16xi32>
      %mul3A_857 = arith.constant 128 : i32
      %mul3A_858 = arith.muli %scan3A_778, %mul3A_857 : i32
      %add3A_859 = arith.constant 48 : i32
      %add3A_860 = arith.addi %mul3A_858, %add3A_859 : i32
      %swap3A_861 = arith.index_cast %add3A_860 : i32 to index
      %swap3A_862 = tpu.vector_load %arg11[%swap3A_861] {strides = array<i32>} : memref<20480xi32, #tpu.memory_space<vmem>>, vector<16xi32>,
      tpu.vector_store %arg11[%swap3A_861], %add3A_856 {strides = array<i32>} : memref<20480xi32, #tpu.memory_space<vmem>>, vector<16xi32>,
      %reduce_sum3A_863 = arith.constant true
      %reduce_sum3A_864 = vector.broadcast %reduce_sum3A_863 : i1 to vector<16xi1>
      %reduce_sum3A_865 = tpu.scan <sum>, %get3A_851 masked %reduce_sum3A_864 : vector<16xi32>, vector<16xi1> -> vector<16xi32>
      %reduce_sum3A_866 = vector.extract %reduce_sum3A_865[15] : i32 from vector<16xi32>
      %add3A_867 = arith.addi %add3A_845, %reduce_sum3A_866 : i32
      %mul3A_868 = arith.constant 128 : i32
      %mul3A_869 = arith.muli %scan3A_778, %mul3A_868 : i32
      %add3A_870 = arith.constant 64 : i32
      %add3A_871 = arith.addi %mul3A_869, %add3A_870 : i32
      %get3A_872 = arith.index_cast %add3A_871 : i32 to index
      %get3A_873 = tpu.vector_load %arg11[%get3A_872] {strides = array<i32>} : memref<20480xi32, #tpu.memory_space<vmem>>, vector<16xi32>,
      %broadcast_in_dim3A_874 = arith.constant true
      %broadcast_in_dim3A_875 = vector.broadcast %broadcast_in_dim3A_874 : i1 to vector<16xi1>
      %masked_cumsum3A_876 = tpu.scan <sum>, %get3A_873 masked %broadcast_in_dim3A_875 : vector<16xi32>, vector<16xi1> -> vector<16xi32>
      %add3A_877 = vector.broadcast %add3A_867 : i32 to vector<16xi32>
      %add3A_878 = arith.addi %masked_cumsum3A_876, %add3A_877 : vector<16xi32>
      %mul3A_879 = arith.constant 128 : i32
      %mul3A_880 = arith.muli %scan3A_778, %mul3A_879 : i32
      %add3A_881 = arith.constant 64 : i32
      %add3A_882 = arith.addi %mul3A_880, %add3A_881 : i32
      %swap3A_883 = arith.index_cast %add3A_882 : i32 to index
      %swap3A_884 = tpu.vector_load %arg11[%swap3A_883] {strides = array<i32>} : memref<20480xi32, #tpu.memory_space<vmem>>, vector<16xi32>,
      tpu.vector_store %arg11[%swap3A_883], %add3A_878 {strides = array<i32>} : memref<20480xi32, #tpu.memory_space<vmem>>, vector<16xi32>,
      %reduce_sum3A_885 = arith.constant true
      %reduce_sum3A_886 = vector.broadcast %reduce_sum3A_885 : i1 to vector<16xi1>
      %reduce_sum3A_887 = tpu.scan <sum>, %get3A_873 masked %reduce_sum3A_886 : vector<16xi32>, vector<16xi1> -> vector<16xi32>
      %reduce_sum3A_888 = vector.extract %reduce_sum3A_887[15] : i32 from vector<16xi32>
      %add3A_889 = arith.addi %add3A_867, %reduce_sum3A_888 : i32
      %mul3A_890 = arith.constant 128 : i32
      %mul3A_891 = arith.muli %scan3A_778, %mul3A_890 : i32
      %add3A_892 = arith.constant 80 : i32
      %add3A_893 = arith.addi %mul3A_891, %add3A_892 : i32
      %get3A_894 = arith.index_cast %add3A_893 : i32 to index
      %get3A_895 = tpu.vector_load %arg11[%get3A_894] {strides = array<i32>} : memref<20480xi32, #tpu.memory_space<vmem>>, vector<16xi32>,
      %broadcast_in_dim3A_896 = arith.constant true
      %broadcast_in_dim3A_897 = vector.broadcast %broadcast_in_dim3A_896 : i1 to vector<16xi1>
      %masked_cumsum3A_898 = tpu.scan <sum>, %get3A_895 masked %broadcast_in_dim3A_897 : vector<16xi32>, vector<16xi1> -> vector<16xi32>
      %add3A_899 = vector.broadcast %add3A_889 : i32 to vector<16xi32>
      %add3A_900 = arith.addi %masked_cumsum3A_898, %add3A_899 : vector<16xi32>
      %mul3A_901 = arith.constant 128 : i32
      %mul3A_902 = arith.muli %scan3A_778, %mul3A_901 : i32
      %add3A_903 = arith.constant 80 : i32
      %add3A_904 = arith.addi %mul3A_902, %add3A_903 : i32
      %swap3A_905 = arith.index_cast %add3A_904 : i32 to index
      %swap3A_906 = tpu.vector_load %arg11[%swap3A_905] {strides = array<i32>} : memref<20480xi32, #tpu.memory_space<vmem>>, vector<16xi32>,
      tpu.vector_store %arg11[%swap3A_905], %add3A_900 {strides = array<i32>} : memref<20480xi32, #tpu.memory_space<vmem>>, vector<16xi32>,
      %reduce_sum3A_907 = arith.constant true
      %reduce_sum3A_908 = vector.broadcast %reduce_sum3A_907 : i1 to vector<16xi1>
      %reduce_sum3A_909 = tpu.scan <sum>, %get3A_895 masked %reduce_sum3A_908 : vector<16xi32>, vector<16xi1> -> vector<16xi32>
      %reduce_sum3A_910 = vector.extract %reduce_sum3A_909[15] : i32 from vector<16xi32>
      %add3A_911 = arith.addi %add3A_889, %reduce_sum3A_910 : i32
      %mul3A_912 = arith.constant 128 : i32
      %mul3A_913 = arith.muli %scan3A_778, %mul3A_912 : i32
      %add3A_914 = arith.constant 96 : i32
      %add3A_915 = arith.addi %mul3A_913, %add3A_914 : i32
      %get3A_916 = arith.index_cast %add3A_915 : i32 to index
      %get3A_917 = tpu.vector_load %arg11[%get3A_916] {strides = array<i32>} : memref<20480xi32, #tpu.memory_space<vmem>>, vector<16xi32>,
      %broadcast_in_dim3A_918 = arith.constant true
      %broadcast_in_dim3A_919 = vector.broadcast %broadcast_in_dim3A_918 : i1 to vector<16xi1>
      %masked_cumsum3A_920 = tpu.scan <sum>, %get3A_917 masked %broadcast_in_dim3A_919 : vector<16xi32>, vector<16xi1> -> vector<16xi32>
      %add3A_921 = vector.broadcast %add3A_911 : i32 to vector<16xi32>
      %add3A_922 = arith.addi %masked_cumsum3A_920, %add3A_921 : vector<16xi32>
      %mul3A_923 = arith.constant 128 : i32
      %mul3A_924 = arith.muli %scan3A_778, %mul3A_923 : i32
      %add3A_925 = arith.constant 96 : i32
      %add3A_926 = arith.addi %mul3A_924, %add3A_925 : i32
      %swap3A_927 = arith.index_cast %add3A_926 : i32 to index
      %swap3A_928 = tpu.vector_load %arg11[%swap3A_927] {strides = array<i32>} : memref<20480xi32, #tpu.memory_space<vmem>>, vector<16xi32>,
      tpu.vector_store %arg11[%swap3A_927], %add3A_922 {strides = array<i32>} : memref<20480xi32, #tpu.memory_space<vmem>>, vector<16xi32>,
      %reduce_sum3A_929 = arith.constant true
      %reduce_sum3A_930 = vector.broadcast %reduce_sum3A_929 : i1 to vector<16xi1>
      %reduce_sum3A_931 = tpu.scan <sum>, %get3A_917 masked %reduce_sum3A_930 : vector<16xi32>, vector<16xi1> -> vector<16xi32>
      %reduce_sum3A_932 = vector.extract %reduce_sum3A_931[15] : i32 from vector<16xi32>
      %add3A_933 = arith.addi %add3A_911, %reduce_sum3A_932 : i32
      %mul3A_934 = arith.constant 128 : i32
      %mul3A_935 = arith.muli %scan3A_778, %mul3A_934 : i32
      %add3A_936 = arith.constant 112 : i32
      %add3A_937 = arith.addi %mul3A_935, %add3A_936 : i32
      %get3A_938 = arith.index_cast %add3A_937 : i32 to index
      %get3A_939 = tpu.vector_load %arg11[%get3A_938] {strides = array<i32>} : memref<20480xi32, #tpu.memory_space<vmem>>, vector<16xi32>,
      %broadcast_in_dim3A_940 = arith.constant true
      %broadcast_in_dim3A_941 = vector.broadcast %broadcast_in_dim3A_940 : i1 to vector<16xi1>
      %masked_cumsum3A_942 = tpu.scan <sum>, %get3A_939 masked %broadcast_in_dim3A_941 : vector<16xi32>, vector<16xi1> -> vector<16xi32>
      %add3A_943 = vector.broadcast %add3A_933 : i32 to vector<16xi32>
      %add3A_944 = arith.addi %masked_cumsum3A_942, %add3A_943 : vector<16xi32>
      %mul3A_945 = arith.constant 128 : i32
      %mul3A_946 = arith.muli %scan3A_778, %mul3A_945 : i32
      %add3A_947 = arith.constant 112 : i32
      %add3A_948 = arith.addi %mul3A_946, %add3A_947 : i32
      %swap3A_949 = arith.index_cast %add3A_948 : i32 to index
      %swap3A_950 = tpu.vector_load %arg11[%swap3A_949] {strides = array<i32>} : memref<20480xi32, #tpu.memory_space<vmem>>, vector<16xi32>,
      tpu.vector_store %arg11[%swap3A_949], %add3A_944 {strides = array<i32>} : memref<20480xi32, #tpu.memory_space<vmem>>, vector<16xi32>,
      %reduce_sum3A_951 = arith.constant true
      %reduce_sum3A_952 = vector.broadcast %reduce_sum3A_951 : i1 to vector<16xi1>
      %reduce_sum3A_953 = tpu.scan <sum>, %get3A_939 masked %reduce_sum3A_952 : vector<16xi32>, vector<16xi1> -> vector<16xi32>
      %reduce_sum3A_954 = vector.extract %reduce_sum3A_953[15] : i32 from vector<16xi32>
      %add3A_955 = arith.addi %add3A_933, %reduce_sum3A_954 : i32
      scf.yield %add3A_955 : i32
    }
    %scan3A_775 = arith.constant 160 : i32
    %mul3A_776 = arith.constant 20480 : i32
    %mul3A_777 = arith.muli %arg1, %mul3A_776 : i32
    "tpu.region"() ({
      %run_scoped3A_778 = tpu.sem_alloc : memref<!tpu.dma_semaphore, #tpu.memory_space<semaphore_mem>>
      %dma_start3A = tpu.memref_slice %arg4[%mul3A_777] : memref<327680xi32, #tpu.memory_space<hbm>> -> memref<20480xi32, #tpu.memory_space<hbm>>
      %dma_start3A_779 = tpu.memref_slice %arg4[%mul3A_777] : memref<327680xi32, #tpu.memory_space<hbm>> -> memref<20480xi32, #tpu.memory_space<hbm>>
      tpu.enqueue_dma source(%arg11 : memref<20480xi32, #tpu.memory_space<vmem>>) target(%dma_start3A_779 : memref<20480xi32, #tpu.memory_space<hbm>>) target_semaphore(%run_scoped3A_778 : memref<!tpu.dma_semaphore, #tpu.memory_space<semaphore_mem>>)
      %dma_wait3A = tpu.memref_slice %arg4[%mul3A_777] : memref<327680xi32, #tpu.memory_space<hbm>> -> memref<20480xi32, #tpu.memory_space<hbm>>
      %dma_wait3A_780 = tpu.memref_slice %arg4[%mul3A_777] : memref<327680xi32, #tpu.memory_space<hbm>> -> memref<20480xi32, #tpu.memory_space<hbm>>
      tpu.wait_dma2 semaphore(%run_scoped3A_778 : memref<!tpu.dma_semaphore, #tpu.memory_space<semaphore_mem>>) src(%arg11 : memref<20480xi32, #tpu.memory_space<vmem>>) dst(%dma_wait3A_780 : memref<20480xi32, #tpu.memory_space<hbm>>)
      tpu.yield
    }) : () -> ()
    return
  }
}

module attributes {stable_mosaic.version = 14 : i64} {
  func.func @_posembed_body(%arg0: i32, %arg1: memref<10240x128xf32, #tpu.memory_space<vmem>>, %arg2: memref<1x128xf32, #tpu.memory_space<vmem>>, %arg3: memref<1x128xf32, #tpu.memory_space<vmem>>, %arg4: memref<10240x128xf32, #tpu.memory_space<vmem>>) attributes {dimension_semantics = [#tpu.dimension_semantics<arbitrary>], iteration_bounds = array<i64: 1>, scalar_prefetch = 0 : i64, scratch_operands = 0 : i64, tpu.core_type = #tpu.core_type<tc>, window_params = [{pipeline_mode = #tpu.pipeline_mode<synchronous>, transform_indices = @transform_0, window_bounds = array<i64: 10240, 128>}, {pipeline_mode = #tpu.pipeline_mode<synchronous>, transform_indices = @transform_1, window_bounds = array<i64: 1, 128>}, {pipeline_mode = #tpu.pipeline_mode<synchronous>, transform_indices = @transform_2, window_bounds = array<i64: 1, 128>}, {pipeline_mode = #tpu.pipeline_mode<synchronous>, transform_indices = @transform_3, window_bounds = array<i64: 10240, 128>}]} {
    %get3A = arith.constant 0 : index
    %get3A_0 = arith.constant 0 : index
    %get3A_1 = vector.load %arg1[%get3A, %get3A_0] : memref<10240x128xf32, #tpu.memory_space<vmem>>, vector<10240x128xf32>
    %get3A_2 = arith.constant 0 : index
    %get3A_3 = arith.constant 0 : index
    %get3A_4 = vector.load %arg2[%get3A_2, %get3A_3] : memref<1x128xf32, #tpu.memory_space<vmem>>, vector<1x128xf32>
    %mul3A = vector.broadcast %get3A_4 : vector<1x128xf32> to vector<10240x128xf32>
    %mul3A_5 = arith.mulf %get3A_1, %mul3A : vector<10240x128xf32>
    %get3A_6 = arith.constant 0 : index
    %get3A_7 = arith.constant 0 : index
    %get3A_8 = vector.load %arg3[%get3A_6, %get3A_7] : memref<1x128xf32, #tpu.memory_space<vmem>>, vector<1x128xf32>
    %add3A = vector.broadcast %get3A_8 : vector<1x128xf32> to vector<10240x128xf32>
    %add3A_9 = arith.addf %mul3A_5, %add3A : vector<10240x128xf32>
    %sin3A = math.sin %add3A_9 : vector<10240x128xf32>
    %swap3A = arith.constant 0 : index
    %swap3A_10 = arith.constant 0 : index
    %swap3A_11 = vector.load %arg4[%swap3A, %swap3A_10] : memref<10240x128xf32, #tpu.memory_space<vmem>>, vector<10240x128xf32>
    tpu.vector_store %arg4[%swap3A, %swap3A_10], %sin3A {strides = array<i32>} : memref<10240x128xf32, #tpu.memory_space<vmem>>, vector<10240x128xf32>,
    return
  }
  func.func @transform_0(%arg0: i32) -> (i32, i32) {
    %c0_i32 = arith.constant 0 : i32
    %c0_i32_0 = arith.constant 0 : i32
    %c0_i32_1 = arith.constant 0 : i32
    return %c0_i32, %c0_i32_0 : i32, i32
  }
  func.func @transform_1(%arg0: i32) -> (i32, i32) {
    %c0_i32 = arith.constant 0 : i32
    %c0_i32_0 = arith.constant 0 : i32
    %c0_i32_1 = arith.constant 0 : i32
    return %c0_i32, %c0_i32_0 : i32, i32
  }
  func.func @transform_2(%arg0: i32) -> (i32, i32) {
    %c0_i32 = arith.constant 0 : i32
    %c0_i32_0 = arith.constant 0 : i32
    %c0_i32_1 = arith.constant 0 : i32
    return %c0_i32, %c0_i32_0 : i32, i32
  }
  func.func @transform_3(%arg0: i32) -> (i32, i32) {
    %c0_i32 = arith.constant 0 : i32
    %c0_i32_0 = arith.constant 0 : i32
    %c0_i32_1 = arith.constant 0 : i32
    return %c0_i32, %c0_i32_0 : i32, i32
  }
}

module attributes {stable_mosaic.version = 14 : i64} {
  func.func @_mlp_body(%arg0: i32, %arg1: memref<8192x128xf32, #tpu.memory_space<vmem>>, %arg2: memref<8192x128xf32, #tpu.memory_space<vmem>>, %arg3: memref<128x256xbf16, #tpu.memory_space<vmem>>, %arg4: memref<128x256xbf16, #tpu.memory_space<vmem>>, %arg5: memref<1x256xf32, #tpu.memory_space<vmem>>, %arg6: memref<256x128xbf16, #tpu.memory_space<vmem>>, %arg7: memref<1x128xf32, #tpu.memory_space<vmem>>, %arg8: memref<128x128xbf16, #tpu.memory_space<vmem>>, %arg9: memref<1x128xf32, #tpu.memory_space<vmem>>, %arg10: memref<8192x128xf32, #tpu.memory_space<vmem>>) attributes {dimension_semantics = [#tpu.dimension_semantics<arbitrary>], iteration_bounds = array<i64: 40>, scalar_prefetch = 0 : i64, scratch_operands = 0 : i64, tpu.core_type = #tpu.core_type<tc>, window_params = [{transform_indices = @transform_0, window_bounds = array<i64: 8192, 128>}, {transform_indices = @transform_1, window_bounds = array<i64: 8192, 128>}, {pipeline_mode = #tpu.pipeline_mode<synchronous>, transform_indices = @transform_2, window_bounds = array<i64: 128, 256>}, {pipeline_mode = #tpu.pipeline_mode<synchronous>, transform_indices = @transform_3, window_bounds = array<i64: 128, 256>}, {pipeline_mode = #tpu.pipeline_mode<synchronous>, transform_indices = @transform_4, window_bounds = array<i64: 1, 256>}, {pipeline_mode = #tpu.pipeline_mode<synchronous>, transform_indices = @transform_5, window_bounds = array<i64: 256, 128>}, {pipeline_mode = #tpu.pipeline_mode<synchronous>, transform_indices = @transform_6, window_bounds = array<i64: 1, 128>}, {pipeline_mode = #tpu.pipeline_mode<synchronous>, transform_indices = @transform_7, window_bounds = array<i64: 128, 128>}, {pipeline_mode = #tpu.pipeline_mode<synchronous>, transform_indices = @transform_8, window_bounds = array<i64: 1, 128>}, {transform_indices = @transform_9, window_bounds = array<i64: 8192, 128>}]} {
    %get3A = arith.constant 0 : index
    %get3A_0 = arith.constant 0 : index
    %get3A_1 = vector.load %arg1[%get3A, %get3A_0] : memref<8192x128xf32, #tpu.memory_space<vmem>>, vector<8192x128xf32>
    %convert_element_type3A = arith.truncf %get3A_1 : vector<8192x128xf32> to vector<8192x128xbf16>
    %get3A_2 = arith.constant 0 : index
    %get3A_3 = arith.constant 0 : index
    %get3A_4 = vector.load %arg2[%get3A_2, %get3A_3] : memref<8192x128xf32, #tpu.memory_space<vmem>>, vector<8192x128xf32>
    %convert_element_type3A_5 = arith.truncf %get3A_4 : vector<8192x128xf32> to vector<8192x128xbf16>
    %get3A_6 = arith.constant 0 : index
    %get3A_7 = arith.constant 0 : index
    %get3A_8 = vector.load %arg3[%get3A_6, %get3A_7] : memref<128x256xbf16, #tpu.memory_space<vmem>>, vector<128x256xbf16>
    %dot_general3A = arith.constant dense<0.000000e+00> : vector<8192x256xf32>
    %dot_general3A_9 = tpu.matmul %convert_element_type3A, %get3A_8, %dot_general3A {dimension_numbers = #tpu.dot_dimension_numbers<[1], [0], [0], [1], [0, 0, 1, 1], [], []>, transpose_lhs_hint = false} : vector<8192x128xbf16>, vector<128x256xbf16>, vector<8192x256xf32> -> vector<8192x256xf32>
    %get3A_10 = arith.constant 0 : index
    %get3A_11 = arith.constant 0 : index
    %get3A_12 = vector.load %arg4[%get3A_10, %get3A_11] : memref<128x256xbf16, #tpu.memory_space<vmem>>, vector<128x256xbf16>
    %dot_general3A_13 = arith.constant dense<0.000000e+00> : vector<8192x256xf32>
    %dot_general3A_14 = tpu.matmul %convert_element_type3A_5, %get3A_12, %dot_general3A_13 {dimension_numbers = #tpu.dot_dimension_numbers<[1], [0], [0], [1], [0, 0, 1, 1], [], []>, transpose_lhs_hint = false} : vector<8192x128xbf16>, vector<128x256xbf16>, vector<8192x256xf32> -> vector<8192x256xf32>
    %add3A = arith.addf %dot_general3A_9, %dot_general3A_14 : vector<8192x256xf32>
    %get3A_15 = arith.constant 0 : index
    %get3A_16 = arith.constant 0 : index
    %get3A_17 = vector.load %arg5[%get3A_15, %get3A_16] : memref<1x256xf32, #tpu.memory_space<vmem>>, vector<1x256xf32>
    %add3A_18 = vector.broadcast %get3A_17 : vector<1x256xf32> to vector<8192x256xf32>
    %add3A_19 = arith.addf %add3A, %add3A_18 : vector<8192x256xf32>
    %mul3A = arith.constant 5.000000e-01 : f32
    %mul3A_20 = vector.broadcast %mul3A : f32 to vector<8192x256xf32>
    %mul3A_21 = arith.mulf %mul3A_20, %add3A_19 : vector<8192x256xf32>
    %mul3A_22 = arith.constant 0.707106769 : f32
    %mul3A_23 = vector.broadcast %mul3A_22 : f32 to vector<8192x256xf32>
    %mul3A_24 = arith.mulf %add3A_19, %mul3A_23 : vector<8192x256xf32>
    %erf3A = math.erf %mul3A_24 : vector<8192x256xf32>
    %add3A_25 = arith.constant 1.000000e+00 : f32
    %add3A_26 = vector.broadcast %add3A_25 : f32 to vector<8192x256xf32>
    %add3A_27 = arith.addf %add3A_26, %erf3A : vector<8192x256xf32>
    %mul3A_28 = arith.mulf %mul3A_21, %add3A_27 : vector<8192x256xf32>
    %convert_element_type3A_29 = arith.truncf %mul3A_28 : vector<8192x256xf32> to vector<8192x256xbf16>
    %get3A_30 = arith.constant 0 : index
    %get3A_31 = arith.constant 0 : index
    %get3A_32 = vector.load %arg6[%get3A_30, %get3A_31] : memref<256x128xbf16, #tpu.memory_space<vmem>>, vector<256x128xbf16>
    %dot_general3A_33 = arith.constant dense<0.000000e+00> : vector<8192x128xf32>
    %dot_general3A_34 = tpu.matmul %convert_element_type3A_29, %get3A_32, %dot_general3A_33 {dimension_numbers = #tpu.dot_dimension_numbers<[1], [0], [0], [1], [0, 0, 1, 1], [], []>, transpose_lhs_hint = false} : vector<8192x256xbf16>, vector<256x128xbf16>, vector<8192x128xf32> -> vector<8192x128xf32>
    %get3A_35 = arith.constant 0 : index
    %get3A_36 = arith.constant 0 : index
    %get3A_37 = vector.load %arg7[%get3A_35, %get3A_36] : memref<1x128xf32, #tpu.memory_space<vmem>>, vector<1x128xf32>
    %add3A_38 = vector.broadcast %get3A_37 : vector<1x128xf32> to vector<8192x128xf32>
    %add3A_39 = arith.addf %dot_general3A_34, %add3A_38 : vector<8192x128xf32>
    %mul3A_40 = arith.constant 5.000000e-01 : f32
    %mul3A_41 = vector.broadcast %mul3A_40 : f32 to vector<8192x128xf32>
    %mul3A_42 = arith.mulf %mul3A_41, %add3A_39 : vector<8192x128xf32>
    %mul3A_43 = arith.constant 0.707106769 : f32
    %mul3A_44 = vector.broadcast %mul3A_43 : f32 to vector<8192x128xf32>
    %mul3A_45 = arith.mulf %add3A_39, %mul3A_44 : vector<8192x128xf32>
    %erf3A_46 = math.erf %mul3A_45 : vector<8192x128xf32>
    %add3A_47 = arith.constant 1.000000e+00 : f32
    %add3A_48 = vector.broadcast %add3A_47 : f32 to vector<8192x128xf32>
    %add3A_49 = arith.addf %add3A_48, %erf3A_46 : vector<8192x128xf32>
    %mul3A_50 = arith.mulf %mul3A_42, %add3A_49 : vector<8192x128xf32>
    %convert_element_type3A_51 = arith.truncf %mul3A_50 : vector<8192x128xf32> to vector<8192x128xbf16>
    %get3A_52 = arith.constant 0 : index
    %get3A_53 = arith.constant 0 : index
    %get3A_54 = vector.load %arg8[%get3A_52, %get3A_53] : memref<128x128xbf16, #tpu.memory_space<vmem>>, vector<128x128xbf16>
    %dot_general3A_55 = arith.constant dense<0.000000e+00> : vector<8192x128xf32>
    %dot_general3A_56 = tpu.matmul %convert_element_type3A_51, %get3A_54, %dot_general3A_55 {dimension_numbers = #tpu.dot_dimension_numbers<[1], [0], [0], [1], [0, 0, 1, 1], [], []>, transpose_lhs_hint = false} : vector<8192x128xbf16>, vector<128x128xbf16>, vector<8192x128xf32> -> vector<8192x128xf32>
    %get3A_57 = arith.constant 0 : index
    %get3A_58 = arith.constant 0 : index
    %get3A_59 = vector.load %arg9[%get3A_57, %get3A_58] : memref<1x128xf32, #tpu.memory_space<vmem>>, vector<1x128xf32>
    %add3A_60 = vector.broadcast %get3A_59 : vector<1x128xf32> to vector<8192x128xf32>
    %add3A_61 = arith.addf %dot_general3A_56, %add3A_60 : vector<8192x128xf32>
    %swap3A = arith.constant 0 : index
    %swap3A_62 = arith.constant 0 : index
    %swap3A_63 = vector.load %arg10[%swap3A, %swap3A_62] : memref<8192x128xf32, #tpu.memory_space<vmem>>, vector<8192x128xf32>
    tpu.vector_store %arg10[%swap3A, %swap3A_62], %add3A_61 {strides = array<i32>} : memref<8192x128xf32, #tpu.memory_space<vmem>>, vector<8192x128xf32>,
    return
  }
  func.func @transform_0(%arg0: i32) -> (i32, i32) {
    %c0_i32 = arith.constant 0 : i32
    %c0_i32_0 = arith.constant 0 : i32
    return %arg0, %c0_i32 : i32, i32
  }
  func.func @transform_1(%arg0: i32) -> (i32, i32) {
    %c0_i32 = arith.constant 0 : i32
    %c0_i32_0 = arith.constant 0 : i32
    return %arg0, %c0_i32 : i32, i32
  }
  func.func @transform_2(%arg0: i32) -> (i32, i32) {
    %c0_i32 = arith.constant 0 : i32
    %c0_i32_0 = arith.constant 0 : i32
    %c0_i32_1 = arith.constant 0 : i32
    return %c0_i32, %c0_i32_0 : i32, i32
  }
  func.func @transform_3(%arg0: i32) -> (i32, i32) {
    %c0_i32 = arith.constant 0 : i32
    %c0_i32_0 = arith.constant 0 : i32
    %c0_i32_1 = arith.constant 0 : i32
    return %c0_i32, %c0_i32_0 : i32, i32
  }
  func.func @transform_4(%arg0: i32) -> (i32, i32) {
    %c0_i32 = arith.constant 0 : i32
    %c0_i32_0 = arith.constant 0 : i32
    %c0_i32_1 = arith.constant 0 : i32
    return %c0_i32, %c0_i32_0 : i32, i32
  }
  func.func @transform_5(%arg0: i32) -> (i32, i32) {
    %c0_i32 = arith.constant 0 : i32
    %c0_i32_0 = arith.constant 0 : i32
    %c0_i32_1 = arith.constant 0 : i32
    return %c0_i32, %c0_i32_0 : i32, i32
  }
  func.func @transform_6(%arg0: i32) -> (i32, i32) {
    %c0_i32 = arith.constant 0 : i32
    %c0_i32_0 = arith.constant 0 : i32
    %c0_i32_1 = arith.constant 0 : i32
    return %c0_i32, %c0_i32_0 : i32, i32
  }
  func.func @transform_7(%arg0: i32) -> (i32, i32) {
    %c0_i32 = arith.constant 0 : i32
    %c0_i32_0 = arith.constant 0 : i32
    %c0_i32_1 = arith.constant 0 : i32
    return %c0_i32, %c0_i32_0 : i32, i32
  }
  func.func @transform_8(%arg0: i32) -> (i32, i32) {
    %c0_i32 = arith.constant 0 : i32
    %c0_i32_0 = arith.constant 0 : i32
    %c0_i32_1 = arith.constant 0 : i32
    return %c0_i32, %c0_i32_0 : i32, i32
  }
  func.func @transform_9(%arg0: i32) -> (i32, i32) {
    %c0_i32 = arith.constant 0 : i32
    %c0_i32_0 = arith.constant 0 : i32
    return %arg0, %c0_i32 : i32, i32
  }
}

module attributes {stable_mosaic.version = 14 : i64} {
  func.func @_combine_body(%arg0: i32, %arg1: memref<2x2000x128xf32, #tpu.memory_space<vmem>>, %arg2: memref<2000x128xf32, #tpu.memory_space<vmem>>, %arg3: memref<80x128xi32, #tpu.memory_space<vmem>>, %arg4: memref<2000x128xf32, #tpu.memory_space<vmem>>) attributes {dimension_semantics = [#tpu.dimension_semantics<arbitrary>], iteration_bounds = array<i64: 5>, scalar_prefetch = 0 : i64, scratch_operands = 0 : i64, tpu.core_type = #tpu.core_type<tc>, window_params = [{transform_indices = @transform_0, window_bounds = array<i64: 2, 2000, 128>}, {transform_indices = @transform_1, window_bounds = array<i64: 2000, 128>}, {pipeline_mode = #tpu.pipeline_mode<synchronous>, transform_indices = @transform_2, window_bounds = array<i64: 80, 128>}, {transform_indices = @transform_3, window_bounds = array<i64: 2000, 128>}]} {
    %get3A = arith.constant 0 : index
    %get3A_0 = arith.constant 0 : index
    %get3A_1 = vector.load %arg3[%get3A, %get3A_0] : memref<80x128xi32, #tpu.memory_space<vmem>>, vector<80x128xi32>
    %reduce_max3A = vector.shape_cast %get3A_1 : vector<80x128xi32> to vector<1x80x128xi32>
    %reduce_max3A_2 = arith.constant dense<-2147483648> : vector<1xi32>
    %reduce_max3A_3 = vector.multi_reduction <maxsi>, %reduce_max3A, %reduce_max3A_2 [1, 2] : vector<1x80x128xi32> to vector<1xi32>
    %reduce_max3A_4 = vector.shape_cast %reduce_max3A_3 : vector<1xi32> to vector<1x1x1xi32>
    %reduce_max3A_5 = vector.extract %reduce_max3A_4[0, 0, 0] : i32 from vector<1x1x1xi32>
    %convert_element_type3A = arith.sitofp %reduce_max3A_5 : i32 to f32
    %get3A_6 = arith.constant 0 : index
    %get3A_7 = arith.constant 0 : index
    %get3A_8 = arith.constant 0 : index
    %get3A_9 = vector.load %arg1[%get3A_6, %get3A_7, %get3A_8] : memref<2x2000x128xf32, #tpu.memory_space<vmem>>, vector<1x2000x128xf32>
    %get3A_10 = vector.shape_cast %get3A_9 : vector<1x2000x128xf32> to vector<2000x128xf32>
    %get3A_11 = arith.constant 1 : index
    %get3A_12 = arith.constant 0 : index
    %get3A_13 = arith.constant 0 : index
    %get3A_14 = vector.load %arg1[%get3A_11, %get3A_12, %get3A_13] : memref<2x2000x128xf32, #tpu.memory_space<vmem>>, vector<1x2000x128xf32>
    %get3A_15 = vector.shape_cast %get3A_14 : vector<1x2000x128xf32> to vector<2000x128xf32>
    %add3A = arith.addf %get3A_10, %get3A_15 : vector<2000x128xf32>
    %get3A_16 = arith.constant 0 : index
    %get3A_17 = arith.constant 0 : index
    %get3A_18 = vector.load %arg2[%get3A_16, %get3A_17] : memref<2000x128xf32, #tpu.memory_space<vmem>>, vector<2000x128xf32>
    %div3A = arith.divf %add3A, %get3A_18 : vector<2000x128xf32>
    %add3A_19 = vector.broadcast %convert_element_type3A : f32 to vector<2000x128xf32>
    %add3A_20 = arith.addf %div3A, %add3A_19 : vector<2000x128xf32>
    %swap3A = arith.constant 0 : index
    %swap3A_21 = arith.constant 0 : index
    %swap3A_22 = vector.load %arg4[%swap3A, %swap3A_21] : memref<2000x128xf32, #tpu.memory_space<vmem>>, vector<2000x128xf32>
    tpu.vector_store %arg4[%swap3A, %swap3A_21], %add3A_20 {strides = array<i32>} : memref<2000x128xf32, #tpu.memory_space<vmem>>, vector<2000x128xf32>,
    return
  }
  func.func @transform_0(%arg0: i32) -> (i32, i32, i32) {
    %c0_i32 = arith.constant 0 : i32
    %c0_i32_0 = arith.constant 0 : i32
    %c0_i32_1 = arith.constant 0 : i32
    return %c0_i32, %arg0, %c0_i32_0 : i32, i32, i32
  }
  func.func @transform_1(%arg0: i32) -> (i32, i32) {
    %c0_i32 = arith.constant 0 : i32
    %c0_i32_0 = arith.constant 0 : i32
    return %arg0, %c0_i32 : i32, i32
  }
  func.func @transform_2(%arg0: i32) -> (i32, i32) {
    %c0_i32 = arith.constant 0 : i32
    %c0_i32_0 = arith.constant 0 : i32
    %c0_i32_1 = arith.constant 0 : i32
    return %c0_i32, %c0_i32_0 : i32, i32
  }
  func.func @transform_3(%arg0: i32) -> (i32, i32) {
    %c0_i32 = arith.constant 0 : i32
    %c0_i32_0 = arith.constant 0 : i32
    return %arg0, %c0_i32 : i32, i32
  }
}

</mosaic_0001>

<sc_bundles>
// kernel: kernel.11.cloned.1.call-start
scs
__scs_entry_jumppad:
0x0: {  	(pc) =	sbr.rel $0x88, $3  }
0x1: {  	(tag) =	ssettag $0x0;
	lr =	simm.s32 $0x1  }
0x2: {  	[smem:$0x3F98] =	sst lr;
	_ =	strace $0xD0000000  }
0x3: {  	_ = 	snop  }
0x4: {  	_ = 	snop  }
0x5: {  	_ = 	snop  }
0x6: {  	_ = 	snop  }
0x7: {  	_ = 	snop  }
__scs_overlays_trampoline_lowered:
0x8: {  	[smem:$0x3FA7] =	sst s0  }
0x9: {  	[smem:$0x3FA8] =	sst s1  }
0xa: {  	[smem:$0x3FA9] =	sst s2  }
0xb: {  	[smem:$0x3FAA] =	sst s3  }
0xc: {  	[smem:$0x3FAB] =	sst s4  }
0xd: {  	[smem:$0x3FAC] =	sst s5  }
0xe: {  	[smem:$0x3FAD] =	sst s6  }
0xf: {  	[smem:$0x3FAE] =	sst s7  }
0x10: {  	[smem:$0x3FAF] =	sst s8  }
0x11: {  	[smem:$0x3FB0] =	sst s9;
	s0 =	simm.s32 @!p0 $0x0  }
0x12: {  	s1 =	sld [smem:$0x3F96];
	s0 =	simm.s32 @p0 $0x1  }
0x13: {  	[smem:$0x3FB1] =	sst s0;
	s0 =	simm.s32 @!p1 $0x0  }
0x14: {  	s2 =	sld [smem:$0x3F95];
	s0 =	simm.s32 @p1 $0x1  }
0x15: {  	[smem:$0x3FB2] =	sst s0;
	s0 =	simm.s32 @!p2 $0x0  }
0x16: {  	s3 =	sld [smem:$0x3FDB];
	s0 =	simm.s32 @p2 $0x1  }
0x17: {  	s4 =	simm.s32 $0x1BF5;
	[smem:$0x3FB4] =	sst s0  }
0x18: {  	s0 =	sld [smem:$0x3F97];
	_ =	swait.ge [sflag:s4], $0x0  }
0x19: {  	s7 =	sld [smem:$0x3F98]  }
0x1a: {  	s8 =	sadd.s32 $0xFFFFE003, lr  }
0x1b: {  	s9 =	sadd.s32 $0xFFFFFEF7, lr;
	s5 =	simm.s32 $0xFFFFFFFF;
	p2 =	slt.u32 s8, $0xFFFFF086  }
0x1c: {  	p1 =	slt.u32 s9, $0xF7A;
	s5 =	simm.s32 @!p2 $0x0  }
0x1d: {  	s5 =	simm.s32 @p1 $0x1;
	p0 =	seq.s32 s7, s2  }
0x1e: {  	s7 =	smul.u32 @!p0 $0xF7A, s2;
	p2 =	seq.s32 @!p0 s5, $0x0  }
0x1f: {  	s9 =	smul.u32 $0xF7A, s1;
	s8 =	simm.s32 @!p0 $0x1BF5;
	p2 =	por !p2, p0  }
0x20: {  	[sflag:s8] =	ssyncset.s32 @!p0 $0xFFFFF086;
	s6 =	sadd.s32 @!p0 s3, s7;
	s7 =	simm.s32 @!p0 $0x108  }
0x21: {  	s3 =	sadd.s32 s3, s9;
	s6 =	sadd.s32 @!p0 $0x88, s6;
	s7 =	simm.s32 @p2 $0x1082  }
0x22: {  	[simem:s7], [sflag:s8] =	dma.local @!p0 [hbm:s6], $0xF7A  }
0x23: {  	s9 =	sor.u32 $0xD0000000, s2;
	s6 =	simm.s32 $0x108;
	_ =	swait.ge @!p0 [sflag:s8], $0x0  }
0x24: {  	s3 =	sadd.s32 $0x88, s3;
	s6 =	simm.s32 @!p1 $0x1082;
	[sflag:s4] =	ssyncset.s32 $0xFFFFF086  }
0x25: {  	[simem:s6], [sflag:s4] =	dma.local [hbm:s3], $0xF7A  }
0x26: {  	[smem:$0x3F98] =	sst s1;
	(tag) =	ssettag s2;
	_ =	strace s9  }
0x27: {  	s1 =	sld [smem:$0x3FA8]  }
0x28: {  	s2 =	sld [smem:$0x3FA9]  }
0x29: {  	s4 =	sld [smem:$0x3FAB]  }
0x2a: {  	p0 =	seq.s32 s5, $0x0;
	s5 =	sld [smem:$0x3FAC]  }
0x2b: {  	s6 =	sld [smem:$0x3FAD]  }
0x2c: {  	s7 =	sld [smem:$0x3FAE]  }
0x2d: {  	s3 =	simm.s32 $0x108;
	s8 =	sld [smem:$0x3FAF]  }
0x2e: {  	s3 =	simm.s32 @!p0 $0x1082;
	s9 =	sld [smem:$0x3FB0]  }
0x2f: {  	lr =	sadd.s32 s0, s3;
	s0 =	sld [smem:$0x3FA7]  }
0x30: {  	s3 =	sld [smem:$0x3FAA]  }
0x31: {  	[smem:$0x3FB3] =	sst s10  }
0x32: {  	s10 =	sld [smem:$0x3FB1];
	_ =	sdelay $0x3  }
0x33: {  	p0 =	seq.s32 s10, $0x1;
	s10 =	sld [smem:$0x3FB3];
	_ =	sdelay $0x3  }
0x34: {  	[smem:$0x3FB3] =	sst s10  }
0x35: {  	s10 =	sld [smem:$0x3FB2];
	_ =	sdelay $0x3  }
0x36: {  	p1 =	seq.s32 s10, $0x1;
	s10 =	sld [smem:$0x3FB3];
	_ =	sdelay $0x3  }
0x37: {  	[smem:$0x3FB3] =	sst s10  }
0x38: {  	s10 =	sld [smem:$0x3FB4]  }
0x39: {  	_ = 	snop;
	(pc) =	sbr.ind lr, $3  }
0x3a: {  	_ = 	snop  }
0x3b: {  	_ = 	snop  }
0x3c: {  	p2 =	seq.s32 s10, $0x1;
	s10 =	sld [smem:$0x3FB3]  }
0x3d: {  	_ =	shalt  }
0x3e: {  	_ =	shalt  }
0x3f: {  	_ =	shalt  }
0x40: {  	_ =	shalt  }
0x41: {  	_ =	shalt  }
0x42: {  	_ =	shalt  }
0x43: {  	_ =	shalt  }
0x44: {  	_ =	shalt  }
0x45: {  	_ =	shalt  }
0x46: {  	_ =	shalt  }
0x47: {  	_ =	shalt  }
0x48: {  	_ =	shalt  }
0x49: {  	_ =	shalt  }
0x4a: {  	_ =	shalt  }
0x4b: {  	_ =	shalt  }
0x4c: {  	_ =	shalt  }
0x4d: {  	_ =	shalt  }
0x4e: {  	_ =	shalt  }
0x4f: {  	_ =	shalt  }
0x50: {  	_ =	shalt  }
0x51: {  	_ =	shalt  }
0x52: {  	_ =	shalt  }
0x53: {  	_ =	shalt  }
0x54: {  	_ =	shalt  }
0x55: {  	_ =	shalt  }
0x56: {  	_ =	shalt  }
0x57: {  	_ =	shalt  }
0x58: {  	_ =	shalt  }
0x59: {  	_ =	shalt  }
0x5a: {  	_ =	shalt  }
0x5b: {  	_ =	shalt  }
0x5c: {  	_ =	shalt  }
0x5d: {  	_ =	shalt  }
0x5e: {  	_ =	shalt  }
0x5f: {  	_ =	shalt  }
0x60: {  	_ =	shalt  }
0x61: {  	_ =	shalt  }
0x62: {  	_ =	shalt  }
0x63: {  	_ =	shalt  }
0x64: {  	_ =	shalt  }
0x65: {  	_ =	shalt  }
0x66: {  	_ =	shalt  }
0x67: {  	_ =	shalt  }
0x68: {  	_ =	shalt  }
0x69: {  	_ =	shalt  }
0x6a: {  	_ =	shalt  }
0x6b: {  	_ =	shalt  }
0x6c: {  	_ =	shalt  }
0x6d: {  	_ =	shalt  }
0x6e: {  	_ =	shalt  }
0x6f: {  	_ =	shalt  }
0x70: {  	_ =	shalt  }
0x71: {  	_ =	shalt  }
0x72: {  	_ =	shalt  }
0x73: {  	_ =	shalt  }
0x74: {  	_ =	shalt  }
0x75: {  	_ =	shalt  }
0x76: {  	_ =	shalt  }
0x77: {  	_ =	shalt  }
0x78: {  	_ =	shalt  }
0x79: {  	_ =	shalt  }
0x7a: {  	_ =	shalt  }
0x7b: {  	_ =	shalt  }
0x7c: {  	_ =	shalt  }
0x7d: {  	_ =	shalt  }
0x7e: {  	_ =	shalt  }
0x7f: {  	_ =	shalt  }
0x80: {  	_ =	shalt  }
0x81: {  	_ =	shalt  }
0x82: {  	_ =	shalt  }
0x83: {  	_ =	shalt  }
0x84: {  	_ =	shalt  }
0x85: {  	_ =	shalt  }
0x86: {  	_ =	shalt  }
0x87: {  	_ =	shalt  }
.Lfunc_end0:
.L_simem_size_0:
called_computation.1_lowered:
.L_overlay_start_0:
0x88: {  	s0 =	sld [smem:$0x3FD9]  }
0x89: {  	s1 =	sld [smem:$0x3FFE];
	_ =	sdelay $0x3  }
0x8a: {  	s0 =	sadd.s32 s1, s0  }
0x8b: {  	[smem:$0x3FBF] =	sst s0  }
0x8c: {  	_ = 	snop  }
0x8d: {  	(tm) =	ssettm $0x1  }
0x8e: {  	s15 =	sld [smem:$0x3FFB];
	_ =	sdelay $0x3  }
0x8f: {  	_ =	strace s15  }
0x90: {  	s0 =	sld [smem:$0x3FFC];
	_ =	sdelay $0x3  }
0x91: {  	_ =	strace s0  }
0x92: {  	s0 =	sld [smem:$0x3FFD];
	_ =	sdelay $0x3  }
0x93: {  	_ =	strace s0  }
0x94: {  	_ =	strace $0x8FFFFFFF  }
0x95: {  	s16 =	sld [smem:$0x3FDB];
	_ =	sdelay $0x1  }
0x96: {  	s17 =	simm.s32 $_scs_section_size  }
0x97: {  	s2 =	simm.s32 $_size__tile_overlayer_lowered;
	s3 =	simm.s32 $_tile_overlayer_lowered  }
0x98: {  	s20 =	simm.s32 $0x1BFF;
	s19 =	sshll.u32 s3, $0x1;
	s0 =	sadd.s32 s17, s16  }
0x99: {  	s4 =	simm.s32 $0x0;
	s18 =	sshll.u32 s2, $0x1;
	s2 =	sadd.s32 s19, s0  }
0x9a: {  	[timem:s4], [sflag:s20] =	dma.local [hbm:s2], s18  }
0x9b: {  	_ =	swait.ge [sflag:s20], s18  }
0x9c: {  	s1 =	ssub.s32 $0x0, s18;
	[sflag:s20] =	ssyncset.done $0x0  }
0x9d: {  	[sflag:s20] =	ssyncadd.s32 s1;
	_ =	sdelay $0x1  }
0x9e: {  	s21 =	simm.s32 $0x1B8B  }
0x9f: {  	_ =	swait.ge [sflag:s21], $0x1  }
0xa0: {  	[sflag:s21] =	ssyncset.done $0x0  }
0xa1: {  	s23 =	simm.s32 $0x1B8E;
	s22 =	sld [smem:$0x3FFE];
	[sflag:s21] =	ssyncadd.s32 $0xFFFFFFFF  }
0xa2: {  	s24 =	simm.s32 $execute0_lowered;
	[smem:$0x3FD2] =	sst s23  }
0xa3: {  	s2 =	sshll.u32 s24, $0x1;
	_ =	strace $0x80000049;
	[dreg:$0x1] =	wrdreg $0xFFFFFFFF  }
0xa4: {  	s25 =	simm.s32 $_size_execute0_lowered;
	s0 =	sadd.s32 s0, s2;
	[dreg:$0x0] =	wrdreg $0x0  }
0xa5: {  	s2 =	sshll.u32 s25, $0x1;
	[dreg:$0x2] =	wrdreg s0  }
0xa6: {  	[dreg:$0x3] =	wrdreg s2  }
0xa7: {  	[dreg:$0x4] =	wrdreg $0xC0  }
0xa8: {  	_ =	task [dreg:s4], $0x5FFFF  }
0xa9: {  	[dreg:$0x1] =	wrdreg $0xFFFFFFFF  }
0xaa: {  	[dreg:$0x0] =	wrdreg $0x60  }
0xab: {  	[dreg:$0x2] =	wrdreg s22  }
0xac: {  	[dreg:$0x3] =	wrdreg $0xB6800  }
0xad: {  	[dreg:$0x4] =	wrdreg $0xB6900  }
0xae: {  	[dreg:$0x5] =	wrdreg $0x8E800  }
0xaf: {  	[dreg:$0x6] =	wrdreg $0xB6A00  }
0xb0: {  	[dreg:$0x7] =	wrdreg $0xA  }
0xb1: {  	_ =	task.clear_ibuf [dreg:s4], $0x8FFFF;
	_ =	strace $0x90000049  }
0xb2: {  	s26 =	simm.s32 $0xA;
	_ =	strace $0x8000004B  }
0xb3: {  	_ =	swait.ge [sflag:s26], $0x1  }
0xb4: {  	[sflag:s26] =	ssyncadd.s32 $0xFFFFFFFF  }
0xb5: {  	_ =	strace $0x9000004B  }
0xb6: {  	_ =	sfence  }
0xb7: {  	s28 =	sld [smem:$0x0];
	_ =	sdelay $0x1  }
0xb8: {  	s29 =	srdreg.scid  }
0xb9: {  	s30 =	sshll.u32 s29, $0xD;
	s31 =	sshrl.u32 s29, $0x2  }
0xba: {  	s1 =	sand.u32 $0x1, s29;
	s2 =	sand.u32 $0x4000, s30;
	s0 =	sadd.s32 s31, s28  }
0xbb: {  	s1 =	sor.u32 s2, s1;
	s0 =	sshll.u32 s0, $0x11  }
0xbc: {  	s0 =	sor.u32 s0, s1  }
0xbd: {  	s0 =	sadd.s32 $0x8F2B, s0  }
0xbe: {  	[sflag:s0] =	ssyncadd.remote.s32 $0x1  }
0xbf: {  	_ =	sfence.sel $0xFFFF  }
0xc0: {  	[dreg:$0x0] =	wrdreg $0xFFFFFFFF;
	(pc) =	sbr.abs _section_cstart, $3  }
0xc1: {  	[dreg:$0x1] =	wrdreg $0xFFFFFFFF  }
0xc2: {  	_ =	task.clear_ibuf [dreg:s4], $0x2FFFF;
	_ =	strace $0x9FFFFFFF  }
0xc3: {  	(tm) =	ssettm $0x7FFFFFFF  }
tec
execute0_lowered:
.L_overlay_start_1:
0x0: {  	(tag) =	ssettag $0x1  }
0x1: {  	s1 =	rddreg [dreg:$0x0]  }
0x2: {  	s8 =	rddreg [dreg:$0x1]  }
0x3: {  	s4 =	rddreg [dreg:$0x2]  }
0x4: {  	s9 =	rddreg [dreg:$0x3]  }
0x5: {  	s5 =	rddreg [dreg:$0x4]  }
0x6: {  	s0 =	rddreg [dreg:$0x5]  }
0x7: {  	s2 =	simm.s32 $0x0;
	s6 =	simm.s32 $0x40;
	s11 =	simm.s32 $0x0  }
0x8: {  	[smem:$0x7FF] =	sst s2;
	s3 =	sadd.s32 $0x1A00, s1;
	s7 =	sadd.s32 $0xA3D800, s1  }
0x9: {  	v0 =	vimm.s32 $0x0;
	s2 =	sadd.s32 $0xA3DE00, s1;
	s1 =	stileid.u32;
	_ =	strace $0x8000004A  }
.LBB2_1:
0xa: {  	p0 =	sne.s32 s6, $0x9FC0;
	[tilespmem:s11+$0x380] =	vst v0;
	s10 =	smov.u32 s6;
	s6 =	sadd.s32 $0x40, s6  }
.Ltmp0:
0xb: {  	(pc) =	sbr.rel @p0 .LBB2_1-.Ltmp0, $2  }
0xc: {  	_ =	sdelay $0x2  }
0xd: {  	s11 =	sshra.s32 s10, $0x2  }
0xe: {  	s6 =	smul.u32 $0x4E20, s1;
	s10 =	simm.s32 $0x0  }
0xf: {  	[tilespmem:s11+$0x380] =	vst v0;
	s11 =	simm.s32 $0x1;
	v0 =	vimm.s32 $0x1;
	s12 =	simm.s32 $0x380;
	s13 =	simm.s32 $0x0  }
.LBB2_3:
0x10: {  	s14 =	smul.u32 $0x320, s13;
	_ =	sdelay $0x1  }
0x11: {  	s14 =	sadd.s32 s6, s14  }
0x12: {  	s14 =	sshrl.u32 s14, $0x3  }
0x13: {  	s14 =	sadd.s32 s3, s14  }
0x14: {  	[tilespmem:s10], [sflag:$0x1] =	stream.linear.gather [hbm4b:s14+s10], $0x320, $0x38;
	[tilespmem:$0x106A0] =	vst v63  }
0x15: {  	_ =	swait.ge [sflag:s11], $0x320  }
0x16: {  	[sflag:s11] =	ssyncset.done $0x0  }
0x17: {  	s15 =	simm.s32 $0x0;
	s14 =	simm.s32 $0x40;
	[sflag:s11] =	ssyncadd.s32 $0xFFFFFCE0  }
.LBB2_4:
0x18: {  	p0 =	sne.s32 s14, $0xC40;
	v1 =	vld [tilespmem:s15+$0x0];
	_ =	sdelay $0x3  }
.Ltmp1:
0x19: {  	(pc) =	sbr.rel @p0 .LBB2_4-.Ltmp1, $2  }
0x1a: {  	_ =	sdelay $0x2  }
0x1b: {  	s15 =	sshra.s32 s14, $0x2;
	s14 =	sadd.s32 $0x40, s14;
	[tilespmem:v1+s12+$0x0] =	vst.idx.add.s32.msk $0xffff, v0  }
0x1c: {  	v1 =	vld [tilespmem:s15+$0x0];
	_ =	sdelay $0x1  }
0x1d: {  	s13 =	sadd.s32 $0x1, s13  }
0x1e: {  	p0 =	sne.s32 s13, $0x19  }
.Ltmp2:
0x1f: {  	_ = 	snop;
	(pc) =	sbr.rel @p0 .LBB2_3-.Ltmp2, $2  }
0x20: {  	_ =	sdelay $0x2  }
0x21: {  	[tilespmem:v1+s12+$0x0] =	vst.idx.add.s32.msk $0xffff, v0  }
0x22: {  	s3 =	sshrl.u32 s1, $0x3  }
0x23: {  	s3 =	smul.u32 $0x50000, s3;
	_ =	sdelay $0x1  }
0x24: {  	s6 =	sshll.u32 s1, $0x7;
	s3 =	sshrl.u32 s3, $0x2  }
0x25: {  	s11 =	simm.s32 $0x400;
	s10 =	sand.u32 $0x380, s6;
	s3 =	sadd.s32 s3, s9  }
0x26: {  	s12 =	simm.s32 $0x380;
	s3 =	sadd.s32 s10, s3;
	s10 =	simm.s32 $0x80  }
0x27: {  	[spmem:s3] =	stream.strided.scatter [tilespmem:s12], [sflag:$0x1], $0x2800, s11, s10, $0x38;
	[tilespmem:$0x106A0] =	vst v63  }
0x28: {  	s12 =	simm.s32 $0x1  }
0x29: {  	_ =	swait.ge [sflag:s12], $0x2800  }
0x2a: {  	[sflag:s12] =	ssyncset.done $0x0  }
0x2b: {  	[sflag:s12] =	ssyncadd.s32 $0xFFFFD800  }
0x2c: {  	v0 =	vimm.s32 $0x0;
	[bflag:$0x0] =	sbarrier.arrive $0xFFFF  }
0x2d: {  	[tilespmem:$0x2B80] =	vst v0  }
0x2e: {  	[tilespmem:$0x2B90] =	vst v0  }
0x2f: {  	[tilespmem:$0x2BA0] =	vst v0  }
0x30: {  	[tilespmem:$0x2BB0] =	vst v0  }
0x31: {  	[tilespmem:$0x2BC0] =	vst v0  }
0x32: {  	[tilespmem:$0x2BD0] =	vst v0  }
0x33: {  	[tilespmem:$0x2BE0] =	vst v0  }
0x34: {  	[tilespmem:$0x2BF0] =	vst v0  }
0x35: {  	[tilespmem:$0x2C00] =	vst v0  }
0x36: {  	[tilespmem:$0x2C10] =	vst v0  }
0x37: {  	[tilespmem:$0x2C20] =	vst v0  }
0x38: {  	[tilespmem:$0x2C30] =	vst v0  }
0x39: {  	[tilespmem:$0x2C40] =	vst v0  }
0x3a: {  	[tilespmem:$0x2C50] =	vst v0  }
0x3b: {  	[tilespmem:$0x2C60] =	vst v0  }
0x3c: {  	[tilespmem:$0x2C70] =	vst v0  }
0x3d: {  	[tilespmem:$0x2C80] =	vst v0  }
0x3e: {  	[tilespmem:$0x2C90] =	vst v0  }
0x3f: {  	[tilespmem:$0x2CA0] =	vst v0  }
0x40: {  	[tilespmem:$0x2CB0] =	vst v0  }
0x41: {  	[tilespmem:$0x2CC0] =	vst v0  }
0x42: {  	[tilespmem:$0x2CD0] =	vst v0  }
0x43: {  	[tilespmem:$0x2CE0] =	vst v0  }
0x44: {  	[tilespmem:$0x2CF0] =	vst v0  }
0x45: {  	[tilespmem:$0x2D00] =	vst v0  }
0x46: {  	[tilespmem:$0x2D10] =	vst v0  }
0x47: {  	[tilespmem:$0x2D20] =	vst v0  }
0x48: {  	[tilespmem:$0x2D30] =	vst v0  }
0x49: {  	[tilespmem:$0x2D40] =	vst v0  }
0x4a: {  	[tilespmem:$0x2D50] =	vst v0  }
0x4b: {  	[tilespmem:$0x2D60] =	vst v0  }
0x4c: {  	[tilespmem:$0x2D70] =	vst v0  }
0x4d: {  	[tilespmem:$0x2D80] =	vst v0  }
0x4e: {  	[tilespmem:$0x2D90] =	vst v0  }
0x4f: {  	[tilespmem:$0x2DA0] =	vst v0  }
0x50: {  	[tilespmem:$0x2DB0] =	vst v0  }
0x51: {  	s3 =	smul.u32 $0x5000, s1;
	[tilespmem:$0x2DC0] =	vst v0  }
0x52: {  	[tilespmem:$0x2DD0] =	vst v0  }
0x53: {  	s13 =	sshrl.u32 s3, $0x2;
	[tilespmem:$0x2DE0] =	vst v0  }
0x54: {  	s14 =	simm.s32 $0x0;
	s9 =	sadd.s32 s13, s9;
	s13 =	simm.s32 $0x0;
	[tilespmem:$0x2DF0] =	vst v0  }
.LBB2_7:
0x55: {  	s15 =	sshrl.u32 s14, $0x3  }
0x56: {  	s15 =	smul.u32 $0x50000, s15;
	_ =	sdelay $0x1  }
0x57: {  	s16 =	sshll.u32 s14, $0x7;
	s15 =	sshra.s32 s15, $0x2  }
0x58: {  	s16 =	sand.u32 $0x380, s16;
	s15 =	sadd.s32 s15, s9  }
0x59: {  	s15 =	sadd.s32 s16, s15  }
0x5a: {  	[tilespmem:s13], [sflag:$0x1] =	stream.strided.gather [spmem:s15], $0x280, s11, s10, $0x38;
	[tilespmem:$0x106A0] =	vst v63  }
0x5b: {  	_ =	swait.ge [sflag:s12], $0x280  }
0x5c: {  	[sflag:s12] =	ssyncset.done $0x0  }
0x5d: {  	s15 =	simm.s32 $0x0;
	[sflag:s12] =	ssyncadd.s32 $0xFFFFFD80  }
0x5e: {  	s16 =	simm.s32 $0x40;
	v0 =	vld [tilespmem:s15+$0x0]  }
.LBB2_8:
0x5f: {  	p0 =	sne.s32 s16, $0x9C0;
	v1 =	vld [tilespmem:s15+$0x2B80];
	_ =	sdelay $0x1  }
.Ltmp3:
0x60: {  	(pc) =	sbr.rel @p0 .LBB2_8-.Ltmp3, $3  }
0x61: {  	_ =	sdelay $0x1  }
0x62: {  	s17 =	sshra.s32 s16, $0x2;
	v1 =	vadd.s32 v1, v0  }
0x63: {  	s16 =	sadd.s32 $0x40, s16;
	v0 =	vld [tilespmem:s17+$0x0];
	[tilespmem:s15+$0x2B80] =	vst v1;
	s15 =	smov.u32 s17  }
0x64: {  	v1 =	vld [tilespmem:s15+$0x2B80];
	s14 =	sadd.s32 $0x1, s14  }
0x65: {  	p0 =	sne.s32 s14, $0x10  }
.Ltmp4:
0x66: {  	_ = 	snop;
	(pc) =	sbr.rel @p0 .LBB2_7-.Ltmp4, $3  }
0x67: {  	_ =	sdelay $0x1  }
0x68: {  	v0 =	vadd.s32 v1, v0  }
0x69: {  	[tilespmem:s15+$0x2B80] =	vst v0  }
0x6a: {  	s9 =	smul.u32 $0x50, s1  }
0x6b: {  	s29 =	simm.s32 $0x0  }
0x6c: {  	s10 =	simm.s32 $0x2B80;
	s30 =	simm.s32 $0x1;
	s7 =	sadd.s32 s7, s9  }
0x6d: {  	[hbm4b:s7+s29] =	stream.linear.scatter [tilespmem:s10], [sflag:$0x1], $0x280, $0x38;
	[tilespmem:$0x106A0] =	vst v63  }
0x6e: {  	_ =	swait.ge [sflag:s30], $0x280  }
0x6f: {  	[sflag:s30] =	ssyncset.done $0x0  }
0x70: {  	s31 =	simm.s32 $0x0;
	[sflag:s30] =	ssyncadd.s32 $0xFFFFFD80  }
0x71: {  	v0 =	vimm.s32 $0x0;
	s7 =	simm.s32 $0x40;
	v1 =	vld [tilespmem:s31+$0x2B80]  }
.LBB2_11:
0x72: {  	p0 =	sne.s32 s7, $0x9C0  }
.Ltmp5:
0x73: {  	_ = 	snop;
	(pc) =	sbr.rel @p0 .LBB2_11-.Ltmp5, $3  }
0x74: {  	_ =	sdelay $0x1  }
0x75: {  	s9 =	sshra.s32 s7, $0x2;
	s7 =	sadd.s32 $0x40, s7;
	v0 =	vadd.s32 v0, v1  }
0x76: {  	v1 =	vld [tilespmem:s9+$0x2B80]  }
0x77: {  	_ =	sdelay $0x3  }
0x78: {  	v0 =	vadd.s32 v0, v1  }
0x79: {  	(xrf0) =	vadd.scan.msk.s32 $0xffff, v0;
	_ =	sdelay $0x5  }
0x7a: {  	v0, _, _ =	vpop (xrf0)  }
0x7b: {  	v0 =	vbroadcast v0, $0xF;
	_ =	sdelay $0x1  }
0x7c: {  	s7 =	sadd.s32 s6, s8;
	s9 =	simm.s32 $0x8480;
	[tilespmem:$0x8480] =	vst v0  }
0x7d: {  	[spmem:s7] =	stream.linear.scatter [tilespmem:s9], [sflag:$0x1], $0x10, $0x38;
	[tilespmem:$0x106A0] =	vst v63  }
0x7e: {  	s7 =	simm.s32 $0x1  }
0x7f: {  	_ =	swait.ge [sflag:s7], $0x10  }
0x80: {  	v1 =	vlaneseq.u32;
	[sflag:s7] =	ssyncset.done $0x0  }
0x81: {  	v0 =	vmul.u32 $0x80, v1;
	[sflag:s7] =	ssyncadd.s32 $0xFFFFFFF0  }
0x82: {  	s10 =	simm.s32 $0x8680;
	[bflag:$0x0] =	sbarrier.arrive $0xFFFF  }
0x83: {  	[tilespmem:s10], [sflag:$0x1] =	stream.linear.gather [spmem:s8], $0x800, $0x38;
	[tilespmem:$0x106A0] =	vst v63  }
0x84: {  	_ =	swait.ge [sflag:s7], $0x800  }
0x85: {  	[sflag:s7] =	ssyncset.done $0x0  }
0x86: {  	[sflag:s7] =	ssyncadd.s32 $0xFFFFF800  }
0x87: {  	v2 =	vld.idx.msk [tilespmem:v0+s10+$0x0], $0xffff;
	_ =	sdelay $0x1  }
0x88: {  	v4 =	vld [tilespmem:$0x2B80]  }
0x89: {  	v0 =	vmov s1  }
0x8a: {  	vm0 =	vgt.u32 v0, v1  }
0x8b: {  	v1 =	vld [tilespmem:$0x2B90];
	v2 =	vnsel vm0, $0x0, v2  }
0x8c: {  	v5 =	vld [tilespmem:$0x2BA0];
	(xrf0) =	vadd.scan.msk.s32 $0xffff, v2  }
0x8d: {  	v7 =	vld [tilespmem:$0x2BB0];
	(xrf0) =	vadd.scan.msk.s32 $0xffff, v4  }
0x8e: {  	v8 =	vld [tilespmem:$0x2BC0]  }
0x8f: {  	v10 =	vld [tilespmem:$0x2BD0]  }
0x90: {  	(xrf0) =	vadd.scan.msk.s32 $0xffff, v1  }
0x91: {  	v12 =	vld [tilespmem:$0x2BE0];
	(xrf0) =	vadd.scan.msk.s32 $0xffff, v5  }
0x92: {  	v15 =	vld [tilespmem:$0x2BF0];
	(xrf0) =	vadd.scan.msk.s32 $0xffff, v7;
	v2, _, _ =	vpop (xrf0)  }
0x93: {  	v9, _, _ =	vpop (xrf0);
	(xrf0) =	vadd.scan.msk.s32 $0xffff, v8  }
0x94: {  	v17 =	vld [tilespmem:$0x2C00];
	(xrf0) =	vadd.scan.msk.s32 $0xffff, v10  }
0x95: {  	v19 =	vld [tilespmem:$0x2C10];
	(v2sf) =	vpush v2, $0xF  }
0x96: {  	(v2sf) =	vpush v9, $0xF;
	v14, _, _ =	vpop (xrf0);
	(xrf0) =	vadd.scan.msk.s32 $0xffff, v12  }
0x97: {  	v18, _, _ =	vpop (xrf0);
	(xrf0) =	vadd.scan.msk.s32 $0xffff, v15  }
0x98: {  	v20 =	vld [tilespmem:$0x2C20];
	(v2sf) =	vpush v14, $0xF;
	v21, _, _ =	vpop (xrf0)  }
0x99: {  	v24 =	vld [tilespmem:$0x2C30];
	(v2sf) =	vpush v18, $0xF;
	(xrf0) =	vadd.scan.msk.s32 $0xffff, v17;
	v26, _, _ =	vpop (xrf0)  }
0x9a: {  	v25 =	vld [tilespmem:$0x2C40];
	(v2sf) =	vpush v21, $0xF;
	v27, _, _ =	vpop (xrf0);
	(xrf0) =	vadd.scan.msk.s32 $0xffff, v19  }
0x9b: {  	v23 =	vld [tilespmem:$0x2C50];
	(v2sf) =	vpush v26, $0xF  }
0x9c: {  	(v2sf) =	vpush v27, $0xF;
	v28, _, _ =	vpop (xrf0)  }
0x9d: {  	v22 =	vld [tilespmem:$0x2C60];
	(xrf0) =	vadd.scan.msk.s32 $0xffff, v20;
	(v2sf) =	vpush v28, $0xF;
	v29, _, _ =	vpop (xrf0)  }
0x9e: {  	v16 =	vld [tilespmem:$0x2C70];
	(xrf0) =	vadd.scan.msk.s32 $0xffff, v24;
	(v2sf) =	vpush v29, $0xF  }
0x9f: {  	v13 =	vld [tilespmem:$0x2C80];
	v30, _, _ =	vpop (xrf0);
	(xrf0) =	vadd.scan.msk.s32 $0xffff, v25  }
0xa0: {  	v11 =	vld [tilespmem:$0x2C90];
	v31, _, _ =	vpop (xrf0);
	(xrf0) =	vadd.scan.msk.s32 $0xffff, v23  }
0xa1: {  	v6 =	vld [tilespmem:$0x2CA0]  }
0xa2: {  	(v2sf) =	vpush v30, $0xF;
	(xrf0) =	vadd.scan.msk.s32 $0xffff, v22  }
0xa3: {  	v32 =	vbroadcast v2, $0xF;
	(v2sf) =	vpush v31, $0xF;
	v33, _, _ =	vpop (xrf0);
	(xrf0) =	vadd.scan.msk.s32 $0xffff, v16  }
0xa4: {  	v3 =	vld [tilespmem:$0x2CB0];
	v4 =	vsub.s32 v9, v4;
	s11 =	spop (v2sf);
	v34, _, _ =	vpop (xrf0);
	(xrf0) =	vadd.scan.msk.s32 $0xffff, v13  }
0xa5: {  	v2 =	vld [tilespmem:$0x2CC0];
	v9 =	vadd.s32 v32, v4;
	v1 =	vsub.s32 v14, v1;
	(v2sf) =	vpush v33, $0xF;
	s12 =	spop (v2sf);
	v51, _, _ =	vpop (xrf0);
	(xrf0) =	vadd.scan.msk.s32 $0xffff, v11  }
0xa6: {  	v4 =	vld [tilespmem:$0x2CD0];
	v52 =	vsub.s32 v18, v5;
	v53 =	vsub.s32 v21, v7;
	(v2sf) =	vpush v34, $0xF;
	s8 =	sadd.s32 s12, s11;
	v35, _, _ =	vpop (xrf0);
	(xrf0) =	vadd.scan.msk.s32 $0xffff, v6  }
0xa7: {  	v55 =	vsub.s32 v26, v8;
	s13 =	spop (v2sf);
	(v2sf) =	vpush v51, $0xF;
	v50 =	vadd.s32 s8, v1;
	v1 =	vld [tilespmem:$0x2CE0]  }
0xa8: {  	[tilespmem:$0x2E00] =	vst v9;
	v5 =	vld [tilespmem:$0x2CF0];
	v56 =	vsub.s32 v27, v10;
	v58 =	vsub.s32 v28, v12;
	s14 =	spop (v2sf);
	(v2sf) =	vpush v35, $0xF;
	v36, _, _ =	vpop (xrf0)  }
0xa9: {  	v7 =	vld [tilespmem:$0x2D00];
	v60 =	vsub.s32 v29, v15;
	v61 =	vsub.s32 v30, v17;
	s8 =	sadd.s32 s8, s13;
	s15 =	spop (v2sf);
	(xrf0) =	vadd.scan.msk.s32 $0xffff, v3;
	(v2sf) =	vpush v36, $0xF;
	v37, _, _ =	vpop (xrf0)  }
0xaa: {  	v8 =	vld [tilespmem:$0x2D10];
	v62 =	vsub.s32 v31, v19;
	v9 =	vadd.s32 s8, v52;
	s8 =	sadd.s32 s8, s14;
	(xrf0) =	vadd.scan.msk.s32 $0xffff, v2;
	s16 =	spop (v2sf);
	(v2sf) =	vpush v37, $0xF;
	v57, _, _ =	vpop (xrf0)  }
0xab: {  	[tilespmem:$0x2E20] =	vst v9;
	v54 =	vadd.s32 s8, v53;
	s8 =	sadd.s32 s8, s15;
	v9 =	vld [tilespmem:$0x2D20];
	(xrf0) =	vadd.scan.msk.s32 $0xffff, v4;
	s17 =	spop (v2sf);
	(v2sf) =	vpush v57, $0xF;
	v59, _, _ =	vpop (xrf0)  }
0xac: {  	v10 =	vld [tilespmem:$0x2D30];
	[tilespmem:$0x2E10] =	vst v50;
	v14 =	vadd.s32 s8, v55;
	s8 =	sadd.s32 s8, s16;
	(xrf0) =	vadd.scan.msk.s32 $0xffff, v1;
	s18 =	spop (v2sf);
	(v2sf) =	vpush v59, $0xF;
	v38, _, _ =	vpop (xrf0)  }
0xad: {  	v12 =	vld [tilespmem:$0x2D40];
	[tilespmem:$0x2E40] =	vst v14;
	v14 =	vadd.s32 s8, v56;
	(xrf0) =	vadd.scan.msk.s32 $0xffff, v5;
	s19 =	spop (v2sf);
	(v2sf) =	vpush v38, $0xF  }
0xae: {  	v44 =	vsub.s32 v33, v20;
	v48 =	vsub.s32 v34, v24;
	s8 =	sadd.s32 s8, s17;
	[tilespmem:$0x2E50] =	vst v14;
	(xrf0) =	vadd.scan.msk.s32 $0xffff, v7;
	v14 =	vld [tilespmem:$0x2D50]  }
0xaf: {  	v15 =	vld [tilespmem:$0x2D60];
	v32 =	vsub.s32 v51, v25;
	[tilespmem:$0x2E30] =	vst v54;
	v18 =	vadd.s32 s8, v58;
	s8 =	sadd.s32 s8, s18;
	v29, _, _ =	vpop (xrf0);
	(xrf0) =	vadd.scan.msk.s32 $0xffff, v8  }
0xb0: {  	v17 =	vld [tilespmem:$0x2D70];
	[tilespmem:$0x2E60] =	vst v18;
	v18 =	vadd.s32 s8, v60;
	(v2sf) =	vpush v29, $0xF;
	v30, _, _ =	vpop (xrf0);
	(xrf0) =	vadd.scan.msk.s32 $0xffff, v9  }
0xb1: {  	v23 =	vsub.s32 v35, v23;
	s20 =	spop (v2sf);
	[tilespmem:$0x2E70] =	vst v18;
	v18 =	vld [tilespmem:$0x2D80];
	(v2sf) =	vpush v30, $0xF;
	v39, _, _ =	vpop (xrf0);
	(xrf0) =	vadd.scan.msk.s32 $0xffff, v10  }
0xb2: {  	v19 =	vld [tilespmem:$0x2D90];
	v22 =	vsub.s32 v36, v22;
	v16 =	vsub.s32 v37, v16;
	s8 =	sadd.s32 s8, s19;
	s21 =	spop (v2sf);
	(v2sf) =	vpush v39, $0xF;
	v63, _, _ =	vpop (xrf0);
	(xrf0) =	vadd.scan.msk.s32 $0xffff, v12  }
0xb3: {  	v46 =	vld [tilespmem:$0x2DA0];
	v13 =	vsub.s32 v57, v13;
	v21 =	vadd.s32 s8, v61;
	s8 =	sadd.s32 s8, s20;
	(v2sf) =	vpush v63, $0xF;
	v45, _, _ =	vpop (xrf0);
	(xrf0) =	vadd.scan.msk.s32 $0xffff, v14  }
0xb4: {  	v47 =	vld [tilespmem:$0x2DB0];
	[tilespmem:$0x2E80] =	vst v21;
	v21 =	vadd.s32 s8, v62;
	s8 =	sadd.s32 s8, s21;
	s22 =	spop (v2sf);
	(v2sf) =	vpush v45, $0xF;
	v40, _, _ =	vpop (xrf0);
	(xrf0) =	vadd.scan.msk.s32 $0xffff, v15  }
0xb5: {  	v50 =	vld [tilespmem:$0x2DC0];
	v11 =	vsub.s32 v59, v11;
	v26 =	vadd.s32 s8, v44;
	s8 =	sadd.s32 s8, s22;
	s23 =	spop (v2sf);
	(v2sf) =	vpush v40, $0xF;
	v49, _, _ =	vpop (xrf0);
	(xrf0) =	vadd.scan.msk.s32 $0xffff, v17  }
0xb6: {  	v51 =	vld [tilespmem:$0x2DD0];
	[tilespmem:$0x2EA0] =	vst v26;
	v26 =	vadd.s32 s8, v48;
	s8 =	sadd.s32 s8, s23;
	s24 =	spop (v2sf);
	(v2sf) =	vpush v49, $0xF;
	v41, _, _ =	vpop (xrf0);
	(xrf0) =	vadd.scan.msk.s32 $0xffff, v18  }
0xb7: {  	v52 =	vld [tilespmem:$0x2DE0];
	v6 =	vsub.s32 v38, v6;
	v32 =	vadd.s32 s8, v32;
	s8 =	sadd.s32 s8, s24;
	(v2sf) =	vpush v41, $0xF;
	v42, _, _ =	vpop (xrf0);
	(xrf0) =	vadd.scan.msk.s32 $0xffff, v19;
	s25 =	spop (v2sf)  }
0xb8: {  	[tilespmem:$0x2E90] =	vst v21;
	v23 =	vadd.s32 s8, v23;
	(v2sf) =	vpush v42, $0xF;
	v53, _, _ =	vpop (xrf0);
	(xrf0) =	vadd.scan.msk.s32 $0xffff, v46;
	s8 =	sadd.s32 s8, s25;
	s26 =	spop (v2sf)  }
0xb9: {  	[tilespmem:$0x2EB0] =	vst v26;
	(v2sf) =	vpush v53, $0xF;
	v54, _, _ =	vpop (xrf0);
	(xrf0) =	vadd.scan.msk.s32 $0xffff, v47;
	v22 =	vadd.s32 s8, v22;
	s8 =	sadd.s32 s8, s26;
	s28 =	spop (v2sf)  }
0xba: {  	[tilespmem:$0x2EC0] =	vst v32;
	(v2sf) =	vpush v54, $0xF;
	v55, _, _ =	vpop (xrf0);
	(xrf0) =	vadd.scan.msk.s32 $0xffff, v50;
	v16 =	vadd.s32 s8, v16;
	s8 =	sadd.s32 s8, s28;
	s29 =	spop (v2sf)  }
0xbb: {  	[tilespmem:$0x2ED0] =	vst v23;
	(v2sf) =	vpush v55, $0xF;
	v56, _, _ =	vpop (xrf0);
	(xrf0) =	vadd.scan.msk.s32 $0xffff, v51;
	v13 =	vadd.s32 s8, v13;
	s8 =	sadd.s32 s8, s29;
	s30 =	spop (v2sf)  }
0xbc: {  	[tilespmem:$0x2EE0] =	vst v22;
	(v2sf) =	vpush v56, $0xF;
	v57, _, _ =	vpop (xrf0);
	(xrf0) =	vadd.scan.msk.s32 $0xffff, v52;
	v11 =	vadd.s32 s8, v11;
	s8 =	sadd.s32 s8, s30;
	s31 =	spop (v2sf)  }
0xbd: {  	v3 =	vsub.s32 v29, v3;
	[tilespmem:$0x2EF0] =	vst v16;
	v58, _, _ =	vpop (xrf0);
	(v2sf) =	vpush v57, $0xF;
	v6 =	vadd.s32 s8, v6;
	s8 =	sadd.s32 s8, s31  }
0xbe: {  	[tilespmem:$0x2F00] =	vst v13;
	v59, _, _ =	vpop (xrf0);
	(v2sf) =	vpush v58, $0xF;
	v3 =	vadd.s32 s8, v3  }
0xbf: {  	v60, _, _ =	vpop (xrf0);
	s10 =	spop (v2sf);
	(v2sf) =	vpush v59, $0xF;
	[tilespmem:$0x2F30] =	vst v3;
	v3 =	vsub.s32 v39, v4  }
0xc0: {  	v2 =	vsub.s32 v30, v2;
	[tilespmem:$0x2F10] =	vst v11;
	v61, _, _ =	vpop (xrf0);
	s8 =	sadd.s32 s8, s10;
	s11 =	spop (v2sf);
	(v2sf) =	vpush v60, $0xF  }
0xc1: {  	[tilespmem:$0x2F20] =	vst v6;
	v62, _, _ =	vpop (xrf0);
	v2 =	vadd.s32 s8, v2;
	s8 =	sadd.s32 s8, s11;
	s12 =	spop (v2sf);
	(v2sf) =	vpush v61, $0xF  }
0xc2: {  	v1 =	vsub.s32 v63, v1;
	[tilespmem:$0x2F40] =	vst v2;
	v2 =	vadd.s32 s8, v3;
	s8 =	sadd.s32 s8, s12;
	s13 =	spop (v2sf);
	(v2sf) =	vpush v62, $0xF;
	v3, _, _ =	vpop (xrf0)  }
0xc3: {  	[tilespmem:$0x2F50] =	vst v2;
	v2 =	vsub.s32 v45, v5;
	v1 =	vadd.s32 s8, v1;
	s8 =	sadd.s32 s8, s13;
	s14 =	spop (v2sf);
	(v2sf) =	vpush v3, $0xF  }
0xc4: {  	[tilespmem:$0x2F60] =	vst v1;
	v1 =	vsub.s32 v40, v7;
	s10 =	spop (v2sf);
	v2 =	vadd.s32 s8, v2;
	s8 =	sadd.s32 s8, s14  }
0xc5: {  	[tilespmem:$0x2F70] =	vst v2;
	v2 =	vsub.s32 v49, v8;
	s15 =	spop (v2sf);
	v1 =	vadd.s32 s8, v1;
	s8 =	sadd.s32 s8, s10  }
0xc6: {  	[tilespmem:$0x2F80] =	vst v1;
	v1 =	vsub.s32 v41, v9;
	s16 =	spop (v2sf);
	v2 =	vadd.s32 s8, v2;
	s8 =	sadd.s32 s8, s15  }
0xc7: {  	v63 =	vld [tilespmem:$0x2DF0];
	[tilespmem:$0x2F90] =	vst v2;
	s17 =	spop (v2sf);
	v1 =	vadd.s32 s8, v1;
	s8 =	sadd.s32 s8, s16;
	v2 =	vsub.s32 v42, v10  }
0xc8: {  	[tilespmem:$0x2FA0] =	vst v1;
	v1 =	vsub.s32 v53, v12;
	s18 =	spop (v2sf);
	v2 =	vadd.s32 s8, v2;
	s8 =	sadd.s32 s8, s17  }
0xc9: {  	[tilespmem:$0x2FB0] =	vst v2;
	v2 =	vsub.s32 v54, v14;
	s19 =	spop (v2sf);
	v1 =	vadd.s32 s8, v1;
	s8 =	sadd.s32 s8, s18  }
0xca: {  	[tilespmem:$0x2FC0] =	vst v1;
	v1 =	vsub.s32 v55, v15;
	s20 =	spop (v2sf);
	v2 =	vadd.s32 s8, v2;
	s8 =	sadd.s32 s8, s19  }
0xcb: {  	[tilespmem:$0x2FD0] =	vst v2;
	v2 =	vsub.s32 v56, v17;
	s21 =	spop (v2sf);
	v1 =	vadd.s32 s8, v1;
	s8 =	sadd.s32 s8, s20  }
0xcc: {  	(xrf0) =	vadd.scan.msk.s32 $0xffff, v63;
	[tilespmem:$0x2FE0] =	vst v1;
	v1 =	vsub.s32 v57, v18;
	s22 =	spop (v2sf);
	v2 =	vadd.s32 s8, v2;
	s8 =	sadd.s32 s8, s21  }
0xcd: {  	[tilespmem:$0x2FF0] =	vst v2;
	v2 =	vsub.s32 v58, v19;
	s23 =	spop (v2sf);
	v1 =	vadd.s32 s8, v1;
	s8 =	sadd.s32 s8, s22  }
0xce: {  	[tilespmem:$0x3000] =	vst v1;
	v1 =	vsub.s32 v59, v46;
	s24 =	spop (v2sf);
	v2 =	vadd.s32 s8, v2;
	s8 =	sadd.s32 s8, s23  }
0xcf: {  	[tilespmem:$0x3010] =	vst v2;
	v2 =	vsub.s32 v60, v47;
	s25 =	spop (v2sf);
	v1 =	vadd.s32 s8, v1;
	s8 =	sadd.s32 s8, s24  }
0xd0: {  	[tilespmem:$0x3020] =	vst v1;
	v1 =	vsub.s32 v61, v50;
	s26 =	spop (v2sf);
	v2 =	vadd.s32 s8, v2;
	s8 =	sadd.s32 s8, s25  }
0xd1: {  	[tilespmem:$0x3030] =	vst v2;
	v2 =	vsub.s32 v62, v51;
	s28 =	spop (v2sf);
	v1 =	vadd.s32 s8, v1;
	s8 =	sadd.s32 s8, s26  }
0xd2: {  	[tilespmem:$0x3040] =	vst v1;
	v1 =	vadd.s32 s8, v2;
	s8 =	sadd.s32 s8, s28;
	v2 =	vsub.s32 v3, v52;
	v3, _, _ =	vpop (xrf0);
	s29 =	spop (v2sf)  }
0xd3: {  	[tilespmem:$0x3050] =	vst v1;
	v1 =	vadd.s32 s8, v2;
	v2 =	vsub.s32 v3, v63;
	s8 =	sadd.s32 s8, s29  }
0xd4: {  	[tilespmem:$0x3060] =	vst v1;
	v1 =	vadd.s32 s8, v2  }
0xd5: {  	v2 =	vimm.s32 $0x0;
	[tilespmem:$0x3070] =	vst v1  }
0xd6: {  	[tilespmem:$0x3280] =	vst v2  }
0xd7: {  	[tilespmem:$0x3290] =	vst v2  }
0xd8: {  	[tilespmem:$0x32A0] =	vst v2  }
0xd9: {  	[tilespmem:$0x32B0] =	vst v2  }
0xda: {  	[tilespmem:$0x32C0] =	vst v2  }
0xdb: {  	[tilespmem:$0x32D0] =	vst v2  }
0xdc: {  	[tilespmem:$0x32E0] =	vst v2  }
0xdd: {  	[tilespmem:$0x32F0] =	vst v2  }
0xde: {  	[tilespmem:$0x3300] =	vst v2  }
0xdf: {  	[tilespmem:$0x3310] =	vst v2  }
0xe0: {  	[tilespmem:$0x3320] =	vst v2  }
0xe1: {  	[tilespmem:$0x3330] =	vst v2  }
0xe2: {  	[tilespmem:$0x3340] =	vst v2  }
0xe3: {  	[tilespmem:$0x3350] =	vst v2  }
0xe4: {  	[tilespmem:$0x3360] =	vst v2  }
0xe5: {  	[tilespmem:$0x3370] =	vst v2  }
0xe6: {  	[tilespmem:$0x3380] =	vst v2  }
0xe7: {  	[tilespmem:$0x3390] =	vst v2  }
0xe8: {  	[tilespmem:$0x33A0] =	vst v2  }
0xe9: {  	[tilespmem:$0x33B0] =	vst v2  }
0xea: {  	[tilespmem:$0x33C0] =	vst v2  }
0xeb: {  	[tilespmem:$0x33D0] =	vst v2  }
0xec: {  	[tilespmem:$0x33E0] =	vst v2  }
0xed: {  	[tilespmem:$0x33F0] =	vst v2  }
0xee: {  	[tilespmem:$0x3400] =	vst v2  }
0xef: {  	[tilespmem:$0x3410] =	vst v2  }
0xf0: {  	[tilespmem:$0x3420] =	vst v2  }
0xf1: {  	s30 =	smul.u32 $0x14000, s1;
	[tilespmem:$0x3430] =	vst v2  }
0xf2: {  	[tilespmem:$0x3440] =	vst v2  }
0xf3: {  	s8 =	sshrl.u32 s30, $0x2;
	[tilespmem:$0x3450] =	vst v2  }
0xf4: {  	[tilespmem:$0x3460] =	vst v2;
	s8 =	sadd.s32 s8, s5  }
0xf5: {  	s9 =	simm.s32 $0x3280;
	[tilespmem:$0x3470] =	vst v2;
	s31 =	sadd.s32 $0x0, s8  }
0xf6: {  	[spmem:s31] =	stream.linear.scatter [tilespmem:s9], [sflag:$0x1], $0x200, $0x38;
	[tilespmem:$0x106A0] =	vst v63  }
0xf7: {  	s10 =	simm.s32 $0x800;
	_ =	swait.ge [sflag:s7], $0x200  }
.LBB2_13:
0xf8: {  	s11 =	sshra.s32 s10, $0x2;
	[sflag:s7] =	ssyncset.done $0x0;
	p0 =	sne.s32 s10, $0x13800  }
.Ltmp6:
0xf9: {  	s11 =	sadd.s32 s11, s8;
	[sflag:s7] =	ssyncadd.s32 $0xFFFFFE00;
	(pc) =	sbr.rel @p0 .LBB2_13-.Ltmp6, $3  }
0xfa: {  	[spmem:s11] =	stream.linear.scatter [tilespmem:s9], [sflag:$0x1], $0x200, $0x38;
	[tilespmem:$0x106A0] =	vst v63  }
0xfb: {  	s10 =	sadd.s32 $0x800, s10;
	_ =	sdelay $0x1  }
0xfc: {  	_ =	swait.ge [sflag:s7], $0x200  }
0xfd: {  	[sflag:s7] =	ssyncset.done $0x0  }
0xfe: {  	v1 =	vimm.s32 $0x1;
	[sflag:s7] =	ssyncadd.s32 $0xFFFFFE00  }
0xff: {  	[tilespmem:$0x3200] =	vst v1  }
0x100: {  	[tilespmem:$0x3210] =	vst v1  }
0x101: {  	[tilespmem:$0x3220] =	vst v1  }
0x102: {  	[tilespmem:$0x3230] =	vst v1  }
0x103: {  	[tilespmem:$0x3240] =	vst v1  }
0x104: {  	[tilespmem:$0x3250] =	vst v1  }
0x105: {  	[tilespmem:$0x3260] =	vst v1  }
0x106: {  	s23 =	simm.s32 $0x80;
	s8 =	simm.s32 $0x2E00;
	[tilespmem:$0x3270] =	vst v1  }
0x107: {  	s9 =	simm.s32 $0x3200;
	s24 =	simm.s32 $0x1;
	[bflag:$0x0] =	sbarrier.arrive $0xFFFF  }
0x108: {  	[spmem:s5] =	stream.indirect.scatter.add.s32 [tilespmem:s9], [sflag:$0x1], $0x1, s8, s23, $0xb8;
	[tilespmem:$0x106A0] =	vst v63  }
0x109: {  	_ =	swait.ge [sflag:s24], $0x80  }
0x10a: {  	[sflag:s24] =	ssyncset.done $0x0  }
0x10b: {  	s10 =	simm.s32 $0x2E80;
	[sflag:s24] =	ssyncadd.s32 $0xFFFFFF80  }
0x10c: {  	[spmem:s5] =	stream.indirect.scatter.add.s32 [tilespmem:s9], [sflag:$0x1], $0x1, s10, s23, $0xb8;
	[tilespmem:$0x106A0] =	vst v63  }
0x10d: {  	_ =	swait.ge [sflag:s24], $0x80  }
0x10e: {  	[sflag:s24] =	ssyncset.done $0x0  }
0x10f: {  	s25 =	simm.s32 $0x2F00;
	[sflag:s24] =	ssyncadd.s32 $0xFFFFFF80  }
0x110: {  	[spmem:s5] =	stream.indirect.scatter.add.s32 [tilespmem:s9], [sflag:$0x1], $0x1, s25, s23, $0xb8;
	[tilespmem:$0x106A0] =	vst v63  }
0x111: {  	_ =	swait.ge [sflag:s24], $0x80  }
0x112: {  	[sflag:s24] =	ssyncset.done $0x0  }
0x113: {  	s26 =	simm.s32 $0x2F80;
	[sflag:s24] =	ssyncadd.s32 $0xFFFFFF80  }
0x114: {  	[spmem:s5] =	stream.indirect.scatter.add.s32 [tilespmem:s9], [sflag:$0x1], $0x1, s26, s23, $0xb8;
	[tilespmem:$0x106A0] =	vst v63  }
0x115: {  	_ =	swait.ge [sflag:s24], $0x80  }
0x116: {  	[sflag:s24] =	ssyncset.done $0x0  }
0x117: {  	s28 =	simm.s32 $0x3000;
	[sflag:s24] =	ssyncadd.s32 $0xFFFFFF80  }
0x118: {  	[spmem:s5] =	stream.indirect.scatter.add.s32 [tilespmem:s9], [sflag:$0x1], $0x1, s28, s23, $0xb8;
	[tilespmem:$0x106A0] =	vst v63  }
0x119: {  	_ =	swait.ge [sflag:s24], $0x80  }
0x11a: {  	[sflag:s24] =	ssyncset.done $0x0  }
0x11b: {  	[sflag:s24] =	ssyncadd.s32 $0xFFFFFF80  }
0x11c: {  	s29 =	sadd.s32 s3, s5;
	s30 =	simm.s32 $0x3480;
	[bflag:$0x0] =	sbarrier.arrive $0xFFFF  }
0x11d: {  	[tilespmem:s30], [sflag:$0x1] =	stream.linear.gather [spmem:s29], $0x5000, $0x38;
	[tilespmem:$0x106A0] =	vst v63  }
0x11e: {  	_ =	swait.ge [sflag:s24], $0x5000  }
0x11f: {  	[sflag:s24] =	ssyncset.done $0x0  }
0x120: {  	s31 =	simm.s32 $0x0;
	[sflag:s24] =	ssyncadd.s32 $0xFFFFB000  }
0x121: {  	v1 =	vimm.s32 $0x0;
	s5 =	simm.s32 $0x40;
	v2 =	vld [tilespmem:s31+$0x3480]  }
.LBB2_15:
0x122: {  	p0 =	sne.s32 s5, $0x13FC0  }
.Ltmp7:
0x123: {  	_ = 	snop;
	(pc) =	sbr.rel @p0 .LBB2_15-.Ltmp7, $3  }
0x124: {  	_ =	sdelay $0x1  }
0x125: {  	s7 =	sshra.s32 s5, $0x2;
	s5 =	sadd.s32 $0x40, s5;
	v1 =	vadd.s32 v1, v2  }
0x126: {  	v2 =	vld [tilespmem:s7+$0x3480]  }
0x127: {  	_ =	sdelay $0x3  }
0x128: {  	v1 =	vadd.s32 v1, v2  }
0x129: {  	(xrf0) =	vadd.scan.msk.s32 $0xffff, v1;
	_ =	sdelay $0x5  }
0x12a: {  	v1, _, _ =	vpop (xrf0)  }
0x12b: {  	v1 =	vbroadcast v1, $0xF;
	_ =	sdelay $0x1  }
0x12c: {  	s5 =	sadd.s32 s6, s4;
	s19 =	simm.s32 $0x8480;
	s20 =	simm.s32 $0x1;
	[tilespmem:$0x8480] =	vst v1  }
0x12d: {  	[spmem:s5] =	stream.linear.scatter [tilespmem:s19], [sflag:$0x1], $0x10, $0x38;
	[tilespmem:$0x106A0] =	vst v63  }
0x12e: {  	_ =	swait.ge [sflag:s20], $0x10  }
0x12f: {  	v1 =	vlaneseq.u32;
	[sflag:s20] =	ssyncset.done $0x0  }
0x130: {  	v2 =	vmul.u32 $0x80, v1;
	[sflag:s20] =	ssyncadd.s32 $0xFFFFFFF0  }
0x131: {  	s21 =	simm.s32 $0x8680;
	[bflag:$0x0] =	sbarrier.arrive $0xFFFF  }
0x132: {  	[tilespmem:s21], [sflag:$0x1] =	stream.linear.gather [spmem:s4], $0x800, $0x38;
	[tilespmem:$0x106A0] =	vst v63  }
0x133: {  	_ =	swait.ge [sflag:s20], $0x800  }
0x134: {  	[sflag:s20] =	ssyncset.done $0x0  }
0x135: {  	[sflag:s20] =	ssyncadd.s32 $0xFFFFF800  }
0x136: {  	v2 =	vld.idx.msk [tilespmem:v2+s21+$0x0], $0xffff;
	_ =	sdelay $0x2  }
0x137: {  	s22 =	simm.s32 $0x0  }
0x138: {  	vm0 =	vgt.u32 v0, v1;
	v3 =	vld [tilespmem:s22+$0x3480]  }
0x139: {  	v0 =	vnsel vm0, $0x0, v2  }
0x13a: {  	v1 =	vld [tilespmem:s22+$0x3490];
	(xrf0) =	vadd.scan.msk.s32 $0xffff, v0;
	_ =	sdelay $0x1  }
0x13b: {  	v0 =	vld [tilespmem:s22+$0x34A0]  }
0x13c: {  	(xrf0) =	vadd.scan.msk.s32 $0xffff, v3;
	_ =	sdelay $0x1  }
0x13d: {  	(xrf0) =	vadd.scan.msk.s32 $0xffff, v1  }
0x13e: {  	v1 =	vld [tilespmem:s22+$0x34B0];
	v2, _, _ =	vpop (xrf0)  }
0x13f: {  	(xrf0) =	vadd.scan.msk.s32 $0xffff, v0;
	(v2sf) =	vpush v2, $0xF  }
0x140: {  	v0 =	vld [tilespmem:s22+$0x34C0]  }
0x141: {  	v2, _, _ =	vpop (xrf0)  }
0x142: {  	(v2sf) =	vpush v2, $0xF  }
0x143: {  	v3, _, _ =	vpop (xrf0);
	(xrf0) =	vadd.scan.msk.s32 $0xffff, v1;
	v1 =	vld [tilespmem:s22+$0x34D0];
	_ =	sdelay $0x1  }
0x144: {  	(v2sf) =	vpush v3, $0xF;
	v4, _, _ =	vpop (xrf0);
	(xrf0) =	vadd.scan.msk.s32 $0xffff, v0  }
0x145: {  	v0 =	vld [tilespmem:s22+$0x34E0]  }
0x146: {  	(v2sf) =	vpush v4, $0xF  }
0x147: {  	(xrf0) =	vadd.scan.msk.s32 $0xffff, v1;
	_ =	sdelay $0x1  }
0x148: {  	v1 =	vld [tilespmem:s22+$0x34F0];
	v5, _, _ =	vpop (xrf0)  }
0x149: {  	(v2sf) =	vpush v5, $0xF;
	(xrf0) =	vadd.scan.msk.s32 $0xffff, v0;
	v6, _, _ =	vpop (xrf0)  }
0x14a: {  	(v2sf) =	vpush v6, $0xF;
	_ =	sdelay $0x1  }
0x14b: {  	v0, _, _ =	vpop (xrf0);
	s23 =	spop (v2sf)  }
0x14c: {  	(xrf0) =	vadd.scan.msk.s32 $0xffff, v1;
	(v2sf) =	vpush v0, $0xF;
	s24 =	sadd.s32 $0xFFFFFFFF, s23  }
0x14d: {  	v1 =	vadd.s32 s24, v2  }
0x14e: {  	s4 =	simm.s32 $0x80;
	s7 =	spop (v2sf);
	v2, _, _ =	vpop (xrf0);
	[tilespmem:s22+$0x3480] =	vst v1  }
0x14f: {  	s5 =	sadd.s32 s24, s7;
	(v2sf) =	vpush v2, $0xF;
	v1 =	vld [tilespmem:s4+$0x3480]  }
0x150: {  	v3 =	vadd.s32 s5, v3  }
0x151: {  	s25 =	spop (v2sf);
	[tilespmem:s22+$0x3490] =	vst v3  }
0x152: {  	s5 =	sadd.s32 s5, s25;
	v7, _, _ =	vpop (xrf0);
	v3 =	vld [tilespmem:s4+$0x3490]  }
0x153: {  	v4 =	vadd.s32 s5, v4;
	s26 =	spop (v2sf);
	(v2sf) =	vpush v7, $0xF  }
0x154: {  	[tilespmem:s22+$0x34A0] =	vst v4;
	s5 =	sadd.s32 s5, s26;
	(xrf0) =	vadd.scan.msk.s32 $0xffff, v1  }
0x155: {  	v4 =	vld [tilespmem:s4+$0x34A0];
	v5 =	vadd.s32 s5, v5  }
0x156: {  	[tilespmem:s22+$0x34B0] =	vst v5  }
0x157: {  	s28 =	spop (v2sf);
	v5 =	vld [tilespmem:s4+$0x34B0];
	(xrf0) =	vadd.scan.msk.s32 $0xffff, v3  }
0x158: {  	s5 =	sadd.s32 s5, s28;
	s29 =	spop (v2sf)  }
0x159: {  	v1 =	vadd.s32 s5, v6;
	s5 =	sadd.s32 s5, s29  }
0x15a: {  	[tilespmem:s22+$0x34C0] =	vst v1;
	(xrf0) =	vadd.scan.msk.s32 $0xffff, v4;
	v0 =	vadd.s32 s5, v0;
	v3, _, _ =	vpop (xrf0)  }
0x15b: {  	v4 =	vld [tilespmem:s4+$0x34C0];
	s30 =	spop (v2sf);
	(v2sf) =	vpush v3, $0xF  }
0x15c: {  	(xrf0) =	vadd.scan.msk.s32 $0xffff, v5;
	[tilespmem:s22+$0x34D0] =	vst v0;
	s5 =	sadd.s32 s5, s30  }
0x15d: {  	v5 =	vld [tilespmem:s4+$0x34D0];
	v1 =	vadd.s32 s5, v2;
	v0, _, _ =	vpop (xrf0)  }
0x15e: {  	s31 =	spop (v2sf);
	(v2sf) =	vpush v0, $0xF;
	_ =	sdelay $0x1  }
0x15f: {  	(xrf0) =	vadd.scan.msk.s32 $0xffff, v4;
	[tilespmem:s22+$0x34E0] =	vst v1;
	s7 =	sadd.s32 s5, s31;
	v1, _, _ =	vpop (xrf0)  }
0x160: {  	v4 =	vld [tilespmem:s4+$0x34E0];
	v6 =	vadd.s32 s7, v7;
	(v2sf) =	vpush v1, $0xF  }
0x161: {  	s5 =	simm.s32 $0x400;
	v2, _, _ =	vpop (xrf0);
	(xrf0) =	vadd.scan.msk.s32 $0xffff, v5;
	[tilespmem:s22+$0x34F0] =	vst v6;
	s8 =	spop (v2sf)  }
.LBB2_17:
0x162: {  	p0 =	sne.s32 s5, $0x13E00  }
0x163: {  	v5 =	vld [tilespmem:s4+$0x34F0];
	(v2sf) =	vpush v2, $0xF;
	s7 =	sadd.s32 s7, s8;
	s6 =	smov.u32 s5;
	s5 =	sadd.s32 $0x200, s5  }
0x164: {  	v6 =	vadd.s32 s7, v3  }
0x165: {  	[tilespmem:s4+$0x3480] =	vst v6;
	v3, _, _ =	vpop (xrf0);
	(xrf0) =	vadd.scan.msk.s32 $0xffff, v4  }
0x166: {  	(v2sf) =	vpush v3, $0xF;
	_ =	sdelay $0x1  }
0x167: {  	v4, _, _ =	vpop (xrf0);
	(xrf0) =	vadd.scan.msk.s32 $0xffff, v5  }
0x168: {  	s6 =	sshra.s32 s6, $0x2;
	s8 =	spop (v2sf);
	(v2sf) =	vpush v4, $0xF  }
0x169: {  	v5 =	vld [tilespmem:s6+$0x3480];
	s7 =	sadd.s32 s7, s8  }
0x16a: {  	v0 =	vadd.s32 s7, v0;
	v6, _, _ =	vpop (xrf0)  }
0x16b: {  	[tilespmem:s4+$0x3490] =	vst v0;
	s8 =	spop (v2sf);
	(v2sf) =	vpush v6, $0xF  }
0x16c: {  	v0 =	vld [tilespmem:s6+$0x3490];
	s7 =	sadd.s32 s7, s8  }
0x16d: {  	v1 =	vadd.s32 s7, v1;
	v7, _, _ =	vpop (xrf0)  }
0x16e: {  	(xrf0) =	vadd.scan.msk.s32 $0xffff, v5;
	[tilespmem:s4+$0x34A0] =	vst v1;
	s8 =	spop (v2sf);
	(v2sf) =	vpush v7, $0xF  }
0x16f: {  	v1 =	vld [tilespmem:s6+$0x34A0];
	s7 =	sadd.s32 s7, s8  }
0x170: {  	v2 =	vadd.s32 s7, v2  }
0x171: {  	(xrf0) =	vadd.scan.msk.s32 $0xffff, v0;
	[tilespmem:s4+$0x34B0] =	vst v2;
	s8 =	spop (v2sf)  }
0x172: {  	v2 =	vld [tilespmem:s6+$0x34B0];
	s7 =	sadd.s32 s7, s8  }
0x173: {  	v0 =	vadd.s32 s7, v3  }
0x174: {  	v3, _, _ =	vpop (xrf0);
	(xrf0) =	vadd.scan.msk.s32 $0xffff, v1;
	[tilespmem:s4+$0x34C0] =	vst v0;
	s8 =	spop (v2sf)  }
0x175: {  	v5 =	vld [tilespmem:s6+$0x34C0];
	(v2sf) =	vpush v3, $0xF;
	s7 =	sadd.s32 s7, s8  }
0x176: {  	v1 =	vadd.s32 s7, v4  }
0x177: {  	v0, _, _ =	vpop (xrf0);
	(xrf0) =	vadd.scan.msk.s32 $0xffff, v2;
	[tilespmem:s4+$0x34D0] =	vst v1;
	s8 =	spop (v2sf)  }
0x178: {  	v8 =	vld [tilespmem:s6+$0x34D0];
	(v2sf) =	vpush v0, $0xF;
	s7 =	sadd.s32 s7, s8  }
.Ltmp8:
0x179: {  	v2 =	vadd.s32 s7, v6;
	(pc) =	sbr.rel @p0 .LBB2_17-.Ltmp8, $4  }
0x17a: {  	v1, _, _ =	vpop (xrf0);
	(xrf0) =	vadd.scan.msk.s32 $0xffff, v5;
	[tilespmem:s4+$0x34E0] =	vst v2;
	s8 =	spop (v2sf)  }
0x17b: {  	v4 =	vld [tilespmem:s6+$0x34E0];
	(v2sf) =	vpush v1, $0xF;
	s7 =	sadd.s32 s7, s8  }
0x17c: {  	v5 =	vadd.s32 s7, v7  }
0x17d: {  	v2, _, _ =	vpop (xrf0);
	(xrf0) =	vadd.scan.msk.s32 $0xffff, v8;
	[tilespmem:s4+$0x34F0] =	vst v5;
	s8 =	spop (v2sf);
	s4 =	smov.u32 s6  }
0x17e: {  	_ =	sdelay $0x1  }
0x17f: {  	v5 =	vld [tilespmem:s4+$0x34F0];
	(xrf0) =	vadd.scan.msk.s32 $0xffff, v4;
	_ =	sdelay $0x3  }
0x180: {  	(v2sf) =	vpush v2, $0xF;
	v56, _, _ =	vpop (xrf0)  }
0x181: {  	(v2sf) =	vpush v56, $0xF;
	v6, _, _ =	vpop (xrf0);
	(xrf0) =	vadd.scan.msk.s32 $0xffff, v5  }
0x182: {  	(v2sf) =	vpush v6, $0xF;
	v57, _, _ =	vpop (xrf0)  }
0x183: {  	(v2sf) =	vpush v57, $0xF;
	_ =	sdelay $0x3  }
0x184: {  	v7, _, _ =	vpop (xrf0)  }
0x185: {  	(v2sf) =	vpush v7, $0xF;
	_ =	sdelay $0x3  }
0x186: {  	s5 =	sadd.s32 s7, s8;
	s6 =	spop (v2sf)  }
0x187: {  	v3 =	vadd.s32 s5, v3;
	s5 =	sadd.s32 s5, s6;
	s22 =	spop (v2sf)  }
0x188: {  	[tilespmem:s4+$0x3480] =	vst v3;
	v0 =	vadd.s32 s5, v0;
	s5 =	sadd.s32 s5, s22;
	s23 =	spop (v2sf)  }
0x189: {  	[tilespmem:s4+$0x3490] =	vst v0;
	v58 =	vadd.s32 s5, v1;
	s5 =	sadd.s32 s5, s23;
	s24 =	spop (v2sf)  }
0x18a: {  	[tilespmem:s4+$0x34A0] =	vst v58;
	v59 =	vadd.s32 s5, v2;
	s5 =	sadd.s32 s5, s24;
	s25 =	spop (v2sf)  }
0x18b: {  	[tilespmem:s4+$0x34B0] =	vst v59;
	v60 =	vadd.s32 s5, v56;
	s5 =	sadd.s32 s5, s25;
	s26 =	spop (v2sf)  }
0x18c: {  	[tilespmem:s4+$0x34C0] =	vst v60;
	v61 =	vadd.s32 s5, v6;
	s5 =	sadd.s32 s5, s26;
	s28 =	spop (v2sf)  }
0x18d: {  	[tilespmem:s4+$0x34D0] =	vst v61;
	v62 =	vadd.s32 s5, v57;
	s5 =	sadd.s32 s5, s28  }
0x18e: {  	s3 =	sshrl.u32 s3, $0x3;
	[tilespmem:s4+$0x34E0] =	vst v62;
	v63 =	vadd.s32 s5, v7  }
0x18f: {  	s29 =	simm.s32 $0x0;
	s30 =	simm.s32 $0x3480;
	s2 =	sadd.s32 s2, s3;
	[tilespmem:s4+$0x34F0] =	vst v63  }
0x190: {  	[hbm4b:s2+s29] =	stream.linear.scatter [tilespmem:s30], [sflag:$0x1], $0x5000, $0x38;
	[tilespmem:$0x106A0] =	vst v63  }
0x191: {  	s31 =	spop (v2sf);
	s2 =	simm.s32 $0x1  }
0x192: {  	_ =	swait.ge [sflag:s2], $0x5000  }
0x193: {  	[sflag:s2] =	ssyncset.done $0x0  }
0x194: {  	[sflag:s2] =	ssyncadd.s32 $0xFFFFB000  }
0x195: {  	_ =	sfence.sel $0x180000  }
0x196: {  	[bflag:$0x0] =	sbarrier.arrive $0xFFFF  }
0x197: {  	p0 =	sne.s32 s1, $0x0;
	_ =	strace $0x9000004A  }
0x198: {  	s0 =	sadd.s32 @!p0 $0x100000, s0;
	[bflag:$0x2] =	sbarrier.arrive $0xFFFF  }
0x199: {  	[sflag:s0] =	ssyncadd.tile.s32 @!p0 $0x1;
	_ =	shalt  }
.Lfunc_end2:
_tile_overlayer_lowered:
.L_overlay_start_2:
0x19a: {  	(tag) =	ssettag $0x2  }
0x19b: {  	s0 =	rddreg [dreg:$0x0];
	s2 =	stileid.u32  }
0x19c: {  	s1 =	rddreg [dreg:$0x1];
	p0 =	sne.s32 s2, $0x0  }
0x19d: {  	s3 =	rddreg [dreg:$0x2];
	[bflag:$0x3] =	sbarrier.arrive $0xFFFF;
	s2 =	simm.s32 @!p0 $0x1C01  }
0x19e: {  	[timem:s3], [sflag:s2] =	dma.local @!p0 [hbm:s0], s1  }
0x19f: {  	s0 =	simm.s32 @!p0 $0x1  }
0x1a0: {  	_ =	swait.ge @!p0 [sflag:s0], s1  }
0x1a1: {  	s1 =	ssub.s32 @!p0 $0x0, s1;
	[sflag:s0] =	ssyncset.done @!p0 $0x0  }
0x1a2: {  	[sflag:s0] =	ssyncadd.s32 @!p0 s1  }
0x1a3: {  	[bflag:$0x3] =	sbarrier.arrive $0xFFFF  }
0x1a4: {  	_ =	shalt  }

// kernel: kernel.14.cloned.1.call-start
scs
__scs_entry_jumppad:
0x0: {  	(pc) =	sbr.rel $0x88, $3  }
0x1: {  	(tag) =	ssettag $0x0;
	lr =	simm.s32 $0x1  }
0x2: {  	[smem:$0x3F98] =	sst lr;
	_ =	strace $0xD0000000  }
0x3: {  	_ = 	snop  }
0x4: {  	_ = 	snop  }
0x5: {  	_ = 	snop  }
0x6: {  	_ = 	snop  }
0x7: {  	_ = 	snop  }
__scs_overlays_trampoline_lowered:
0x8: {  	[smem:$0x3FA7] =	sst s0  }
0x9: {  	[smem:$0x3FA8] =	sst s1  }
0xa: {  	[smem:$0x3FA9] =	sst s2  }
0xb: {  	[smem:$0x3FAA] =	sst s3  }
0xc: {  	[smem:$0x3FAB] =	sst s4  }
0xd: {  	[smem:$0x3FAC] =	sst s5  }
0xe: {  	[smem:$0x3FAD] =	sst s6  }
0xf: {  	[smem:$0x3FAE] =	sst s7  }
0x10: {  	[smem:$0x3FAF] =	sst s8  }
0x11: {  	[smem:$0x3FB0] =	sst s9;
	s0 =	simm.s32 @!p0 $0x0  }
0x12: {  	s1 =	sld [smem:$0x3F96];
	s0 =	simm.s32 @p0 $0x1  }
0x13: {  	[smem:$0x3FB1] =	sst s0;
	s0 =	simm.s32 @!p1 $0x0  }
0x14: {  	s2 =	sld [smem:$0x3F95];
	s0 =	simm.s32 @p1 $0x1  }
0x15: {  	[smem:$0x3FB2] =	sst s0;
	s0 =	simm.s32 @!p2 $0x0  }
0x16: {  	s3 =	sld [smem:$0x3FDB];
	s0 =	simm.s32 @p2 $0x1  }
0x17: {  	s4 =	simm.s32 $0x1BF5;
	[smem:$0x3FB4] =	sst s0  }
0x18: {  	s0 =	sld [smem:$0x3F97];
	_ =	swait.ge [sflag:s4], $0x0  }
0x19: {  	s7 =	sld [smem:$0x3F98]  }
0x1a: {  	s8 =	sadd.s32 $0xFFFFE003, lr  }
0x1b: {  	s9 =	sadd.s32 $0xFFFFFEF7, lr;
	s5 =	simm.s32 $0xFFFFFFFF;
	p2 =	slt.u32 s8, $0xFFFFF086  }
0x1c: {  	p1 =	slt.u32 s9, $0xF7A;
	s5 =	simm.s32 @!p2 $0x0  }
0x1d: {  	s5 =	simm.s32 @p1 $0x1;
	p0 =	seq.s32 s7, s2  }
0x1e: {  	s7 =	smul.u32 @!p0 $0xF7A, s2;
	p2 =	seq.s32 @!p0 s5, $0x0  }
0x1f: {  	s9 =	smul.u32 $0xF7A, s1;
	s8 =	simm.s32 @!p0 $0x1BF5;
	p2 =	por !p2, p0  }
0x20: {  	[sflag:s8] =	ssyncset.s32 @!p0 $0xFFFFF086;
	s6 =	sadd.s32 @!p0 s3, s7;
	s7 =	simm.s32 @!p0 $0x108  }
0x21: {  	s3 =	sadd.s32 s3, s9;
	s6 =	sadd.s32 @!p0 $0x88, s6;
	s7 =	simm.s32 @p2 $0x1082  }
0x22: {  	[simem:s7], [sflag:s8] =	dma.local @!p0 [hbm:s6], $0xF7A  }
0x23: {  	s9 =	sor.u32 $0xD0000000, s2;
	s6 =	simm.s32 $0x108;
	_ =	swait.ge @!p0 [sflag:s8], $0x0  }
0x24: {  	s3 =	sadd.s32 $0x88, s3;
	s6 =	simm.s32 @!p1 $0x1082;
	[sflag:s4] =	ssyncset.s32 $0xFFFFF086  }
0x25: {  	[simem:s6], [sflag:s4] =	dma.local [hbm:s3], $0xF7A  }
0x26: {  	[smem:$0x3F98] =	sst s1;
	(tag) =	ssettag s2;
	_ =	strace s9  }
0x27: {  	s1 =	sld [smem:$0x3FA8]  }
0x28: {  	s2 =	sld [smem:$0x3FA9]  }
0x29: {  	s4 =	sld [smem:$0x3FAB]  }
0x2a: {  	p0 =	seq.s32 s5, $0x0;
	s5 =	sld [smem:$0x3FAC]  }
0x2b: {  	s6 =	sld [smem:$0x3FAD]  }
0x2c: {  	s7 =	sld [smem:$0x3FAE]  }
0x2d: {  	s3 =	simm.s32 $0x108;
	s8 =	sld [smem:$0x3FAF]  }
0x2e: {  	s3 =	simm.s32 @!p0 $0x1082;
	s9 =	sld [smem:$0x3FB0]  }
0x2f: {  	lr =	sadd.s32 s0, s3;
	s0 =	sld [smem:$0x3FA7]  }
0x30: {  	s3 =	sld [smem:$0x3FAA]  }
0x31: {  	[smem:$0x3FB3] =	sst s10  }
0x32: {  	s10 =	sld [smem:$0x3FB1];
	_ =	sdelay $0x3  }
0x33: {  	p0 =	seq.s32 s10, $0x1;
	s10 =	sld [smem:$0x3FB3];
	_ =	sdelay $0x3  }
0x34: {  	[smem:$0x3FB3] =	sst s10  }
0x35: {  	s10 =	sld [smem:$0x3FB2];
	_ =	sdelay $0x3  }
0x36: {  	p1 =	seq.s32 s10, $0x1;
	s10 =	sld [smem:$0x3FB3];
	_ =	sdelay $0x3  }
0x37: {  	[smem:$0x3FB3] =	sst s10  }
0x38: {  	s10 =	sld [smem:$0x3FB4]  }
0x39: {  	_ = 	snop;
	(pc) =	sbr.ind lr, $3  }
0x3a: {  	_ = 	snop  }
0x3b: {  	_ = 	snop  }
0x3c: {  	p2 =	seq.s32 s10, $0x1;
	s10 =	sld [smem:$0x3FB3]  }
0x3d: {  	_ =	shalt  }
0x3e: {  	_ =	shalt  }
0x3f: {  	_ =	shalt  }
0x40: {  	_ =	shalt  }
0x41: {  	_ =	shalt  }
0x42: {  	_ =	shalt  }
0x43: {  	_ =	shalt  }
0x44: {  	_ =	shalt  }
0x45: {  	_ =	shalt  }
0x46: {  	_ =	shalt  }
0x47: {  	_ =	shalt  }
0x48: {  	_ =	shalt  }
0x49: {  	_ =	shalt  }
0x4a: {  	_ =	shalt  }
0x4b: {  	_ =	shalt  }
0x4c: {  	_ =	shalt  }
0x4d: {  	_ =	shalt  }
0x4e: {  	_ =	shalt  }
0x4f: {  	_ =	shalt  }
0x50: {  	_ =	shalt  }
0x51: {  	_ =	shalt  }
0x52: {  	_ =	shalt  }
0x53: {  	_ =	shalt  }
0x54: {  	_ =	shalt  }
0x55: {  	_ =	shalt  }
0x56: {  	_ =	shalt  }
0x57: {  	_ =	shalt  }
0x58: {  	_ =	shalt  }
0x59: {  	_ =	shalt  }
0x5a: {  	_ =	shalt  }
0x5b: {  	_ =	shalt  }
0x5c: {  	_ =	shalt  }
0x5d: {  	_ =	shalt  }
0x5e: {  	_ =	shalt  }
0x5f: {  	_ =	shalt  }
0x60: {  	_ =	shalt  }
0x61: {  	_ =	shalt  }
0x62: {  	_ =	shalt  }
0x63: {  	_ =	shalt  }
0x64: {  	_ =	shalt  }
0x65: {  	_ =	shalt  }
0x66: {  	_ =	shalt  }
0x67: {  	_ =	shalt  }
0x68: {  	_ =	shalt  }
0x69: {  	_ =	shalt  }
0x6a: {  	_ =	shalt  }
0x6b: {  	_ =	shalt  }
0x6c: {  	_ =	shalt  }
0x6d: {  	_ =	shalt  }
0x6e: {  	_ =	shalt  }
0x6f: {  	_ =	shalt  }
0x70: {  	_ =	shalt  }
0x71: {  	_ =	shalt  }
0x72: {  	_ =	shalt  }
0x73: {  	_ =	shalt  }
0x74: {  	_ =	shalt  }
0x75: {  	_ =	shalt  }
0x76: {  	_ =	shalt  }
0x77: {  	_ =	shalt  }
0x78: {  	_ =	shalt  }
0x79: {  	_ =	shalt  }
0x7a: {  	_ =	shalt  }
0x7b: {  	_ =	shalt  }
0x7c: {  	_ =	shalt  }
0x7d: {  	_ =	shalt  }
0x7e: {  	_ =	shalt  }
0x7f: {  	_ =	shalt  }
0x80: {  	_ =	shalt  }
0x81: {  	_ =	shalt  }
0x82: {  	_ =	shalt  }
0x83: {  	_ =	shalt  }
0x84: {  	_ =	shalt  }
0x85: {  	_ =	shalt  }
0x86: {  	_ =	shalt  }
0x87: {  	_ =	shalt  }
.Lfunc_end0:
.L_simem_size_0:
called_computation.2_lowered:
.L_overlay_start_0:
0x88: {  	s2 =	sld [smem:$0x3FD9]  }
0x89: {  	s3 =	sld [smem:$0x3FFE];
	_ =	sdelay $0x1  }
0x8a: {  	s1 =	srdreg.scid  }
0x8b: {  	s0 =	sand.u32 $0x1, s1  }
0x8c: {  	s16 =	sshll.u32 s0, $0xA;
	s2 =	sadd.s32 s3, s2  }
0x8d: {  	s2 =	sadd.s32 s2, s16  }
0x8e: {  	[smem:$0x3FBF] =	sst s2  }
0x8f: {  	_ = 	snop  }
0x90: {  	(tm) =	ssettm $0x1  }
0x91: {  	s17 =	sld [smem:$0x3FFB];
	_ =	sdelay $0x3  }
0x92: {  	_ =	strace s17  }
0x93: {  	s2 =	sld [smem:$0x3FFC];
	_ =	sdelay $0x3  }
0x94: {  	_ =	strace s2  }
0x95: {  	s2 =	sld [smem:$0x3FFD];
	_ =	sdelay $0x3  }
0x96: {  	_ =	strace s2  }
0x97: {  	_ =	strace $0x8FFFFFFF  }
0x98: {  	s18 =	sld [smem:$0x3FDB];
	_ =	sdelay $0x1  }
0x99: {  	s19 =	simm.s32 $_scs_section_size  }
0x9a: {  	s4 =	simm.s32 $_size__tile_overlayer_lowered;
	s5 =	simm.s32 $_tile_overlayer_lowered  }
0x9b: {  	s22 =	simm.s32 $0x1BFF;
	s21 =	sshll.u32 s5, $0x1;
	s2 =	sadd.s32 s19, s18  }
0x9c: {  	s6 =	simm.s32 $0x0;
	s20 =	sshll.u32 s4, $0x1;
	s4 =	sadd.s32 s21, s2  }
0x9d: {  	[timem:s6], [sflag:s22] =	dma.local [hbm:s4], s20  }
0x9e: {  	_ =	swait.ge [sflag:s22], s20  }
0x9f: {  	s3 =	ssub.s32 $0x0, s20;
	[sflag:s22] =	ssyncset.done $0x0  }
0xa0: {  	[sflag:s22] =	ssyncadd.s32 s3;
	_ =	sdelay $0x1  }
0xa1: {  	s23 =	simm.s32 $0x1B8B  }
0xa2: {  	_ =	swait.ge [sflag:s23], $0x1  }
0xa3: {  	[sflag:s23] =	ssyncset.done $0x0  }
0xa4: {  	s25 =	simm.s32 $0x1B8E;
	s24 =	sld [smem:$0x3FFE];
	[sflag:s23] =	ssyncadd.s32 $0xFFFFFFFF  }
0xa5: {  	s26 =	simm.s32 $execute0_lowered;
	[smem:$0x3FD2] =	sst s25  }
0xa6: {  	s4 =	sshll.u32 s26, $0x1;
	_ =	strace $0x8000004C;
	[dreg:$0x1] =	wrdreg $0xFFFFFFFF  }
0xa7: {  	s28 =	simm.s32 $_size_execute0_lowered;
	s2 =	sadd.s32 s2, s4;
	[dreg:$0x0] =	wrdreg $0x0  }
0xa8: {  	s4 =	sshll.u32 s28, $0x1;
	[dreg:$0x2] =	wrdreg s2  }
0xa9: {  	[dreg:$0x3] =	wrdreg s4  }
0xaa: {  	[dreg:$0x4] =	wrdreg $0xC0  }
0xab: {  	_ =	task [dreg:s6], $0x5FFFF  }
0xac: {  	[dreg:$0x1] =	wrdreg $0xFFFFFFFF  }
0xad: {  	[dreg:$0x0] =	wrdreg $0x60  }
0xae: {  	[dreg:$0x2] =	wrdreg s24  }
0xaf: {  	[dreg:$0x3] =	wrdreg $0xA8000  }
0xb0: {  	[dreg:$0x4] =	wrdreg $0x9  }
0xb1: {  	_ =	task.clear_ibuf [dreg:s6], $0x5FFFF;
	_ =	strace $0x9000004C  }
0xb2: {  	s29 =	simm.s32 $0x9;
	_ =	strace $0x8000004E  }
0xb3: {  	_ =	swait.ge [sflag:s29], $0x1  }
0xb4: {  	[sflag:s29] =	ssyncadd.s32 $0xFFFFFFFF  }
0xb5: {  	_ =	strace $0x9000004E  }
0xb6: {  	_ =	sfence  }
0xb7: {  	s30 =	sld [smem:$0x0];
	_ =	sdelay $0x2  }
0xb8: {  	s31 =	sshll.u32 s1, $0xD;
	s1 =	sshrl.u32 s1, $0x2  }
0xb9: {  	s3 =	sand.u32 $0x4000, s31;
	s1 =	sadd.s32 s1, s30  }
0xba: {  	s0 =	sor.u32 s3, s0;
	s1 =	sshll.u32 s1, $0x11  }
0xbb: {  	s0 =	sor.u32 s1, s0  }
0xbc: {  	s0 =	sadd.s32 $0x8F2B, s0  }
0xbd: {  	[sflag:s0] =	ssyncadd.remote.s32 $0x1  }
0xbe: {  	_ =	sfence.sel $0xFFFF  }
0xbf: {  	[dreg:$0x0] =	wrdreg $0xFFFFFFFF;
	(pc) =	sbr.abs _section_cstart, $3  }
0xc0: {  	[dreg:$0x1] =	wrdreg $0xFFFFFFFF  }
0xc1: {  	_ =	task.clear_ibuf [dreg:s6], $0x2FFFF;
	_ =	strace $0x9FFFFFFF  }
0xc2: {  	(tm) =	ssettm $0x7FFFFFFF  }
0xc3: {  	_ =	shalt  }
tec
execute0_lowered:
.L_overlay_start_1:
0x0: {  	(tag) =	ssettag $0x1  }
0x1: {  	s1 =	srdreg.scid;
	s4 =	rddreg [dreg:$0x0]  }
0x2: {  	s0 =	stileid.u32;
	s2 =	rddreg [dreg:$0x1]  }
0x3: {  	s3 =	simm.s32 $0x0;
	s18 =	simm.s32 $0x6800;
	s19 =	simm.s32 $0x1  }
0x4: {  	s20 =	simm.s32 $0x80;
	s21 =	simm.s32 $0x2;
	s22 =	simm.s32 $0x2700  }
0x5: {  	s23 =	simm.s32 $0x2780;
	s24 =	simm.s32 $0x0;
	s7 =	smul.u32 $0x14000, s0  }
0x6: {  	s5 =	sand.u32 $0x1, s1;
	s1 =	rddreg [dreg:$0x2];
	s8 =	smul.u32 $0x50000, s0  }
0x7: {  	s26 =	sshll.u32 s0, $0x1;
	[smem:$0x7FF] =	sst s3;
	s16 =	smul.u32 $0x280000, s0  }
0x8: {  	s15 =	sadd.s32 $0xA47E00, s4;
	s11 =	sor.u32 s5, s26;
	s13 =	smul.u32 $0x140000, s5  }
0x9: {  	_ =	strace $0x8000004D;
	s5 =	ssub.s32 $0x2, s5;
	s6 =	smul.u32 $0x500, s11  }
0xa: {  	s29 =	sshrl.u32 s5, $0x1;
	s8 =	sshrl.u32 s8, $0x2;
	s10 =	smul.u32 $0x28000, s11  }
0xb: {  	s17 =	smul.u32 $0x140000, s11;
	s28 =	sadd.s32 s7, s13;
	s14 =	ssub.s32 s5, s29  }
0xc: {  	s13 =	sadd.s32 s13, s16;
	s9 =	sadd.s32 s6, s4;
	s6 =	sshrl.u32 s28, $0x3  }
0xd: {  	s10 =	sadd.s32 s15, s10;
	s30 =	sshrl.u32 s17, $0x3;
	s16 =	sor.u32 $0x8000, s13  }
0xe: {  	s13 =	sor.u32 $0x4000, s13;
	s17 =	simm.s32 $0x3;
	s12 =	sadd.s32 s6, s4  }
0xf: {  	s4 =	sadd.s32 s8, s2;
	s9 =	sadd.s32 $0xA3DE00, s9;
	s16 =	sshrl.u32 s16, $0x3  }
0x10: {  	s31 =	sshrl.u32 s13, $0x3;
	s5 =	sadd.s32 $0x4000, s4;
	s6 =	sadd.s32 $0x8000, s4  }
0x11: {  	s11 =	sadd.s32 $0x1A00, s12;
	s12 =	smax.u32 s14, $0x1;
	s14 =	sadd.s32 s15, s30  }
0x12: {  	s7 =	sadd.s32 $0xC000, s4;
	s8 =	sadd.s32 $0x10000, s4;
	s13 =	sadd.s32 $0x27800, s14  }
0x13: {  	v0 =	vimm.f32 $0.0e+00;
	s14 =	sadd.s32 s16, s15;
	s15 =	sadd.s32 s31, s15;
	s16 =	simm.s32 $0x2800  }
.LBB2_1:
0x14: {  	s25 =	simm.s32 $0x0;
	s26 =	simm.s32 $0x200  }
.LBB2_2:
0x15: {  	p0 =	sne.s32 s26, $0xFE00;
	[tilespmem:s25+$0x2870] =	vst v0  }
0x16: {  	[tilespmem:s25+$0x2800] =	vst v0  }
0x17: {  	[tilespmem:s25+$0x2810] =	vst v0  }
.Ltmp0:
0x18: {  	[tilespmem:s25+$0x2820] =	vst v0;
	(pc) =	sbr.rel @p0 .LBB2_2-.Ltmp0, $4  }
0x19: {  	[tilespmem:s25+$0x2830] =	vst v0  }
0x1a: {  	[tilespmem:s25+$0x2840] =	vst v0  }
0x1b: {  	[tilespmem:s25+$0x2850] =	vst v0  }
0x1c: {  	[tilespmem:s25+$0x2860] =	vst v0;
	s25 =	sshra.s32 s26, $0x2;
	s26 =	sadd.s32 $0x200, s26  }
0x1d: {  	[tilespmem:s25+$0x2870] =	vst v0  }
0x1e: {  	[tilespmem:s25+$0x2800] =	vst v0  }
0x1f: {  	[tilespmem:s25+$0x2810] =	vst v0  }
0x20: {  	[tilespmem:s25+$0x2820] =	vst v0  }
0x21: {  	[tilespmem:s25+$0x2830] =	vst v0  }
0x22: {  	[tilespmem:s25+$0x2840] =	vst v0  }
0x23: {  	[tilespmem:s25+$0x2850] =	vst v0  }
0x24: {  	[tilespmem:s25+$0x2860] =	vst v0  }
0x25: {  	[spmem:s4] =	stream.linear.scatter [tilespmem:s16], [sflag:$0x3], $0x4000, $0x38;
	[tilespmem:$0x1E800] =	vst v63  }
0x26: {  	_ =	swait.ge [sflag:s17], $0x4000  }
0x27: {  	[sflag:s17] =	ssyncset.done $0x0  }
0x28: {  	[sflag:s17] =	ssyncadd.s32 $0xFFFFC000  }
0x29: {  	[spmem:s5] =	stream.linear.scatter [tilespmem:s16], [sflag:$0x3], $0x4000, $0x38;
	[tilespmem:$0x1E800] =	vst v63  }
0x2a: {  	_ =	swait.ge [sflag:s17], $0x4000  }
0x2b: {  	[sflag:s17] =	ssyncset.done $0x0  }
0x2c: {  	[sflag:s17] =	ssyncadd.s32 $0xFFFFC000  }
0x2d: {  	[spmem:s6] =	stream.linear.scatter [tilespmem:s16], [sflag:$0x3], $0x4000, $0x38;
	[tilespmem:$0x1E800] =	vst v63  }
0x2e: {  	_ =	swait.ge [sflag:s17], $0x4000  }
0x2f: {  	[sflag:s17] =	ssyncset.done $0x0  }
0x30: {  	[sflag:s17] =	ssyncadd.s32 $0xFFFFC000  }
0x31: {  	[spmem:s7] =	stream.linear.scatter [tilespmem:s16], [sflag:$0x3], $0x4000, $0x38;
	[tilespmem:$0x1E800] =	vst v63  }
0x32: {  	_ =	swait.ge [sflag:s17], $0x4000  }
0x33: {  	[sflag:s17] =	ssyncset.done $0x0  }
0x34: {  	[sflag:s17] =	ssyncadd.s32 $0xFFFFC000  }
0x35: {  	[spmem:s8] =	stream.linear.scatter [tilespmem:s16], [sflag:$0x3], $0x4000, $0x38;
	[tilespmem:$0x1E800] =	vst v63  }
0x36: {  	_ =	swait.ge [sflag:s17], $0x4000  }
0x37: {  	[sflag:s17] =	ssyncset.done $0x0  }
0x38: {  	s29 =	simm.s32 $0x0;
	[sflag:s17] =	ssyncadd.s32 $0xFFFFC000  }
0x39: {  	[tilespmem:s29], [sflag:$0x3] =	stream.linear.gather [hbm4b:s9+s29], $0x2800, $0x38;
	[tilespmem:$0x1E800] =	vst v63  }
0x3a: {  	_ =	swait.ge [sflag:s17], $0x2800  }
0x3b: {  	[sflag:s17] =	ssyncset.done $0x0  }
0x3c: {  	[sflag:s17] =	ssyncadd.s32 $0xFFFFD800  }
0x3d: {  	[bflag:$0x0] =	sbarrier.arrive $0xFFFF  }
0x3e: {  	[tilespmem:s16], [sflag:$0x1] =	stream.linear.gather [hbm4b:s10+s29], $0x4000, $0x38;
	[tilespmem:$0x1E800] =	vst v63  }
0x3f: {  	s26 =	sadd.s32 $0x0, s15  }
0x40: {  	[tilespmem:s18], [sflag:$0x2] =	stream.linear.gather [hbm4b:s26+s3], $0x4000, $0x38;
	[tilespmem:$0x1E800] =	vst v63  }
0x41: {  	_ =	swait.ge [sflag:s19], $0x4000  }
0x42: {  	[sflag:s19] =	ssyncset.done $0x0  }
0x43: {  	[sflag:s19] =	ssyncadd.s32 $0xFFFFC000  }
0x44: {  	[spmem:s2] =	stream.indirect.scatter.add.f32 [tilespmem:s16], [sflag:$0x3], $0x80, s29, s20, $0xb8;
	[tilespmem:$0x1E800] =	vst v63  }
0x45: {  	_ =	swait.ge [sflag:s17], $0x4000  }
0x46: {  	[sflag:s17] =	ssyncset.done $0x0  }
0x47: {  	s30 =	sadd.s32 $0x0, s14;
	[sflag:s17] =	ssyncadd.s32 $0xFFFFC000  }
0x48: {  	[tilespmem:s16], [sflag:$0x1] =	stream.linear.gather [hbm4b:s30+s3], $0x4000, $0x38;
	[tilespmem:$0x1E800] =	vst v63  }
0x49: {  	_ =	swait.ge [sflag:s21], $0x4000  }
0x4a: {  	[sflag:s21] =	ssyncset.done $0x0  }
0x4b: {  	s31 =	simm.s32 $0x80;
	[sflag:s21] =	ssyncadd.s32 $0xFFFFC000  }
0x4c: {  	[spmem:s2] =	stream.indirect.scatter.add.f32 [tilespmem:s18], [sflag:$0x3], $0x80, s31, s20, $0xb8;
	[tilespmem:$0x1E800] =	vst v63  }
0x4d: {  	s28 =	simm.s32 $0x2000;
	_ =	swait.ge [sflag:s17], $0x4000  }
0x4e: {  	s25 =	simm.s32 $0x100;
	s26 =	simm.s32 $0x1000;
	[sflag:s17] =	ssyncset.done $0x0  }
.LBB2_4:
0x4f: {  	s29 =	sadd.s32 s26, s15  }
0x50: {  	[sflag:s17] =	ssyncadd.s32 $0xFFFFC000;
	s30 =	smov.u32 s28;
	s31 =	sadd.s32 $0x1000, s28  }
0x51: {  	[tilespmem:s18], [sflag:$0x2] =	stream.linear.gather [hbm4b:s29+s3], $0x4000, $0x38;
	[tilespmem:$0x1E800] =	vst v63  }
0x52: {  	p0 =	sne.s32 s28, $0x26000;
	_ =	swait.ge [sflag:s19], $0x4000  }
0x53: {  	[sflag:s19] =	ssyncset.done $0x0  }
0x54: {  	[sflag:s19] =	ssyncadd.s32 $0xFFFFC000  }
0x55: {  	[spmem:s2] =	stream.indirect.scatter.add.f32 [tilespmem:s16], [sflag:$0x3], $0x80, s25, s20, $0xb8;
	[tilespmem:$0x1E800] =	vst v63  }
0x56: {  	_ =	swait.ge [sflag:s17], $0x4000  }
0x57: {  	[sflag:s17] =	ssyncset.done $0x0  }
0x58: {  	s28 =	sadd.s32 s26, s14;
	s26 =	smov.u32 s30;
	[sflag:s17] =	ssyncadd.s32 $0xFFFFC000  }
0x59: {  	[tilespmem:s16], [sflag:$0x1] =	stream.linear.gather [hbm4b:s28+s3], $0x4000, $0x38;
	[tilespmem:$0x1E800] =	vst v63  }
0x5a: {  	_ =	swait.ge [sflag:s21], $0x4000  }
.Ltmp1:
0x5b: {  	[sflag:s21] =	ssyncset.done $0x0;
	(pc) =	sbr.rel @p0 .LBB2_4-.Ltmp1, $4  }
0x5c: {  	s28 =	sadd.s32 $0x80, s25;
	[sflag:s21] =	ssyncadd.s32 $0xFFFFC000  }
0x5d: {  	[spmem:s2] =	stream.indirect.scatter.add.f32 [tilespmem:s18], [sflag:$0x3], $0x80, s28, s20, $0xb8;
	[tilespmem:$0x1E800] =	vst v63  }
0x5e: {  	_ =	swait.ge [sflag:s17], $0x4000  }
0x5f: {  	s25 =	sadd.s32 $0x100, s25;
	s28 =	smov.u32 s31;
	[sflag:s17] =	ssyncset.done $0x0  }
0x60: {  	s28 =	sadd.s32 s26, s15;
	[sflag:s17] =	ssyncadd.s32 $0xFFFFC000  }
0x61: {  	[tilespmem:s18], [sflag:$0x2] =	stream.linear.gather [hbm4b:s28+s3], $0x4000, $0x38;
	[tilespmem:$0x1E800] =	vst v63  }
0x62: {  	_ =	swait.ge [sflag:s19], $0x4000  }
0x63: {  	[sflag:s19] =	ssyncset.done $0x0  }
0x64: {  	[sflag:s19] =	ssyncadd.s32 $0xFFFFC000  }
0x65: {  	[spmem:s2] =	stream.indirect.scatter.add.f32 [tilespmem:s16], [sflag:$0x3], $0x80, s25, s20, $0xb8;
	[tilespmem:$0x1E800] =	vst v63  }
0x66: {  	_ =	swait.ge [sflag:s17], $0x4000  }
0x67: {  	[sflag:s17] =	ssyncset.done $0x0  }
0x68: {  	s28 =	sadd.s32 s26, s14;
	[sflag:s17] =	ssyncadd.s32 $0xFFFFC000  }
0x69: {  	[tilespmem:s16], [sflag:$0x1] =	stream.linear.gather [hbm4b:s28+s3], $0x4000, $0x38;
	[tilespmem:$0x1E800] =	vst v63  }
0x6a: {  	_ =	swait.ge [sflag:s21], $0x4000  }
0x6b: {  	[sflag:s21] =	ssyncset.done $0x0  }
0x6c: {  	s29 =	sadd.s32 $0x80, s25;
	[sflag:s21] =	ssyncadd.s32 $0xFFFFC000  }
0x6d: {  	[spmem:s2] =	stream.indirect.scatter.add.f32 [tilespmem:s18], [sflag:$0x3], $0x80, s29, s20, $0xb8;
	[tilespmem:$0x1E800] =	vst v63  }
0x6e: {  	_ =	swait.ge [sflag:s17], $0x4000  }
0x6f: {  	[sflag:s17] =	ssyncset.done $0x0  }
0x70: {  	[sflag:s17] =	ssyncadd.s32 $0xFFFFC000  }
0x71: {  	[tilespmem:s18], [sflag:$0x2] =	stream.linear.gather [hbm4b:s13+s3], $0x4000, $0x38;
	[tilespmem:$0x1E800] =	vst v63  }
0x72: {  	_ =	swait.ge [sflag:s19], $0x4000  }
0x73: {  	[sflag:s19] =	ssyncset.done $0x0  }
0x74: {  	[sflag:s19] =	ssyncadd.s32 $0xFFFFC000  }
0x75: {  	[spmem:s2] =	stream.indirect.scatter.add.f32 [tilespmem:s16], [sflag:$0x3], $0x80, s22, s20, $0xb8;
	[tilespmem:$0x1E800] =	vst v63  }
0x76: {  	_ =	swait.ge [sflag:s17], $0x4000  }
0x77: {  	[sflag:s17] =	ssyncset.done $0x0  }
0x78: {  	[sflag:s17] =	ssyncadd.s32 $0xFFFFC000  }
0x79: {  	_ =	swait.ge [sflag:s21], $0x4000  }
0x7a: {  	[sflag:s21] =	ssyncset.done $0x0  }
0x7b: {  	[sflag:s21] =	ssyncadd.s32 $0xFFFFC000  }
0x7c: {  	[spmem:s2] =	stream.indirect.scatter.add.f32 [tilespmem:s18], [sflag:$0x3], $0x80, s23, s20, $0xb8;
	[tilespmem:$0x1E800] =	vst v63  }
0x7d: {  	_ =	swait.ge [sflag:s17], $0x4000  }
0x7e: {  	s30 =	sshll.u32 s0, $0x6;
	s24 =	sadd.s32 $0x1, s24;
	[sflag:s17] =	ssyncset.done $0x0  }
0x7f: {  	s31 =	sshrl.u32 s4, $0x3;
	p0 =	sne.s32 s24, s12;
	[sflag:s17] =	ssyncadd.s32 $0xFFFFC000  }
.Ltmp2:
0x80: {  	s25 =	sor.u32 $0x1C03, s30;
	[bflag:$0x0] =	sbarrier.arrive $0xFFFF;
	(pc) =	sbr.rel @p0 .LBB2_1-.Ltmp2, $4  }
0x81: {  	[hbm:s11], [sflag:s25] =	dma.local [spmem:s31], $0x2800  }
0x82: {  	_ =	swait.ge [sflag:s17], $0x2800  }
0x83: {  	[sflag:s17] =	ssyncset.done $0x0  }
0x84: {  	[sflag:s17] =	ssyncadd.s32 $0xFFFFD800  }
0x85: {  	_ =	sfence.sel $0x180000  }
0x86: {  	[bflag:$0x0] =	sbarrier.arrive $0xFFFF  }
0x87: {  	p0 =	sne.s32 s0, $0x0;
	_ =	strace $0x9000004D  }
0x88: {  	s0 =	sadd.s32 @!p0 $0x100000, s1;
	[bflag:$0x2] =	sbarrier.arrive $0xFFFF  }
0x89: {  	[sflag:s0] =	ssyncadd.tile.s32 @!p0 $0x1;
	_ =	shalt  }
.Lfunc_end2:
_tile_overlayer_lowered:
.L_overlay_start_2:
0x8a: {  	(tag) =	ssettag $0x2  }
0x8b: {  	s0 =	rddreg [dreg:$0x0];
	s2 =	stileid.u32  }
0x8c: {  	s1 =	rddreg [dreg:$0x1];
	p0 =	sne.s32 s2, $0x0  }
0x8d: {  	s3 =	rddreg [dreg:$0x2];
	[bflag:$0x3] =	sbarrier.arrive $0xFFFF;
	s2 =	simm.s32 @!p0 $0x1C03  }
0x8e: {  	[timem:s3], [sflag:s2] =	dma.local @!p0 [hbm:s0], s1  }
0x8f: {  	s0 =	simm.s32 @!p0 $0x3  }
0x90: {  	_ =	swait.ge @!p0 [sflag:s0], s1  }
0x91: {  	s1 =	ssub.s32 @!p0 $0x0, s1;
	[sflag:s0] =	ssyncset.done @!p0 $0x0  }
0x92: {  	[sflag:s0] =	ssyncadd.s32 @!p0 s1  }
0x93: {  	[bflag:$0x3] =	sbarrier.arrive $0xFFFF  }
0x94: {  	_ =	shalt  }

// kernel: kernel.8.cloned.1.call-start
scs
__scs_entry_jumppad:
0x0: {  	(pc) =	sbr.rel $0x88, $3  }
0x1: {  	(tag) =	ssettag $0x0;
	lr =	simm.s32 $0x1  }
0x2: {  	[smem:$0x3F98] =	sst lr;
	_ =	strace $0xD0000000  }
0x3: {  	_ = 	snop  }
0x4: {  	_ = 	snop  }
0x5: {  	_ = 	snop  }
0x6: {  	_ = 	snop  }
0x7: {  	_ = 	snop  }
__scs_overlays_trampoline_lowered:
0x8: {  	[smem:$0x3FA7] =	sst s0  }
0x9: {  	[smem:$0x3FA8] =	sst s1  }
0xa: {  	[smem:$0x3FA9] =	sst s2  }
0xb: {  	[smem:$0x3FAA] =	sst s3  }
0xc: {  	[smem:$0x3FAB] =	sst s4  }
0xd: {  	[smem:$0x3FAC] =	sst s5  }
0xe: {  	[smem:$0x3FAD] =	sst s6  }
0xf: {  	[smem:$0x3FAE] =	sst s7  }
0x10: {  	[smem:$0x3FAF] =	sst s8  }
0x11: {  	[smem:$0x3FB0] =	sst s9;
	s0 =	simm.s32 @!p0 $0x0  }
0x12: {  	s1 =	sld [smem:$0x3F96];
	s0 =	simm.s32 @p0 $0x1  }
0x13: {  	[smem:$0x3FB1] =	sst s0;
	s0 =	simm.s32 @!p1 $0x0  }
0x14: {  	s2 =	sld [smem:$0x3F95];
	s0 =	simm.s32 @p1 $0x1  }
0x15: {  	[smem:$0x3FB2] =	sst s0;
	s0 =	simm.s32 @!p2 $0x0  }
0x16: {  	s3 =	sld [smem:$0x3FDB];
	s0 =	simm.s32 @p2 $0x1  }
0x17: {  	s4 =	simm.s32 $0x1BF5;
	[smem:$0x3FB4] =	sst s0  }
0x18: {  	s0 =	sld [smem:$0x3F97];
	_ =	swait.ge [sflag:s4], $0x0  }
0x19: {  	s7 =	sld [smem:$0x3F98]  }
0x1a: {  	s8 =	sadd.s32 $0xFFFFE003, lr  }
0x1b: {  	s9 =	sadd.s32 $0xFFFFFEF7, lr;
	s5 =	simm.s32 $0xFFFFFFFF;
	p2 =	slt.u32 s8, $0xFFFFF086  }
0x1c: {  	p1 =	slt.u32 s9, $0xF7A;
	s5 =	simm.s32 @!p2 $0x0  }
0x1d: {  	s5 =	simm.s32 @p1 $0x1;
	p0 =	seq.s32 s7, s2  }
0x1e: {  	s7 =	smul.u32 @!p0 $0xF7A, s2;
	p2 =	seq.s32 @!p0 s5, $0x0  }
0x1f: {  	s9 =	smul.u32 $0xF7A, s1;
	s8 =	simm.s32 @!p0 $0x1BF5;
	p2 =	por !p2, p0  }
0x20: {  	[sflag:s8] =	ssyncset.s32 @!p0 $0xFFFFF086;
	s6 =	sadd.s32 @!p0 s3, s7;
	s7 =	simm.s32 @!p0 $0x108  }
0x21: {  	s3 =	sadd.s32 s3, s9;
	s6 =	sadd.s32 @!p0 $0x88, s6;
	s7 =	simm.s32 @p2 $0x1082  }
0x22: {  	[simem:s7], [sflag:s8] =	dma.local @!p0 [hbm:s6], $0xF7A  }
0x23: {  	s9 =	sor.u32 $0xD0000000, s2;
	s6 =	simm.s32 $0x108;
	_ =	swait.ge @!p0 [sflag:s8], $0x0  }
0x24: {  	s3 =	sadd.s32 $0x88, s3;
	s6 =	simm.s32 @!p1 $0x1082;
	[sflag:s4] =	ssyncset.s32 $0xFFFFF086  }
0x25: {  	[simem:s6], [sflag:s4] =	dma.local [hbm:s3], $0xF7A  }
0x26: {  	[smem:$0x3F98] =	sst s1;
	(tag) =	ssettag s2;
	_ =	strace s9  }
0x27: {  	s1 =	sld [smem:$0x3FA8]  }
0x28: {  	s2 =	sld [smem:$0x3FA9]  }
0x29: {  	s4 =	sld [smem:$0x3FAB]  }
0x2a: {  	p0 =	seq.s32 s5, $0x0;
	s5 =	sld [smem:$0x3FAC]  }
0x2b: {  	s6 =	sld [smem:$0x3FAD]  }
0x2c: {  	s7 =	sld [smem:$0x3FAE]  }
0x2d: {  	s3 =	simm.s32 $0x108;
	s8 =	sld [smem:$0x3FAF]  }
0x2e: {  	s3 =	simm.s32 @!p0 $0x1082;
	s9 =	sld [smem:$0x3FB0]  }
0x2f: {  	lr =	sadd.s32 s0, s3;
	s0 =	sld [smem:$0x3FA7]  }
0x30: {  	s3 =	sld [smem:$0x3FAA]  }
0x31: {  	[smem:$0x3FB3] =	sst s10  }
0x32: {  	s10 =	sld [smem:$0x3FB1];
	_ =	sdelay $0x3  }
0x33: {  	p0 =	seq.s32 s10, $0x1;
	s10 =	sld [smem:$0x3FB3];
	_ =	sdelay $0x3  }
0x34: {  	[smem:$0x3FB3] =	sst s10  }
0x35: {  	s10 =	sld [smem:$0x3FB2];
	_ =	sdelay $0x3  }
0x36: {  	p1 =	seq.s32 s10, $0x1;
	s10 =	sld [smem:$0x3FB3];
	_ =	sdelay $0x3  }
0x37: {  	[smem:$0x3FB3] =	sst s10  }
0x38: {  	s10 =	sld [smem:$0x3FB4]  }
0x39: {  	_ = 	snop;
	(pc) =	sbr.ind lr, $3  }
0x3a: {  	_ = 	snop  }
0x3b: {  	_ = 	snop  }
0x3c: {  	p2 =	seq.s32 s10, $0x1;
	s10 =	sld [smem:$0x3FB3]  }
0x3d: {  	_ =	shalt  }
0x3e: {  	_ =	shalt  }
0x3f: {  	_ =	shalt  }
0x40: {  	_ =	shalt  }
0x41: {  	_ =	shalt  }
0x42: {  	_ =	shalt  }
0x43: {  	_ =	shalt  }
0x44: {  	_ =	shalt  }
0x45: {  	_ =	shalt  }
0x46: {  	_ =	shalt  }
0x47: {  	_ =	shalt  }
0x48: {  	_ =	shalt  }
0x49: {  	_ =	shalt  }
0x4a: {  	_ =	shalt  }
0x4b: {  	_ =	shalt  }
0x4c: {  	_ =	shalt  }
0x4d: {  	_ =	shalt  }
0x4e: {  	_ =	shalt  }
0x4f: {  	_ =	shalt  }
0x50: {  	_ =	shalt  }
0x51: {  	_ =	shalt  }
0x52: {  	_ =	shalt  }
0x53: {  	_ =	shalt  }
0x54: {  	_ =	shalt  }
0x55: {  	_ =	shalt  }
0x56: {  	_ =	shalt  }
0x57: {  	_ =	shalt  }
0x58: {  	_ =	shalt  }
0x59: {  	_ =	shalt  }
0x5a: {  	_ =	shalt  }
0x5b: {  	_ =	shalt  }
0x5c: {  	_ =	shalt  }
0x5d: {  	_ =	shalt  }
0x5e: {  	_ =	shalt  }
0x5f: {  	_ =	shalt  }
0x60: {  	_ =	shalt  }
0x61: {  	_ =	shalt  }
0x62: {  	_ =	shalt  }
0x63: {  	_ =	shalt  }
0x64: {  	_ =	shalt  }
0x65: {  	_ =	shalt  }
0x66: {  	_ =	shalt  }
0x67: {  	_ =	shalt  }
0x68: {  	_ =	shalt  }
0x69: {  	_ =	shalt  }
0x6a: {  	_ =	shalt  }
0x6b: {  	_ =	shalt  }
0x6c: {  	_ =	shalt  }
0x6d: {  	_ =	shalt  }
0x6e: {  	_ =	shalt  }
0x6f: {  	_ =	shalt  }
0x70: {  	_ =	shalt  }
0x71: {  	_ =	shalt  }
0x72: {  	_ =	shalt  }
0x73: {  	_ =	shalt  }
0x74: {  	_ =	shalt  }
0x75: {  	_ =	shalt  }
0x76: {  	_ =	shalt  }
0x77: {  	_ =	shalt  }
0x78: {  	_ =	shalt  }
0x79: {  	_ =	shalt  }
0x7a: {  	_ =	shalt  }
0x7b: {  	_ =	shalt  }
0x7c: {  	_ =	shalt  }
0x7d: {  	_ =	shalt  }
0x7e: {  	_ =	shalt  }
0x7f: {  	_ =	shalt  }
0x80: {  	_ =	shalt  }
0x81: {  	_ =	shalt  }
0x82: {  	_ =	shalt  }
0x83: {  	_ =	shalt  }
0x84: {  	_ =	shalt  }
0x85: {  	_ =	shalt  }
0x86: {  	_ =	shalt  }
0x87: {  	_ =	shalt  }
.Lfunc_end0:
.L_simem_size_0:
called_computation_lowered:
.L_overlay_start_0:
0x88: {  	s2 =	sld [smem:$0x3FD9]  }
0x89: {  	s3 =	sld [smem:$0x3FFE];
	_ =	sdelay $0x1  }
0x8a: {  	s1 =	srdreg.scid  }
0x8b: {  	s0 =	sand.u32 $0x1, s1  }
0x8c: {  	s17 =	sshll.u32 s0, $0xA;
	s2 =	sadd.s32 s3, s2  }
0x8d: {  	s2 =	sadd.s32 s2, s17  }
0x8e: {  	[smem:$0x3FBF] =	sst s2  }
0x8f: {  	_ = 	snop  }
0x90: {  	s2 =	sld [smem:$0x3FD0];
	(tm) =	ssettm $0x1  }
0x91: {  	s18 =	sld [smem:$0x3FFB];
	_ =	sdelay $0x3  }
0x92: {  	_ =	strace s18  }
0x93: {  	s3 =	sld [smem:$0x3FFC];
	_ =	sdelay $0x3  }
0x94: {  	_ =	strace s3  }
0x95: {  	s3 =	sld [smem:$0x3FFD];
	_ =	sdelay $0x3  }
0x96: {  	_ =	strace s3  }
0x97: {  	_ =	strace $0x8FFFFFFF  }
0x98: {  	s19 =	sld [smem:$0x3FDB];
	_ =	sdelay $0x1  }
0x99: {  	s4 =	simm.s32 $_scs_section_size  }
0x9a: {  	s5 =	simm.s32 $_size__tile_overlayer_lowered;
	s6 =	simm.s32 $_tile_overlayer_lowered  }
0x9b: {  	s22 =	simm.s32 $0x1BFF;
	s21 =	sshll.u32 s6, $0x1;
	s3 =	sadd.s32 s4, s19  }
0x9c: {  	s7 =	simm.s32 $0x0;
	s20 =	sshll.u32 s5, $0x1;
	s5 =	sadd.s32 s21, s3  }
0x9d: {  	[timem:s7], [sflag:s22] =	dma.local [hbm:s5], s20  }
0x9e: {  	_ =	swait.ge [sflag:s22], s20  }
0x9f: {  	s4 =	ssub.s32 $0x0, s20;
	[sflag:s22] =	ssyncset.done $0x0  }
0xa0: {  	[sflag:s22] =	ssyncadd.s32 s4;
	_ =	sdelay $0x1  }
0xa1: {  	s23 =	simm.s32 $0x1B8B  }
0xa2: {  	_ =	swait.ge [sflag:s23], $0x1  }
0xa3: {  	[sflag:s23] =	ssyncset.done $0x0  }
0xa4: {  	s25 =	simm.s32 $0x1B8E;
	s24 =	sld [smem:$0x3FFE];
	[sflag:s23] =	ssyncadd.s32 $0xFFFFFFFF  }
0xa5: {  	s26 =	simm.s32 $execute0_lowered;
	[smem:$0x3FD2] =	sst s25  }
0xa6: {  	s5 =	sshll.u32 s26, $0x1;
	_ =	strace $0x80000046;
	[dreg:$0x1] =	wrdreg $0xFFFFFFFF  }
0xa7: {  	s28 =	simm.s32 $_size_execute0_lowered;
	s3 =	sadd.s32 s3, s5;
	[dreg:$0x0] =	wrdreg $0x0  }
0xa8: {  	s5 =	sshll.u32 s28, $0x1;
	[dreg:$0x2] =	wrdreg s3  }
0xa9: {  	[dreg:$0x3] =	wrdreg s5  }
0xaa: {  	[dreg:$0x4] =	wrdreg $0xC0  }
0xab: {  	_ =	task [dreg:s7], $0x5FFFF  }
0xac: {  	[dreg:$0x1] =	wrdreg $0xFFFFFFFF  }
0xad: {  	[dreg:$0x0] =	wrdreg $0x60  }
0xae: {  	[dreg:$0x2] =	wrdreg s24  }
0xaf: {  	[dreg:$0x3] =	wrdreg s2  }
0xb0: {  	[dreg:$0x4] =	wrdreg $0xA8000  }
0xb1: {  	[dreg:$0x5] =	wrdreg $0x9  }
0xb2: {  	_ =	task.clear_ibuf [dreg:s7], $0x6FFFF;
	_ =	strace $0x90000046  }
0xb3: {  	s29 =	simm.s32 $0x9;
	_ =	strace $0x80000048  }
0xb4: {  	_ =	swait.ge [sflag:s29], $0x1  }
0xb5: {  	[sflag:s29] =	ssyncadd.s32 $0xFFFFFFFF  }
0xb6: {  	_ =	strace $0x90000048  }
0xb7: {  	_ =	sfence  }
0xb8: {  	s30 =	sld [smem:$0x0];
	_ =	sdelay $0x2  }
0xb9: {  	s31 =	sshll.u32 s1, $0xD;
	s1 =	sshrl.u32 s1, $0x2  }
0xba: {  	s3 =	sand.u32 $0x4000, s31;
	s1 =	sadd.s32 s1, s30  }
0xbb: {  	s0 =	sor.u32 s3, s0;
	s1 =	sshll.u32 s1, $0x11  }
0xbc: {  	s0 =	sor.u32 s1, s0  }
0xbd: {  	s0 =	sadd.s32 $0x8F2B, s0  }
0xbe: {  	[sflag:s0] =	ssyncadd.remote.s32 $0x1  }
0xbf: {  	_ =	sfence.sel $0xFFFF  }
0xc0: {  	[dreg:$0x0] =	wrdreg $0xFFFFFFFF;
	(pc) =	sbr.abs _section_cstart, $3  }
0xc1: {  	[dreg:$0x1] =	wrdreg $0xFFFFFFFF  }
0xc2: {  	_ =	task.clear_ibuf [dreg:s7], $0x2FFFF;
	_ =	strace $0x9FFFFFFF  }
0xc3: {  	(tm) =	ssettm $0x7FFFFFFF  }
tec
execute0_lowered:
.L_overlay_start_1:
0x0: {  	(tag) =	ssettag $0x1  }
0x1: {  	s4 =	rddreg [dreg:$0x0]  }
0x2: {  	s6 =	rddreg [dreg:$0x1]  }
0x3: {  	s2 =	rddreg [dreg:$0x2];
	s1 =	stileid.u32  }
0x4: {  	s3 =	srdreg.scid;
	s0 =	rddreg [dreg:$0x3]  }
0x5: {  	s20 =	simm.s32 $0x80;
	s21 =	simm.s32 $0x6800;
	s22 =	simm.s32 $0x1  }
0x6: {  	s23 =	simm.s32 $0x2;
	s24 =	simm.s32 $0x2780;
	s8 =	sand.u32 $0x1, s3  }
0x7: {  	s5 =	sshll.u32 s1, $0x1;
	s3 =	simm.s32 $0x0;
	s7 =	smul.u32 $0x2800, s1  }
0x8: {  	s10 =	smul.u32 $0x50000, s1;
	s14 =	sadd.s32 $0x3D800, s4;
	s16 =	sadd.s32 $0x53D800, s4  }
0x9: {  	s25 =	sshll.u32 s1, $0x6;
	s28 =	smul.u32 $0x280000, s1;
	s5 =	sor.u32 s8, s5  }
0xa: {  	[smem:$0x7FF] =	sst s3;
	s12 =	ssub.s32 $0x2, s8;
	s30 =	smul.u32 $0x140000, s8  }
0xb: {  	s9 =	smul.u32 $0x500, s5;
	_ =	strace $0x80000047;
	s7 =	sadd.s32 s7, s4  }
0xc: {  	s13 =	sshrl.u32 s12, $0x1;
	s10 =	sshrl.u32 s10, $0x2;
	s26 =	smul.u32 $0x140000, s5  }
0xd: {  	s5 =	sor.u32 $0x1C03, s25;
	s25 =	simm.s32 $0x0;
	s12 =	ssub.s32 s12, s13  }
0xe: {  	s17 =	sadd.s32 s10, s2;
	s13 =	sadd.s32 s30, s28;
	s11 =	sadd.s32 s9, s4  }
0xf: {  	s4 =	sadd.s32 $0x15800, s7;
	s6 =	sadd.s32 s6, s9;
	s29 =	sshrl.u32 s26, $0x3  }
0x10: {  	s8 =	smax.u32 s12, $0x1;
	s18 =	sshrl.u32 s13, $0x3;
	s19 =	sor.u32 $0x4000, s13  }
0x11: {  	s17 =	sshrl.u32 s17, $0x3;
	s7 =	sadd.s32 $0xB800, s11;
	s31 =	sadd.s32 $0x27000, s29  }
0x12: {  	s15 =	sadd.s32 $0x27800, s29;
	s13 =	sadd.s32 s18, s14;
	s19 =	sshrl.u32 s19, $0x3  }
0x13: {  	s9 =	sadd.s32 s14, s31;
	s10 =	sadd.s32 s14, s15;
	s11 =	sadd.s32 s16, s31  }
0x14: {  	s12 =	sadd.s32 s16, s15;
	s14 =	sadd.s32 s19, s14;
	s15 =	sadd.s32 s18, s16  }
0x15: {  	s16 =	sadd.s32 s19, s16;
	s18 =	simm.s32 $0x3;
	s19 =	simm.s32 $0x2800  }
.LBB2_1:
0x16: {  	[spmem:s17], [sflag:s5] =	dma.local [hbm:s4], $0x2800  }
0x17: {  	_ =	swait.ge [sflag:s18], $0x2800  }
0x18: {  	[sflag:s18] =	ssyncset.done $0x0  }
0x19: {  	[sflag:s18] =	ssyncadd.s32 $0xFFFFD800  }
0x1a: {  	[bflag:$0x0] =	sbarrier.arrive $0xFFFF  }
0x1b: {  	[tilespmem:s3], [sflag:$0x3] =	stream.linear.gather [hbm4b:s6+s3], $0x2800, $0x38;
	[tilespmem:$0x1E800] =	vst v63  }
0x1c: {  	_ =	swait.ge [sflag:s18], $0x2800  }
0x1d: {  	[sflag:s18] =	ssyncset.done $0x0  }
0x1e: {  	[sflag:s18] =	ssyncadd.s32 $0xFFFFD800  }
0x1f: {  	[tilespmem:s19], [sflag:$0x1] =	stream.indirect.gather [spmem:s2], $0x80, s3, s20, $0xb8;
	[tilespmem:$0x1E800] =	vst v63  }
0x20: {  	_ = 	snop  }
0x21: {  	[tilespmem:s21], [sflag:$0x2] =	stream.indirect.gather [spmem:s2], $0x80, s20, s20, $0xb8;
	[tilespmem:$0x1E800] =	vst v63  }
0x22: {  	_ =	swait.ge [sflag:s22], $0x4000  }
0x23: {  	[sflag:s22] =	ssyncset.done $0x0  }
0x24: {  	s26 =	sadd.s32 $0x0, s13;
	[sflag:s22] =	ssyncadd.s32 $0xFFFFC000  }
0x25: {  	[hbm4b:s26+s3] =	stream.linear.scatter [tilespmem:s19], [sflag:$0x3], $0x4000, $0x38;
	[tilespmem:$0x1E800] =	vst v63  }
0x26: {  	_ =	swait.ge [sflag:s18], $0x4000  }
0x27: {  	[sflag:s18] =	ssyncset.done $0x0  }
0x28: {  	s30 =	simm.s32 $0x100;
	[sflag:s18] =	ssyncadd.s32 $0xFFFFC000  }
0x29: {  	[tilespmem:s19], [sflag:$0x1] =	stream.indirect.gather [spmem:s2], $0x80, s30, s20, $0xb8;
	[tilespmem:$0x1E800] =	vst v63  }
0x2a: {  	_ =	swait.ge [sflag:s23], $0x4000  }
0x2b: {  	[sflag:s23] =	ssyncset.done $0x0  }
0x2c: {  	s31 =	sadd.s32 $0x0, s14;
	[sflag:s23] =	ssyncadd.s32 $0xFFFFC000  }
0x2d: {  	[hbm4b:s31+s3] =	stream.linear.scatter [tilespmem:s21], [sflag:$0x3], $0x4000, $0x38;
	[tilespmem:$0x1E800] =	vst v63  }
0x2e: {  	_ =	swait.ge [sflag:s18], $0x4000  }
0x2f: {  	s28 =	simm.s32 $0x80;
	s26 =	simm.s32 $0x1000;
	[sflag:s18] =	ssyncset.done $0x0  }
.LBB2_2:
0x30: {  	p0 =	sne.s32 s26, $0x26000;
	[sflag:s18] =	ssyncadd.s32 $0xFFFFC000;
	s28 =	sadd.s32 $0x100, s28  }
0x31: {  	[tilespmem:s21], [sflag:$0x2] =	stream.indirect.gather [spmem:s2], $0x80, s28, s20, $0xb8;
	[tilespmem:$0x1E800] =	vst v63  }
0x32: {  	s29 =	smov.u32 s26;
	s26 =	sadd.s32 $0x1000, s26;
	_ =	swait.ge [sflag:s22], $0x4000  }
0x33: {  	[sflag:s22] =	ssyncset.done $0x0  }
0x34: {  	s30 =	sadd.s32 s29, s13;
	[sflag:s22] =	ssyncadd.s32 $0xFFFFC000  }
0x35: {  	[hbm4b:s30+s3] =	stream.linear.scatter [tilespmem:s19], [sflag:$0x3], $0x4000, $0x38;
	[tilespmem:$0x1E800] =	vst v63  }
0x36: {  	_ =	swait.ge [sflag:s18], $0x4000  }
0x37: {  	[sflag:s18] =	ssyncset.done $0x0  }
0x38: {  	s30 =	sadd.s32 $0x80, s28;
	[sflag:s18] =	ssyncadd.s32 $0xFFFFC000  }
0x39: {  	[tilespmem:s19], [sflag:$0x1] =	stream.indirect.gather [spmem:s2], $0x80, s30, s20, $0xb8;
	[tilespmem:$0x1E800] =	vst v63  }
0x3a: {  	_ =	swait.ge [sflag:s23], $0x4000  }
.Ltmp0:
0x3b: {  	[sflag:s23] =	ssyncset.done $0x0;
	(pc) =	sbr.rel @p0 .LBB2_2-.Ltmp0, $4  }
0x3c: {  	s29 =	sadd.s32 s29, s14;
	[sflag:s23] =	ssyncadd.s32 $0xFFFFC000  }
0x3d: {  	[hbm4b:s29+s3] =	stream.linear.scatter [tilespmem:s21], [sflag:$0x3], $0x4000, $0x38;
	[tilespmem:$0x1E800] =	vst v63  }
0x3e: {  	_ =	swait.ge [sflag:s18], $0x4000  }
0x3f: {  	[sflag:s18] =	ssyncset.done $0x0  }
0x40: {  	[sflag:s18] =	ssyncadd.s32 $0xFFFFC000;
	s26 =	simm.s32 $0x80  }
0x41: {  	[tilespmem:s21], [sflag:$0x2] =	stream.indirect.gather [spmem:s2], $0x80, s24, s26, $0xb8;
	[tilespmem:$0x1E800] =	vst v63  }
0x42: {  	_ =	swait.ge [sflag:s22], $0x4000  }
0x43: {  	[sflag:s22] =	ssyncset.done $0x0  }
0x44: {  	s28 =	simm.s32 $0x0;
	[sflag:s22] =	ssyncadd.s32 $0xFFFFC000  }
0x45: {  	[hbm4b:s9+s28] =	stream.linear.scatter [tilespmem:s19], [sflag:$0x3], $0x4000, $0x38;
	[tilespmem:$0x1E800] =	vst v63  }
0x46: {  	_ =	swait.ge [sflag:s18], $0x4000  }
0x47: {  	[sflag:s18] =	ssyncset.done $0x0  }
0x48: {  	[sflag:s18] =	ssyncadd.s32 $0xFFFFC000  }
0x49: {  	_ =	swait.ge [sflag:s23], $0x4000  }
0x4a: {  	[sflag:s23] =	ssyncset.done $0x0  }
0x4b: {  	[sflag:s23] =	ssyncadd.s32 $0xFFFFC000  }
0x4c: {  	[hbm4b:s10+s28] =	stream.linear.scatter [tilespmem:s21], [sflag:$0x3], $0x4000, $0x38;
	[tilespmem:$0x1E800] =	vst v63  }
0x4d: {  	_ =	swait.ge [sflag:s18], $0x4000  }
0x4e: {  	[sflag:s18] =	ssyncset.done $0x0  }
0x4f: {  	[sflag:s18] =	ssyncadd.s32 $0xFFFFC000  }
0x50: {  	[tilespmem:s28], [sflag:$0x3] =	stream.linear.gather [hbm4b:s7+s28], $0x2800, $0x38;
	[tilespmem:$0x1E800] =	vst v63  }
0x51: {  	_ =	swait.ge [sflag:s18], $0x2800  }
0x52: {  	[sflag:s18] =	ssyncset.done $0x0  }
0x53: {  	[sflag:s18] =	ssyncadd.s32 $0xFFFFD800  }
0x54: {  	[tilespmem:s19], [sflag:$0x1] =	stream.indirect.gather [spmem:s2], $0x80, s28, s26, $0xb8;
	[tilespmem:$0x1E800] =	vst v63  }
0x55: {  	_ = 	snop  }
0x56: {  	[tilespmem:s21], [sflag:$0x2] =	stream.indirect.gather [spmem:s2], $0x80, s26, s20, $0xb8;
	[tilespmem:$0x1E800] =	vst v63  }
0x57: {  	_ =	swait.ge [sflag:s22], $0x4000  }
0x58: {  	[sflag:s22] =	ssyncset.done $0x0  }
0x59: {  	s28 =	sadd.s32 $0x0, s15;
	[sflag:s22] =	ssyncadd.s32 $0xFFFFC000  }
0x5a: {  	[hbm4b:s28+s3] =	stream.linear.scatter [tilespmem:s19], [sflag:$0x3], $0x4000, $0x38;
	[tilespmem:$0x1E800] =	vst v63  }
0x5b: {  	_ =	swait.ge [sflag:s18], $0x4000  }
0x5c: {  	[sflag:s18] =	ssyncset.done $0x0  }
0x5d: {  	s28 =	simm.s32 $0x100;
	[sflag:s18] =	ssyncadd.s32 $0xFFFFC000  }
0x5e: {  	[tilespmem:s19], [sflag:$0x1] =	stream.indirect.gather [spmem:s2], $0x80, s28, s20, $0xb8;
	[tilespmem:$0x1E800] =	vst v63  }
0x5f: {  	_ =	swait.ge [sflag:s23], $0x4000  }
0x60: {  	[sflag:s23] =	ssyncset.done $0x0  }
0x61: {  	s28 =	sadd.s32 $0x0, s16;
	[sflag:s23] =	ssyncadd.s32 $0xFFFFC000  }
0x62: {  	[hbm4b:s28+s3] =	stream.linear.scatter [tilespmem:s21], [sflag:$0x3], $0x4000, $0x38;
	[tilespmem:$0x1E800] =	vst v63  }
0x63: {  	_ =	swait.ge [sflag:s18], $0x4000  }
0x64: {  	s28 =	simm.s32 $0x1000;
	[sflag:s18] =	ssyncset.done $0x0  }
.LBB2_4:
0x65: {  	p0 =	sne.s32 s28, $0x26000;
	[sflag:s18] =	ssyncadd.s32 $0xFFFFC000;
	s26 =	sadd.s32 $0x100, s26  }
0x66: {  	[tilespmem:s21], [sflag:$0x2] =	stream.indirect.gather [spmem:s2], $0x80, s26, s20, $0xb8;
	[tilespmem:$0x1E800] =	vst v63  }
0x67: {  	s29 =	smov.u32 s28;
	s28 =	sadd.s32 $0x1000, s28;
	_ =	swait.ge [sflag:s22], $0x4000  }
0x68: {  	[sflag:s22] =	ssyncset.done $0x0  }
0x69: {  	s30 =	sadd.s32 s29, s15;
	[sflag:s22] =	ssyncadd.s32 $0xFFFFC000  }
0x6a: {  	[hbm4b:s30+s3] =	stream.linear.scatter [tilespmem:s19], [sflag:$0x3], $0x4000, $0x38;
	[tilespmem:$0x1E800] =	vst v63  }
0x6b: {  	_ =	swait.ge [sflag:s18], $0x4000  }
0x6c: {  	[sflag:s18] =	ssyncset.done $0x0  }
0x6d: {  	s30 =	sadd.s32 $0x80, s26;
	[sflag:s18] =	ssyncadd.s32 $0xFFFFC000  }
0x6e: {  	[tilespmem:s19], [sflag:$0x1] =	stream.indirect.gather [spmem:s2], $0x80, s30, s20, $0xb8;
	[tilespmem:$0x1E800] =	vst v63  }
0x6f: {  	_ =	swait.ge [sflag:s23], $0x4000  }
.Ltmp1:
0x70: {  	[sflag:s23] =	ssyncset.done $0x0;
	(pc) =	sbr.rel @p0 .LBB2_4-.Ltmp1, $4  }
0x71: {  	s29 =	sadd.s32 s29, s16;
	[sflag:s23] =	ssyncadd.s32 $0xFFFFC000  }
0x72: {  	[hbm4b:s29+s3] =	stream.linear.scatter [tilespmem:s21], [sflag:$0x3], $0x4000, $0x38;
	[tilespmem:$0x1E800] =	vst v63  }
0x73: {  	_ =	swait.ge [sflag:s18], $0x4000  }
0x74: {  	[sflag:s18] =	ssyncset.done $0x0  }
0x75: {  	[sflag:s18] =	ssyncadd.s32 $0xFFFFC000  }
0x76: {  	[tilespmem:s21], [sflag:$0x2] =	stream.indirect.gather [spmem:s2], $0x80, s24, s20, $0xb8;
	[tilespmem:$0x1E800] =	vst v63  }
0x77: {  	_ =	swait.ge [sflag:s22], $0x4000  }
0x78: {  	[sflag:s22] =	ssyncset.done $0x0  }
0x79: {  	[sflag:s22] =	ssyncadd.s32 $0xFFFFC000  }
0x7a: {  	[hbm4b:s11+s3] =	stream.linear.scatter [tilespmem:s19], [sflag:$0x3], $0x4000, $0x38;
	[tilespmem:$0x1E800] =	vst v63  }
0x7b: {  	_ =	swait.ge [sflag:s18], $0x4000  }
0x7c: {  	[sflag:s18] =	ssyncset.done $0x0  }
0x7d: {  	[sflag:s18] =	ssyncadd.s32 $0xFFFFC000  }
0x7e: {  	s25 =	sadd.s32 $0x1, s25;
	_ =	swait.ge [sflag:s23], $0x4000  }
0x7f: {  	p0 =	sne.s32 s25, s8;
	[sflag:s23] =	ssyncset.done $0x0  }
.Ltmp2:
0x80: {  	[sflag:s23] =	ssyncadd.s32 $0xFFFFC000;
	(pc) =	sbr.rel @p0 .LBB2_1-.Ltmp2, $4  }
0x81: {  	[hbm4b:s12+s3] =	stream.linear.scatter [tilespmem:s21], [sflag:$0x3], $0x4000, $0x38;
	[tilespmem:$0x1E800] =	vst v63  }
0x82: {  	_ =	swait.ge [sflag:s18], $0x4000  }
0x83: {  	[sflag:s18] =	ssyncset.done $0x0  }
0x84: {  	[sflag:s18] =	ssyncadd.s32 $0xFFFFC000  }
0x85: {  	_ =	sfence.sel $0x180000  }
0x86: {  	[bflag:$0x0] =	sbarrier.arrive $0xFFFF  }
0x87: {  	p0 =	sne.s32 s1, $0x0;
	_ =	strace $0x90000047  }
0x88: {  	s0 =	sadd.s32 @!p0 $0x100000, s0;
	[bflag:$0x2] =	sbarrier.arrive $0xFFFF  }
0x89: {  	[sflag:s0] =	ssyncadd.tile.s32 @!p0 $0x1;
	_ =	shalt  }
.Lfunc_end2:
_tile_overlayer_lowered:
.L_overlay_start_2:
0x8a: {  	(tag) =	ssettag $0x2  }
0x8b: {  	s0 =	rddreg [dreg:$0x0];
	s2 =	stileid.u32  }
0x8c: {  	s1 =	rddreg [dreg:$0x1];
	p0 =	sne.s32 s2, $0x0  }
0x8d: {  	s3 =	rddreg [dreg:$0x2];
	[bflag:$0x3] =	sbarrier.arrive $0xFFFF;
	s2 =	simm.s32 @!p0 $0x1C03  }
0x8e: {  	[timem:s3], [sflag:s2] =	dma.local @!p0 [hbm:s0], s1  }
0x8f: {  	s0 =	simm.s32 @!p0 $0x3  }
0x90: {  	_ =	swait.ge @!p0 [sflag:s0], s1  }
0x91: {  	s1 =	ssub.s32 @!p0 $0x0, s1;
	[sflag:s0] =	ssyncset.done @!p0 $0x0  }
0x92: {  	[sflag:s0] =	ssyncadd.s32 @!p0 s1  }
0x93: {  	[bflag:$0x3] =	sbarrier.arrive $0xFFFF  }
0x94: {  	_ =	shalt  }

</sc_bundles>
